<compile_context>
chip_gen: v7x
topology: tpu7x:2x2x1
jax: 0.10.2.dev20260603
libtpu: 0.0.44.dev20260713+nightly
codegen_flags: <defaults>
</compile_context>

<pallas_src>
import functools

import jax
import jax.numpy as jnp
from jax import lax
from jax.experimental import pallas as pl
from jax.experimental.pallas import tpu as pltpu
from jax.experimental.pallas import tpu_sc as plsc

N = 10000
E = 320000
F = 128
NC = 2
NS = 16
B = 80
ROWS2D = E // B
EPT = E // (NC * NS)
CPT = EPT // B
GC = 25
NG = CPT // GC
GE = GC * B
DB = 125
DROWS = E // DB
DEG_RPT = DROWS // NS
DGC = 8
NDG = DEG_RPT // DGC
RPT = N // NS


def _rsqrt16(v):
    i = lax.bitcast_convert_type(v, jnp.int32)
    i = jnp.int32(0x5F3759DF) - (i >> 1)
    y = lax.bitcast_convert_type(i, jnp.float32)
    for _ in range(3):
        y = y * (1.5 - 0.5 * v * y * y)
    return y


def _zero_rows(buf, nrows):
    zv = jnp.zeros((16,), jnp.float32)
    def body(r, _):
        for f in range(F // 16):
            buf[r, pl.ds(f * 16, 16)] = zv
        return 0
    lax.fori_loop(0, nrows, body, 0)


def _zero_acc_slice(acc, row, sid):
    base = sid * RPT
    for q in range(RPT // B):
        pltpu.sync_copy(row, acc.at[pl.ds(base + q * B, B)])
    rem = RPT % B
    pltpu.sync_copy(row.at[pl.ds(0, rem)],
                    acc.at[pl.ds(base + (RPT // B) * B, rem)])


def _scale_rows(row, normv, c):
    @plsc.parallel_loop(0, B, unroll=4)
    def _(r):
        bidx = jnp.full((16,), c * B + r, jnp.int32)
        bs = plsc.load_gather(normv, [bidx])
        for f in range(F // 16):
            row[r, pl.ds(f * 16, 16)] = row[r, pl.ds(f * 16, 16)] * bs


def _prop_group(table_h, srcv, dstv, normv, rowA, rowB,
                semA, semB, ssemA, ssemB, acc):
    pltpu.async_copy(table_h.at[srcv.at[0]], rowA, semA)
    def pair(i, _):
        c0 = 2 * i
        c1 = c0 + 1
        @pl.when(i > 0)
        def _():
            pltpu.make_async_copy(
                rowB, acc.at[dstv.at[c1 - 2]], ssemB).wait()
        pltpu.async_copy(table_h.at[srcv.at[c1]], rowB, semB)
        pltpu.make_async_copy(table_h.at[srcv.at[c0]], rowA, semA).wait()
        _scale_rows(rowA, normv, c0)
        pltpu.async_copy(rowA, acc.at[dstv.at[c0]], ssemA, add=True)
        @pl.when(i < GC // 2 - 1)
        def _():
            pltpu.make_async_copy(rowA, acc.at[dstv.at[c0]], ssemA).wait()
            pltpu.async_copy(table_h.at[srcv.at[c0 + 2]], rowA, semA)
        pltpu.make_async_copy(table_h.at[srcv.at[c1]], rowB, semB).wait()
        _scale_rows(rowB, normv, c1)
        pltpu.async_copy(rowB, acc.at[dstv.at[c1]], ssemB, add=True)
        return 0
    lax.fori_loop(0, GC // 2, pair, 0)
    c = GC - 1
    pltpu.make_async_copy(rowA, acc.at[dstv.at[c - 2]], ssemA).wait()
    pltpu.sync_copy(table_h.at[srcv.at[c]], rowA)
    _scale_rows(rowA, normv, c)
    pltpu.make_async_copy(rowB, acc.at[dstv.at[c - 1]], ssemB).wait()
    pltpu.sync_copy(rowA, acc.at[dstv.at[c]], add=True)


def _writeout(acc, row, out_h, cid, sid):
    base = sid * RPT
    for q in range(RPT // B):
        r0 = base + q * B
        pltpu.sync_copy(acc.at[pl.ds(r0, B)], row)
        pltpu.sync_copy(row, out_h.at[cid, pl.ds(r0, B)])
    rem = RPT % B
    r0 = base + (RPT // B) * B
    pltpu.sync_copy(acc.at[pl.ds(r0, rem)], row.at[pl.ds(0, rem)])
    pltpu.sync_copy(row.at[pl.ds(0, rem)], out_h.at[cid, pl.ds(r0, rem)])


def _sc_pass1_body(src2_h, dst2_h, w2_h, srcd_h, wd_h, x_h, tx1p_h, norm_h,
                   srcv, dstv, wv, normv, dis, rowA, rowB, degi, degw,
                   semA, semB, ssemA, ssemB, deg_sh, acc):
    cid = lax.axis_index("c")
    sid = lax.axis_index("s")
    wid = cid * NS + sid

    zv = jnp.zeros((16,), jnp.float32)
    def z16(i, _):
        dis[pl.ds(i * 16, 16)] = zv
        return 0
    lax.fori_loop(0, N // 16, z16, 0)
    pltpu.sync_copy(dis.at[pl.ds(sid * 624, 624)],
                    deg_sh.at[pl.ds(sid * 624, 624)])
    @pl.when(sid == 0)
    def _():
        pltpu.sync_copy(dis.at[pl.ds(NS * 624, N - NS * 624)],
                        deg_sh.at[pl.ds(NS * 624, N - NS * 624)])
    plsc.subcore_barrier()

    def dgroup(g, _):
        r0 = sid * DEG_RPT + g * DGC
        pltpu.sync_copy(srcd_h.at[pl.ds(r0, DGC)], degi)
        pltpu.sync_copy(wd_h.at[pl.ds(r0, DGC)], degw)
        for c in range(DGC):
            pltpu.async_copy(degw.at[c], deg_sh.at[degi.at[c]], semA,
                             add=True)
        for c in range(DGC):
            pltpu.make_async_copy(degw.at[c], deg_sh.at[degi.at[c]],
                                  semA).wait()
        return 0
    lax.fori_loop(0, NDG, dgroup, 0)
    plsc.subcore_barrier()

    pltpu.sync_copy(deg_sh, dis)
    @plsc.parallel_loop(0, N // 16, unroll=4)
    def _(i):
        v = dis[pl.ds(i * 16, 16)]
        ok = v > 0.0
        y = _rsqrt16(jnp.where(ok, v, 1.0))
        dis[pl.ds(i * 16, 16)] = jnp.where(ok, y, 0.0)

    _zero_rows(rowA, B)
    _zero_acc_slice(acc, rowA, sid)
    plsc.subcore_barrier()

    def group(g, _):
        r0 = wid * CPT + g * GC
        pltpu.sync_copy(src2_h.at[pl.ds(r0, GC)], srcv)
        pltpu.sync_copy(dst2_h.at[pl.ds(r0, GC)], dstv)
        pltpu.sync_copy(w2_h.at[pl.ds(r0, GC)], wv)
        @plsc.parallel_loop(0, GC, unroll=2)
        def _(j):
            for k in range(B // 16):
                s = srcv[j, pl.ds(k * 16, 16)]
                d = dstv[j, pl.ds(k * 16, 16)]
                wq = wv[j, pl.ds(k * 16, 16)]
                a = plsc.load_gather(dis, [s])
                b = plsc.load_gather(dis, [d])
                normv[pl.ds(j * B + k * 16, 16)] = -(a * wq * b)
        pltpu.sync_copy(normv, norm_h.at[wid, pl.ds(g * GE, GE)])
        _prop_group(x_h, srcv, dstv, normv, rowA, rowB,
                    semA, semB, ssemA, ssemB, acc)
        return 0
    lax.fori_loop(0, NG, group, 0)
    plsc.subcore_barrier()
    _writeout(acc, rowA, tx1p_h, cid, sid)


def _sc_pass2_body(src2_h, dst2_h, norm_h, tx1_h, tx2p_h,
                   srcv, dstv, normv, rowA, rowB,
                   semA, semB, ssemA, ssemB, acc):
    cid = lax.axis_index("c")
    sid = lax.axis_index("s")
    wid = cid * NS + sid

    _zero_rows(rowA, B)
    _zero_acc_slice(acc, rowA, sid)
    plsc.subcore_barrier()

    def group(g, _):
        r0 = wid * CPT + g * GC
        pltpu.sync_copy(src2_h.at[pl.ds(r0, GC)], srcv)
        pltpu.sync_copy(dst2_h.at[pl.ds(r0, GC)], dstv)
        pltpu.sync_copy(norm_h.at[wid, pl.ds(g * GE, GE)], normv)
        _prop_group(tx1_h, srcv, dstv, normv, rowA, rowB,
                    semA, semB, ssemA, ssemB, acc)
        return 0
    lax.fori_loop(0, NG, group, 0)
    plsc.subcore_barrier()
    _writeout(acc, rowA, tx2p_h, cid, sid)


@functools.lru_cache(maxsize=1)
def _sc_kernels():
    mesh = plsc.VectorSubcoreMesh(
        core_axis_name="c", subcore_axis_name="s",
        num_cores=NC, num_subcores=NS)
    cp = pltpu.CompilerParams(use_tc_tiling_on_sc=False,
                              needs_layout_passes=False)
    sc1 = pl.kernel(
        _sc_pass1_body,
        out_type=(jax.ShapeDtypeStruct((NC, N, F), jnp.float32),
                  jax.ShapeDtypeStruct((NC * NS, EPT), jnp.float32)),
        mesh=mesh,
        compiler_params=cp,
        scratch_types=[
            pltpu.VMEM((GC, B), jnp.int32),
            pltpu.VMEM((GC, B), jnp.int32),
            pltpu.VMEM((GC, B), jnp.float32),
            pltpu.VMEM((GE,), jnp.float32),
            pltpu.VMEM((N,), jnp.float32),
            pltpu.VMEM((B, F), jnp.float32),
            pltpu.VMEM((B, F), jnp.float32),
            pltpu.VMEM((DGC, DB), jnp.int32),
            pltpu.VMEM((DGC, DB), jnp.float32),
            pltpu.SemaphoreType.DMA,
            pltpu.SemaphoreType.DMA,
            pltpu.SemaphoreType.DMA,
            pltpu.SemaphoreType.DMA,
            pltpu.VMEM_SHARED((N,), jnp.float32),
            pltpu.VMEM_SHARED((N, F), jnp.float32),
        ],
    )
    sc2 = pl.kernel(
        _sc_pass2_body,
        out_type=jax.ShapeDtypeStruct((NC, N, F), jnp.float32),
        mesh=mesh,
        compiler_params=cp,
        scratch_types=[
            pltpu.VMEM((GC, B), jnp.int32),
            pltpu.VMEM((GC, B), jnp.int32),
            pltpu.VMEM((GE,), jnp.float32),
            pltpu.VMEM((B, F), jnp.float32),
            pltpu.VMEM((B, F), jnp.float32),
            pltpu.SemaphoreType.DMA,
            pltpu.SemaphoreType.DMA,
            pltpu.SemaphoreType.DMA,
            pltpu.SemaphoreType.DMA,
            pltpu.VMEM_SHARED((N, F), jnp.float32),
        ],
    )
    return sc1, sc2


def _combine_body(a_ref, b_ref, o_ref):
    o_ref[...] = a_ref[...] + b_ref[...]


def _dense_body(x_ref, t1_ref, t2a_ref, t2b_ref, w_ref, bias_ref, wco_ref,
                o_ref):
    x = x_ref[...]
    t1 = t1_ref[...]
    t2 = 2.0 * (t2a_ref[...] + t2b_ref[...]) - x
    w = w_ref[...]
    g = (jnp.dot(x, w[0:F, :], preferred_element_type=jnp.float32)
         + jnp.dot(t1, w[F:2 * F, :], preferred_element_type=jnp.float32)
         + jnp.dot(t2, w[2 * F:3 * F, :], preferred_element_type=jnp.float32)
         + bias_ref[...])
    i_g = jax.nn.sigmoid(g[:, 0:F])
    t_g = jnp.tanh(g[:, F:2 * F])
    c = i_g * t_g
    o_g = jax.nn.sigmoid(g[:, 2 * F:3 * F] + wco_ref[...] * c)
    h = o_g * jnp.tanh(c)
    o_ref[...] = jnp.maximum(h, 0.0)


_RB = 1000
_GRID = N // _RB

_combine = pl.pallas_call(
    _combine_body,
    grid=(_GRID,),
    in_specs=[pl.BlockSpec((_RB, F), lambda i: (i, 0))] * 2,
    out_specs=pl.BlockSpec((_RB, F), lambda i: (i, 0)),
    out_shape=jax.ShapeDtypeStruct((N, F), jnp.float32),
)

_dense = pl.pallas_call(
    _dense_body,
    grid=(_GRID,),
    in_specs=[
        pl.BlockSpec((_RB, F), lambda i: (i, 0)),
        pl.BlockSpec((_RB, F), lambda i: (i, 0)),
        pl.BlockSpec((_RB, F), lambda i: (i, 0)),
        pl.BlockSpec((_RB, F), lambda i: (i, 0)),
        pl.BlockSpec((3 * F, 3 * F), lambda i: (0, 0)),
        pl.BlockSpec((1, 3 * F), lambda i: (0, 0)),
        pl.BlockSpec((1, F), lambda i: (0, 0)),
    ],
    out_specs=pl.BlockSpec((_RB, F), lambda i: (i, 0)),
    out_shape=jax.ShapeDtypeStruct((N, F), jnp.float32),
)


def kernel(edge_index_list, node_feats_list, edge_feats_list,
           nodes_mask_list, params):
    ei = edge_index_list[-1].astype(jnp.int32)
    src2 = ei[0].reshape(ROWS2D, B)
    dst2 = ei[1].reshape(ROWS2D, B)
    w = edge_feats_list[-1].astype(jnp.float32)
    w2 = w.reshape(ROWS2D, B)
    srcd = ei[0].reshape(DROWS, DB)
    wd = w.reshape(DROWS, DB)
    x = node_feats_list[-1].astype(jnp.float32)

    sc1, sc2 = _sc_kernels()
    tx1p, norm2 = sc1(src2, dst2, w2, srcd, wd, x)
    tx1 = _combine(tx1p[0], tx1p[1])
    tx2p = sc2(src2, dst2, norm2, tx1)

    gates = "ico"
    wcat = jnp.concatenate(
        [jnp.concatenate([params["W_x_" + g][k] for g in gates], axis=1)
         for k in range(3)], axis=0)
    bias = jnp.concatenate(
        [params["b_x_" + g] + params["b_h_" + g] + params["b_" + g][0]
         for g in gates])[None, :]
    return _dense(x, tx1, tx2p[0], tx2p[1], wcat, bias, params["w_c_o"])

# --- scband reference (transcript-rebuilt; emitter-appended) ---
"""Pipeline reference for scband-gclstm-21784074125834 (READ-ONLY COPY).

The authoritative reference and input builder live on the scoring server;
editing this copy changes nothing except your own understanding.
"""

import jax, jax.numpy as jnp
import numpy as np

T, N, E, FIN, FOUT, K = 3, 10000, 320000, 128, 128, 3


def _cheb(x, src, dst, norm, W, b):
    n = x.shape[0]

    def prop(v):
        return jnp.zeros((n, v.shape[1]), v.dtype).at[dst].add(norm[:, None] * v[src])

    Tx0 = x
    out = Tx0 @ W[0]
    Tx1 = prop(Tx0)
    out = out + Tx1 @ W[1]
    for k in range(2, W.shape[0]):
        Tx2 = 2.0 * prop(Tx1) - Tx0
        out = out + Tx2 @ W[k]
        Tx0, Tx1 = Tx1, Tx2
    return out + b


def _gclstm_step(X, edge_index, edge_weight, params):
    # ChebConv sym normalization with lambda_max=2: L_hat = -D^{-1/2} A D^{-1/2}
    src, dst = edge_index[0], edge_index[1]
    n = X.shape[0]
    deg = jnp.zeros((n,), X.dtype).at[src].add(edge_weight)
    dis = jnp.where(deg > 0, jax.lax.rsqrt(jnp.where(deg > 0, deg, 1.0)), 0.0)
    norm = -dis[src] * edge_weight * dis[dst]
    # H, C default to zeros (forward never passes state -> fresh zeros each call)
    H = jnp.zeros((n, FOUT), X.dtype)
    C = jnp.zeros((n, FOUT), X.dtype)

    def gate(g):
        return (_cheb(X, src, dst, norm, params['W_x_' + g], params['b_x_' + g])
                + _cheb(H, src, dst, norm, params['W_h_' + g], params['b_h_' + g]))

    I = jax.nn.sigmoid(gate('i') + params['w_c_i'] * C + params['b_i'])
    Fg = jax.nn.sigmoid(gate('f') + params['w_c_f'] * C + params['b_f'])
    Tc = jnp.tanh(gate('c') + params['b_c'])
    C = Fg * C + I * Tc
    O = jax.nn.sigmoid(gate('o') + params['w_c_o'] * C + params['b_o'])
    H = O * jnp.tanh(C)
    return H, C


def setup_inputs(seed: int = 0):
    key = jax.random.key(seed)
    ks = jax.random.split(key, 32)
    edge_index_list = jax.random.randint(ks[0], (T, 2, E), 0, N)
    node_feats_list = jax.random.normal(ks[1], (T, N, FIN), dtype=jnp.float32)
    edge_feats_list = jax.random.uniform(ks[2], (T, E), dtype=jnp.float32)
    nodes_mask_list = jnp.ones((T, N), dtype=bool)
    params = {}
    i = 3
    for g in 'ifco':
        params['W_x_' + g] = jax.random.normal(ks[i], (K, FIN, FOUT), dtype=jnp.float32) * 0.05; i += 1
        params['b_x_' + g] = jax.random.normal(ks[i], (FOUT,), dtype=jnp.float32) * 0.05; i += 1
        params['W_h_' + g] = jax.random.normal(ks[i], (K, FOUT, FOUT), dtype=jnp.float32) * 0.05; i += 1
        params['b_h_' + g] = jax.random.normal(ks[i], (FOUT,), dtype=jnp.float32) * 0.05; i += 1
        params['b_' + g] = jax.random.normal(ks[i], (1, FOUT), dtype=jnp.float32) * 0.05; i += 1
    for g in 'ifo':
        params['w_c_' + g] = jax.random.normal(ks[i], (1, FOUT), dtype=jnp.float32) * 0.05; i += 1
    return {'edge_index_list': edge_index_list,
            'node_feats_list': node_feats_list,
            'edge_feats_list': edge_feats_list,
            'nodes_mask_list': nodes_mask_list,
            'params': params}


def reference(edge_index_list, node_feats_list, edge_feats_list, nodes_mask_list, params):
    x = None
    for t in range(T):
        H, _ = _gclstm_step(node_feats_list[t], edge_index_list[t], edge_feats_list[t], params)
        x = jax.nn.relu(H)
    return x

if __name__ == "__main__":
    import jax
    _d = setup_inputs()
    print(jax.jit(kernel)(*tuple(_d.values())))

</pallas_src>

<mosaic_0001>
#map = affine_map<(d0, d1) -> (0, 0)>
#map1 = affine_map<(d0, d1) -> (0, 0, 0)>
module attributes {stable_mosaic.version = 14 : i64} {
  func.func @_sc_pass1_body(%arg0: i32, %arg1: i32, %arg2: memref<4000x80xi32, #tpu.memory_space<hbm>>, %arg3: memref<4000x80xi32, #tpu.memory_space<hbm>>, %arg4: memref<4000x80xf32, #tpu.memory_space<hbm>>, %arg5: memref<2560x125xi32, #tpu.memory_space<hbm>>, %arg6: memref<2560x125xf32, #tpu.memory_space<hbm>>, %arg7: memref<10000x128xf32, #tpu.memory_space<hbm>>, %arg8: memref<2x10000x128xf32, #tpu.memory_space<hbm>>, %arg9: memref<32x10000xf32, #tpu.memory_space<hbm>>, %arg10: memref<25x80xi32, #tpu.memory_space<vmem>>, %arg11: memref<25x80xi32, #tpu.memory_space<vmem>>, %arg12: memref<25x80xf32, #tpu.memory_space<vmem>>, %arg13: memref<2000xf32, #tpu.memory_space<vmem>>, %arg14: memref<10000xf32, #tpu.memory_space<vmem>>, %arg15: memref<80x128xf32, #tpu.memory_space<vmem>>, %arg16: memref<80x128xf32, #tpu.memory_space<vmem>>, %arg17: memref<8x125xi32, #tpu.memory_space<vmem>>, %arg18: memref<8x125xf32, #tpu.memory_space<vmem>>, %arg19: memref<!tpu.dma_semaphore, #tpu.memory_space<semaphore_mem>>, %arg20: memref<!tpu.dma_semaphore, #tpu.memory_space<semaphore_mem>>, %arg21: memref<!tpu.dma_semaphore, #tpu.memory_space<semaphore_mem>>, %arg22: memref<!tpu.dma_semaphore, #tpu.memory_space<semaphore_mem>>, %arg23: memref<10000xf32, #tpu.memory_space<vmem_shared>>, %arg24: memref<10000x128xf32, #tpu.memory_space<vmem_shared>>) attributes {dimension_semantics = [#tpu.dimension_semantics<core_parallel>, #tpu.dimension_semantics<subcore_parallel>], iteration_bounds = array<i64: 2, 16>, scalar_prefetch = 0 : i64, scratch_operands = 15 : i64, tpu.core_type = #tpu.core_type<sc_vector_subcore>, window_params = [{transform_indices = #map}, {transform_indices = #map}, {transform_indices = #map}, {transform_indices = #map}, {transform_indices = #map}, {transform_indices = #map}, {transform_indices = #map1}, {transform_indices = #map}]} {
    %mul3A = arith.constant 16 : i32
    %mul3A_0 = arith.muli %arg0, %mul3A : i32
    %add3A = arith.addi %mul3A_0, %arg1 : i32
    %broadcast_in_dim3A = arith.constant 0.000000e+00 : f32
    %broadcast_in_dim3A_1 = vector.broadcast %broadcast_in_dim3A : f32 to vector<16xf32>
    %scan3A = arith.constant 0 : i32
    %scan3A_2 = arith.constant 0 : i32
    %scan3A_3 = arith.constant 625 : i32
    %scan3A_4 = arith.addi %scan3A_2, %scan3A_3 : i32
    %scan3A_5 = arith.constant 1 : i32
    %scan3A_6 = scf.for %scan3A_78 = %scan3A_2 to %scan3A_4 step %scan3A_5 iter_args(%scan3A_79 = %scan3A) -> (i32)  : i32 {
      %mul3A_80 = arith.constant 16 : i32
      %mul3A_81 = arith.muli %scan3A_78, %mul3A_80 : i32
      %swap3A = arith.index_cast %mul3A_81 : i32 to index
      %swap3A_82 = tpu.vector_load %arg14[%swap3A] {strides = array<i32>} : memref<10000xf32, #tpu.memory_space<vmem>>, vector<16xf32>,
      tpu.vector_store %arg14[%swap3A], %broadcast_in_dim3A_1 {strides = array<i32>} : memref<10000xf32, #tpu.memory_space<vmem>>, vector<16xf32>,
      %scan3A_83 = arith.constant 0 : i32
      scf.yield %scan3A_83 : i32
    }
    %scan3A_7 = arith.constant 625 : i32
    %mul3A_8 = arith.constant 624 : i32
    %mul3A_9 = arith.muli %arg1, %mul3A_8 : i32
    %mul3A_10 = arith.constant 624 : i32
    %mul3A_11 = arith.muli %arg1, %mul3A_10 : i32
    "tpu.region"() ({
      %run_scoped3A = tpu.sem_alloc : memref<!tpu.dma_semaphore, #tpu.memory_space<semaphore_mem>>
      %dma_start3A = tpu.memref_slice %arg14[%mul3A_9] : memref<10000xf32, #tpu.memory_space<vmem>> -> memref<624xf32, #tpu.memory_space<vmem>>
      %dma_start3A_78 = tpu.memref_slice %arg23[%mul3A_11] : memref<10000xf32, #tpu.memory_space<vmem_shared>> -> memref<624xf32, #tpu.memory_space<vmem_shared>>
      %dma_start3A_79 = tpu.memref_slice %arg23[%mul3A_11] : memref<10000xf32, #tpu.memory_space<vmem_shared>> -> memref<624xf32, #tpu.memory_space<vmem_shared>>
      %dma_start3A_80 = tpu.memref_slice %arg14[%mul3A_9] : memref<10000xf32, #tpu.memory_space<vmem>> -> memref<624xf32, #tpu.memory_space<vmem>>
      tpu.enqueue_dma source(%dma_start3A_80 : memref<624xf32, #tpu.memory_space<vmem>>) target(%dma_start3A_79 : memref<624xf32, #tpu.memory_space<vmem_shared>>) target_semaphore(%run_scoped3A : memref<!tpu.dma_semaphore, #tpu.memory_space<semaphore_mem>>)
      %dma_wait3A = tpu.memref_slice %arg14[%mul3A_9] : memref<10000xf32, #tpu.memory_space<vmem>> -> memref<624xf32, #tpu.memory_space<vmem>>
      %dma_wait3A_81 = tpu.memref_slice %arg23[%mul3A_11] : memref<10000xf32, #tpu.memory_space<vmem_shared>> -> memref<624xf32, #tpu.memory_space<vmem_shared>>
      %dma_wait3A_82 = tpu.memref_slice %arg23[%mul3A_11] : memref<10000xf32, #tpu.memory_space<vmem_shared>> -> memref<624xf32, #tpu.memory_space<vmem_shared>>
      %dma_wait3A_83 = tpu.memref_slice %arg14[%mul3A_9] : memref<10000xf32, #tpu.memory_space<vmem>> -> memref<624xf32, #tpu.memory_space<vmem>>
      tpu.wait_dma2 semaphore(%run_scoped3A : memref<!tpu.dma_semaphore, #tpu.memory_space<semaphore_mem>>) src(%dma_wait3A_83 : memref<624xf32, #tpu.memory_space<vmem>>) dst(%dma_wait3A_82 : memref<624xf32, #tpu.memory_space<vmem_shared>>)
      tpu.yield
    }) : () -> ()
    %eq3A = arith.constant 0 : i32
    %eq3A_12 = arith.cmpi eq, %arg1, %eq3A : i32
    %convert_element_type3A = arith.extui %eq3A_12 : i1 to i32
    %cond3A = arith.constant 0 : i32
    %cond3A_13 = arith.cmpi ne, %convert_element_type3A, %cond3A : i32
    scf.if %cond3A_13 {
      "tpu.region"() ({
        %run_scoped3A = tpu.sem_alloc : memref<!tpu.dma_semaphore, #tpu.memory_space<semaphore_mem>>
        %dma_start3A = arith.constant 9984 : i32
        %dma_start3A_78 = tpu.memref_slice %arg14[%dma_start3A] : memref<10000xf32, #tpu.memory_space<vmem>> -> memref<16xf32, #tpu.memory_space<vmem>>
        %dma_start3A_79 = arith.constant 9984 : i32
        %dma_start3A_80 = tpu.memref_slice %arg23[%dma_start3A_79] : memref<10000xf32, #tpu.memory_space<vmem_shared>> -> memref<16xf32, #tpu.memory_space<vmem_shared>>
        %dma_start3A_81 = arith.constant 9984 : i32
        %dma_start3A_82 = tpu.memref_slice %arg23[%dma_start3A_81] : memref<10000xf32, #tpu.memory_space<vmem_shared>> -> memref<16xf32, #tpu.memory_space<vmem_shared>>
        %dma_start3A_83 = arith.constant 9984 : i32
        %dma_start3A_84 = tpu.memref_slice %arg14[%dma_start3A_83] : memref<10000xf32, #tpu.memory_space<vmem>> -> memref<16xf32, #tpu.memory_space<vmem>>
        tpu.enqueue_dma source(%dma_start3A_84 : memref<16xf32, #tpu.memory_space<vmem>>) target(%dma_start3A_82 : memref<16xf32, #tpu.memory_space<vmem_shared>>) target_semaphore(%run_scoped3A : memref<!tpu.dma_semaphore, #tpu.memory_space<semaphore_mem>>)
        %dma_wait3A = arith.constant 9984 : i32
        %dma_wait3A_85 = tpu.memref_slice %arg14[%dma_wait3A] : memref<10000xf32, #tpu.memory_space<vmem>> -> memref<16xf32, #tpu.memory_space<vmem>>
        %dma_wait3A_86 = arith.constant 9984 : i32
        %dma_wait3A_87 = tpu.memref_slice %arg23[%dma_wait3A_86] : memref<10000xf32, #tpu.memory_space<vmem_shared>> -> memref<16xf32, #tpu.memory_space<vmem_shared>>
        %dma_wait3A_88 = arith.constant 9984 : i32
        %dma_wait3A_89 = tpu.memref_slice %arg23[%dma_wait3A_88] : memref<10000xf32, #tpu.memory_space<vmem_shared>> -> memref<16xf32, #tpu.memory_space<vmem_shared>>
        %dma_wait3A_90 = arith.constant 9984 : i32
        %dma_wait3A_91 = tpu.memref_slice %arg14[%dma_wait3A_90] : memref<10000xf32, #tpu.memory_space<vmem>> -> memref<16xf32, #tpu.memory_space<vmem>>
        tpu.wait_dma2 semaphore(%run_scoped3A : memref<!tpu.dma_semaphore, #tpu.memory_space<semaphore_mem>>) src(%dma_wait3A_91 : memref<16xf32, #tpu.memory_space<vmem>>) dst(%dma_wait3A_89 : memref<16xf32, #tpu.memory_space<vmem_shared>>)
        tpu.yield
      }) : () -> ()
    } else {
    }
    %barrier3A = arith.constant 0 : index
    tpu.barrier barrier_id(%barrier3A)
    %scan3A_14 = arith.constant 0 : i32
    %scan3A_15 = arith.constant 0 : i32
    %scan3A_16 = arith.constant 20 : i32
    %scan3A_17 = arith.addi %scan3A_15, %scan3A_16 : i32
    %scan3A_18 = arith.constant 1 : i32
    %scan3A_19 = scf.for %scan3A_78 = %scan3A_15 to %scan3A_17 step %scan3A_18 iter_args(%scan3A_79 = %scan3A_14) -> (i32)  : i32 {
      %mul3A_80 = arith.constant 160 : i32
      %mul3A_81 = arith.muli %arg1, %mul3A_80 : i32
      %mul3A_82 = arith.constant 8 : i32
      %mul3A_83 = arith.muli %scan3A_78, %mul3A_82 : i32
      %add3A_84 = arith.addi %mul3A_81, %mul3A_83 : i32
      "tpu.region"() ({
        %run_scoped3A = tpu.sem_alloc : memref<!tpu.dma_semaphore, #tpu.memory_space<semaphore_mem>>
        %dma_start3A_244 = arith.constant 0 : i32
        %dma_start3A_245 = tpu.memref_slice %arg5[%add3A_84, %dma_start3A_244] : memref<2560x125xi32, #tpu.memory_space<hbm>> -> memref<8x125xi32, #tpu.memory_space<hbm>>
        %dma_start3A_246 = arith.constant 0 : i32
        %dma_start3A_247 = tpu.memref_slice %arg5[%add3A_84, %dma_start3A_246] : memref<2560x125xi32, #tpu.memory_space<hbm>> -> memref<8x125xi32, #tpu.memory_space<hbm>>
        tpu.enqueue_dma source(%dma_start3A_247 : memref<8x125xi32, #tpu.memory_space<hbm>>) target(%arg17 : memref<8x125xi32, #tpu.memory_space<vmem>>) target_semaphore(%run_scoped3A : memref<!tpu.dma_semaphore, #tpu.memory_space<semaphore_mem>>)
        %dma_wait3A_248 = arith.constant 0 : i32
        %dma_wait3A_249 = tpu.memref_slice %arg5[%add3A_84, %dma_wait3A_248] : memref<2560x125xi32, #tpu.memory_space<hbm>> -> memref<8x125xi32, #tpu.memory_space<hbm>>
        %dma_wait3A_250 = arith.constant 0 : i32
        %dma_wait3A_251 = tpu.memref_slice %arg5[%add3A_84, %dma_wait3A_250] : memref<2560x125xi32, #tpu.memory_space<hbm>> -> memref<8x125xi32, #tpu.memory_space<hbm>>
        tpu.wait_dma2 semaphore(%run_scoped3A : memref<!tpu.dma_semaphore, #tpu.memory_space<semaphore_mem>>) src(%dma_wait3A_251 : memref<8x125xi32, #tpu.memory_space<hbm>>) dst(%arg17 : memref<8x125xi32, #tpu.memory_space<vmem>>)
        tpu.yield
      }) : () -> ()
      "tpu.region"() ({
        %run_scoped3A = tpu.sem_alloc : memref<!tpu.dma_semaphore, #tpu.memory_space<semaphore_mem>>
        %dma_start3A_244 = arith.constant 0 : i32
        %dma_start3A_245 = tpu.memref_slice %arg6[%add3A_84, %dma_start3A_244] : memref<2560x125xf32, #tpu.memory_space<hbm>> -> memref<8x125xf32, #tpu.memory_space<hbm>>
        %dma_start3A_246 = arith.constant 0 : i32
        %dma_start3A_247 = tpu.memref_slice %arg6[%add3A_84, %dma_start3A_246] : memref<2560x125xf32, #tpu.memory_space<hbm>> -> memref<8x125xf32, #tpu.memory_space<hbm>>
        tpu.enqueue_dma source(%dma_start3A_247 : memref<8x125xf32, #tpu.memory_space<hbm>>) target(%arg18 : memref<8x125xf32, #tpu.memory_space<vmem>>) target_semaphore(%run_scoped3A : memref<!tpu.dma_semaphore, #tpu.memory_space<semaphore_mem>>)
        %dma_wait3A_248 = arith.constant 0 : i32
        %dma_wait3A_249 = tpu.memref_slice %arg6[%add3A_84, %dma_wait3A_248] : memref<2560x125xf32, #tpu.memory_space<hbm>> -> memref<8x125xf32, #tpu.memory_space<hbm>>
        %dma_wait3A_250 = arith.constant 0 : i32
        %dma_wait3A_251 = tpu.memref_slice %arg6[%add3A_84, %dma_wait3A_250] : memref<2560x125xf32, #tpu.memory_space<hbm>> -> memref<8x125xf32, #tpu.memory_space<hbm>>
        tpu.wait_dma2 semaphore(%run_scoped3A : memref<!tpu.dma_semaphore, #tpu.memory_space<semaphore_mem>>) src(%dma_wait3A_251 : memref<8x125xf32, #tpu.memory_space<hbm>>) dst(%arg18 : memref<8x125xf32, #tpu.memory_space<vmem>>)
        tpu.yield
      }) : () -> ()
      %dma_start3A = arith.constant 0 : i32
      %dma_start3A_85 = arith.constant 0 : i32
      %dma_start3A_86 = arith.constant 0 : i32
      %dma_start3A_87 = tpu.memref_slice %arg18[%dma_start3A, %dma_start3A_86] : memref<8x125xf32, #tpu.memory_space<vmem>> -> memref<1x125xf32, #tpu.memory_space<vmem>>
      %dma_start3A_88 = tpu.memref_squeeze %dma_start3A_87 : memref<1x125xf32, #tpu.memory_space<vmem>> -> memref<125xf32, #tpu.memory_space<vmem>>
      %dma_start3A_89 = arith.constant 0 : i32
      %dma_start3A_90 = tpu.memref_slice %arg17[%dma_start3A_85, %dma_start3A_89] : memref<8x125xi32, #tpu.memory_space<vmem>> -> memref<1x125xi32, #tpu.memory_space<vmem>>
      %dma_start3A_91 = tpu.memref_squeeze %dma_start3A_90 : memref<1x125xi32, #tpu.memory_space<vmem>> -> memref<125xi32, #tpu.memory_space<vmem>>
      %dma_start3A_92 = arith.constant 0 : i32
      %dma_start3A_93 = tpu.memref_slice %arg23[%dma_start3A_92] : memref<10000xf32, #tpu.memory_space<vmem_shared>> -> memref<10000xf32, #tpu.memory_space<vmem_shared>>
      tpu.enqueue_indirect_dma source(%dma_start3A_88 : memref<125xf32, #tpu.memory_space<vmem>>) target(%dma_start3A_93 : memref<10000xf32, #tpu.memory_space<vmem_shared>>) offsets(%dma_start3A_91 : memref<125xi32, #tpu.memory_space<vmem>>) semaphore(%arg19 : memref<!tpu.dma_semaphore, #tpu.memory_space<semaphore_mem>>) {add = true}
      %dma_start3A_94 = arith.constant 1 : i32
      %dma_start3A_95 = arith.constant 1 : i32
      %dma_start3A_96 = arith.constant 0 : i32
      %dma_start3A_97 = tpu.memref_slice %arg18[%dma_start3A_94, %dma_start3A_96] : memref<8x125xf32, #tpu.memory_space<vmem>> -> memref<1x125xf32, #tpu.memory_space<vmem>>
      %dma_start3A_98 = tpu.memref_squeeze %dma_start3A_97 : memref<1x125xf32, #tpu.memory_space<vmem>> -> memref<125xf32, #tpu.memory_space<vmem>>
      %dma_start3A_99 = arith.constant 0 : i32
      %dma_start3A_100 = tpu.memref_slice %arg17[%dma_start3A_95, %dma_start3A_99] : memref<8x125xi32, #tpu.memory_space<vmem>> -> memref<1x125xi32, #tpu.memory_space<vmem>>
      %dma_start3A_101 = tpu.memref_squeeze %dma_start3A_100 : memref<1x125xi32, #tpu.memory_space<vmem>> -> memref<125xi32, #tpu.memory_space<vmem>>
      %dma_start3A_102 = arith.constant 0 : i32
      %dma_start3A_103 = tpu.memref_slice %arg23[%dma_start3A_102] : memref<10000xf32, #tpu.memory_space<vmem_shared>> -> memref<10000xf32, #tpu.memory_space<vmem_shared>>
      tpu.enqueue_indirect_dma source(%dma_start3A_98 : memref<125xf32, #tpu.memory_space<vmem>>) target(%dma_start3A_103 : memref<10000xf32, #tpu.memory_space<vmem_shared>>) offsets(%dma_start3A_101 : memref<125xi32, #tpu.memory_space<vmem>>) semaphore(%arg19 : memref<!tpu.dma_semaphore, #tpu.memory_space<semaphore_mem>>) {add = true}
      %dma_start3A_104 = arith.constant 2 : i32
      %dma_start3A_105 = arith.constant 2 : i32
      %dma_start3A_106 = arith.constant 0 : i32
      %dma_start3A_107 = tpu.memref_slice %arg18[%dma_start3A_104, %dma_start3A_106] : memref<8x125xf32, #tpu.memory_space<vmem>> -> memref<1x125xf32, #tpu.memory_space<vmem>>
      %dma_start3A_108 = tpu.memref_squeeze %dma_start3A_107 : memref<1x125xf32, #tpu.memory_space<vmem>> -> memref<125xf32, #tpu.memory_space<vmem>>
      %dma_start3A_109 = arith.constant 0 : i32
      %dma_start3A_110 = tpu.memref_slice %arg17[%dma_start3A_105, %dma_start3A_109] : memref<8x125xi32, #tpu.memory_space<vmem>> -> memref<1x125xi32, #tpu.memory_space<vmem>>
      %dma_start3A_111 = tpu.memref_squeeze %dma_start3A_110 : memref<1x125xi32, #tpu.memory_space<vmem>> -> memref<125xi32, #tpu.memory_space<vmem>>
      %dma_start3A_112 = arith.constant 0 : i32
      %dma_start3A_113 = tpu.memref_slice %arg23[%dma_start3A_112] : memref<10000xf32, #tpu.memory_space<vmem_shared>> -> memref<10000xf32, #tpu.memory_space<vmem_shared>>
      tpu.enqueue_indirect_dma source(%dma_start3A_108 : memref<125xf32, #tpu.memory_space<vmem>>) target(%dma_start3A_113 : memref<10000xf32, #tpu.memory_space<vmem_shared>>) offsets(%dma_start3A_111 : memref<125xi32, #tpu.memory_space<vmem>>) semaphore(%arg19 : memref<!tpu.dma_semaphore, #tpu.memory_space<semaphore_mem>>) {add = true}
      %dma_start3A_114 = arith.constant 3 : i32
      %dma_start3A_115 = arith.constant 3 : i32
      %dma_start3A_116 = arith.constant 0 : i32
      %dma_start3A_117 = tpu.memref_slice %arg18[%dma_start3A_114, %dma_start3A_116] : memref<8x125xf32, #tpu.memory_space<vmem>> -> memref<1x125xf32, #tpu.memory_space<vmem>>
      %dma_start3A_118 = tpu.memref_squeeze %dma_start3A_117 : memref<1x125xf32, #tpu.memory_space<vmem>> -> memref<125xf32, #tpu.memory_space<vmem>>
      %dma_start3A_119 = arith.constant 0 : i32
      %dma_start3A_120 = tpu.memref_slice %arg17[%dma_start3A_115, %dma_start3A_119] : memref<8x125xi32, #tpu.memory_space<vmem>> -> memref<1x125xi32, #tpu.memory_space<vmem>>
      %dma_start3A_121 = tpu.memref_squeeze %dma_start3A_120 : memref<1x125xi32, #tpu.memory_space<vmem>> -> memref<125xi32, #tpu.memory_space<vmem>>
      %dma_start3A_122 = arith.constant 0 : i32
      %dma_start3A_123 = tpu.memref_slice %arg23[%dma_start3A_122] : memref<10000xf32, #tpu.memory_space<vmem_shared>> -> memref<10000xf32, #tpu.memory_space<vmem_shared>>
      tpu.enqueue_indirect_dma source(%dma_start3A_118 : memref<125xf32, #tpu.memory_space<vmem>>) target(%dma_start3A_123 : memref<10000xf32, #tpu.memory_space<vmem_shared>>) offsets(%dma_start3A_121 : memref<125xi32, #tpu.memory_space<vmem>>) semaphore(%arg19 : memref<!tpu.dma_semaphore, #tpu.memory_space<semaphore_mem>>) {add = true}
      %dma_start3A_124 = arith.constant 4 : i32
      %dma_start3A_125 = arith.constant 4 : i32
      %dma_start3A_126 = arith.constant 0 : i32
      %dma_start3A_127 = tpu.memref_slice %arg18[%dma_start3A_124, %dma_start3A_126] : memref<8x125xf32, #tpu.memory_space<vmem>> -> memref<1x125xf32, #tpu.memory_space<vmem>>
      %dma_start3A_128 = tpu.memref_squeeze %dma_start3A_127 : memref<1x125xf32, #tpu.memory_space<vmem>> -> memref<125xf32, #tpu.memory_space<vmem>>
      %dma_start3A_129 = arith.constant 0 : i32
      %dma_start3A_130 = tpu.memref_slice %arg17[%dma_start3A_125, %dma_start3A_129] : memref<8x125xi32, #tpu.memory_space<vmem>> -> memref<1x125xi32, #tpu.memory_space<vmem>>
      %dma_start3A_131 = tpu.memref_squeeze %dma_start3A_130 : memref<1x125xi32, #tpu.memory_space<vmem>> -> memref<125xi32, #tpu.memory_space<vmem>>
      %dma_start3A_132 = arith.constant 0 : i32
      %dma_start3A_133 = tpu.memref_slice %arg23[%dma_start3A_132] : memref<10000xf32, #tpu.memory_space<vmem_shared>> -> memref<10000xf32, #tpu.memory_space<vmem_shared>>
      tpu.enqueue_indirect_dma source(%dma_start3A_128 : memref<125xf32, #tpu.memory_space<vmem>>) target(%dma_start3A_133 : memref<10000xf32, #tpu.memory_space<vmem_shared>>) offsets(%dma_start3A_131 : memref<125xi32, #tpu.memory_space<vmem>>) semaphore(%arg19 : memref<!tpu.dma_semaphore, #tpu.memory_space<semaphore_mem>>) {add = true}
      %dma_start3A_134 = arith.constant 5 : i32
      %dma_start3A_135 = arith.constant 5 : i32
      %dma_start3A_136 = arith.constant 0 : i32
      %dma_start3A_137 = tpu.memref_slice %arg18[%dma_start3A_134, %dma_start3A_136] : memref<8x125xf32, #tpu.memory_space<vmem>> -> memref<1x125xf32, #tpu.memory_space<vmem>>
      %dma_start3A_138 = tpu.memref_squeeze %dma_start3A_137 : memref<1x125xf32, #tpu.memory_space<vmem>> -> memref<125xf32, #tpu.memory_space<vmem>>
      %dma_start3A_139 = arith.constant 0 : i32
      %dma_start3A_140 = tpu.memref_slice %arg17[%dma_start3A_135, %dma_start3A_139] : memref<8x125xi32, #tpu.memory_space<vmem>> -> memref<1x125xi32, #tpu.memory_space<vmem>>
      %dma_start3A_141 = tpu.memref_squeeze %dma_start3A_140 : memref<1x125xi32, #tpu.memory_space<vmem>> -> memref<125xi32, #tpu.memory_space<vmem>>
      %dma_start3A_142 = arith.constant 0 : i32
      %dma_start3A_143 = tpu.memref_slice %arg23[%dma_start3A_142] : memref<10000xf32, #tpu.memory_space<vmem_shared>> -> memref<10000xf32, #tpu.memory_space<vmem_shared>>
      tpu.enqueue_indirect_dma source(%dma_start3A_138 : memref<125xf32, #tpu.memory_space<vmem>>) target(%dma_start3A_143 : memref<10000xf32, #tpu.memory_space<vmem_shared>>) offsets(%dma_start3A_141 : memref<125xi32, #tpu.memory_space<vmem>>) semaphore(%arg19 : memref<!tpu.dma_semaphore, #tpu.memory_space<semaphore_mem>>) {add = true}
      %dma_start3A_144 = arith.constant 6 : i32
      %dma_start3A_145 = arith.constant 6 : i32
      %dma_start3A_146 = arith.constant 0 : i32
      %dma_start3A_147 = tpu.memref_slice %arg18[%dma_start3A_144, %dma_start3A_146] : memref<8x125xf32, #tpu.memory_space<vmem>> -> memref<1x125xf32, #tpu.memory_space<vmem>>
      %dma_start3A_148 = tpu.memref_squeeze %dma_start3A_147 : memref<1x125xf32, #tpu.memory_space<vmem>> -> memref<125xf32, #tpu.memory_space<vmem>>
      %dma_start3A_149 = arith.constant 0 : i32
      %dma_start3A_150 = tpu.memref_slice %arg17[%dma_start3A_145, %dma_start3A_149] : memref<8x125xi32, #tpu.memory_space<vmem>> -> memref<1x125xi32, #tpu.memory_space<vmem>>
      %dma_start3A_151 = tpu.memref_squeeze %dma_start3A_150 : memref<1x125xi32, #tpu.memory_space<vmem>> -> memref<125xi32, #tpu.memory_space<vmem>>
      %dma_start3A_152 = arith.constant 0 : i32
      %dma_start3A_153 = tpu.memref_slice %arg23[%dma_start3A_152] : memref<10000xf32, #tpu.memory_space<vmem_shared>> -> memref<10000xf32, #tpu.memory_space<vmem_shared>>
      tpu.enqueue_indirect_dma source(%dma_start3A_148 : memref<125xf32, #tpu.memory_space<vmem>>) target(%dma_start3A_153 : memref<10000xf32, #tpu.memory_space<vmem_shared>>) offsets(%dma_start3A_151 : memref<125xi32, #tpu.memory_space<vmem>>) semaphore(%arg19 : memref<!tpu.dma_semaphore, #tpu.memory_space<semaphore_mem>>) {add = true}
      %dma_start3A_154 = arith.constant 7 : i32
      %dma_start3A_155 = arith.constant 7 : i32
      %dma_start3A_156 = arith.constant 0 : i32
      %dma_start3A_157 = tpu.memref_slice %arg18[%dma_start3A_154, %dma_start3A_156] : memref<8x125xf32, #tpu.memory_space<vmem>> -> memref<1x125xf32, #tpu.memory_space<vmem>>
      %dma_start3A_158 = tpu.memref_squeeze %dma_start3A_157 : memref<1x125xf32, #tpu.memory_space<vmem>> -> memref<125xf32, #tpu.memory_space<vmem>>
      %dma_start3A_159 = arith.constant 0 : i32
      %dma_start3A_160 = tpu.memref_slice %arg17[%dma_start3A_155, %dma_start3A_159] : memref<8x125xi32, #tpu.memory_space<vmem>> -> memref<1x125xi32, #tpu.memory_space<vmem>>
      %dma_start3A_161 = tpu.memref_squeeze %dma_start3A_160 : memref<1x125xi32, #tpu.memory_space<vmem>> -> memref<125xi32, #tpu.memory_space<vmem>>
      %dma_start3A_162 = arith.constant 0 : i32
      %dma_start3A_163 = tpu.memref_slice %arg23[%dma_start3A_162] : memref<10000xf32, #tpu.memory_space<vmem_shared>> -> memref<10000xf32, #tpu.memory_space<vmem_shared>>
      tpu.enqueue_indirect_dma source(%dma_start3A_158 : memref<125xf32, #tpu.memory_space<vmem>>) target(%dma_start3A_163 : memref<10000xf32, #tpu.memory_space<vmem_shared>>) offsets(%dma_start3A_161 : memref<125xi32, #tpu.memory_space<vmem>>) semaphore(%arg19 : memref<!tpu.dma_semaphore, #tpu.memory_space<semaphore_mem>>) {add = true}
      %dma_wait3A = arith.constant 0 : i32
      %dma_wait3A_164 = arith.constant 0 : i32
      %dma_wait3A_165 = arith.constant 0 : i32
      %dma_wait3A_166 = tpu.memref_slice %arg18[%dma_wait3A, %dma_wait3A_165] : memref<8x125xf32, #tpu.memory_space<vmem>> -> memref<1x125xf32, #tpu.memory_space<vmem>>
      %dma_wait3A_167 = tpu.memref_squeeze %dma_wait3A_166 : memref<1x125xf32, #tpu.memory_space<vmem>> -> memref<125xf32, #tpu.memory_space<vmem>>
      %dma_wait3A_168 = arith.constant 0 : i32
      %dma_wait3A_169 = tpu.memref_slice %arg17[%dma_wait3A_164, %dma_wait3A_168] : memref<8x125xi32, #tpu.memory_space<vmem>> -> memref<1x125xi32, #tpu.memory_space<vmem>>
      %dma_wait3A_170 = tpu.memref_squeeze %dma_wait3A_169 : memref<1x125xi32, #tpu.memory_space<vmem>> -> memref<125xi32, #tpu.memory_space<vmem>>
      %dma_wait3A_171 = arith.constant 0 : i32
      %dma_wait3A_172 = tpu.memref_slice %arg23[%dma_wait3A_171] : memref<10000xf32, #tpu.memory_space<vmem_shared>> -> memref<10000xf32, #tpu.memory_space<vmem_shared>>
      tpu.wait_indirect_dma semaphore(%arg19 : memref<!tpu.dma_semaphore, #tpu.memory_space<semaphore_mem>>) src(%dma_wait3A_167 : memref<125xf32, #tpu.memory_space<vmem>>) dst(%dma_wait3A_172 : memref<10000xf32, #tpu.memory_space<vmem_shared>>)
      %dma_wait3A_173 = arith.constant 1 : i32
      %dma_wait3A_174 = arith.constant 1 : i32
      %dma_wait3A_175 = arith.constant 0 : i32
      %dma_wait3A_176 = tpu.memref_slice %arg18[%dma_wait3A_173, %dma_wait3A_175] : memref<8x125xf32, #tpu.memory_space<vmem>> -> memref<1x125xf32, #tpu.memory_space<vmem>>
      %dma_wait3A_177 = tpu.memref_squeeze %dma_wait3A_176 : memref<1x125xf32, #tpu.memory_space<vmem>> -> memref<125xf32, #tpu.memory_space<vmem>>
      %dma_wait3A_178 = arith.constant 0 : i32
      %dma_wait3A_179 = tpu.memref_slice %arg17[%dma_wait3A_174, %dma_wait3A_178] : memref<8x125xi32, #tpu.memory_space<vmem>> -> memref<1x125xi32, #tpu.memory_space<vmem>>
      %dma_wait3A_180 = tpu.memref_squeeze %dma_wait3A_179 : memref<1x125xi32, #tpu.memory_space<vmem>> -> memref<125xi32, #tpu.memory_space<vmem>>
      %dma_wait3A_181 = arith.constant 0 : i32
      %dma_wait3A_182 = tpu.memref_slice %arg23[%dma_wait3A_181] : memref<10000xf32, #tpu.memory_space<vmem_shared>> -> memref<10000xf32, #tpu.memory_space<vmem_shared>>
      tpu.wait_indirect_dma semaphore(%arg19 : memref<!tpu.dma_semaphore, #tpu.memory_space<semaphore_mem>>) src(%dma_wait3A_177 : memref<125xf32, #tpu.memory_space<vmem>>) dst(%dma_wait3A_182 : memref<10000xf32, #tpu.memory_space<vmem_shared>>)
      %dma_wait3A_183 = arith.constant 2 : i32
      %dma_wait3A_184 = arith.constant 2 : i32
      %dma_wait3A_185 = arith.constant 0 : i32
      %dma_wait3A_186 = tpu.memref_slice %arg18[%dma_wait3A_183, %dma_wait3A_185] : memref<8x125xf32, #tpu.memory_space<vmem>> -> memref<1x125xf32, #tpu.memory_space<vmem>>
      %dma_wait3A_187 = tpu.memref_squeeze %dma_wait3A_186 : memref<1x125xf32, #tpu.memory_space<vmem>> -> memref<125xf32, #tpu.memory_space<vmem>>
      %dma_wait3A_188 = arith.constant 0 : i32
      %dma_wait3A_189 = tpu.memref_slice %arg17[%dma_wait3A_184, %dma_wait3A_188] : memref<8x125xi32, #tpu.memory_space<vmem>> -> memref<1x125xi32, #tpu.memory_space<vmem>>
      %dma_wait3A_190 = tpu.memref_squeeze %dma_wait3A_189 : memref<1x125xi32, #tpu.memory_space<vmem>> -> memref<125xi32, #tpu.memory_space<vmem>>
      %dma_wait3A_191 = arith.constant 0 : i32
      %dma_wait3A_192 = tpu.memref_slice %arg23[%dma_wait3A_191] : memref<10000xf32, #tpu.memory_space<vmem_shared>> -> memref<10000xf32, #tpu.memory_space<vmem_shared>>
      tpu.wait_indirect_dma semaphore(%arg19 : memref<!tpu.dma_semaphore, #tpu.memory_space<semaphore_mem>>) src(%dma_wait3A_187 : memref<125xf32, #tpu.memory_space<vmem>>) dst(%dma_wait3A_192 : memref<10000xf32, #tpu.memory_space<vmem_shared>>)
      %dma_wait3A_193 = arith.constant 3 : i32
      %dma_wait3A_194 = arith.constant 3 : i32
      %dma_wait3A_195 = arith.constant 0 : i32
      %dma_wait3A_196 = tpu.memref_slice %arg18[%dma_wait3A_193, %dma_wait3A_195] : memref<8x125xf32, #tpu.memory_space<vmem>> -> memref<1x125xf32, #tpu.memory_space<vmem>>
      %dma_wait3A_197 = tpu.memref_squeeze %dma_wait3A_196 : memref<1x125xf32, #tpu.memory_space<vmem>> -> memref<125xf32, #tpu.memory_space<vmem>>
      %dma_wait3A_198 = arith.constant 0 : i32
      %dma_wait3A_199 = tpu.memref_slice %arg17[%dma_wait3A_194, %dma_wait3A_198] : memref<8x125xi32, #tpu.memory_space<vmem>> -> memref<1x125xi32, #tpu.memory_space<vmem>>
      %dma_wait3A_200 = tpu.memref_squeeze %dma_wait3A_199 : memref<1x125xi32, #tpu.memory_space<vmem>> -> memref<125xi32, #tpu.memory_space<vmem>>
      %dma_wait3A_201 = arith.constant 0 : i32
      %dma_wait3A_202 = tpu.memref_slice %arg23[%dma_wait3A_201] : memref<10000xf32, #tpu.memory_space<vmem_shared>> -> memref<10000xf32, #tpu.memory_space<vmem_shared>>
      tpu.wait_indirect_dma semaphore(%arg19 : memref<!tpu.dma_semaphore, #tpu.memory_space<semaphore_mem>>) src(%dma_wait3A_197 : memref<125xf32, #tpu.memory_space<vmem>>) dst(%dma_wait3A_202 : memref<10000xf32, #tpu.memory_space<vmem_shared>>)
      %dma_wait3A_203 = arith.constant 4 : i32
      %dma_wait3A_204 = arith.constant 4 : i32
      %dma_wait3A_205 = arith.constant 0 : i32
      %dma_wait3A_206 = tpu.memref_slice %arg18[%dma_wait3A_203, %dma_wait3A_205] : memref<8x125xf32, #tpu.memory_space<vmem>> -> memref<1x125xf32, #tpu.memory_space<vmem>>
      %dma_wait3A_207 = tpu.memref_squeeze %dma_wait3A_206 : memref<1x125xf32, #tpu.memory_space<vmem>> -> memref<125xf32, #tpu.memory_space<vmem>>
      %dma_wait3A_208 = arith.constant 0 : i32
      %dma_wait3A_209 = tpu.memref_slice %arg17[%dma_wait3A_204, %dma_wait3A_208] : memref<8x125xi32, #tpu.memory_space<vmem>> -> memref<1x125xi32, #tpu.memory_space<vmem>>
      %dma_wait3A_210 = tpu.memref_squeeze %dma_wait3A_209 : memref<1x125xi32, #tpu.memory_space<vmem>> -> memref<125xi32, #tpu.memory_space<vmem>>
      %dma_wait3A_211 = arith.constant 0 : i32
      %dma_wait3A_212 = tpu.memref_slice %arg23[%dma_wait3A_211] : memref<10000xf32, #tpu.memory_space<vmem_shared>> -> memref<10000xf32, #tpu.memory_space<vmem_shared>>
      tpu.wait_indirect_dma semaphore(%arg19 : memref<!tpu.dma_semaphore, #tpu.memory_space<semaphore_mem>>) src(%dma_wait3A_207 : memref<125xf32, #tpu.memory_space<vmem>>) dst(%dma_wait3A_212 : memref<10000xf32, #tpu.memory_space<vmem_shared>>)
      %dma_wait3A_213 = arith.constant 5 : i32
      %dma_wait3A_214 = arith.constant 5 : i32
      %dma_wait3A_215 = arith.constant 0 : i32
      %dma_wait3A_216 = tpu.memref_slice %arg18[%dma_wait3A_213, %dma_wait3A_215] : memref<8x125xf32, #tpu.memory_space<vmem>> -> memref<1x125xf32, #tpu.memory_space<vmem>>
      %dma_wait3A_217 = tpu.memref_squeeze %dma_wait3A_216 : memref<1x125xf32, #tpu.memory_space<vmem>> -> memref<125xf32, #tpu.memory_space<vmem>>
      %dma_wait3A_218 = arith.constant 0 : i32
      %dma_wait3A_219 = tpu.memref_slice %arg17[%dma_wait3A_214, %dma_wait3A_218] : memref<8x125xi32, #tpu.memory_space<vmem>> -> memref<1x125xi32, #tpu.memory_space<vmem>>
      %dma_wait3A_220 = tpu.memref_squeeze %dma_wait3A_219 : memref<1x125xi32, #tpu.memory_space<vmem>> -> memref<125xi32, #tpu.memory_space<vmem>>
      %dma_wait3A_221 = arith.constant 0 : i32
      %dma_wait3A_222 = tpu.memref_slice %arg23[%dma_wait3A_221] : memref<10000xf32, #tpu.memory_space<vmem_shared>> -> memref<10000xf32, #tpu.memory_space<vmem_shared>>
      tpu.wait_indirect_dma semaphore(%arg19 : memref<!tpu.dma_semaphore, #tpu.memory_space<semaphore_mem>>) src(%dma_wait3A_217 : memref<125xf32, #tpu.memory_space<vmem>>) dst(%dma_wait3A_222 : memref<10000xf32, #tpu.memory_space<vmem_shared>>)
      %dma_wait3A_223 = arith.constant 6 : i32
      %dma_wait3A_224 = arith.constant 6 : i32
      %dma_wait3A_225 = arith.constant 0 : i32
      %dma_wait3A_226 = tpu.memref_slice %arg18[%dma_wait3A_223, %dma_wait3A_225] : memref<8x125xf32, #tpu.memory_space<vmem>> -> memref<1x125xf32, #tpu.memory_space<vmem>>
      %dma_wait3A_227 = tpu.memref_squeeze %dma_wait3A_226 : memref<1x125xf32, #tpu.memory_space<vmem>> -> memref<125xf32, #tpu.memory_space<vmem>>
      %dma_wait3A_228 = arith.constant 0 : i32
      %dma_wait3A_229 = tpu.memref_slice %arg17[%dma_wait3A_224, %dma_wait3A_228] : memref<8x125xi32, #tpu.memory_space<vmem>> -> memref<1x125xi32, #tpu.memory_space<vmem>>
      %dma_wait3A_230 = tpu.memref_squeeze %dma_wait3A_229 : memref<1x125xi32, #tpu.memory_space<vmem>> -> memref<125xi32, #tpu.memory_space<vmem>>
      %dma_wait3A_231 = arith.constant 0 : i32
      %dma_wait3A_232 = tpu.memref_slice %arg23[%dma_wait3A_231] : memref<10000xf32, #tpu.memory_space<vmem_shared>> -> memref<10000xf32, #tpu.memory_space<vmem_shared>>
      tpu.wait_indirect_dma semaphore(%arg19 : memref<!tpu.dma_semaphore, #tpu.memory_space<semaphore_mem>>) src(%dma_wait3A_227 : memref<125xf32, #tpu.memory_space<vmem>>) dst(%dma_wait3A_232 : memref<10000xf32, #tpu.memory_space<vmem_shared>>)
      %dma_wait3A_233 = arith.constant 7 : i32
      %dma_wait3A_234 = arith.constant 7 : i32
      %dma_wait3A_235 = arith.constant 0 : i32
      %dma_wait3A_236 = tpu.memref_slice %arg18[%dma_wait3A_233, %dma_wait3A_235] : memref<8x125xf32, #tpu.memory_space<vmem>> -> memref<1x125xf32, #tpu.memory_space<vmem>>
      %dma_wait3A_237 = tpu.memref_squeeze %dma_wait3A_236 : memref<1x125xf32, #tpu.memory_space<vmem>> -> memref<125xf32, #tpu.memory_space<vmem>>
      %dma_wait3A_238 = arith.constant 0 : i32
      %dma_wait3A_239 = tpu.memref_slice %arg17[%dma_wait3A_234, %dma_wait3A_238] : memref<8x125xi32, #tpu.memory_space<vmem>> -> memref<1x125xi32, #tpu.memory_space<vmem>>
      %dma_wait3A_240 = tpu.memref_squeeze %dma_wait3A_239 : memref<1x125xi32, #tpu.memory_space<vmem>> -> memref<125xi32, #tpu.memory_space<vmem>>
      %dma_wait3A_241 = arith.constant 0 : i32
      %dma_wait3A_242 = tpu.memref_slice %arg23[%dma_wait3A_241] : memref<10000xf32, #tpu.memory_space<vmem_shared>> -> memref<10000xf32, #tpu.memory_space<vmem_shared>>
      tpu.wait_indirect_dma semaphore(%arg19 : memref<!tpu.dma_semaphore, #tpu.memory_space<semaphore_mem>>) src(%dma_wait3A_237 : memref<125xf32, #tpu.memory_space<vmem>>) dst(%dma_wait3A_242 : memref<10000xf32, #tpu.memory_space<vmem_shared>>)
      %scan3A_243 = arith.constant 0 : i32
      scf.yield %scan3A_243 : i32
    }
    %scan3A_20 = arith.constant 20 : i32
    %barrier3A_21 = arith.constant 0 : index
    tpu.barrier barrier_id(%barrier3A_21)
    "tpu.region"() ({
      %run_scoped3A = tpu.sem_alloc : memref<!tpu.dma_semaphore, #tpu.memory_space<semaphore_mem>>
      tpu.enqueue_dma source(%arg23 : memref<10000xf32, #tpu.memory_space<vmem_shared>>) target(%arg14 : memref<10000xf32, #tpu.memory_space<vmem>>) target_semaphore(%run_scoped3A : memref<!tpu.dma_semaphore, #tpu.memory_space<semaphore_mem>>)
      tpu.wait_dma2 semaphore(%run_scoped3A : memref<!tpu.dma_semaphore, #tpu.memory_space<semaphore_mem>>) src(%arg23 : memref<10000xf32, #tpu.memory_space<vmem_shared>>) dst(%arg14 : memref<10000xf32, #tpu.memory_space<vmem>>)
      tpu.yield
    }) : () -> ()
    %parallel_loop3A = arith.constant 0 : i32
    %parallel_loop3A_22 = arith.constant 625 : i32
    %parallel_loop3A_23 = arith.constant 1 : i32
    scf.for %parallel_loop3A_78 = %parallel_loop3A to %parallel_loop3A_22 step %parallel_loop3A_23  : i32 {
      %parallel_loop3A_79 = arith.constant 16 : i32
      %parallel_loop3A_80 = arith.muli %parallel_loop3A_78, %parallel_loop3A_79 : i32
      %parallel_loop3A_81 = arith.index_cast %parallel_loop3A_80 : i32 to index
      %parallel_loop3A_82 = tpu.vector_load %arg14[%parallel_loop3A_81] {strides = array<i32>} : memref<10000xf32, #tpu.memory_space<vmem>>, vector<16xf32>,
      %parallel_loop3A_83 = arith.constant 0.000000e+00 : f32
      %parallel_loop3A_84 = vector.broadcast %parallel_loop3A_83 : f32 to vector<16xf32>
      %parallel_loop3A_85 = arith.cmpf ogt, %parallel_loop3A_82, %parallel_loop3A_84 : vector<16xf32>
      %parallel_loop3A_86 = arith.constant 1.000000e+00 : f32
      %parallel_loop3A_87 = vector.broadcast %parallel_loop3A_86 : f32 to vector<16xf32>
      %parallel_loop3A_88 = arith.select %parallel_loop3A_85, %parallel_loop3A_82, %parallel_loop3A_87 : vector<16xi1>, vector<16xf32>
      %parallel_loop3A_89 = tpu.bitcast %parallel_loop3A_88 : vector<16xf32> -> vector<16xi32>
      %parallel_loop3A_90 = arith.constant 1 : i32
      %parallel_loop3A_91 = vector.broadcast %parallel_loop3A_90 : i32 to vector<16xi32>
      %parallel_loop3A_92 = arith.shrsi %parallel_loop3A_89, %parallel_loop3A_91 : vector<16xi32>
      %parallel_loop3A_93 = arith.constant 1597463007 : i32
      %parallel_loop3A_94 = vector.broadcast %parallel_loop3A_93 : i32 to vector<16xi32>
      %parallel_loop3A_95 = arith.subi %parallel_loop3A_94, %parallel_loop3A_92 : vector<16xi32>
      %parallel_loop3A_96 = tpu.bitcast %parallel_loop3A_95 : vector<16xi32> -> vector<16xf32>
      %parallel_loop3A_97 = arith.constant 5.000000e-01 : f32
      %parallel_loop3A_98 = vector.broadcast %parallel_loop3A_97 : f32 to vector<16xf32>
      %parallel_loop3A_99 = arith.mulf %parallel_loop3A_98, %parallel_loop3A_88 : vector<16xf32>
      %parallel_loop3A_100 = arith.mulf %parallel_loop3A_99, %parallel_loop3A_96 : vector<16xf32>
      %parallel_loop3A_101 = arith.mulf %parallel_loop3A_100, %parallel_loop3A_96 : vector<16xf32>
      %parallel_loop3A_102 = arith.constant 1.500000e+00 : f32
      %parallel_loop3A_103 = vector.broadcast %parallel_loop3A_102 : f32 to vector<16xf32>
      %parallel_loop3A_104 = arith.subf %parallel_loop3A_103, %parallel_loop3A_101 : vector<16xf32>
      %parallel_loop3A_105 = arith.mulf %parallel_loop3A_96, %parallel_loop3A_104 : vector<16xf32>
      %parallel_loop3A_106 = arith.constant 5.000000e-01 : f32
      %parallel_loop3A_107 = vector.broadcast %parallel_loop3A_106 : f32 to vector<16xf32>
      %parallel_loop3A_108 = arith.mulf %parallel_loop3A_107, %parallel_loop3A_88 : vector<16xf32>
      %parallel_loop3A_109 = arith.mulf %parallel_loop3A_108, %parallel_loop3A_105 : vector<16xf32>
      %parallel_loop3A_110 = arith.mulf %parallel_loop3A_109, %parallel_loop3A_105 : vector<16xf32>
      %parallel_loop3A_111 = arith.constant 1.500000e+00 : f32
      %parallel_loop3A_112 = vector.broadcast %parallel_loop3A_111 : f32 to vector<16xf32>
      %parallel_loop3A_113 = arith.subf %parallel_loop3A_112, %parallel_loop3A_110 : vector<16xf32>
      %parallel_loop3A_114 = arith.mulf %parallel_loop3A_105, %parallel_loop3A_113 : vector<16xf32>
      %parallel_loop3A_115 = arith.constant 5.000000e-01 : f32
      %parallel_loop3A_116 = vector.broadcast %parallel_loop3A_115 : f32 to vector<16xf32>
      %parallel_loop3A_117 = arith.mulf %parallel_loop3A_116, %parallel_loop3A_88 : vector<16xf32>
      %parallel_loop3A_118 = arith.mulf %parallel_loop3A_117, %parallel_loop3A_114 : vector<16xf32>
      %parallel_loop3A_119 = arith.mulf %parallel_loop3A_118, %parallel_loop3A_114 : vector<16xf32>
      %parallel_loop3A_120 = arith.constant 1.500000e+00 : f32
      %parallel_loop3A_121 = vector.broadcast %parallel_loop3A_120 : f32 to vector<16xf32>
      %parallel_loop3A_122 = arith.subf %parallel_loop3A_121, %parallel_loop3A_119 : vector<16xf32>
      %parallel_loop3A_123 = arith.mulf %parallel_loop3A_114, %parallel_loop3A_122 : vector<16xf32>
      %parallel_loop3A_124 = arith.constant 0.000000e+00 : f32
      %parallel_loop3A_125 = vector.broadcast %parallel_loop3A_124 : f32 to vector<16xf32>
      %parallel_loop3A_126 = arith.select %parallel_loop3A_85, %parallel_loop3A_123, %parallel_loop3A_125 : vector<16xi1>, vector<16xf32>
      %parallel_loop3A_127 = arith.constant 16 : i32
      %parallel_loop3A_128 = arith.muli %parallel_loop3A_78, %parallel_loop3A_127 : i32
      %parallel_loop3A_129 = arith.index_cast %parallel_loop3A_128 : i32 to index
      %parallel_loop3A_130 = tpu.vector_load %arg14[%parallel_loop3A_129] {strides = array<i32>} : memref<10000xf32, #tpu.memory_space<vmem>>, vector<16xf32>,
      tpu.vector_store %arg14[%parallel_loop3A_129], %parallel_loop3A_126 {strides = array<i32>} : memref<10000xf32, #tpu.memory_space<vmem>>, vector<16xf32>,
    } {sc.loop_unroll_factor = 4 : i64, sc.parallel_access}
    %broadcast_in_dim3A_24 = arith.constant 0.000000e+00 : f32
    %broadcast_in_dim3A_25 = vector.broadcast %broadcast_in_dim3A_24 : f32 to vector<16xf32>
    %scan3A_26 = arith.constant 0 : i32
    %scan3A_27 = arith.constant 0 : i32
    %scan3A_28 = arith.constant 80 : i32
    %scan3A_29 = arith.addi %scan3A_27, %scan3A_28 : i32
    %scan3A_30 = arith.constant 1 : i32
    %scan3A_31 = scf.for %scan3A_78 = %scan3A_27 to %scan3A_29 step %scan3A_30 iter_args(%scan3A_79 = %scan3A_26) -> (i32)  : i32 {
      %swap3A = arith.index_cast %scan3A_78 : i32 to index
      %swap3A_80 = arith.constant 0 : index
      %swap3A_81 = tpu.vector_load %arg15[%swap3A, %swap3A_80] {strides = array<i32>} : memref<80x128xf32, #tpu.memory_space<vmem>>, vector<16xf32>,
      tpu.vector_store %arg15[%swap3A, %swap3A_80], %broadcast_in_dim3A_25 {strides = array<i32>} : memref<80x128xf32, #tpu.memory_space<vmem>>, vector<16xf32>,
      %swap3A_82 = arith.index_cast %scan3A_78 : i32 to index
      %swap3A_83 = arith.constant 16 : index
      %swap3A_84 = tpu.vector_load %arg15[%swap3A_82, %swap3A_83] {strides = array<i32>} : memref<80x128xf32, #tpu.memory_space<vmem>>, vector<16xf32>,
      tpu.vector_store %arg15[%swap3A_82, %swap3A_83], %broadcast_in_dim3A_25 {strides = array<i32>} : memref<80x128xf32, #tpu.memory_space<vmem>>, vector<16xf32>,
      %swap3A_85 = arith.index_cast %scan3A_78 : i32 to index
      %swap3A_86 = arith.constant 32 : index
      %swap3A_87 = tpu.vector_load %arg15[%swap3A_85, %swap3A_86] {strides = array<i32>} : memref<80x128xf32, #tpu.memory_space<vmem>>, vector<16xf32>,
      tpu.vector_store %arg15[%swap3A_85, %swap3A_86], %broadcast_in_dim3A_25 {strides = array<i32>} : memref<80x128xf32, #tpu.memory_space<vmem>>, vector<16xf32>,
      %swap3A_88 = arith.index_cast %scan3A_78 : i32 to index
      %swap3A_89 = arith.constant 48 : index
      %swap3A_90 = tpu.vector_load %arg15[%swap3A_88, %swap3A_89] {strides = array<i32>} : memref<80x128xf32, #tpu.memory_space<vmem>>, vector<16xf32>,
      tpu.vector_store %arg15[%swap3A_88, %swap3A_89], %broadcast_in_dim3A_25 {strides = array<i32>} : memref<80x128xf32, #tpu.memory_space<vmem>>, vector<16xf32>,
      %swap3A_91 = arith.index_cast %scan3A_78 : i32 to index
      %swap3A_92 = arith.constant 64 : index
      %swap3A_93 = tpu.vector_load %arg15[%swap3A_91, %swap3A_92] {strides = array<i32>} : memref<80x128xf32, #tpu.memory_space<vmem>>, vector<16xf32>,
      tpu.vector_store %arg15[%swap3A_91, %swap3A_92], %broadcast_in_dim3A_25 {strides = array<i32>} : memref<80x128xf32, #tpu.memory_space<vmem>>, vector<16xf32>,
      %swap3A_94 = arith.index_cast %scan3A_78 : i32 to index
      %swap3A_95 = arith.constant 80 : index
      %swap3A_96 = tpu.vector_load %arg15[%swap3A_94, %swap3A_95] {strides = array<i32>} : memref<80x128xf32, #tpu.memory_space<vmem>>, vector<16xf32>,
      tpu.vector_store %arg15[%swap3A_94, %swap3A_95], %broadcast_in_dim3A_25 {strides = array<i32>} : memref<80x128xf32, #tpu.memory_space<vmem>>, vector<16xf32>,
      %swap3A_97 = arith.index_cast %scan3A_78 : i32 to index
      %swap3A_98 = arith.constant 96 : index
      %swap3A_99 = tpu.vector_load %arg15[%swap3A_97, %swap3A_98] {strides = array<i32>} : memref<80x128xf32, #tpu.memory_space<vmem>>, vector<16xf32>,
      tpu.vector_store %arg15[%swap3A_97, %swap3A_98], %broadcast_in_dim3A_25 {strides = array<i32>} : memref<80x128xf32, #tpu.memory_space<vmem>>, vector<16xf32>,
      %swap3A_100 = arith.index_cast %scan3A_78 : i32 to index
      %swap3A_101 = arith.constant 112 : index
      %swap3A_102 = tpu.vector_load %arg15[%swap3A_100, %swap3A_101] {strides = array<i32>} : memref<80x128xf32, #tpu.memory_space<vmem>>, vector<16xf32>,
      tpu.vector_store %arg15[%swap3A_100, %swap3A_101], %broadcast_in_dim3A_25 {strides = array<i32>} : memref<80x128xf32, #tpu.memory_space<vmem>>, vector<16xf32>,
      %scan3A_103 = arith.constant 0 : i32
      scf.yield %scan3A_103 : i32
    }
    %scan3A_32 = arith.constant 80 : i32
    %mul3A_33 = arith.constant 625 : i32
    %mul3A_34 = arith.muli %arg1, %mul3A_33 : i32
    %add3A_35 = arith.constant 0 : i32
    %add3A_36 = arith.addi %mul3A_34, %add3A_35 : i32
    "tpu.region"() ({
      %run_scoped3A = tpu.sem_alloc : memref<!tpu.dma_semaphore, #tpu.memory_space<semaphore_mem>>
      %dma_start3A = arith.constant 0 : i32
      %dma_start3A_78 = tpu.memref_slice %arg24[%add3A_36, %dma_start3A] : memref<10000x128xf32, #tpu.memory_space<vmem_shared>> -> memref<80x128xf32, #tpu.memory_space<vmem_shared>>
      %dma_start3A_79 = arith.constant 0 : i32
      %dma_start3A_80 = tpu.memref_slice %arg24[%add3A_36, %dma_start3A_79] : memref<10000x128xf32, #tpu.memory_space<vmem_shared>> -> memref<80x128xf32, #tpu.memory_space<vmem_shared>>
      tpu.enqueue_dma source(%arg15 : memref<80x128xf32, #tpu.memory_space<vmem>>) target(%dma_start3A_80 : memref<80x128xf32, #tpu.memory_space<vmem_shared>>) target_semaphore(%run_scoped3A : memref<!tpu.dma_semaphore, #tpu.memory_space<semaphore_mem>>)
      %dma_wait3A = arith.constant 0 : i32
      %dma_wait3A_81 = tpu.memref_slice %arg24[%add3A_36, %dma_wait3A] : memref<10000x128xf32, #tpu.memory_space<vmem_shared>> -> memref<80x128xf32, #tpu.memory_space<vmem_shared>>
      %dma_wait3A_82 = arith.constant 0 : i32
      %dma_wait3A_83 = tpu.memref_slice %arg24[%add3A_36, %dma_wait3A_82] : memref<10000x128xf32, #tpu.memory_space<vmem_shared>> -> memref<80x128xf32, #tpu.memory_space<vmem_shared>>
      tpu.wait_dma2 semaphore(%run_scoped3A : memref<!tpu.dma_semaphore, #tpu.memory_space<semaphore_mem>>) src(%arg15 : memref<80x128xf32, #tpu.memory_space<vmem>>) dst(%dma_wait3A_83 : memref<80x128xf32, #tpu.memory_space<vmem_shared>>)
      tpu.yield
    }) : () -> ()
    %add3A_37 = arith.constant 80 : i32
    %add3A_38 = arith.addi %mul3A_34, %add3A_37 : i32
    "tpu.region"() ({
      %run_scoped3A = tpu.sem_alloc : memref<!tpu.dma_semaphore, #tpu.memory_space<semaphore_mem>>
      %dma_start3A = arith.constant 0 : i32
      %dma_start3A_78 = tpu.memref_slice %arg24[%add3A_38, %dma_start3A] : memref<10000x128xf32, #tpu.memory_space<vmem_shared>> -> memref<80x128xf32, #tpu.memory_space<vmem_shared>>
      %dma_start3A_79 = arith.constant 0 : i32
      %dma_start3A_80 = tpu.memref_slice %arg24[%add3A_38, %dma_start3A_79] : memref<10000x128xf32, #tpu.memory_space<vmem_shared>> -> memref<80x128xf32, #tpu.memory_space<vmem_shared>>
      tpu.enqueue_dma source(%arg15 : memref<80x128xf32, #tpu.memory_space<vmem>>) target(%dma_start3A_80 : memref<80x128xf32, #tpu.memory_space<vmem_shared>>) target_semaphore(%run_scoped3A : memref<!tpu.dma_semaphore, #tpu.memory_space<semaphore_mem>>)
      %dma_wait3A = arith.constant 0 : i32
      %dma_wait3A_81 = tpu.memref_slice %arg24[%add3A_38, %dma_wait3A] : memref<10000x128xf32, #tpu.memory_space<vmem_shared>> -> memref<80x128xf32, #tpu.memory_space<vmem_shared>>
      %dma_wait3A_82 = arith.constant 0 : i32
      %dma_wait3A_83 = tpu.memref_slice %arg24[%add3A_38, %dma_wait3A_82] : memref<10000x128xf32, #tpu.memory_space<vmem_shared>> -> memref<80x128xf32, #tpu.memory_space<vmem_shared>>
      tpu.wait_dma2 semaphore(%run_scoped3A : memref<!tpu.dma_semaphore, #tpu.memory_space<semaphore_mem>>) src(%arg15 : memref<80x128xf32, #tpu.memory_space<vmem>>) dst(%dma_wait3A_83 : memref<80x128xf32, #tpu.memory_space<vmem_shared>>)
      tpu.yield
    }) : () -> ()
    %add3A_39 = arith.constant 160 : i32
    %add3A_40 = arith.addi %mul3A_34, %add3A_39 : i32
    "tpu.region"() ({
      %run_scoped3A = tpu.sem_alloc : memref<!tpu.dma_semaphore, #tpu.memory_space<semaphore_mem>>
      %dma_start3A = arith.constant 0 : i32
      %dma_start3A_78 = tpu.memref_slice %arg24[%add3A_40, %dma_start3A] : memref<10000x128xf32, #tpu.memory_space<vmem_shared>> -> memref<80x128xf32, #tpu.memory_space<vmem_shared>>
      %dma_start3A_79 = arith.constant 0 : i32
      %dma_start3A_80 = tpu.memref_slice %arg24[%add3A_40, %dma_start3A_79] : memref<10000x128xf32, #tpu.memory_space<vmem_shared>> -> memref<80x128xf32, #tpu.memory_space<vmem_shared>>
      tpu.enqueue_dma source(%arg15 : memref<80x128xf32, #tpu.memory_space<vmem>>) target(%dma_start3A_80 : memref<80x128xf32, #tpu.memory_space<vmem_shared>>) target_semaphore(%run_scoped3A : memref<!tpu.dma_semaphore, #tpu.memory_space<semaphore_mem>>)
      %dma_wait3A = arith.constant 0 : i32
      %dma_wait3A_81 = tpu.memref_slice %arg24[%add3A_40, %dma_wait3A] : memref<10000x128xf32, #tpu.memory_space<vmem_shared>> -> memref<80x128xf32, #tpu.memory_space<vmem_shared>>
      %dma_wait3A_82 = arith.constant 0 : i32
      %dma_wait3A_83 = tpu.memref_slice %arg24[%add3A_40, %dma_wait3A_82] : memref<10000x128xf32, #tpu.memory_space<vmem_shared>> -> memref<80x128xf32, #tpu.memory_space<vmem_shared>>
      tpu.wait_dma2 semaphore(%run_scoped3A : memref<!tpu.dma_semaphore, #tpu.memory_space<semaphore_mem>>) src(%arg15 : memref<80x128xf32, #tpu.memory_space<vmem>>) dst(%dma_wait3A_83 : memref<80x128xf32, #tpu.memory_space<vmem_shared>>)
      tpu.yield
    }) : () -> ()
    %add3A_41 = arith.constant 240 : i32
    %add3A_42 = arith.addi %mul3A_34, %add3A_41 : i32
    "tpu.region"() ({
      %run_scoped3A = tpu.sem_alloc : memref<!tpu.dma_semaphore, #tpu.memory_space<semaphore_mem>>
      %dma_start3A = arith.constant 0 : i32
      %dma_start3A_78 = tpu.memref_slice %arg24[%add3A_42, %dma_start3A] : memref<10000x128xf32, #tpu.memory_space<vmem_shared>> -> memref<80x128xf32, #tpu.memory_space<vmem_shared>>
      %dma_start3A_79 = arith.constant 0 : i32
      %dma_start3A_80 = tpu.memref_slice %arg24[%add3A_42, %dma_start3A_79] : memref<10000x128xf32, #tpu.memory_space<vmem_shared>> -> memref<80x128xf32, #tpu.memory_space<vmem_shared>>
      tpu.enqueue_dma source(%arg15 : memref<80x128xf32, #tpu.memory_space<vmem>>) target(%dma_start3A_80 : memref<80x128xf32, #tpu.memory_space<vmem_shared>>) target_semaphore(%run_scoped3A : memref<!tpu.dma_semaphore, #tpu.memory_space<semaphore_mem>>)
      %dma_wait3A = arith.constant 0 : i32
      %dma_wait3A_81 = tpu.memref_slice %arg24[%add3A_42, %dma_wait3A] : memref<10000x128xf32, #tpu.memory_space<vmem_shared>> -> memref<80x128xf32, #tpu.memory_space<vmem_shared>>
      %dma_wait3A_82 = arith.constant 0 : i32
      %dma_wait3A_83 = tpu.memref_slice %arg24[%add3A_42, %dma_wait3A_82] : memref<10000x128xf32, #tpu.memory_space<vmem_shared>> -> memref<80x128xf32, #tpu.memory_space<vmem_shared>>
      tpu.wait_dma2 semaphore(%run_scoped3A : memref<!tpu.dma_semaphore, #tpu.memory_space<semaphore_mem>>) src(%arg15 : memref<80x128xf32, #tpu.memory_space<vmem>>) dst(%dma_wait3A_83 : memref<80x128xf32, #tpu.memory_space<vmem_shared>>)
      tpu.yield
    }) : () -> ()
    %add3A_43 = arith.constant 320 : i32
    %add3A_44 = arith.addi %mul3A_34, %add3A_43 : i32
    "tpu.region"() ({
      %run_scoped3A = tpu.sem_alloc : memref<!tpu.dma_semaphore, #tpu.memory_space<semaphore_mem>>
      %dma_start3A = arith.constant 0 : i32
      %dma_start3A_78 = tpu.memref_slice %arg24[%add3A_44, %dma_start3A] : memref<10000x128xf32, #tpu.memory_space<vmem_shared>> -> memref<80x128xf32, #tpu.memory_space<vmem_shared>>
      %dma_start3A_79 = arith.constant 0 : i32
      %dma_start3A_80 = tpu.memref_slice %arg24[%add3A_44, %dma_start3A_79] : memref<10000x128xf32, #tpu.memory_space<vmem_shared>> -> memref<80x128xf32, #tpu.memory_space<vmem_shared>>
      tpu.enqueue_dma source(%arg15 : memref<80x128xf32, #tpu.memory_space<vmem>>) target(%dma_start3A_80 : memref<80x128xf32, #tpu.memory_space<vmem_shared>>) target_semaphore(%run_scoped3A : memref<!tpu.dma_semaphore, #tpu.memory_space<semaphore_mem>>)
      %dma_wait3A = arith.constant 0 : i32
      %dma_wait3A_81 = tpu.memref_slice %arg24[%add3A_44, %dma_wait3A] : memref<10000x128xf32, #tpu.memory_space<vmem_shared>> -> memref<80x128xf32, #tpu.memory_space<vmem_shared>>
      %dma_wait3A_82 = arith.constant 0 : i32
      %dma_wait3A_83 = tpu.memref_slice %arg24[%add3A_44, %dma_wait3A_82] : memref<10000x128xf32, #tpu.memory_space<vmem_shared>> -> memref<80x128xf32, #tpu.memory_space<vmem_shared>>
      tpu.wait_dma2 semaphore(%run_scoped3A : memref<!tpu.dma_semaphore, #tpu.memory_space<semaphore_mem>>) src(%arg15 : memref<80x128xf32, #tpu.memory_space<vmem>>) dst(%dma_wait3A_83 : memref<80x128xf32, #tpu.memory_space<vmem_shared>>)
      tpu.yield
    }) : () -> ()
    %add3A_45 = arith.constant 400 : i32
    %add3A_46 = arith.addi %mul3A_34, %add3A_45 : i32
    "tpu.region"() ({
      %run_scoped3A = tpu.sem_alloc : memref<!tpu.dma_semaphore, #tpu.memory_space<semaphore_mem>>
      %dma_start3A = arith.constant 0 : i32
      %dma_start3A_78 = tpu.memref_slice %arg24[%add3A_46, %dma_start3A] : memref<10000x128xf32, #tpu.memory_space<vmem_shared>> -> memref<80x128xf32, #tpu.memory_space<vmem_shared>>
      %dma_start3A_79 = arith.constant 0 : i32
      %dma_start3A_80 = tpu.memref_slice %arg24[%add3A_46, %dma_start3A_79] : memref<10000x128xf32, #tpu.memory_space<vmem_shared>> -> memref<80x128xf32, #tpu.memory_space<vmem_shared>>
      tpu.enqueue_dma source(%arg15 : memref<80x128xf32, #tpu.memory_space<vmem>>) target(%dma_start3A_80 : memref<80x128xf32, #tpu.memory_space<vmem_shared>>) target_semaphore(%run_scoped3A : memref<!tpu.dma_semaphore, #tpu.memory_space<semaphore_mem>>)
      %dma_wait3A = arith.constant 0 : i32
      %dma_wait3A_81 = tpu.memref_slice %arg24[%add3A_46, %dma_wait3A] : memref<10000x128xf32, #tpu.memory_space<vmem_shared>> -> memref<80x128xf32, #tpu.memory_space<vmem_shared>>
      %dma_wait3A_82 = arith.constant 0 : i32
      %dma_wait3A_83 = tpu.memref_slice %arg24[%add3A_46, %dma_wait3A_82] : memref<10000x128xf32, #tpu.memory_space<vmem_shared>> -> memref<80x128xf32, #tpu.memory_space<vmem_shared>>
      tpu.wait_dma2 semaphore(%run_scoped3A : memref<!tpu.dma_semaphore, #tpu.memory_space<semaphore_mem>>) src(%arg15 : memref<80x128xf32, #tpu.memory_space<vmem>>) dst(%dma_wait3A_83 : memref<80x128xf32, #tpu.memory_space<vmem_shared>>)
      tpu.yield
    }) : () -> ()
    %add3A_47 = arith.constant 480 : i32
    %add3A_48 = arith.addi %mul3A_34, %add3A_47 : i32
    "tpu.region"() ({
      %run_scoped3A = tpu.sem_alloc : memref<!tpu.dma_semaphore, #tpu.memory_space<semaphore_mem>>
      %dma_start3A = arith.constant 0 : i32
      %dma_start3A_78 = tpu.memref_slice %arg24[%add3A_48, %dma_start3A] : memref<10000x128xf32, #tpu.memory_space<vmem_shared>> -> memref<80x128xf32, #tpu.memory_space<vmem_shared>>
      %dma_start3A_79 = arith.constant 0 : i32
      %dma_start3A_80 = tpu.memref_slice %arg24[%add3A_48, %dma_start3A_79] : memref<10000x128xf32, #tpu.memory_space<vmem_shared>> -> memref<80x128xf32, #tpu.memory_space<vmem_shared>>
      tpu.enqueue_dma source(%arg15 : memref<80x128xf32, #tpu.memory_space<vmem>>) target(%dma_start3A_80 : memref<80x128xf32, #tpu.memory_space<vmem_shared>>) target_semaphore(%run_scoped3A : memref<!tpu.dma_semaphore, #tpu.memory_space<semaphore_mem>>)
      %dma_wait3A = arith.constant 0 : i32
      %dma_wait3A_81 = tpu.memref_slice %arg24[%add3A_48, %dma_wait3A] : memref<10000x128xf32, #tpu.memory_space<vmem_shared>> -> memref<80x128xf32, #tpu.memory_space<vmem_shared>>
      %dma_wait3A_82 = arith.constant 0 : i32
      %dma_wait3A_83 = tpu.memref_slice %arg24[%add3A_48, %dma_wait3A_82] : memref<10000x128xf32, #tpu.memory_space<vmem_shared>> -> memref<80x128xf32, #tpu.memory_space<vmem_shared>>
      tpu.wait_dma2 semaphore(%run_scoped3A : memref<!tpu.dma_semaphore, #tpu.memory_space<semaphore_mem>>) src(%arg15 : memref<80x128xf32, #tpu.memory_space<vmem>>) dst(%dma_wait3A_83 : memref<80x128xf32, #tpu.memory_space<vmem_shared>>)
      tpu.yield
    }) : () -> ()
    %add3A_49 = arith.constant 560 : i32
    %add3A_50 = arith.addi %mul3A_34, %add3A_49 : i32
    "tpu.region"() ({
      %run_scoped3A = tpu.sem_alloc : memref<!tpu.dma_semaphore, #tpu.memory_space<semaphore_mem>>
      %dma_start3A = arith.constant 0 : i32
      %dma_start3A_78 = arith.constant 0 : i32
      %dma_start3A_79 = tpu.memref_slice %arg15[%dma_start3A, %dma_start3A_78] : memref<80x128xf32, #tpu.memory_space<vmem>> -> memref<65x128xf32, #tpu.memory_space<vmem>>
      %dma_start3A_80 = arith.constant 0 : i32
      %dma_start3A_81 = tpu.memref_slice %arg24[%add3A_50, %dma_start3A_80] : memref<10000x128xf32, #tpu.memory_space<vmem_shared>> -> memref<65x128xf32, #tpu.memory_space<vmem_shared>>
      %dma_start3A_82 = arith.constant 0 : i32
      %dma_start3A_83 = tpu.memref_slice %arg24[%add3A_50, %dma_start3A_82] : memref<10000x128xf32, #tpu.memory_space<vmem_shared>> -> memref<65x128xf32, #tpu.memory_space<vmem_shared>>
      %dma_start3A_84 = arith.constant 0 : i32
      %dma_start3A_85 = arith.constant 0 : i32
      %dma_start3A_86 = tpu.memref_slice %arg15[%dma_start3A_84, %dma_start3A_85] : memref<80x128xf32, #tpu.memory_space<vmem>> -> memref<65x128xf32, #tpu.memory_space<vmem>>
      tpu.enqueue_dma source(%dma_start3A_86 : memref<65x128xf32, #tpu.memory_space<vmem>>) target(%dma_start3A_83 : memref<65x128xf32, #tpu.memory_space<vmem_shared>>) target_semaphore(%run_scoped3A : memref<!tpu.dma_semaphore, #tpu.memory_space<semaphore_mem>>)
      %dma_wait3A = arith.constant 0 : i32
      %dma_wait3A_87 = arith.constant 0 : i32
      %dma_wait3A_88 = tpu.memref_slice %arg15[%dma_wait3A, %dma_wait3A_87] : memref<80x128xf32, #tpu.memory_space<vmem>> -> memref<65x128xf32, #tpu.memory_space<vmem>>
      %dma_wait3A_89 = arith.constant 0 : i32
      %dma_wait3A_90 = tpu.memref_slice %arg24[%add3A_50, %dma_wait3A_89] : memref<10000x128xf32, #tpu.memory_space<vmem_shared>> -> memref<65x128xf32, #tpu.memory_space<vmem_shared>>
      %dma_wait3A_91 = arith.constant 0 : i32
      %dma_wait3A_92 = tpu.memref_slice %arg24[%add3A_50, %dma_wait3A_91] : memref<10000x128xf32, #tpu.memory_space<vmem_shared>> -> memref<65x128xf32, #tpu.memory_space<vmem_shared>>
      %dma_wait3A_93 = arith.constant 0 : i32
      %dma_wait3A_94 = arith.constant 0 : i32
      %dma_wait3A_95 = tpu.memref_slice %arg15[%dma_wait3A_93, %dma_wait3A_94] : memref<80x128xf32, #tpu.memory_space<vmem>> -> memref<65x128xf32, #tpu.memory_space<vmem>>
      tpu.wait_dma2 semaphore(%run_scoped3A : memref<!tpu.dma_semaphore, #tpu.memory_space<semaphore_mem>>) src(%dma_wait3A_95 : memref<65x128xf32, #tpu.memory_space<vmem>>) dst(%dma_wait3A_92 : memref<65x128xf32, #tpu.memory_space<vmem_shared>>)
      tpu.yield
    }) : () -> ()
    %barrier3A_51 = arith.constant 0 : index
    tpu.barrier barrier_id(%barrier3A_51)
    %scan3A_52 = arith.constant 0 : i32
    %scan3A_53 = arith.constant 0 : i32
    %scan3A_54 = arith.constant 5 : i32
    %scan3A_55 = arith.addi %scan3A_53, %scan3A_54 : i32
    %scan3A_56 = arith.constant 1 : i32
    %scan3A_57 = scf.for %scan3A_78 = %scan3A_53 to %scan3A_55 step %scan3A_56 iter_args(%scan3A_79 = %scan3A_52) -> (i32)  : i32 {
      %mul3A_80 = arith.constant 125 : i32
      %mul3A_81 = arith.muli %add3A, %mul3A_80 : i32
      %mul3A_82 = arith.constant 25 : i32
      %mul3A_83 = arith.muli %scan3A_78, %mul3A_82 : i32
      %add3A_84 = arith.addi %mul3A_81, %mul3A_83 : i32
      "tpu.region"() ({
        %run_scoped3A_121 = tpu.sem_alloc : memref<!tpu.dma_semaphore, #tpu.memory_space<semaphore_mem>>
        %dma_start3A_122 = arith.constant 0 : i32
        %dma_start3A_123 = tpu.memref_slice %arg2[%add3A_84, %dma_start3A_122] : memref<4000x80xi32, #tpu.memory_space<hbm>> -> memref<25x80xi32, #tpu.memory_space<hbm>>
        %dma_start3A_124 = arith.constant 0 : i32
        %dma_start3A_125 = tpu.memref_slice %arg2[%add3A_84, %dma_start3A_124] : memref<4000x80xi32, #tpu.memory_space<hbm>> -> memref<25x80xi32, #tpu.memory_space<hbm>>
        tpu.enqueue_dma source(%dma_start3A_125 : memref<25x80xi32, #tpu.memory_space<hbm>>) target(%arg10 : memref<25x80xi32, #tpu.memory_space<vmem>>) target_semaphore(%run_scoped3A_121 : memref<!tpu.dma_semaphore, #tpu.memory_space<semaphore_mem>>)
        %dma_wait3A_126 = arith.constant 0 : i32
        %dma_wait3A_127 = tpu.memref_slice %arg2[%add3A_84, %dma_wait3A_126] : memref<4000x80xi32, #tpu.memory_space<hbm>> -> memref<25x80xi32, #tpu.memory_space<hbm>>
        %dma_wait3A_128 = arith.constant 0 : i32
        %dma_wait3A_129 = tpu.memref_slice %arg2[%add3A_84, %dma_wait3A_128] : memref<4000x80xi32, #tpu.memory_space<hbm>> -> memref<25x80xi32, #tpu.memory_space<hbm>>
        tpu.wait_dma2 semaphore(%run_scoped3A_121 : memref<!tpu.dma_semaphore, #tpu.memory_space<semaphore_mem>>) src(%dma_wait3A_129 : memref<25x80xi32, #tpu.memory_space<hbm>>) dst(%arg10 : memref<25x80xi32, #tpu.memory_space<vmem>>)
        tpu.yield
      }) : () -> ()
      "tpu.region"() ({
        %run_scoped3A_121 = tpu.sem_alloc : memref<!tpu.dma_semaphore, #tpu.memory_space<semaphore_mem>>
        %dma_start3A_122 = arith.constant 0 : i32
        %dma_start3A_123 = tpu.memref_slice %arg3[%add3A_84, %dma_start3A_122] : memref<4000x80xi32, #tpu.memory_space<hbm>> -> memref<25x80xi32, #tpu.memory_space<hbm>>
        %dma_start3A_124 = arith.constant 0 : i32
        %dma_start3A_125 = tpu.memref_slice %arg3[%add3A_84, %dma_start3A_124] : memref<4000x80xi32, #tpu.memory_space<hbm>> -> memref<25x80xi32, #tpu.memory_space<hbm>>
        tpu.enqueue_dma source(%dma_start3A_125 : memref<25x80xi32, #tpu.memory_space<hbm>>) target(%arg11 : memref<25x80xi32, #tpu.memory_space<vmem>>) target_semaphore(%run_scoped3A_121 : memref<!tpu.dma_semaphore, #tpu.memory_space<semaphore_mem>>)
        %dma_wait3A_126 = arith.constant 0 : i32
        %dma_wait3A_127 = tpu.memref_slice %arg3[%add3A_84, %dma_wait3A_126] : memref<4000x80xi32, #tpu.memory_space<hbm>> -> memref<25x80xi32, #tpu.memory_space<hbm>>
        %dma_wait3A_128 = arith.constant 0 : i32
        %dma_wait3A_129 = tpu.memref_slice %arg3[%add3A_84, %dma_wait3A_128] : memref<4000x80xi32, #tpu.memory_space<hbm>> -> memref<25x80xi32, #tpu.memory_space<hbm>>
        tpu.wait_dma2 semaphore(%run_scoped3A_121 : memref<!tpu.dma_semaphore, #tpu.memory_space<semaphore_mem>>) src(%dma_wait3A_129 : memref<25x80xi32, #tpu.memory_space<hbm>>) dst(%arg11 : memref<25x80xi32, #tpu.memory_space<vmem>>)
        tpu.yield
      }) : () -> ()
      "tpu.region"() ({
        %run_scoped3A_121 = tpu.sem_alloc : memref<!tpu.dma_semaphore, #tpu.memory_space<semaphore_mem>>
        %dma_start3A_122 = arith.constant 0 : i32
        %dma_start3A_123 = tpu.memref_slice %arg4[%add3A_84, %dma_start3A_122] : memref<4000x80xf32, #tpu.memory_space<hbm>> -> memref<25x80xf32, #tpu.memory_space<hbm>>
        %dma_start3A_124 = arith.constant 0 : i32
        %dma_start3A_125 = tpu.memref_slice %arg4[%add3A_84, %dma_start3A_124] : memref<4000x80xf32, #tpu.memory_space<hbm>> -> memref<25x80xf32, #tpu.memory_space<hbm>>
        tpu.enqueue_dma source(%dma_start3A_125 : memref<25x80xf32, #tpu.memory_space<hbm>>) target(%arg12 : memref<25x80xf32, #tpu.memory_space<vmem>>) target_semaphore(%run_scoped3A_121 : memref<!tpu.dma_semaphore, #tpu.memory_space<semaphore_mem>>)
        %dma_wait3A_126 = arith.constant 0 : i32
        %dma_wait3A_127 = tpu.memref_slice %arg4[%add3A_84, %dma_wait3A_126] : memref<4000x80xf32, #tpu.memory_space<hbm>> -> memref<25x80xf32, #tpu.memory_space<hbm>>
        %dma_wait3A_128 = arith.constant 0 : i32
        %dma_wait3A_129 = tpu.memref_slice %arg4[%add3A_84, %dma_wait3A_128] : memref<4000x80xf32, #tpu.memory_space<hbm>> -> memref<25x80xf32, #tpu.memory_space<hbm>>
        tpu.wait_dma2 semaphore(%run_scoped3A_121 : memref<!tpu.dma_semaphore, #tpu.memory_space<semaphore_mem>>) src(%dma_wait3A_129 : memref<25x80xf32, #tpu.memory_space<hbm>>) dst(%arg12 : memref<25x80xf32, #tpu.memory_space<vmem>>)
        tpu.yield
      }) : () -> ()
      %parallel_loop3A_85 = arith.constant 0 : i32
      %parallel_loop3A_86 = arith.constant 25 : i32
      %parallel_loop3A_87 = arith.constant 1 : i32
      scf.for %parallel_loop3A_121 = %parallel_loop3A_85 to %parallel_loop3A_86 step %parallel_loop3A_87  : i32 {
        %parallel_loop3A_122 = arith.index_cast %parallel_loop3A_121 : i32 to index
        %parallel_loop3A_123 = arith.constant 0 : index
        %parallel_loop3A_124 = tpu.vector_load %arg10[%parallel_loop3A_122, %parallel_loop3A_123] {strides = array<i32>} : memref<25x80xi32, #tpu.memory_space<vmem>>, vector<16xi32>,
        %parallel_loop3A_125 = arith.index_cast %parallel_loop3A_121 : i32 to index
        %parallel_loop3A_126 = arith.constant 0 : index
        %parallel_loop3A_127 = tpu.vector_load %arg11[%parallel_loop3A_125, %parallel_loop3A_126] {strides = array<i32>} : memref<25x80xi32, #tpu.memory_space<vmem>>, vector<16xi32>,
        %parallel_loop3A_128 = arith.index_cast %parallel_loop3A_121 : i32 to index
        %parallel_loop3A_129 = arith.constant 0 : index
        %parallel_loop3A_130 = tpu.vector_load %arg12[%parallel_loop3A_128, %parallel_loop3A_129] {strides = array<i32>} : memref<25x80xf32, #tpu.memory_space<vmem>>, vector<16xf32>,
        %parallel_loop3A_131 = tpu.vector_load_idx %arg14[%parallel_loop3A_124] : memref<10000xf32, #tpu.memory_space<vmem>>[vector<16xi32>], vector<16xf32>,
        %parallel_loop3A_132 = tpu.vector_load_idx %arg14[%parallel_loop3A_127] : memref<10000xf32, #tpu.memory_space<vmem>>[vector<16xi32>], vector<16xf32>,
        %parallel_loop3A_133 = arith.mulf %parallel_loop3A_131, %parallel_loop3A_130 : vector<16xf32>
        %parallel_loop3A_134 = arith.mulf %parallel_loop3A_133, %parallel_loop3A_132 : vector<16xf32>
        %parallel_loop3A_135 = arith.constant 0.000000e+00 : f32
        %parallel_loop3A_136 = vector.broadcast %parallel_loop3A_135 : f32 to vector<16xf32>
        %parallel_loop3A_137 = arith.subf %parallel_loop3A_136, %parallel_loop3A_134 : vector<16xf32>
        %parallel_loop3A_138 = arith.constant 80 : i32
        %parallel_loop3A_139 = arith.muli %parallel_loop3A_121, %parallel_loop3A_138 : i32
        %parallel_loop3A_140 = arith.constant 0 : i32
        %parallel_loop3A_141 = arith.addi %parallel_loop3A_139, %parallel_loop3A_140 : i32
        %parallel_loop3A_142 = arith.index_cast %parallel_loop3A_141 : i32 to index
        %parallel_loop3A_143 = tpu.vector_load %arg13[%parallel_loop3A_142] {strides = array<i32>} : memref<2000xf32, #tpu.memory_space<vmem>>, vector<16xf32>,
        tpu.vector_store %arg13[%parallel_loop3A_142], %parallel_loop3A_137 {strides = array<i32>} : memref<2000xf32, #tpu.memory_space<vmem>>, vector<16xf32>,
        %parallel_loop3A_144 = arith.index_cast %parallel_loop3A_121 : i32 to index
        %parallel_loop3A_145 = arith.constant 16 : index
        %parallel_loop3A_146 = tpu.vector_load %arg10[%parallel_loop3A_144, %parallel_loop3A_145] {strides = array<i32>} : memref<25x80xi32, #tpu.memory_space<vmem>>, vector<16xi32>,
        %parallel_loop3A_147 = arith.index_cast %parallel_loop3A_121 : i32 to index
        %parallel_loop3A_148 = arith.constant 16 : index
        %parallel_loop3A_149 = tpu.vector_load %arg11[%parallel_loop3A_147, %parallel_loop3A_148] {strides = array<i32>} : memref<25x80xi32, #tpu.memory_space<vmem>>, vector<16xi32>,
        %parallel_loop3A_150 = arith.index_cast %parallel_loop3A_121 : i32 to index
        %parallel_loop3A_151 = arith.constant 16 : index
        %parallel_loop3A_152 = tpu.vector_load %arg12[%parallel_loop3A_150, %parallel_loop3A_151] {strides = array<i32>} : memref<25x80xf32, #tpu.memory_space<vmem>>, vector<16xf32>,
        %parallel_loop3A_153 = tpu.vector_load_idx %arg14[%parallel_loop3A_146] : memref<10000xf32, #tpu.memory_space<vmem>>[vector<16xi32>], vector<16xf32>,
        %parallel_loop3A_154 = tpu.vector_load_idx %arg14[%parallel_loop3A_149] : memref<10000xf32, #tpu.memory_space<vmem>>[vector<16xi32>], vector<16xf32>,
        %parallel_loop3A_155 = arith.mulf %parallel_loop3A_153, %parallel_loop3A_152 : vector<16xf32>
        %parallel_loop3A_156 = arith.mulf %parallel_loop3A_155, %parallel_loop3A_154 : vector<16xf32>
        %parallel_loop3A_157 = arith.constant 0.000000e+00 : f32
        %parallel_loop3A_158 = vector.broadcast %parallel_loop3A_157 : f32 to vector<16xf32>
        %parallel_loop3A_159 = arith.subf %parallel_loop3A_158, %parallel_loop3A_156 : vector<16xf32>
        %parallel_loop3A_160 = arith.constant 80 : i32
        %parallel_loop3A_161 = arith.muli %parallel_loop3A_121, %parallel_loop3A_160 : i32
        %parallel_loop3A_162 = arith.constant 16 : i32
        %parallel_loop3A_163 = arith.addi %parallel_loop3A_161, %parallel_loop3A_162 : i32
        %parallel_loop3A_164 = arith.index_cast %parallel_loop3A_163 : i32 to index
        %parallel_loop3A_165 = tpu.vector_load %arg13[%parallel_loop3A_164] {strides = array<i32>} : memref<2000xf32, #tpu.memory_space<vmem>>, vector<16xf32>,
        tpu.vector_store %arg13[%parallel_loop3A_164], %parallel_loop3A_159 {strides = array<i32>} : memref<2000xf32, #tpu.memory_space<vmem>>, vector<16xf32>,
        %parallel_loop3A_166 = arith.index_cast %parallel_loop3A_121 : i32 to index
        %parallel_loop3A_167 = arith.constant 32 : index
        %parallel_loop3A_168 = tpu.vector_load %arg10[%parallel_loop3A_166, %parallel_loop3A_167] {strides = array<i32>} : memref<25x80xi32, #tpu.memory_space<vmem>>, vector<16xi32>,
        %parallel_loop3A_169 = arith.index_cast %parallel_loop3A_121 : i32 to index
        %parallel_loop3A_170 = arith.constant 32 : index
        %parallel_loop3A_171 = tpu.vector_load %arg11[%parallel_loop3A_169, %parallel_loop3A_170] {strides = array<i32>} : memref<25x80xi32, #tpu.memory_space<vmem>>, vector<16xi32>,
        %parallel_loop3A_172 = arith.index_cast %parallel_loop3A_121 : i32 to index
        %parallel_loop3A_173 = arith.constant 32 : index
        %parallel_loop3A_174 = tpu.vector_load %arg12[%parallel_loop3A_172, %parallel_loop3A_173] {strides = array<i32>} : memref<25x80xf32, #tpu.memory_space<vmem>>, vector<16xf32>,
        %parallel_loop3A_175 = tpu.vector_load_idx %arg14[%parallel_loop3A_168] : memref<10000xf32, #tpu.memory_space<vmem>>[vector<16xi32>], vector<16xf32>,
        %parallel_loop3A_176 = tpu.vector_load_idx %arg14[%parallel_loop3A_171] : memref<10000xf32, #tpu.memory_space<vmem>>[vector<16xi32>], vector<16xf32>,
        %parallel_loop3A_177 = arith.mulf %parallel_loop3A_175, %parallel_loop3A_174 : vector<16xf32>
        %parallel_loop3A_178 = arith.mulf %parallel_loop3A_177, %parallel_loop3A_176 : vector<16xf32>
        %parallel_loop3A_179 = arith.constant 0.000000e+00 : f32
        %parallel_loop3A_180 = vector.broadcast %parallel_loop3A_179 : f32 to vector<16xf32>
        %parallel_loop3A_181 = arith.subf %parallel_loop3A_180, %parallel_loop3A_178 : vector<16xf32>
        %parallel_loop3A_182 = arith.constant 80 : i32
        %parallel_loop3A_183 = arith.muli %parallel_loop3A_121, %parallel_loop3A_182 : i32
        %parallel_loop3A_184 = arith.constant 32 : i32
        %parallel_loop3A_185 = arith.addi %parallel_loop3A_183, %parallel_loop3A_184 : i32
        %parallel_loop3A_186 = arith.index_cast %parallel_loop3A_185 : i32 to index
        %parallel_loop3A_187 = tpu.vector_load %arg13[%parallel_loop3A_186] {strides = array<i32>} : memref<2000xf32, #tpu.memory_space<vmem>>, vector<16xf32>,
        tpu.vector_store %arg13[%parallel_loop3A_186], %parallel_loop3A_181 {strides = array<i32>} : memref<2000xf32, #tpu.memory_space<vmem>>, vector<16xf32>,
        %parallel_loop3A_188 = arith.index_cast %parallel_loop3A_121 : i32 to index
        %parallel_loop3A_189 = arith.constant 48 : index
        %parallel_loop3A_190 = tpu.vector_load %arg10[%parallel_loop3A_188, %parallel_loop3A_189] {strides = array<i32>} : memref<25x80xi32, #tpu.memory_space<vmem>>, vector<16xi32>,
        %parallel_loop3A_191 = arith.index_cast %parallel_loop3A_121 : i32 to index
        %parallel_loop3A_192 = arith.constant 48 : index
        %parallel_loop3A_193 = tpu.vector_load %arg11[%parallel_loop3A_191, %parallel_loop3A_192] {strides = array<i32>} : memref<25x80xi32, #tpu.memory_space<vmem>>, vector<16xi32>,
        %parallel_loop3A_194 = arith.index_cast %parallel_loop3A_121 : i32 to index
        %parallel_loop3A_195 = arith.constant 48 : index
        %parallel_loop3A_196 = tpu.vector_load %arg12[%parallel_loop3A_194, %parallel_loop3A_195] {strides = array<i32>} : memref<25x80xf32, #tpu.memory_space<vmem>>, vector<16xf32>,
        %parallel_loop3A_197 = tpu.vector_load_idx %arg14[%parallel_loop3A_190] : memref<10000xf32, #tpu.memory_space<vmem>>[vector<16xi32>], vector<16xf32>,
        %parallel_loop3A_198 = tpu.vector_load_idx %arg14[%parallel_loop3A_193] : memref<10000xf32, #tpu.memory_space<vmem>>[vector<16xi32>], vector<16xf32>,
        %parallel_loop3A_199 = arith.mulf %parallel_loop3A_197, %parallel_loop3A_196 : vector<16xf32>
        %parallel_loop3A_200 = arith.mulf %parallel_loop3A_199, %parallel_loop3A_198 : vector<16xf32>
        %parallel_loop3A_201 = arith.constant 0.000000e+00 : f32
        %parallel_loop3A_202 = vector.broadcast %parallel_loop3A_201 : f32 to vector<16xf32>
        %parallel_loop3A_203 = arith.subf %parallel_loop3A_202, %parallel_loop3A_200 : vector<16xf32>
        %parallel_loop3A_204 = arith.constant 80 : i32
        %parallel_loop3A_205 = arith.muli %parallel_loop3A_121, %parallel_loop3A_204 : i32
        %parallel_loop3A_206 = arith.constant 48 : i32
        %parallel_loop3A_207 = arith.addi %parallel_loop3A_205, %parallel_loop3A_206 : i32
        %parallel_loop3A_208 = arith.index_cast %parallel_loop3A_207 : i32 to index
        %parallel_loop3A_209 = tpu.vector_load %arg13[%parallel_loop3A_208] {strides = array<i32>} : memref<2000xf32, #tpu.memory_space<vmem>>, vector<16xf32>,
        tpu.vector_store %arg13[%parallel_loop3A_208], %parallel_loop3A_203 {strides = array<i32>} : memref<2000xf32, #tpu.memory_space<vmem>>, vector<16xf32>,
        %parallel_loop3A_210 = arith.index_cast %parallel_loop3A_121 : i32 to index
        %parallel_loop3A_211 = arith.constant 64 : index
        %parallel_loop3A_212 = tpu.vector_load %arg10[%parallel_loop3A_210, %parallel_loop3A_211] {strides = array<i32>} : memref<25x80xi32, #tpu.memory_space<vmem>>, vector<16xi32>,
        %parallel_loop3A_213 = arith.index_cast %parallel_loop3A_121 : i32 to index
        %parallel_loop3A_214 = arith.constant 64 : index
        %parallel_loop3A_215 = tpu.vector_load %arg11[%parallel_loop3A_213, %parallel_loop3A_214] {strides = array<i32>} : memref<25x80xi32, #tpu.memory_space<vmem>>, vector<16xi32>,
        %parallel_loop3A_216 = arith.index_cast %parallel_loop3A_121 : i32 to index
        %parallel_loop3A_217 = arith.constant 64 : index
        %parallel_loop3A_218 = tpu.vector_load %arg12[%parallel_loop3A_216, %parallel_loop3A_217] {strides = array<i32>} : memref<25x80xf32, #tpu.memory_space<vmem>>, vector<16xf32>,
        %parallel_loop3A_219 = tpu.vector_load_idx %arg14[%parallel_loop3A_212] : memref<10000xf32, #tpu.memory_space<vmem>>[vector<16xi32>], vector<16xf32>,
        %parallel_loop3A_220 = tpu.vector_load_idx %arg14[%parallel_loop3A_215] : memref<10000xf32, #tpu.memory_space<vmem>>[vector<16xi32>], vector<16xf32>,
        %parallel_loop3A_221 = arith.mulf %parallel_loop3A_219, %parallel_loop3A_218 : vector<16xf32>
        %parallel_loop3A_222 = arith.mulf %parallel_loop3A_221, %parallel_loop3A_220 : vector<16xf32>
        %parallel_loop3A_223 = arith.constant 0.000000e+00 : f32
        %parallel_loop3A_224 = vector.broadcast %parallel_loop3A_223 : f32 to vector<16xf32>
        %parallel_loop3A_225 = arith.subf %parallel_loop3A_224, %parallel_loop3A_222 : vector<16xf32>
        %parallel_loop3A_226 = arith.constant 80 : i32
        %parallel_loop3A_227 = arith.muli %parallel_loop3A_121, %parallel_loop3A_226 : i32
        %parallel_loop3A_228 = arith.constant 64 : i32
        %parallel_loop3A_229 = arith.addi %parallel_loop3A_227, %parallel_loop3A_228 : i32
        %parallel_loop3A_230 = arith.index_cast %parallel_loop3A_229 : i32 to index
        %parallel_loop3A_231 = tpu.vector_load %arg13[%parallel_loop3A_230] {strides = array<i32>} : memref<2000xf32, #tpu.memory_space<vmem>>, vector<16xf32>,
        tpu.vector_store %arg13[%parallel_loop3A_230], %parallel_loop3A_225 {strides = array<i32>} : memref<2000xf32, #tpu.memory_space<vmem>>, vector<16xf32>,
      } {sc.loop_unroll_factor = 2 : i64, sc.parallel_access}
      %mul3A_88 = arith.constant 2000 : i32
      %mul3A_89 = arith.muli %scan3A_78, %mul3A_88 : i32
      "tpu.region"() ({
        %run_scoped3A_121 = tpu.sem_alloc : memref<!tpu.dma_semaphore, #tpu.memory_space<semaphore_mem>>
        %dma_start3A_122 = tpu.memref_slice %arg9[%add3A, %mul3A_89] : memref<32x10000xf32, #tpu.memory_space<hbm>> -> memref<1x2000xf32, #tpu.memory_space<hbm>>
        %dma_start3A_123 = tpu.memref_squeeze %dma_start3A_122 : memref<1x2000xf32, #tpu.memory_space<hbm>> -> memref<2000xf32, #tpu.memory_space<hbm>>
        %dma_start3A_124 = tpu.memref_slice %arg9[%add3A, %mul3A_89] : memref<32x10000xf32, #tpu.memory_space<hbm>> -> memref<1x2000xf32, #tpu.memory_space<hbm>>
        %dma_start3A_125 = tpu.memref_squeeze %dma_start3A_124 : memref<1x2000xf32, #tpu.memory_space<hbm>> -> memref<2000xf32, #tpu.memory_space<hbm>>
        tpu.enqueue_dma source(%arg13 : memref<2000xf32, #tpu.memory_space<vmem>>) target(%dma_start3A_125 : memref<2000xf32, #tpu.memory_space<hbm>>) target_semaphore(%run_scoped3A_121 : memref<!tpu.dma_semaphore, #tpu.memory_space<semaphore_mem>>)
        %dma_wait3A_126 = tpu.memref_slice %arg9[%add3A, %mul3A_89] : memref<32x10000xf32, #tpu.memory_space<hbm>> -> memref<1x2000xf32, #tpu.memory_space<hbm>>
        %dma_wait3A_127 = tpu.memref_squeeze %dma_wait3A_126 : memref<1x2000xf32, #tpu.memory_space<hbm>> -> memref<2000xf32, #tpu.memory_space<hbm>>
        %dma_wait3A_128 = tpu.memref_slice %arg9[%add3A, %mul3A_89] : memref<32x10000xf32, #tpu.memory_space<hbm>> -> memref<1x2000xf32, #tpu.memory_space<hbm>>
        %dma_wait3A_129 = tpu.memref_squeeze %dma_wait3A_128 : memref<1x2000xf32, #tpu.memory_space<hbm>> -> memref<2000xf32, #tpu.memory_space<hbm>>
        tpu.wait_dma2 semaphore(%run_scoped3A_121 : memref<!tpu.dma_semaphore, #tpu.memory_space<semaphore_mem>>) src(%arg13 : memref<2000xf32, #tpu.memory_space<vmem>>) dst(%dma_wait3A_129 : memref<2000xf32, #tpu.memory_space<hbm>>)
        tpu.yield
      }) : () -> ()
      %dma_start3A = arith.constant 0 : i32
      %dma_start3A_90 = arith.constant 0 : i32
      %dma_start3A_91 = tpu.memref_slice %arg10[%dma_start3A, %dma_start3A_90] : memref<25x80xi32, #tpu.memory_space<vmem>> -> memref<1x80xi32, #tpu.memory_space<vmem>>
      %dma_start3A_92 = tpu.memref_squeeze %dma_start3A_91 : memref<1x80xi32, #tpu.memory_space<vmem>> -> memref<80xi32, #tpu.memory_space<vmem>>
      %dma_start3A_93 = arith.constant 0 : i32
      %dma_start3A_94 = arith.constant 0 : i32
      %dma_start3A_95 = tpu.memref_slice %arg7[%dma_start3A_93, %dma_start3A_94] : memref<10000x128xf32, #tpu.memory_space<hbm>> -> memref<10000x128xf32, #tpu.memory_space<hbm>>
      tpu.enqueue_indirect_dma source(%dma_start3A_95 : memref<10000x128xf32, #tpu.memory_space<hbm>>) target(%arg15 : memref<80x128xf32, #tpu.memory_space<vmem>>) offsets(%dma_start3A_92 : memref<80xi32, #tpu.memory_space<vmem>>) semaphore(%arg19 : memref<!tpu.dma_semaphore, #tpu.memory_space<semaphore_mem>>)
      %scan3A_96 = arith.constant 0 : i32
      %scan3A_97 = arith.constant 0 : i32
      %scan3A_98 = arith.constant 12 : i32
      %scan3A_99 = arith.addi %scan3A_97, %scan3A_98 : i32
      %scan3A_100 = arith.constant 1 : i32
      %scan3A_101 = scf.for %scan3A_121 = %scan3A_97 to %scan3A_99 step %scan3A_100 iter_args(%scan3A_122 = %scan3A_96) -> (i32)  : i32 {
        %mul3A_123 = arith.constant 2 : i32
        %mul3A_124 = arith.muli %mul3A_123, %scan3A_121 : i32
        %add3A_125 = arith.constant 1 : i32
        %add3A_126 = arith.addi %mul3A_124, %add3A_125 : i32
        %gt3A = arith.constant 0 : i32
        %gt3A_127 = arith.cmpi sgt, %scan3A_121, %gt3A : i32
        %convert_element_type3A_128 = arith.extui %gt3A_127 : i1 to i32
        %cond3A_129 = arith.constant 0 : i32
        %cond3A_130 = arith.cmpi ne, %convert_element_type3A_128, %cond3A_129 : i32
        scf.if %cond3A_130 {
          %sub3A = arith.constant 2 : i32
          %sub3A_172 = arith.subi %add3A_126, %sub3A : i32
          %dma_wait3A_173 = arith.constant 0 : i32
          %dma_wait3A_174 = tpu.memref_slice %arg11[%sub3A_172, %dma_wait3A_173] : memref<25x80xi32, #tpu.memory_space<vmem>> -> memref<1x80xi32, #tpu.memory_space<vmem>>
          %dma_wait3A_175 = tpu.memref_squeeze %dma_wait3A_174 : memref<1x80xi32, #tpu.memory_space<vmem>> -> memref<80xi32, #tpu.memory_space<vmem>>
          %dma_wait3A_176 = arith.constant 0 : i32
          %dma_wait3A_177 = arith.constant 0 : i32
          %dma_wait3A_178 = tpu.memref_slice %arg24[%dma_wait3A_176, %dma_wait3A_177] : memref<10000x128xf32, #tpu.memory_space<vmem_shared>> -> memref<10000x128xf32, #tpu.memory_space<vmem_shared>>
          tpu.wait_indirect_dma semaphore(%arg22 : memref<!tpu.dma_semaphore, #tpu.memory_space<semaphore_mem>>) src(%arg16 : memref<80x128xf32, #tpu.memory_space<vmem>>) dst(%dma_wait3A_178 : memref<10000x128xf32, #tpu.memory_space<vmem_shared>>)
        } else {
        }
        %dma_start3A_131 = arith.constant 0 : i32
        %dma_start3A_132 = tpu.memref_slice %arg10[%add3A_126, %dma_start3A_131] : memref<25x80xi32, #tpu.memory_space<vmem>> -> memref<1x80xi32, #tpu.memory_space<vmem>>
        %dma_start3A_133 = tpu.memref_squeeze %dma_start3A_132 : memref<1x80xi32, #tpu.memory_space<vmem>> -> memref<80xi32, #tpu.memory_space<vmem>>
        %dma_start3A_134 = arith.constant 0 : i32
        %dma_start3A_135 = arith.constant 0 : i32
        %dma_start3A_136 = tpu.memref_slice %arg7[%dma_start3A_134, %dma_start3A_135] : memref<10000x128xf32, #tpu.memory_space<hbm>> -> memref<10000x128xf32, #tpu.memory_space<hbm>>
        tpu.enqueue_indirect_dma source(%dma_start3A_136 : memref<10000x128xf32, #tpu.memory_space<hbm>>) target(%arg16 : memref<80x128xf32, #tpu.memory_space<vmem>>) offsets(%dma_start3A_133 : memref<80xi32, #tpu.memory_space<vmem>>) semaphore(%arg20 : memref<!tpu.dma_semaphore, #tpu.memory_space<semaphore_mem>>)
        %dma_wait3A_137 = arith.constant 0 : i32
        %dma_wait3A_138 = tpu.memref_slice %arg10[%mul3A_124, %dma_wait3A_137] : memref<25x80xi32, #tpu.memory_space<vmem>> -> memref<1x80xi32, #tpu.memory_space<vmem>>
        %dma_wait3A_139 = tpu.memref_squeeze %dma_wait3A_138 : memref<1x80xi32, #tpu.memory_space<vmem>> -> memref<80xi32, #tpu.memory_space<vmem>>
        %dma_wait3A_140 = arith.constant 0 : i32
        %dma_wait3A_141 = arith.constant 0 : i32
        %dma_wait3A_142 = tpu.memref_slice %arg7[%dma_wait3A_140, %dma_wait3A_141] : memref<10000x128xf32, #tpu.memory_space<hbm>> -> memref<10000x128xf32, #tpu.memory_space<hbm>>
        tpu.wait_indirect_dma semaphore(%arg19 : memref<!tpu.dma_semaphore, #tpu.memory_space<semaphore_mem>>) src(%dma_wait3A_142 : memref<10000x128xf32, #tpu.memory_space<hbm>>) dst(%arg15 : memref<80x128xf32, #tpu.memory_space<vmem>>)
        %parallel_loop3A_143 = arith.constant 0 : i32
        %parallel_loop3A_144 = arith.constant 80 : i32
        %parallel_loop3A_145 = arith.constant 1 : i32
        scf.for %parallel_loop3A_172 = %parallel_loop3A_143 to %parallel_loop3A_144 step %parallel_loop3A_145  : i32 {
          %parallel_loop3A_173 = arith.constant 80 : i32
          %parallel_loop3A_174 = arith.muli %mul3A_124, %parallel_loop3A_173 : i32
          %parallel_loop3A_175 = arith.addi %parallel_loop3A_174, %parallel_loop3A_172 : i32
          %parallel_loop3A_176 = vector.broadcast %parallel_loop3A_175 : i32 to vector<16xi32>
          %parallel_loop3A_177 = tpu.vector_load_idx %arg13[%parallel_loop3A_176] : memref<2000xf32, #tpu.memory_space<vmem>>[vector<16xi32>], vector<16xf32>,
          %parallel_loop3A_178 = arith.index_cast %parallel_loop3A_172 : i32 to index
          %parallel_loop3A_179 = arith.constant 0 : index
          %parallel_loop3A_180 = tpu.vector_load %arg15[%parallel_loop3A_178, %parallel_loop3A_179] {strides = array<i32>} : memref<80x128xf32, #tpu.memory_space<vmem>>, vector<16xf32>,
          %parallel_loop3A_181 = arith.mulf %parallel_loop3A_180, %parallel_loop3A_177 : vector<16xf32>
          %parallel_loop3A_182 = arith.index_cast %parallel_loop3A_172 : i32 to index
          %parallel_loop3A_183 = arith.constant 0 : index
          %parallel_loop3A_184 = tpu.vector_load %arg15[%parallel_loop3A_182, %parallel_loop3A_183] {strides = array<i32>} : memref<80x128xf32, #tpu.memory_space<vmem>>, vector<16xf32>,
          tpu.vector_store %arg15[%parallel_loop3A_182, %parallel_loop3A_183], %parallel_loop3A_181 {strides = array<i32>} : memref<80x128xf32, #tpu.memory_space<vmem>>, vector<16xf32>,
          %parallel_loop3A_185 = arith.index_cast %parallel_loop3A_172 : i32 to index
          %parallel_loop3A_186 = arith.constant 16 : index
          %parallel_loop3A_187 = tpu.vector_load %arg15[%parallel_loop3A_185, %parallel_loop3A_186] {strides = array<i32>} : memref<80x128xf32, #tpu.memory_space<vmem>>, vector<16xf32>,
          %parallel_loop3A_188 = arith.mulf %parallel_loop3A_187, %parallel_loop3A_177 : vector<16xf32>
          %parallel_loop3A_189 = arith.index_cast %parallel_loop3A_172 : i32 to index
          %parallel_loop3A_190 = arith.constant 16 : index
          %parallel_loop3A_191 = tpu.vector_load %arg15[%parallel_loop3A_189, %parallel_loop3A_190] {strides = array<i32>} : memref<80x128xf32, #tpu.memory_space<vmem>>, vector<16xf32>,
          tpu.vector_store %arg15[%parallel_loop3A_189, %parallel_loop3A_190], %parallel_loop3A_188 {strides = array<i32>} : memref<80x128xf32, #tpu.memory_space<vmem>>, vector<16xf32>,
          %parallel_loop3A_192 = arith.index_cast %parallel_loop3A_172 : i32 to index
          %parallel_loop3A_193 = arith.constant 32 : index
          %parallel_loop3A_194 = tpu.vector_load %arg15[%parallel_loop3A_192, %parallel_loop3A_193] {strides = array<i32>} : memref<80x128xf32, #tpu.memory_space<vmem>>, vector<16xf32>,
          %parallel_loop3A_195 = arith.mulf %parallel_loop3A_194, %parallel_loop3A_177 : vector<16xf32>
          %parallel_loop3A_196 = arith.index_cast %parallel_loop3A_172 : i32 to index
          %parallel_loop3A_197 = arith.constant 32 : index
          %parallel_loop3A_198 = tpu.vector_load %arg15[%parallel_loop3A_196, %parallel_loop3A_197] {strides = array<i32>} : memref<80x128xf32, #tpu.memory_space<vmem>>, vector<16xf32>,
          tpu.vector_store %arg15[%parallel_loop3A_196, %parallel_loop3A_197], %parallel_loop3A_195 {strides = array<i32>} : memref<80x128xf32, #tpu.memory_space<vmem>>, vector<16xf32>,
          %parallel_loop3A_199 = arith.index_cast %parallel_loop3A_172 : i32 to index
          %parallel_loop3A_200 = arith.constant 48 : index
          %parallel_loop3A_201 = tpu.vector_load %arg15[%parallel_loop3A_199, %parallel_loop3A_200] {strides = array<i32>} : memref<80x128xf32, #tpu.memory_space<vmem>>, vector<16xf32>,
          %parallel_loop3A_202 = arith.mulf %parallel_loop3A_201, %parallel_loop3A_177 : vector<16xf32>
          %parallel_loop3A_203 = arith.index_cast %parallel_loop3A_172 : i32 to index
          %parallel_loop3A_204 = arith.constant 48 : index
          %parallel_loop3A_205 = tpu.vector_load %arg15[%parallel_loop3A_203, %parallel_loop3A_204] {strides = array<i32>} : memref<80x128xf32, #tpu.memory_space<vmem>>, vector<16xf32>,
          tpu.vector_store %arg15[%parallel_loop3A_203, %parallel_loop3A_204], %parallel_loop3A_202 {strides = array<i32>} : memref<80x128xf32, #tpu.memory_space<vmem>>, vector<16xf32>,
          %parallel_loop3A_206 = arith.index_cast %parallel_loop3A_172 : i32 to index
          %parallel_loop3A_207 = arith.constant 64 : index
          %parallel_loop3A_208 = tpu.vector_load %arg15[%parallel_loop3A_206, %parallel_loop3A_207] {strides = array<i32>} : memref<80x128xf32, #tpu.memory_space<vmem>>, vector<16xf32>,
          %parallel_loop3A_209 = arith.mulf %parallel_loop3A_208, %parallel_loop3A_177 : vector<16xf32>
          %parallel_loop3A_210 = arith.index_cast %parallel_loop3A_172 : i32 to index
          %parallel_loop3A_211 = arith.constant 64 : index
          %parallel_loop3A_212 = tpu.vector_load %arg15[%parallel_loop3A_210, %parallel_loop3A_211] {strides = array<i32>} : memref<80x128xf32, #tpu.memory_space<vmem>>, vector<16xf32>,
          tpu.vector_store %arg15[%parallel_loop3A_210, %parallel_loop3A_211], %parallel_loop3A_209 {strides = array<i32>} : memref<80x128xf32, #tpu.memory_space<vmem>>, vector<16xf32>,
          %parallel_loop3A_213 = arith.index_cast %parallel_loop3A_172 : i32 to index
          %parallel_loop3A_214 = arith.constant 80 : index
          %parallel_loop3A_215 = tpu.vector_load %arg15[%parallel_loop3A_213, %parallel_loop3A_214] {strides = array<i32>} : memref<80x128xf32, #tpu.memory_space<vmem>>, vector<16xf32>,
          %parallel_loop3A_216 = arith.mulf %parallel_loop3A_215, %parallel_loop3A_177 : vector<16xf32>
          %parallel_loop3A_217 = arith.index_cast %parallel_loop3A_172 : i32 to index
          %parallel_loop3A_218 = arith.constant 80 : index
          %parallel_loop3A_219 = tpu.vector_load %arg15[%parallel_loop3A_217, %parallel_loop3A_218] {strides = array<i32>} : memref<80x128xf32, #tpu.memory_space<vmem>>, vector<16xf32>,
          tpu.vector_store %arg15[%parallel_loop3A_217, %parallel_loop3A_218], %parallel_loop3A_216 {strides = array<i32>} : memref<80x128xf32, #tpu.memory_space<vmem>>, vector<16xf32>,
          %parallel_loop3A_220 = arith.index_cast %parallel_loop3A_172 : i32 to index
          %parallel_loop3A_221 = arith.constant 96 : index
          %parallel_loop3A_222 = tpu.vector_load %arg15[%parallel_loop3A_220, %parallel_loop3A_221] {strides = array<i32>} : memref<80x128xf32, #tpu.memory_space<vmem>>, vector<16xf32>,
          %parallel_loop3A_223 = arith.mulf %parallel_loop3A_222, %parallel_loop3A_177 : vector<16xf32>
          %parallel_loop3A_224 = arith.index_cast %parallel_loop3A_172 : i32 to index
          %parallel_loop3A_225 = arith.constant 96 : index
          %parallel_loop3A_226 = tpu.vector_load %arg15[%parallel_loop3A_224, %parallel_loop3A_225] {strides = array<i32>} : memref<80x128xf32, #tpu.memory_space<vmem>>, vector<16xf32>,
          tpu.vector_store %arg15[%parallel_loop3A_224, %parallel_loop3A_225], %parallel_loop3A_223 {strides = array<i32>} : memref<80x128xf32, #tpu.memory_space<vmem>>, vector<16xf32>,
          %parallel_loop3A_227 = arith.index_cast %parallel_loop3A_172 : i32 to index
          %parallel_loop3A_228 = arith.constant 112 : index
          %parallel_loop3A_229 = tpu.vector_load %arg15[%parallel_loop3A_227, %parallel_loop3A_228] {strides = array<i32>} : memref<80x128xf32, #tpu.memory_space<vmem>>, vector<16xf32>,
          %parallel_loop3A_230 = arith.mulf %parallel_loop3A_229, %parallel_loop3A_177 : vector<16xf32>
          %parallel_loop3A_231 = arith.index_cast %parallel_loop3A_172 : i32 to index
          %parallel_loop3A_232 = arith.constant 112 : index
          %parallel_loop3A_233 = tpu.vector_load %arg15[%parallel_loop3A_231, %parallel_loop3A_232] {strides = array<i32>} : memref<80x128xf32, #tpu.memory_space<vmem>>, vector<16xf32>,
          tpu.vector_store %arg15[%parallel_loop3A_231, %parallel_loop3A_232], %parallel_loop3A_230 {strides = array<i32>} : memref<80x128xf32, #tpu.memory_space<vmem>>, vector<16xf32>,
        } {sc.loop_unroll_factor = 4 : i64, sc.parallel_access}
        %dma_start3A_146 = arith.constant 0 : i32
        %dma_start3A_147 = tpu.memref_slice %arg11[%mul3A_124, %dma_start3A_146] : memref<25x80xi32, #tpu.memory_space<vmem>> -> memref<1x80xi32, #tpu.memory_space<vmem>>
        %dma_start3A_148 = tpu.memref_squeeze %dma_start3A_147 : memref<1x80xi32, #tpu.memory_space<vmem>> -> memref<80xi32, #tpu.memory_space<vmem>>
        %dma_start3A_149 = arith.constant 0 : i32
        %dma_start3A_150 = arith.constant 0 : i32
        %dma_start3A_151 = tpu.memref_slice %arg24[%dma_start3A_149, %dma_start3A_150] : memref<10000x128xf32, #tpu.memory_space<vmem_shared>> -> memref<10000x128xf32, #tpu.memory_space<vmem_shared>>
        tpu.enqueue_indirect_dma source(%arg15 : memref<80x128xf32, #tpu.memory_space<vmem>>) target(%dma_start3A_151 : memref<10000x128xf32, #tpu.memory_space<vmem_shared>>) offsets(%dma_start3A_148 : memref<80xi32, #tpu.memory_space<vmem>>) semaphore(%arg21 : memref<!tpu.dma_semaphore, #tpu.memory_space<semaphore_mem>>) {add = true}
        %lt3A = arith.constant 11 : i32
        %lt3A_152 = arith.cmpi slt, %scan3A_121, %lt3A : i32
        %convert_element_type3A_153 = arith.extui %lt3A_152 : i1 to i32
        %cond3A_154 = arith.constant 0 : i32
        %cond3A_155 = arith.cmpi ne, %convert_element_type3A_153, %cond3A_154 : i32
        scf.if %cond3A_155 {
          %dma_wait3A_172 = arith.constant 0 : i32
          %dma_wait3A_173 = tpu.memref_slice %arg11[%mul3A_124, %dma_wait3A_172] : memref<25x80xi32, #tpu.memory_space<vmem>> -> memref<1x80xi32, #tpu.memory_space<vmem>>
          %dma_wait3A_174 = tpu.memref_squeeze %dma_wait3A_173 : memref<1x80xi32, #tpu.memory_space<vmem>> -> memref<80xi32, #tpu.memory_space<vmem>>
          %dma_wait3A_175 = arith.constant 0 : i32
          %dma_wait3A_176 = arith.constant 0 : i32
          %dma_wait3A_177 = tpu.memref_slice %arg24[%dma_wait3A_175, %dma_wait3A_176] : memref<10000x128xf32, #tpu.memory_space<vmem_shared>> -> memref<10000x128xf32, #tpu.memory_space<vmem_shared>>
          tpu.wait_indirect_dma semaphore(%arg21 : memref<!tpu.dma_semaphore, #tpu.memory_space<semaphore_mem>>) src(%arg15 : memref<80x128xf32, #tpu.memory_space<vmem>>) dst(%dma_wait3A_177 : memref<10000x128xf32, #tpu.memory_space<vmem_shared>>)
          %add3A_178 = arith.constant 2 : i32
          %add3A_179 = arith.addi %mul3A_124, %add3A_178 : i32
          %dma_start3A_180 = arith.constant 0 : i32
          %dma_start3A_181 = tpu.memref_slice %arg10[%add3A_179, %dma_start3A_180] : memref<25x80xi32, #tpu.memory_space<vmem>> -> memref<1x80xi32, #tpu.memory_space<vmem>>
          %dma_start3A_182 = tpu.memref_squeeze %dma_start3A_181 : memref<1x80xi32, #tpu.memory_space<vmem>> -> memref<80xi32, #tpu.memory_space<vmem>>
          %dma_start3A_183 = arith.constant 0 : i32
          %dma_start3A_184 = arith.constant 0 : i32
          %dma_start3A_185 = tpu.memref_slice %arg7[%dma_start3A_183, %dma_start3A_184] : memref<10000x128xf32, #tpu.memory_space<hbm>> -> memref<10000x128xf32, #tpu.memory_space<hbm>>
          tpu.enqueue_indirect_dma source(%dma_start3A_185 : memref<10000x128xf32, #tpu.memory_space<hbm>>) target(%arg15 : memref<80x128xf32, #tpu.memory_space<vmem>>) offsets(%dma_start3A_182 : memref<80xi32, #tpu.memory_space<vmem>>) semaphore(%arg19 : memref<!tpu.dma_semaphore, #tpu.memory_space<semaphore_mem>>)
        } else {
        }
        %dma_wait3A_156 = arith.constant 0 : i32
        %dma_wait3A_157 = tpu.memref_slice %arg10[%add3A_126, %dma_wait3A_156] : memref<25x80xi32, #tpu.memory_space<vmem>> -> memref<1x80xi32, #tpu.memory_space<vmem>>
        %dma_wait3A_158 = tpu.memref_squeeze %dma_wait3A_157 : memref<1x80xi32, #tpu.memory_space<vmem>> -> memref<80xi32, #tpu.memory_space<vmem>>
        %dma_wait3A_159 = arith.constant 0 : i32
        %dma_wait3A_160 = arith.constant 0 : i32
        %dma_wait3A_161 = tpu.memref_slice %arg7[%dma_wait3A_159, %dma_wait3A_160] : memref<10000x128xf32, #tpu.memory_space<hbm>> -> memref<10000x128xf32, #tpu.memory_space<hbm>>
        tpu.wait_indirect_dma semaphore(%arg20 : memref<!tpu.dma_semaphore, #tpu.memory_space<semaphore_mem>>) src(%dma_wait3A_161 : memref<10000x128xf32, #tpu.memory_space<hbm>>) dst(%arg16 : memref<80x128xf32, #tpu.memory_space<vmem>>)
        %parallel_loop3A_162 = arith.constant 0 : i32
        %parallel_loop3A_163 = arith.constant 80 : i32
        %parallel_loop3A_164 = arith.constant 1 : i32
        scf.for %parallel_loop3A_172 = %parallel_loop3A_162 to %parallel_loop3A_163 step %parallel_loop3A_164  : i32 {
          %parallel_loop3A_173 = arith.constant 80 : i32
          %parallel_loop3A_174 = arith.muli %add3A_126, %parallel_loop3A_173 : i32
          %parallel_loop3A_175 = arith.addi %parallel_loop3A_174, %parallel_loop3A_172 : i32
          %parallel_loop3A_176 = vector.broadcast %parallel_loop3A_175 : i32 to vector<16xi32>
          %parallel_loop3A_177 = tpu.vector_load_idx %arg13[%parallel_loop3A_176] : memref<2000xf32, #tpu.memory_space<vmem>>[vector<16xi32>], vector<16xf32>,
          %parallel_loop3A_178 = arith.index_cast %parallel_loop3A_172 : i32 to index
          %parallel_loop3A_179 = arith.constant 0 : index
          %parallel_loop3A_180 = tpu.vector_load %arg16[%parallel_loop3A_178, %parallel_loop3A_179] {strides = array<i32>} : memref<80x128xf32, #tpu.memory_space<vmem>>, vector<16xf32>,
          %parallel_loop3A_181 = arith.mulf %parallel_loop3A_180, %parallel_loop3A_177 : vector<16xf32>
          %parallel_loop3A_182 = arith.index_cast %parallel_loop3A_172 : i32 to index
          %parallel_loop3A_183 = arith.constant 0 : index
          %parallel_loop3A_184 = tpu.vector_load %arg16[%parallel_loop3A_182, %parallel_loop3A_183] {strides = array<i32>} : memref<80x128xf32, #tpu.memory_space<vmem>>, vector<16xf32>,
          tpu.vector_store %arg16[%parallel_loop3A_182, %parallel_loop3A_183], %parallel_loop3A_181 {strides = array<i32>} : memref<80x128xf32, #tpu.memory_space<vmem>>, vector<16xf32>,
          %parallel_loop3A_185 = arith.index_cast %parallel_loop3A_172 : i32 to index
          %parallel_loop3A_186 = arith.constant 16 : index
          %parallel_loop3A_187 = tpu.vector_load %arg16[%parallel_loop3A_185, %parallel_loop3A_186] {strides = array<i32>} : memref<80x128xf32, #tpu.memory_space<vmem>>, vector<16xf32>,
          %parallel_loop3A_188 = arith.mulf %parallel_loop3A_187, %parallel_loop3A_177 : vector<16xf32>
          %parallel_loop3A_189 = arith.index_cast %parallel_loop3A_172 : i32 to index
          %parallel_loop3A_190 = arith.constant 16 : index
          %parallel_loop3A_191 = tpu.vector_load %arg16[%parallel_loop3A_189, %parallel_loop3A_190] {strides = array<i32>} : memref<80x128xf32, #tpu.memory_space<vmem>>, vector<16xf32>,
          tpu.vector_store %arg16[%parallel_loop3A_189, %parallel_loop3A_190], %parallel_loop3A_188 {strides = array<i32>} : memref<80x128xf32, #tpu.memory_space<vmem>>, vector<16xf32>,
          %parallel_loop3A_192 = arith.index_cast %parallel_loop3A_172 : i32 to index
          %parallel_loop3A_193 = arith.constant 32 : index
          %parallel_loop3A_194 = tpu.vector_load %arg16[%parallel_loop3A_192, %parallel_loop3A_193] {strides = array<i32>} : memref<80x128xf32, #tpu.memory_space<vmem>>, vector<16xf32>,
          %parallel_loop3A_195 = arith.mulf %parallel_loop3A_194, %parallel_loop3A_177 : vector<16xf32>
          %parallel_loop3A_196 = arith.index_cast %parallel_loop3A_172 : i32 to index
          %parallel_loop3A_197 = arith.constant 32 : index
          %parallel_loop3A_198 = tpu.vector_load %arg16[%parallel_loop3A_196, %parallel_loop3A_197] {strides = array<i32>} : memref<80x128xf32, #tpu.memory_space<vmem>>, vector<16xf32>,
          tpu.vector_store %arg16[%parallel_loop3A_196, %parallel_loop3A_197], %parallel_loop3A_195 {strides = array<i32>} : memref<80x128xf32, #tpu.memory_space<vmem>>, vector<16xf32>,
          %parallel_loop3A_199 = arith.index_cast %parallel_loop3A_172 : i32 to index
          %parallel_loop3A_200 = arith.constant 48 : index
          %parallel_loop3A_201 = tpu.vector_load %arg16[%parallel_loop3A_199, %parallel_loop3A_200] {strides = array<i32>} : memref<80x128xf32, #tpu.memory_space<vmem>>, vector<16xf32>,
          %parallel_loop3A_202 = arith.mulf %parallel_loop3A_201, %parallel_loop3A_177 : vector<16xf32>
          %parallel_loop3A_203 = arith.index_cast %parallel_loop3A_172 : i32 to index
          %parallel_loop3A_204 = arith.constant 48 : index
          %parallel_loop3A_205 = tpu.vector_load %arg16[%parallel_loop3A_203, %parallel_loop3A_204] {strides = array<i32>} : memref<80x128xf32, #tpu.memory_space<vmem>>, vector<16xf32>,
          tpu.vector_store %arg16[%parallel_loop3A_203, %parallel_loop3A_204], %parallel_loop3A_202 {strides = array<i32>} : memref<80x128xf32, #tpu.memory_space<vmem>>, vector<16xf32>,
          %parallel_loop3A_206 = arith.index_cast %parallel_loop3A_172 : i32 to index
          %parallel_loop3A_207 = arith.constant 64 : index
          %parallel_loop3A_208 = tpu.vector_load %arg16[%parallel_loop3A_206, %parallel_loop3A_207] {strides = array<i32>} : memref<80x128xf32, #tpu.memory_space<vmem>>, vector<16xf32>,
          %parallel_loop3A_209 = arith.mulf %parallel_loop3A_208, %parallel_loop3A_177 : vector<16xf32>
          %parallel_loop3A_210 = arith.index_cast %parallel_loop3A_172 : i32 to index
          %parallel_loop3A_211 = arith.constant 64 : index
          %parallel_loop3A_212 = tpu.vector_load %arg16[%parallel_loop3A_210, %parallel_loop3A_211] {strides = array<i32>} : memref<80x128xf32, #tpu.memory_space<vmem>>, vector<16xf32>,
          tpu.vector_store %arg16[%parallel_loop3A_210, %parallel_loop3A_211], %parallel_loop3A_209 {strides = array<i32>} : memref<80x128xf32, #tpu.memory_space<vmem>>, vector<16xf32>,
          %parallel_loop3A_213 = arith.index_cast %parallel_loop3A_172 : i32 to index
          %parallel_loop3A_214 = arith.constant 80 : index
          %parallel_loop3A_215 = tpu.vector_load %arg16[%parallel_loop3A_213, %parallel_loop3A_214] {strides = array<i32>} : memref<80x128xf32, #tpu.memory_space<vmem>>, vector<16xf32>,
          %parallel_loop3A_216 = arith.mulf %parallel_loop3A_215, %parallel_loop3A_177 : vector<16xf32>
          %parallel_loop3A_217 = arith.index_cast %parallel_loop3A_172 : i32 to index
          %parallel_loop3A_218 = arith.constant 80 : index
          %parallel_loop3A_219 = tpu.vector_load %arg16[%parallel_loop3A_217, %parallel_loop3A_218] {strides = array<i32>} : memref<80x128xf32, #tpu.memory_space<vmem>>, vector<16xf32>,
          tpu.vector_store %arg16[%parallel_loop3A_217, %parallel_loop3A_218], %parallel_loop3A_216 {strides = array<i32>} : memref<80x128xf32, #tpu.memory_space<vmem>>, vector<16xf32>,
          %parallel_loop3A_220 = arith.index_cast %parallel_loop3A_172 : i32 to index
          %parallel_loop3A_221 = arith.constant 96 : index
          %parallel_loop3A_222 = tpu.vector_load %arg16[%parallel_loop3A_220, %parallel_loop3A_221] {strides = array<i32>} : memref<80x128xf32, #tpu.memory_space<vmem>>, vector<16xf32>,
          %parallel_loop3A_223 = arith.mulf %parallel_loop3A_222, %parallel_loop3A_177 : vector<16xf32>
          %parallel_loop3A_224 = arith.index_cast %parallel_loop3A_172 : i32 to index
          %parallel_loop3A_225 = arith.constant 96 : index
          %parallel_loop3A_226 = tpu.vector_load %arg16[%parallel_loop3A_224, %parallel_loop3A_225] {strides = array<i32>} : memref<80x128xf32, #tpu.memory_space<vmem>>, vector<16xf32>,
          tpu.vector_store %arg16[%parallel_loop3A_224, %parallel_loop3A_225], %parallel_loop3A_223 {strides = array<i32>} : memref<80x128xf32, #tpu.memory_space<vmem>>, vector<16xf32>,
          %parallel_loop3A_227 = arith.index_cast %parallel_loop3A_172 : i32 to index
          %parallel_loop3A_228 = arith.constant 112 : index
          %parallel_loop3A_229 = tpu.vector_load %arg16[%parallel_loop3A_227, %parallel_loop3A_228] {strides = array<i32>} : memref<80x128xf32, #tpu.memory_space<vmem>>, vector<16xf32>,
          %parallel_loop3A_230 = arith.mulf %parallel_loop3A_229, %parallel_loop3A_177 : vector<16xf32>
          %parallel_loop3A_231 = arith.index_cast %parallel_loop3A_172 : i32 to index
          %parallel_loop3A_232 = arith.constant 112 : index
          %parallel_loop3A_233 = tpu.vector_load %arg16[%parallel_loop3A_231, %parallel_loop3A_232] {strides = array<i32>} : memref<80x128xf32, #tpu.memory_space<vmem>>, vector<16xf32>,
          tpu.vector_store %arg16[%parallel_loop3A_231, %parallel_loop3A_232], %parallel_loop3A_230 {strides = array<i32>} : memref<80x128xf32, #tpu.memory_space<vmem>>, vector<16xf32>,
        } {sc.loop_unroll_factor = 4 : i64, sc.parallel_access}
        %dma_start3A_165 = arith.constant 0 : i32
        %dma_start3A_166 = tpu.memref_slice %arg11[%add3A_126, %dma_start3A_165] : memref<25x80xi32, #tpu.memory_space<vmem>> -> memref<1x80xi32, #tpu.memory_space<vmem>>
        %dma_start3A_167 = tpu.memref_squeeze %dma_start3A_166 : memref<1x80xi32, #tpu.memory_space<vmem>> -> memref<80xi32, #tpu.memory_space<vmem>>
        %dma_start3A_168 = arith.constant 0 : i32
        %dma_start3A_169 = arith.constant 0 : i32
        %dma_start3A_170 = tpu.memref_slice %arg24[%dma_start3A_168, %dma_start3A_169] : memref<10000x128xf32, #tpu.memory_space<vmem_shared>> -> memref<10000x128xf32, #tpu.memory_space<vmem_shared>>
        tpu.enqueue_indirect_dma source(%arg16 : memref<80x128xf32, #tpu.memory_space<vmem>>) target(%dma_start3A_170 : memref<10000x128xf32, #tpu.memory_space<vmem_shared>>) offsets(%dma_start3A_167 : memref<80xi32, #tpu.memory_space<vmem>>) semaphore(%arg22 : memref<!tpu.dma_semaphore, #tpu.memory_space<semaphore_mem>>) {add = true}
        %scan3A_171 = arith.constant 0 : i32
        scf.yield %scan3A_171 : i32
      }
      %scan3A_102 = arith.constant 12 : i32
      %dma_wait3A = arith.constant 22 : i32
      %dma_wait3A_103 = arith.constant 0 : i32
      %dma_wait3A_104 = tpu.memref_slice %arg11[%dma_wait3A, %dma_wait3A_103] : memref<25x80xi32, #tpu.memory_space<vmem>> -> memref<1x80xi32, #tpu.memory_space<vmem>>
      %dma_wait3A_105 = tpu.memref_squeeze %dma_wait3A_104 : memref<1x80xi32, #tpu.memory_space<vmem>> -> memref<80xi32, #tpu.memory_space<vmem>>
      %dma_wait3A_106 = arith.constant 0 : i32
      %dma_wait3A_107 = arith.constant 0 : i32
      %dma_wait3A_108 = tpu.memref_slice %arg24[%dma_wait3A_106, %dma_wait3A_107] : memref<10000x128xf32, #tpu.memory_space<vmem_shared>> -> memref<10000x128xf32, #tpu.memory_space<vmem_shared>>
      tpu.wait_indirect_dma semaphore(%arg21 : memref<!tpu.dma_semaphore, #tpu.memory_space<semaphore_mem>>) src(%arg15 : memref<80x128xf32, #tpu.memory_space<vmem>>) dst(%dma_wait3A_108 : memref<10000x128xf32, #tpu.memory_space<vmem_shared>>)
      %run_scoped3A = arith.constant 24 : i32
      "tpu.region"() ({
        %run_scoped3A_121 = tpu.sem_alloc : memref<!tpu.dma_semaphore, #tpu.memory_space<semaphore_mem>>
        %dma_start3A_122 = arith.constant 0 : i32
        %dma_start3A_123 = tpu.memref_slice %arg10[%run_scoped3A, %dma_start3A_122] : memref<25x80xi32, #tpu.memory_space<vmem>> -> memref<1x80xi32, #tpu.memory_space<vmem>>
        %dma_start3A_124 = tpu.memref_squeeze %dma_start3A_123 : memref<1x80xi32, #tpu.memory_space<vmem>> -> memref<80xi32, #tpu.memory_space<vmem>>
        %dma_start3A_125 = arith.constant 0 : i32
        %dma_start3A_126 = arith.constant 0 : i32
        %dma_start3A_127 = tpu.memref_slice %arg7[%dma_start3A_125, %dma_start3A_126] : memref<10000x128xf32, #tpu.memory_space<hbm>> -> memref<10000x128xf32, #tpu.memory_space<hbm>>
        tpu.enqueue_indirect_dma source(%dma_start3A_127 : memref<10000x128xf32, #tpu.memory_space<hbm>>) target(%arg15 : memref<80x128xf32, #tpu.memory_space<vmem>>) offsets(%dma_start3A_124 : memref<80xi32, #tpu.memory_space<vmem>>) semaphore(%run_scoped3A_121 : memref<!tpu.dma_semaphore, #tpu.memory_space<semaphore_mem>>)
        %dma_wait3A_128 = arith.constant 0 : i32
        %dma_wait3A_129 = tpu.memref_slice %arg10[%run_scoped3A, %dma_wait3A_128] : memref<25x80xi32, #tpu.memory_space<vmem>> -> memref<1x80xi32, #tpu.memory_space<vmem>>
        %dma_wait3A_130 = tpu.memref_squeeze %dma_wait3A_129 : memref<1x80xi32, #tpu.memory_space<vmem>> -> memref<80xi32, #tpu.memory_space<vmem>>
        %dma_wait3A_131 = arith.constant 0 : i32
        %dma_wait3A_132 = arith.constant 0 : i32
        %dma_wait3A_133 = tpu.memref_slice %arg7[%dma_wait3A_131, %dma_wait3A_132] : memref<10000x128xf32, #tpu.memory_space<hbm>> -> memref<10000x128xf32, #tpu.memory_space<hbm>>
        tpu.wait_indirect_dma semaphore(%run_scoped3A_121 : memref<!tpu.dma_semaphore, #tpu.memory_space<semaphore_mem>>) src(%dma_wait3A_133 : memref<10000x128xf32, #tpu.memory_space<hbm>>) dst(%arg15 : memref<80x128xf32, #tpu.memory_space<vmem>>)
        tpu.yield
      }) : () -> ()
      %parallel_loop3A_109 = arith.constant 0 : i32
      %parallel_loop3A_110 = arith.constant 80 : i32
      %parallel_loop3A_111 = arith.constant 1 : i32
      scf.for %parallel_loop3A_121 = %parallel_loop3A_109 to %parallel_loop3A_110 step %parallel_loop3A_111  : i32 {
        %parallel_loop3A_122 = arith.constant 1920 : i32
        %parallel_loop3A_123 = arith.addi %parallel_loop3A_122, %parallel_loop3A_121 : i32
        %parallel_loop3A_124 = vector.broadcast %parallel_loop3A_123 : i32 to vector<16xi32>
        %parallel_loop3A_125 = tpu.vector_load_idx %arg13[%parallel_loop3A_124] : memref<2000xf32, #tpu.memory_space<vmem>>[vector<16xi32>], vector<16xf32>,
        %parallel_loop3A_126 = arith.index_cast %parallel_loop3A_121 : i32 to index
        %parallel_loop3A_127 = arith.constant 0 : index
        %parallel_loop3A_128 = tpu.vector_load %arg15[%parallel_loop3A_126, %parallel_loop3A_127] {strides = array<i32>} : memref<80x128xf32, #tpu.memory_space<vmem>>, vector<16xf32>,
        %parallel_loop3A_129 = arith.mulf %parallel_loop3A_128, %parallel_loop3A_125 : vector<16xf32>
        %parallel_loop3A_130 = arith.index_cast %parallel_loop3A_121 : i32 to index
        %parallel_loop3A_131 = arith.constant 0 : index
        %parallel_loop3A_132 = tpu.vector_load %arg15[%parallel_loop3A_130, %parallel_loop3A_131] {strides = array<i32>} : memref<80x128xf32, #tpu.memory_space<vmem>>, vector<16xf32>,
        tpu.vector_store %arg15[%parallel_loop3A_130, %parallel_loop3A_131], %parallel_loop3A_129 {strides = array<i32>} : memref<80x128xf32, #tpu.memory_space<vmem>>, vector<16xf32>,
        %parallel_loop3A_133 = arith.index_cast %parallel_loop3A_121 : i32 to index
        %parallel_loop3A_134 = arith.constant 16 : index
        %parallel_loop3A_135 = tpu.vector_load %arg15[%parallel_loop3A_133, %parallel_loop3A_134] {strides = array<i32>} : memref<80x128xf32, #tpu.memory_space<vmem>>, vector<16xf32>,
        %parallel_loop3A_136 = arith.mulf %parallel_loop3A_135, %parallel_loop3A_125 : vector<16xf32>
        %parallel_loop3A_137 = arith.index_cast %parallel_loop3A_121 : i32 to index
        %parallel_loop3A_138 = arith.constant 16 : index
        %parallel_loop3A_139 = tpu.vector_load %arg15[%parallel_loop3A_137, %parallel_loop3A_138] {strides = array<i32>} : memref<80x128xf32, #tpu.memory_space<vmem>>, vector<16xf32>,
        tpu.vector_store %arg15[%parallel_loop3A_137, %parallel_loop3A_138], %parallel_loop3A_136 {strides = array<i32>} : memref<80x128xf32, #tpu.memory_space<vmem>>, vector<16xf32>,
        %parallel_loop3A_140 = arith.index_cast %parallel_loop3A_121 : i32 to index
        %parallel_loop3A_141 = arith.constant 32 : index
        %parallel_loop3A_142 = tpu.vector_load %arg15[%parallel_loop3A_140, %parallel_loop3A_141] {strides = array<i32>} : memref<80x128xf32, #tpu.memory_space<vmem>>, vector<16xf32>,
        %parallel_loop3A_143 = arith.mulf %parallel_loop3A_142, %parallel_loop3A_125 : vector<16xf32>
        %parallel_loop3A_144 = arith.index_cast %parallel_loop3A_121 : i32 to index
        %parallel_loop3A_145 = arith.constant 32 : index
        %parallel_loop3A_146 = tpu.vector_load %arg15[%parallel_loop3A_144, %parallel_loop3A_145] {strides = array<i32>} : memref<80x128xf32, #tpu.memory_space<vmem>>, vector<16xf32>,
        tpu.vector_store %arg15[%parallel_loop3A_144, %parallel_loop3A_145], %parallel_loop3A_143 {strides = array<i32>} : memref<80x128xf32, #tpu.memory_space<vmem>>, vector<16xf32>,
        %parallel_loop3A_147 = arith.index_cast %parallel_loop3A_121 : i32 to index
        %parallel_loop3A_148 = arith.constant 48 : index
        %parallel_loop3A_149 = tpu.vector_load %arg15[%parallel_loop3A_147, %parallel_loop3A_148] {strides = array<i32>} : memref<80x128xf32, #tpu.memory_space<vmem>>, vector<16xf32>,
        %parallel_loop3A_150 = arith.mulf %parallel_loop3A_149, %parallel_loop3A_125 : vector<16xf32>
        %parallel_loop3A_151 = arith.index_cast %parallel_loop3A_121 : i32 to index
        %parallel_loop3A_152 = arith.constant 48 : index
        %parallel_loop3A_153 = tpu.vector_load %arg15[%parallel_loop3A_151, %parallel_loop3A_152] {strides = array<i32>} : memref<80x128xf32, #tpu.memory_space<vmem>>, vector<16xf32>,
        tpu.vector_store %arg15[%parallel_loop3A_151, %parallel_loop3A_152], %parallel_loop3A_150 {strides = array<i32>} : memref<80x128xf32, #tpu.memory_space<vmem>>, vector<16xf32>,
        %parallel_loop3A_154 = arith.index_cast %parallel_loop3A_121 : i32 to index
        %parallel_loop3A_155 = arith.constant 64 : index
        %parallel_loop3A_156 = tpu.vector_load %arg15[%parallel_loop3A_154, %parallel_loop3A_155] {strides = array<i32>} : memref<80x128xf32, #tpu.memory_space<vmem>>, vector<16xf32>,
        %parallel_loop3A_157 = arith.mulf %parallel_loop3A_156, %parallel_loop3A_125 : vector<16xf32>
        %parallel_loop3A_158 = arith.index_cast %parallel_loop3A_121 : i32 to index
        %parallel_loop3A_159 = arith.constant 64 : index
        %parallel_loop3A_160 = tpu.vector_load %arg15[%parallel_loop3A_158, %parallel_loop3A_159] {strides = array<i32>} : memref<80x128xf32, #tpu.memory_space<vmem>>, vector<16xf32>,
        tpu.vector_store %arg15[%parallel_loop3A_158, %parallel_loop3A_159], %parallel_loop3A_157 {strides = array<i32>} : memref<80x128xf32, #tpu.memory_space<vmem>>, vector<16xf32>,
        %parallel_loop3A_161 = arith.index_cast %parallel_loop3A_121 : i32 to index
        %parallel_loop3A_162 = arith.constant 80 : index
        %parallel_loop3A_163 = tpu.vector_load %arg15[%parallel_loop3A_161, %parallel_loop3A_162] {strides = array<i32>} : memref<80x128xf32, #tpu.memory_space<vmem>>, vector<16xf32>,
        %parallel_loop3A_164 = arith.mulf %parallel_loop3A_163, %parallel_loop3A_125 : vector<16xf32>
        %parallel_loop3A_165 = arith.index_cast %parallel_loop3A_121 : i32 to index
        %parallel_loop3A_166 = arith.constant 80 : index
        %parallel_loop3A_167 = tpu.vector_load %arg15[%parallel_loop3A_165, %parallel_loop3A_166] {strides = array<i32>} : memref<80x128xf32, #tpu.memory_space<vmem>>, vector<16xf32>,
        tpu.vector_store %arg15[%parallel_loop3A_165, %parallel_loop3A_166], %parallel_loop3A_164 {strides = array<i32>} : memref<80x128xf32, #tpu.memory_space<vmem>>, vector<16xf32>,
        %parallel_loop3A_168 = arith.index_cast %parallel_loop3A_121 : i32 to index
        %parallel_loop3A_169 = arith.constant 96 : index
        %parallel_loop3A_170 = tpu.vector_load %arg15[%parallel_loop3A_168, %parallel_loop3A_169] {strides = array<i32>} : memref<80x128xf32, #tpu.memory_space<vmem>>, vector<16xf32>,
        %parallel_loop3A_171 = arith.mulf %parallel_loop3A_170, %parallel_loop3A_125 : vector<16xf32>
        %parallel_loop3A_172 = arith.index_cast %parallel_loop3A_121 : i32 to index
        %parallel_loop3A_173 = arith.constant 96 : index
        %parallel_loop3A_174 = tpu.vector_load %arg15[%parallel_loop3A_172, %parallel_loop3A_173] {strides = array<i32>} : memref<80x128xf32, #tpu.memory_space<vmem>>, vector<16xf32>,
        tpu.vector_store %arg15[%parallel_loop3A_172, %parallel_loop3A_173], %parallel_loop3A_171 {strides = array<i32>} : memref<80x128xf32, #tpu.memory_space<vmem>>, vector<16xf32>,
        %parallel_loop3A_175 = arith.index_cast %parallel_loop3A_121 : i32 to index
        %parallel_loop3A_176 = arith.constant 112 : index
        %parallel_loop3A_177 = tpu.vector_load %arg15[%parallel_loop3A_175, %parallel_loop3A_176] {strides = array<i32>} : memref<80x128xf32, #tpu.memory_space<vmem>>, vector<16xf32>,
        %parallel_loop3A_178 = arith.mulf %parallel_loop3A_177, %parallel_loop3A_125 : vector<16xf32>
        %parallel_loop3A_179 = arith.index_cast %parallel_loop3A_121 : i32 to index
        %parallel_loop3A_180 = arith.constant 112 : index
        %parallel_loop3A_181 = tpu.vector_load %arg15[%parallel_loop3A_179, %parallel_loop3A_180] {strides = array<i32>} : memref<80x128xf32, #tpu.memory_space<vmem>>, vector<16xf32>,
        tpu.vector_store %arg15[%parallel_loop3A_179, %parallel_loop3A_180], %parallel_loop3A_178 {strides = array<i32>} : memref<80x128xf32, #tpu.memory_space<vmem>>, vector<16xf32>,
      } {sc.loop_unroll_factor = 4 : i64, sc.parallel_access}
      %dma_wait3A_112 = arith.constant 23 : i32
      %dma_wait3A_113 = arith.constant 0 : i32
      %dma_wait3A_114 = tpu.memref_slice %arg11[%dma_wait3A_112, %dma_wait3A_113] : memref<25x80xi32, #tpu.memory_space<vmem>> -> memref<1x80xi32, #tpu.memory_space<vmem>>
      %dma_wait3A_115 = tpu.memref_squeeze %dma_wait3A_114 : memref<1x80xi32, #tpu.memory_space<vmem>> -> memref<80xi32, #tpu.memory_space<vmem>>
      %dma_wait3A_116 = arith.constant 0 : i32
      %dma_wait3A_117 = arith.constant 0 : i32
      %dma_wait3A_118 = tpu.memref_slice %arg24[%dma_wait3A_116, %dma_wait3A_117] : memref<10000x128xf32, #tpu.memory_space<vmem_shared>> -> memref<10000x128xf32, #tpu.memory_space<vmem_shared>>
      tpu.wait_indirect_dma semaphore(%arg22 : memref<!tpu.dma_semaphore, #tpu.memory_space<semaphore_mem>>) src(%arg16 : memref<80x128xf32, #tpu.memory_space<vmem>>) dst(%dma_wait3A_118 : memref<10000x128xf32, #tpu.memory_space<vmem_shared>>)
      %run_scoped3A_119 = arith.constant 24 : i32
      "tpu.region"() ({
        %run_scoped3A_121 = tpu.sem_alloc : memref<!tpu.dma_semaphore, #tpu.memory_space<semaphore_mem>>
        %dma_start3A_122 = arith.constant 0 : i32
        %dma_start3A_123 = tpu.memref_slice %arg11[%run_scoped3A_119, %dma_start3A_122] : memref<25x80xi32, #tpu.memory_space<vmem>> -> memref<1x80xi32, #tpu.memory_space<vmem>>
        %dma_start3A_124 = tpu.memref_squeeze %dma_start3A_123 : memref<1x80xi32, #tpu.memory_space<vmem>> -> memref<80xi32, #tpu.memory_space<vmem>>
        %dma_start3A_125 = arith.constant 0 : i32
        %dma_start3A_126 = arith.constant 0 : i32
        %dma_start3A_127 = tpu.memref_slice %arg24[%dma_start3A_125, %dma_start3A_126] : memref<10000x128xf32, #tpu.memory_space<vmem_shared>> -> memref<10000x128xf32, #tpu.memory_space<vmem_shared>>
        tpu.enqueue_indirect_dma source(%arg15 : memref<80x128xf32, #tpu.memory_space<vmem>>) target(%dma_start3A_127 : memref<10000x128xf32, #tpu.memory_space<vmem_shared>>) offsets(%dma_start3A_124 : memref<80xi32, #tpu.memory_space<vmem>>) semaphore(%run_scoped3A_121 : memref<!tpu.dma_semaphore, #tpu.memory_space<semaphore_mem>>) {add = true}
        %dma_wait3A_128 = arith.constant 0 : i32
        %dma_wait3A_129 = tpu.memref_slice %arg11[%run_scoped3A_119, %dma_wait3A_128] : memref<25x80xi32, #tpu.memory_space<vmem>> -> memref<1x80xi32, #tpu.memory_space<vmem>>
        %dma_wait3A_130 = tpu.memref_squeeze %dma_wait3A_129 : memref<1x80xi32, #tpu.memory_space<vmem>> -> memref<80xi32, #tpu.memory_space<vmem>>
        %dma_wait3A_131 = arith.constant 0 : i32
        %dma_wait3A_132 = arith.constant 0 : i32
        %dma_wait3A_133 = tpu.memref_slice %arg24[%dma_wait3A_131, %dma_wait3A_132] : memref<10000x128xf32, #tpu.memory_space<vmem_shared>> -> memref<10000x128xf32, #tpu.memory_space<vmem_shared>>
        tpu.wait_indirect_dma semaphore(%run_scoped3A_121 : memref<!tpu.dma_semaphore, #tpu.memory_space<semaphore_mem>>) src(%arg15 : memref<80x128xf32, #tpu.memory_space<vmem>>) dst(%dma_wait3A_133 : memref<10000x128xf32, #tpu.memory_space<vmem_shared>>)
        tpu.yield
      }) : () -> ()
      %scan3A_120 = arith.constant 0 : i32
      scf.yield %scan3A_120 : i32
    }
    %scan3A_58 = arith.constant 5 : i32
    %barrier3A_59 = arith.constant 0 : index
    tpu.barrier barrier_id(%barrier3A_59)
    %mul3A_60 = arith.constant 625 : i32
    %mul3A_61 = arith.muli %arg1, %mul3A_60 : i32
    %add3A_62 = arith.constant 0 : i32
    %add3A_63 = arith.addi %mul3A_61, %add3A_62 : i32
    "tpu.region"() ({
      %run_scoped3A = tpu.sem_alloc : memref<!tpu.dma_semaphore, #tpu.memory_space<semaphore_mem>>
      %dma_start3A = arith.constant 0 : i32
      %dma_start3A_78 = tpu.memref_slice %arg24[%add3A_63, %dma_start3A] : memref<10000x128xf32, #tpu.memory_space<vmem_shared>> -> memref<80x128xf32, #tpu.memory_space<vmem_shared>>
      %dma_start3A_79 = arith.constant 0 : i32
      %dma_start3A_80 = tpu.memref_slice %arg24[%add3A_63, %dma_start3A_79] : memref<10000x128xf32, #tpu.memory_space<vmem_shared>> -> memref<80x128xf32, #tpu.memory_space<vmem_shared>>
      tpu.enqueue_dma source(%dma_start3A_80 : memref<80x128xf32, #tpu.memory_space<vmem_shared>>) target(%arg15 : memref<80x128xf32, #tpu.memory_space<vmem>>) target_semaphore(%run_scoped3A : memref<!tpu.dma_semaphore, #tpu.memory_space<semaphore_mem>>)
      %dma_wait3A = arith.constant 0 : i32
      %dma_wait3A_81 = tpu.memref_slice %arg24[%add3A_63, %dma_wait3A] : memref<10000x128xf32, #tpu.memory_space<vmem_shared>> -> memref<80x128xf32, #tpu.memory_space<vmem_shared>>
      %dma_wait3A_82 = arith.constant 0 : i32
      %dma_wait3A_83 = tpu.memref_slice %arg24[%add3A_63, %dma_wait3A_82] : memref<10000x128xf32, #tpu.memory_space<vmem_shared>> -> memref<80x128xf32, #tpu.memory_space<vmem_shared>>
      tpu.wait_dma2 semaphore(%run_scoped3A : memref<!tpu.dma_semaphore, #tpu.memory_space<semaphore_mem>>) src(%dma_wait3A_83 : memref<80x128xf32, #tpu.memory_space<vmem_shared>>) dst(%arg15 : memref<80x128xf32, #tpu.memory_space<vmem>>)
      tpu.yield
    }) : () -> ()
    "tpu.region"() ({
      %run_scoped3A = tpu.sem_alloc : memref<!tpu.dma_semaphore, #tpu.memory_space<semaphore_mem>>
      %dma_start3A = arith.constant 0 : i32
      %dma_start3A_78 = tpu.memref_slice %arg8[%arg0, %add3A_63, %dma_start3A] : memref<2x10000x128xf32, #tpu.memory_space<hbm>> -> memref<1x80x128xf32, #tpu.memory_space<hbm>>
      %dma_start3A_79 = tpu.memref_squeeze %dma_start3A_78 : memref<1x80x128xf32, #tpu.memory_space<hbm>> -> memref<80x128xf32, #tpu.memory_space<hbm>>
      %dma_start3A_80 = arith.constant 0 : i32
      %dma_start3A_81 = tpu.memref_slice %arg8[%arg0, %add3A_63, %dma_start3A_80] : memref<2x10000x128xf32, #tpu.memory_space<hbm>> -> memref<1x80x128xf32, #tpu.memory_space<hbm>>
      %dma_start3A_82 = tpu.memref_squeeze %dma_start3A_81 : memref<1x80x128xf32, #tpu.memory_space<hbm>> -> memref<80x128xf32, #tpu.memory_space<hbm>>
      tpu.enqueue_dma source(%arg15 : memref<80x128xf32, #tpu.memory_space<vmem>>) target(%dma_start3A_82 : memref<80x128xf32, #tpu.memory_space<hbm>>) target_semaphore(%run_scoped3A : memref<!tpu.dma_semaphore, #tpu.memory_space<semaphore_mem>>)
      %dma_wait3A = arith.constant 0 : i32
      %dma_wait3A_83 = tpu.memref_slice %arg8[%arg0, %add3A_63, %dma_wait3A] : memref<2x10000x128xf32, #tpu.memory_space<hbm>> -> memref<1x80x128xf32, #tpu.memory_space<hbm>>
      %dma_wait3A_84 = tpu.memref_squeeze %dma_wait3A_83 : memref<1x80x128xf32, #tpu.memory_space<hbm>> -> memref<80x128xf32, #tpu.memory_space<hbm>>
      %dma_wait3A_85 = arith.constant 0 : i32
      %dma_wait3A_86 = tpu.memref_slice %arg8[%arg0, %add3A_63, %dma_wait3A_85] : memref<2x10000x128xf32, #tpu.memory_space<hbm>> -> memref<1x80x128xf32, #tpu.memory_space<hbm>>
      %dma_wait3A_87 = tpu.memref_squeeze %dma_wait3A_86 : memref<1x80x128xf32, #tpu.memory_space<hbm>> -> memref<80x128xf32, #tpu.memory_space<hbm>>
      tpu.wait_dma2 semaphore(%run_scoped3A : memref<!tpu.dma_semaphore, #tpu.memory_space<semaphore_mem>>) src(%arg15 : memref<80x128xf32, #tpu.memory_space<vmem>>) dst(%dma_wait3A_87 : memref<80x128xf32, #tpu.memory_space<hbm>>)
      tpu.yield
    }) : () -> ()
    %add3A_64 = arith.constant 80 : i32
    %add3A_65 = arith.addi %mul3A_61, %add3A_64 : i32
    "tpu.region"() ({
      %run_scoped3A = tpu.sem_alloc : memref<!tpu.dma_semaphore, #tpu.memory_space<semaphore_mem>>
      %dma_start3A = arith.constant 0 : i32
      %dma_start3A_78 = tpu.memref_slice %arg24[%add3A_65, %dma_start3A] : memref<10000x128xf32, #tpu.memory_space<vmem_shared>> -> memref<80x128xf32, #tpu.memory_space<vmem_shared>>
      %dma_start3A_79 = arith.constant 0 : i32
      %dma_start3A_80 = tpu.memref_slice %arg24[%add3A_65, %dma_start3A_79] : memref<10000x128xf32, #tpu.memory_space<vmem_shared>> -> memref<80x128xf32, #tpu.memory_space<vmem_shared>>
      tpu.enqueue_dma source(%dma_start3A_80 : memref<80x128xf32, #tpu.memory_space<vmem_shared>>) target(%arg15 : memref<80x128xf32, #tpu.memory_space<vmem>>) target_semaphore(%run_scoped3A : memref<!tpu.dma_semaphore, #tpu.memory_space<semaphore_mem>>)
      %dma_wait3A = arith.constant 0 : i32
      %dma_wait3A_81 = tpu.memref_slice %arg24[%add3A_65, %dma_wait3A] : memref<10000x128xf32, #tpu.memory_space<vmem_shared>> -> memref<80x128xf32, #tpu.memory_space<vmem_shared>>
      %dma_wait3A_82 = arith.constant 0 : i32
      %dma_wait3A_83 = tpu.memref_slice %arg24[%add3A_65, %dma_wait3A_82] : memref<10000x128xf32, #tpu.memory_space<vmem_shared>> -> memref<80x128xf32, #tpu.memory_space<vmem_shared>>
      tpu.wait_dma2 semaphore(%run_scoped3A : memref<!tpu.dma_semaphore, #tpu.memory_space<semaphore_mem>>) src(%dma_wait3A_83 : memref<80x128xf32, #tpu.memory_space<vmem_shared>>) dst(%arg15 : memref<80x128xf32, #tpu.memory_space<vmem>>)
      tpu.yield
    }) : () -> ()
    "tpu.region"() ({
      %run_scoped3A = tpu.sem_alloc : memref<!tpu.dma_semaphore, #tpu.memory_space<semaphore_mem>>
      %dma_start3A = arith.constant 0 : i32
      %dma_start3A_78 = tpu.memref_slice %arg8[%arg0, %add3A_65, %dma_start3A] : memref<2x10000x128xf32, #tpu.memory_space<hbm>> -> memref<1x80x128xf32, #tpu.memory_space<hbm>>
      %dma_start3A_79 = tpu.memref_squeeze %dma_start3A_78 : memref<1x80x128xf32, #tpu.memory_space<hbm>> -> memref<80x128xf32, #tpu.memory_space<hbm>>
      %dma_start3A_80 = arith.constant 0 : i32
      %dma_start3A_81 = tpu.memref_slice %arg8[%arg0, %add3A_65, %dma_start3A_80] : memref<2x10000x128xf32, #tpu.memory_space<hbm>> -> memref<1x80x128xf32, #tpu.memory_space<hbm>>
      %dma_start3A_82 = tpu.memref_squeeze %dma_start3A_81 : memref<1x80x128xf32, #tpu.memory_space<hbm>> -> memref<80x128xf32, #tpu.memory_space<hbm>>
      tpu.enqueue_dma source(%arg15 : memref<80x128xf32, #tpu.memory_space<vmem>>) target(%dma_start3A_82 : memref<80x128xf32, #tpu.memory_space<hbm>>) target_semaphore(%run_scoped3A : memref<!tpu.dma_semaphore, #tpu.memory_space<semaphore_mem>>)
      %dma_wait3A = arith.constant 0 : i32
      %dma_wait3A_83 = tpu.memref_slice %arg8[%arg0, %add3A_65, %dma_wait3A] : memref<2x10000x128xf32, #tpu.memory_space<hbm>> -> memref<1x80x128xf32, #tpu.memory_space<hbm>>
      %dma_wait3A_84 = tpu.memref_squeeze %dma_wait3A_83 : memref<1x80x128xf32, #tpu.memory_space<hbm>> -> memref<80x128xf32, #tpu.memory_space<hbm>>
      %dma_wait3A_85 = arith.constant 0 : i32
      %dma_wait3A_86 = tpu.memref_slice %arg8[%arg0, %add3A_65, %dma_wait3A_85] : memref<2x10000x128xf32, #tpu.memory_space<hbm>> -> memref<1x80x128xf32, #tpu.memory_space<hbm>>
      %dma_wait3A_87 = tpu.memref_squeeze %dma_wait3A_86 : memref<1x80x128xf32, #tpu.memory_space<hbm>> -> memref<80x128xf32, #tpu.memory_space<hbm>>
      tpu.wait_dma2 semaphore(%run_scoped3A : memref<!tpu.dma_semaphore, #tpu.memory_space<semaphore_mem>>) src(%arg15 : memref<80x128xf32, #tpu.memory_space<vmem>>) dst(%dma_wait3A_87 : memref<80x128xf32, #tpu.memory_space<hbm>>)
      tpu.yield
    }) : () -> ()
    %add3A_66 = arith.constant 160 : i32
    %add3A_67 = arith.addi %mul3A_61, %add3A_66 : i32
    "tpu.region"() ({
      %run_scoped3A = tpu.sem_alloc : memref<!tpu.dma_semaphore, #tpu.memory_space<semaphore_mem>>
      %dma_start3A = arith.constant 0 : i32
      %dma_start3A_78 = tpu.memref_slice %arg24[%add3A_67, %dma_start3A] : memref<10000x128xf32, #tpu.memory_space<vmem_shared>> -> memref<80x128xf32, #tpu.memory_space<vmem_shared>>
      %dma_start3A_79 = arith.constant 0 : i32
      %dma_start3A_80 = tpu.memref_slice %arg24[%add3A_67, %dma_start3A_79] : memref<10000x128xf32, #tpu.memory_space<vmem_shared>> -> memref<80x128xf32, #tpu.memory_space<vmem_shared>>
      tpu.enqueue_dma source(%dma_start3A_80 : memref<80x128xf32, #tpu.memory_space<vmem_shared>>) target(%arg15 : memref<80x128xf32, #tpu.memory_space<vmem>>) target_semaphore(%run_scoped3A : memref<!tpu.dma_semaphore, #tpu.memory_space<semaphore_mem>>)
      %dma_wait3A = arith.constant 0 : i32
      %dma_wait3A_81 = tpu.memref_slice %arg24[%add3A_67, %dma_wait3A] : memref<10000x128xf32, #tpu.memory_space<vmem_shared>> -> memref<80x128xf32, #tpu.memory_space<vmem_shared>>
      %dma_wait3A_82 = arith.constant 0 : i32
      %dma_wait3A_83 = tpu.memref_slice %arg24[%add3A_67, %dma_wait3A_82] : memref<10000x128xf32, #tpu.memory_space<vmem_shared>> -> memref<80x128xf32, #tpu.memory_space<vmem_shared>>
      tpu.wait_dma2 semaphore(%run_scoped3A : memref<!tpu.dma_semaphore, #tpu.memory_space<semaphore_mem>>) src(%dma_wait3A_83 : memref<80x128xf32, #tpu.memory_space<vmem_shared>>) dst(%arg15 : memref<80x128xf32, #tpu.memory_space<vmem>>)
      tpu.yield
    }) : () -> ()
    "tpu.region"() ({
      %run_scoped3A = tpu.sem_alloc : memref<!tpu.dma_semaphore, #tpu.memory_space<semaphore_mem>>
      %dma_start3A = arith.constant 0 : i32
      %dma_start3A_78 = tpu.memref_slice %arg8[%arg0, %add3A_67, %dma_start3A] : memref<2x10000x128xf32, #tpu.memory_space<hbm>> -> memref<1x80x128xf32, #tpu.memory_space<hbm>>
      %dma_start3A_79 = tpu.memref_squeeze %dma_start3A_78 : memref<1x80x128xf32, #tpu.memory_space<hbm>> -> memref<80x128xf32, #tpu.memory_space<hbm>>
      %dma_start3A_80 = arith.constant 0 : i32
      %dma_start3A_81 = tpu.memref_slice %arg8[%arg0, %add3A_67, %dma_start3A_80] : memref<2x10000x128xf32, #tpu.memory_space<hbm>> -> memref<1x80x128xf32, #tpu.memory_space<hbm>>
      %dma_start3A_82 = tpu.memref_squeeze %dma_start3A_81 : memref<1x80x128xf32, #tpu.memory_space<hbm>> -> memref<80x128xf32, #tpu.memory_space<hbm>>
      tpu.enqueue_dma source(%arg15 : memref<80x128xf32, #tpu.memory_space<vmem>>) target(%dma_start3A_82 : memref<80x128xf32, #tpu.memory_space<hbm>>) target_semaphore(%run_scoped3A : memref<!tpu.dma_semaphore, #tpu.memory_space<semaphore_mem>>)
      %dma_wait3A = arith.constant 0 : i32
      %dma_wait3A_83 = tpu.memref_slice %arg8[%arg0, %add3A_67, %dma_wait3A] : memref<2x10000x128xf32, #tpu.memory_space<hbm>> -> memref<1x80x128xf32, #tpu.memory_space<hbm>>
      %dma_wait3A_84 = tpu.memref_squeeze %dma_wait3A_83 : memref<1x80x128xf32, #tpu.memory_space<hbm>> -> memref<80x128xf32, #tpu.memory_space<hbm>>
      %dma_wait3A_85 = arith.constant 0 : i32
      %dma_wait3A_86 = tpu.memref_slice %arg8[%arg0, %add3A_67, %dma_wait3A_85] : memref<2x10000x128xf32, #tpu.memory_space<hbm>> -> memref<1x80x128xf32, #tpu.memory_space<hbm>>
      %dma_wait3A_87 = tpu.memref_squeeze %dma_wait3A_86 : memref<1x80x128xf32, #tpu.memory_space<hbm>> -> memref<80x128xf32, #tpu.memory_space<hbm>>
      tpu.wait_dma2 semaphore(%run_scoped3A : memref<!tpu.dma_semaphore, #tpu.memory_space<semaphore_mem>>) src(%arg15 : memref<80x128xf32, #tpu.memory_space<vmem>>) dst(%dma_wait3A_87 : memref<80x128xf32, #tpu.memory_space<hbm>>)
      tpu.yield
    }) : () -> ()
    %add3A_68 = arith.constant 240 : i32
    %add3A_69 = arith.addi %mul3A_61, %add3A_68 : i32
    "tpu.region"() ({
      %run_scoped3A = tpu.sem_alloc : memref<!tpu.dma_semaphore, #tpu.memory_space<semaphore_mem>>
      %dma_start3A = arith.constant 0 : i32
      %dma_start3A_78 = tpu.memref_slice %arg24[%add3A_69, %dma_start3A] : memref<10000x128xf32, #tpu.memory_space<vmem_shared>> -> memref<80x128xf32, #tpu.memory_space<vmem_shared>>
      %dma_start3A_79 = arith.constant 0 : i32
      %dma_start3A_80 = tpu.memref_slice %arg24[%add3A_69, %dma_start3A_79] : memref<10000x128xf32, #tpu.memory_space<vmem_shared>> -> memref<80x128xf32, #tpu.memory_space<vmem_shared>>
      tpu.enqueue_dma source(%dma_start3A_80 : memref<80x128xf32, #tpu.memory_space<vmem_shared>>) target(%arg15 : memref<80x128xf32, #tpu.memory_space<vmem>>) target_semaphore(%run_scoped3A : memref<!tpu.dma_semaphore, #tpu.memory_space<semaphore_mem>>)
      %dma_wait3A = arith.constant 0 : i32
      %dma_wait3A_81 = tpu.memref_slice %arg24[%add3A_69, %dma_wait3A] : memref<10000x128xf32, #tpu.memory_space<vmem_shared>> -> memref<80x128xf32, #tpu.memory_space<vmem_shared>>
      %dma_wait3A_82 = arith.constant 0 : i32
      %dma_wait3A_83 = tpu.memref_slice %arg24[%add3A_69, %dma_wait3A_82] : memref<10000x128xf32, #tpu.memory_space<vmem_shared>> -> memref<80x128xf32, #tpu.memory_space<vmem_shared>>
      tpu.wait_dma2 semaphore(%run_scoped3A : memref<!tpu.dma_semaphore, #tpu.memory_space<semaphore_mem>>) src(%dma_wait3A_83 : memref<80x128xf32, #tpu.memory_space<vmem_shared>>) dst(%arg15 : memref<80x128xf32, #tpu.memory_space<vmem>>)
      tpu.yield
    }) : () -> ()
    "tpu.region"() ({
      %run_scoped3A = tpu.sem_alloc : memref<!tpu.dma_semaphore, #tpu.memory_space<semaphore_mem>>
      %dma_start3A = arith.constant 0 : i32
      %dma_start3A_78 = tpu.memref_slice %arg8[%arg0, %add3A_69, %dma_start3A] : memref<2x10000x128xf32, #tpu.memory_space<hbm>> -> memref<1x80x128xf32, #tpu.memory_space<hbm>>
      %dma_start3A_79 = tpu.memref_squeeze %dma_start3A_78 : memref<1x80x128xf32, #tpu.memory_space<hbm>> -> memref<80x128xf32, #tpu.memory_space<hbm>>
      %dma_start3A_80 = arith.constant 0 : i32
      %dma_start3A_81 = tpu.memref_slice %arg8[%arg0, %add3A_69, %dma_start3A_80] : memref<2x10000x128xf32, #tpu.memory_space<hbm>> -> memref<1x80x128xf32, #tpu.memory_space<hbm>>
      %dma_start3A_82 = tpu.memref_squeeze %dma_start3A_81 : memref<1x80x128xf32, #tpu.memory_space<hbm>> -> memref<80x128xf32, #tpu.memory_space<hbm>>
      tpu.enqueue_dma source(%arg15 : memref<80x128xf32, #tpu.memory_space<vmem>>) target(%dma_start3A_82 : memref<80x128xf32, #tpu.memory_space<hbm>>) target_semaphore(%run_scoped3A : memref<!tpu.dma_semaphore, #tpu.memory_space<semaphore_mem>>)
      %dma_wait3A = arith.constant 0 : i32
      %dma_wait3A_83 = tpu.memref_slice %arg8[%arg0, %add3A_69, %dma_wait3A] : memref<2x10000x128xf32, #tpu.memory_space<hbm>> -> memref<1x80x128xf32, #tpu.memory_space<hbm>>
      %dma_wait3A_84 = tpu.memref_squeeze %dma_wait3A_83 : memref<1x80x128xf32, #tpu.memory_space<hbm>> -> memref<80x128xf32, #tpu.memory_space<hbm>>
      %dma_wait3A_85 = arith.constant 0 : i32
      %dma_wait3A_86 = tpu.memref_slice %arg8[%arg0, %add3A_69, %dma_wait3A_85] : memref<2x10000x128xf32, #tpu.memory_space<hbm>> -> memref<1x80x128xf32, #tpu.memory_space<hbm>>
      %dma_wait3A_87 = tpu.memref_squeeze %dma_wait3A_86 : memref<1x80x128xf32, #tpu.memory_space<hbm>> -> memref<80x128xf32, #tpu.memory_space<hbm>>
      tpu.wait_dma2 semaphore(%run_scoped3A : memref<!tpu.dma_semaphore, #tpu.memory_space<semaphore_mem>>) src(%arg15 : memref<80x128xf32, #tpu.memory_space<vmem>>) dst(%dma_wait3A_87 : memref<80x128xf32, #tpu.memory_space<hbm>>)
      tpu.yield
    }) : () -> ()
    %add3A_70 = arith.constant 320 : i32
    %add3A_71 = arith.addi %mul3A_61, %add3A_70 : i32
    "tpu.region"() ({
      %run_scoped3A = tpu.sem_alloc : memref<!tpu.dma_semaphore, #tpu.memory_space<semaphore_mem>>
      %dma_start3A = arith.constant 0 : i32
      %dma_start3A_78 = tpu.memref_slice %arg24[%add3A_71, %dma_start3A] : memref<10000x128xf32, #tpu.memory_space<vmem_shared>> -> memref<80x128xf32, #tpu.memory_space<vmem_shared>>
      %dma_start3A_79 = arith.constant 0 : i32
      %dma_start3A_80 = tpu.memref_slice %arg24[%add3A_71, %dma_start3A_79] : memref<10000x128xf32, #tpu.memory_space<vmem_shared>> -> memref<80x128xf32, #tpu.memory_space<vmem_shared>>
      tpu.enqueue_dma source(%dma_start3A_80 : memref<80x128xf32, #tpu.memory_space<vmem_shared>>) target(%arg15 : memref<80x128xf32, #tpu.memory_space<vmem>>) target_semaphore(%run_scoped3A : memref<!tpu.dma_semaphore, #tpu.memory_space<semaphore_mem>>)
      %dma_wait3A = arith.constant 0 : i32
      %dma_wait3A_81 = tpu.memref_slice %arg24[%add3A_71, %dma_wait3A] : memref<10000x128xf32, #tpu.memory_space<vmem_shared>> -> memref<80x128xf32, #tpu.memory_space<vmem_shared>>
      %dma_wait3A_82 = arith.constant 0 : i32
      %dma_wait3A_83 = tpu.memref_slice %arg24[%add3A_71, %dma_wait3A_82] : memref<10000x128xf32, #tpu.memory_space<vmem_shared>> -> memref<80x128xf32, #tpu.memory_space<vmem_shared>>
      tpu.wait_dma2 semaphore(%run_scoped3A : memref<!tpu.dma_semaphore, #tpu.memory_space<semaphore_mem>>) src(%dma_wait3A_83 : memref<80x128xf32, #tpu.memory_space<vmem_shared>>) dst(%arg15 : memref<80x128xf32, #tpu.memory_space<vmem>>)
      tpu.yield
    }) : () -> ()
    "tpu.region"() ({
      %run_scoped3A = tpu.sem_alloc : memref<!tpu.dma_semaphore, #tpu.memory_space<semaphore_mem>>
      %dma_start3A = arith.constant 0 : i32
      %dma_start3A_78 = tpu.memref_slice %arg8[%arg0, %add3A_71, %dma_start3A] : memref<2x10000x128xf32, #tpu.memory_space<hbm>> -> memref<1x80x128xf32, #tpu.memory_space<hbm>>
      %dma_start3A_79 = tpu.memref_squeeze %dma_start3A_78 : memref<1x80x128xf32, #tpu.memory_space<hbm>> -> memref<80x128xf32, #tpu.memory_space<hbm>>
      %dma_start3A_80 = arith.constant 0 : i32
      %dma_start3A_81 = tpu.memref_slice %arg8[%arg0, %add3A_71, %dma_start3A_80] : memref<2x10000x128xf32, #tpu.memory_space<hbm>> -> memref<1x80x128xf32, #tpu.memory_space<hbm>>
      %dma_start3A_82 = tpu.memref_squeeze %dma_start3A_81 : memref<1x80x128xf32, #tpu.memory_space<hbm>> -> memref<80x128xf32, #tpu.memory_space<hbm>>
      tpu.enqueue_dma source(%arg15 : memref<80x128xf32, #tpu.memory_space<vmem>>) target(%dma_start3A_82 : memref<80x128xf32, #tpu.memory_space<hbm>>) target_semaphore(%run_scoped3A : memref<!tpu.dma_semaphore, #tpu.memory_space<semaphore_mem>>)
      %dma_wait3A = arith.constant 0 : i32
      %dma_wait3A_83 = tpu.memref_slice %arg8[%arg0, %add3A_71, %dma_wait3A] : memref<2x10000x128xf32, #tpu.memory_space<hbm>> -> memref<1x80x128xf32, #tpu.memory_space<hbm>>
      %dma_wait3A_84 = tpu.memref_squeeze %dma_wait3A_83 : memref<1x80x128xf32, #tpu.memory_space<hbm>> -> memref<80x128xf32, #tpu.memory_space<hbm>>
      %dma_wait3A_85 = arith.constant 0 : i32
      %dma_wait3A_86 = tpu.memref_slice %arg8[%arg0, %add3A_71, %dma_wait3A_85] : memref<2x10000x128xf32, #tpu.memory_space<hbm>> -> memref<1x80x128xf32, #tpu.memory_space<hbm>>
      %dma_wait3A_87 = tpu.memref_squeeze %dma_wait3A_86 : memref<1x80x128xf32, #tpu.memory_space<hbm>> -> memref<80x128xf32, #tpu.memory_space<hbm>>
      tpu.wait_dma2 semaphore(%run_scoped3A : memref<!tpu.dma_semaphore, #tpu.memory_space<semaphore_mem>>) src(%arg15 : memref<80x128xf32, #tpu.memory_space<vmem>>) dst(%dma_wait3A_87 : memref<80x128xf32, #tpu.memory_space<hbm>>)
      tpu.yield
    }) : () -> ()
    %add3A_72 = arith.constant 400 : i32
    %add3A_73 = arith.addi %mul3A_61, %add3A_72 : i32
    "tpu.region"() ({
      %run_scoped3A = tpu.sem_alloc : memref<!tpu.dma_semaphore, #tpu.memory_space<semaphore_mem>>
      %dma_start3A = arith.constant 0 : i32
      %dma_start3A_78 = tpu.memref_slice %arg24[%add3A_73, %dma_start3A] : memref<10000x128xf32, #tpu.memory_space<vmem_shared>> -> memref<80x128xf32, #tpu.memory_space<vmem_shared>>
      %dma_start3A_79 = arith.constant 0 : i32
      %dma_start3A_80 = tpu.memref_slice %arg24[%add3A_73, %dma_start3A_79] : memref<10000x128xf32, #tpu.memory_space<vmem_shared>> -> memref<80x128xf32, #tpu.memory_space<vmem_shared>>
      tpu.enqueue_dma source(%dma_start3A_80 : memref<80x128xf32, #tpu.memory_space<vmem_shared>>) target(%arg15 : memref<80x128xf32, #tpu.memory_space<vmem>>) target_semaphore(%run_scoped3A : memref<!tpu.dma_semaphore, #tpu.memory_space<semaphore_mem>>)
      %dma_wait3A = arith.constant 0 : i32
      %dma_wait3A_81 = tpu.memref_slice %arg24[%add3A_73, %dma_wait3A] : memref<10000x128xf32, #tpu.memory_space<vmem_shared>> -> memref<80x128xf32, #tpu.memory_space<vmem_shared>>
      %dma_wait3A_82 = arith.constant 0 : i32
      %dma_wait3A_83 = tpu.memref_slice %arg24[%add3A_73, %dma_wait3A_82] : memref<10000x128xf32, #tpu.memory_space<vmem_shared>> -> memref<80x128xf32, #tpu.memory_space<vmem_shared>>
      tpu.wait_dma2 semaphore(%run_scoped3A : memref<!tpu.dma_semaphore, #tpu.memory_space<semaphore_mem>>) src(%dma_wait3A_83 : memref<80x128xf32, #tpu.memory_space<vmem_shared>>) dst(%arg15 : memref<80x128xf32, #tpu.memory_space<vmem>>)
      tpu.yield
    }) : () -> ()
    "tpu.region"() ({
      %run_scoped3A = tpu.sem_alloc : memref<!tpu.dma_semaphore, #tpu.memory_space<semaphore_mem>>
      %dma_start3A = arith.constant 0 : i32
      %dma_start3A_78 = tpu.memref_slice %arg8[%arg0, %add3A_73, %dma_start3A] : memref<2x10000x128xf32, #tpu.memory_space<hbm>> -> memref<1x80x128xf32, #tpu.memory_space<hbm>>
      %dma_start3A_79 = tpu.memref_squeeze %dma_start3A_78 : memref<1x80x128xf32, #tpu.memory_space<hbm>> -> memref<80x128xf32, #tpu.memory_space<hbm>>
      %dma_start3A_80 = arith.constant 0 : i32
      %dma_start3A_81 = tpu.memref_slice %arg8[%arg0, %add3A_73, %dma_start3A_80] : memref<2x10000x128xf32, #tpu.memory_space<hbm>> -> memref<1x80x128xf32, #tpu.memory_space<hbm>>
      %dma_start3A_82 = tpu.memref_squeeze %dma_start3A_81 : memref<1x80x128xf32, #tpu.memory_space<hbm>> -> memref<80x128xf32, #tpu.memory_space<hbm>>
      tpu.enqueue_dma source(%arg15 : memref<80x128xf32, #tpu.memory_space<vmem>>) target(%dma_start3A_82 : memref<80x128xf32, #tpu.memory_space<hbm>>) target_semaphore(%run_scoped3A : memref<!tpu.dma_semaphore, #tpu.memory_space<semaphore_mem>>)
      %dma_wait3A = arith.constant 0 : i32
      %dma_wait3A_83 = tpu.memref_slice %arg8[%arg0, %add3A_73, %dma_wait3A] : memref<2x10000x128xf32, #tpu.memory_space<hbm>> -> memref<1x80x128xf32, #tpu.memory_space<hbm>>
      %dma_wait3A_84 = tpu.memref_squeeze %dma_wait3A_83 : memref<1x80x128xf32, #tpu.memory_space<hbm>> -> memref<80x128xf32, #tpu.memory_space<hbm>>
      %dma_wait3A_85 = arith.constant 0 : i32
      %dma_wait3A_86 = tpu.memref_slice %arg8[%arg0, %add3A_73, %dma_wait3A_85] : memref<2x10000x128xf32, #tpu.memory_space<hbm>> -> memref<1x80x128xf32, #tpu.memory_space<hbm>>
      %dma_wait3A_87 = tpu.memref_squeeze %dma_wait3A_86 : memref<1x80x128xf32, #tpu.memory_space<hbm>> -> memref<80x128xf32, #tpu.memory_space<hbm>>
      tpu.wait_dma2 semaphore(%run_scoped3A : memref<!tpu.dma_semaphore, #tpu.memory_space<semaphore_mem>>) src(%arg15 : memref<80x128xf32, #tpu.memory_space<vmem>>) dst(%dma_wait3A_87 : memref<80x128xf32, #tpu.memory_space<hbm>>)
      tpu.yield
    }) : () -> ()
    %add3A_74 = arith.constant 480 : i32
    %add3A_75 = arith.addi %mul3A_61, %add3A_74 : i32
    "tpu.region"() ({
      %run_scoped3A = tpu.sem_alloc : memref<!tpu.dma_semaphore, #tpu.memory_space<semaphore_mem>>
      %dma_start3A = arith.constant 0 : i32
      %dma_start3A_78 = tpu.memref_slice %arg24[%add3A_75, %dma_start3A] : memref<10000x128xf32, #tpu.memory_space<vmem_shared>> -> memref<80x128xf32, #tpu.memory_space<vmem_shared>>
      %dma_start3A_79 = arith.constant 0 : i32
      %dma_start3A_80 = tpu.memref_slice %arg24[%add3A_75, %dma_start3A_79] : memref<10000x128xf32, #tpu.memory_space<vmem_shared>> -> memref<80x128xf32, #tpu.memory_space<vmem_shared>>
      tpu.enqueue_dma source(%dma_start3A_80 : memref<80x128xf32, #tpu.memory_space<vmem_shared>>) target(%arg15 : memref<80x128xf32, #tpu.memory_space<vmem>>) target_semaphore(%run_scoped3A : memref<!tpu.dma_semaphore, #tpu.memory_space<semaphore_mem>>)
      %dma_wait3A = arith.constant 0 : i32
      %dma_wait3A_81 = tpu.memref_slice %arg24[%add3A_75, %dma_wait3A] : memref<10000x128xf32, #tpu.memory_space<vmem_shared>> -> memref<80x128xf32, #tpu.memory_space<vmem_shared>>
      %dma_wait3A_82 = arith.constant 0 : i32
      %dma_wait3A_83 = tpu.memref_slice %arg24[%add3A_75, %dma_wait3A_82] : memref<10000x128xf32, #tpu.memory_space<vmem_shared>> -> memref<80x128xf32, #tpu.memory_space<vmem_shared>>
      tpu.wait_dma2 semaphore(%run_scoped3A : memref<!tpu.dma_semaphore, #tpu.memory_space<semaphore_mem>>) src(%dma_wait3A_83 : memref<80x128xf32, #tpu.memory_space<vmem_shared>>) dst(%arg15 : memref<80x128xf32, #tpu.memory_space<vmem>>)
      tpu.yield
    }) : () -> ()
    "tpu.region"() ({
      %run_scoped3A = tpu.sem_alloc : memref<!tpu.dma_semaphore, #tpu.memory_space<semaphore_mem>>
      %dma_start3A = arith.constant 0 : i32
      %dma_start3A_78 = tpu.memref_slice %arg8[%arg0, %add3A_75, %dma_start3A] : memref<2x10000x128xf32, #tpu.memory_space<hbm>> -> memref<1x80x128xf32, #tpu.memory_space<hbm>>
      %dma_start3A_79 = tpu.memref_squeeze %dma_start3A_78 : memref<1x80x128xf32, #tpu.memory_space<hbm>> -> memref<80x128xf32, #tpu.memory_space<hbm>>
      %dma_start3A_80 = arith.constant 0 : i32
      %dma_start3A_81 = tpu.memref_slice %arg8[%arg0, %add3A_75, %dma_start3A_80] : memref<2x10000x128xf32, #tpu.memory_space<hbm>> -> memref<1x80x128xf32, #tpu.memory_space<hbm>>
      %dma_start3A_82 = tpu.memref_squeeze %dma_start3A_81 : memref<1x80x128xf32, #tpu.memory_space<hbm>> -> memref<80x128xf32, #tpu.memory_space<hbm>>
      tpu.enqueue_dma source(%arg15 : memref<80x128xf32, #tpu.memory_space<vmem>>) target(%dma_start3A_82 : memref<80x128xf32, #tpu.memory_space<hbm>>) target_semaphore(%run_scoped3A : memref<!tpu.dma_semaphore, #tpu.memory_space<semaphore_mem>>)
      %dma_wait3A = arith.constant 0 : i32
      %dma_wait3A_83 = tpu.memref_slice %arg8[%arg0, %add3A_75, %dma_wait3A] : memref<2x10000x128xf32, #tpu.memory_space<hbm>> -> memref<1x80x128xf32, #tpu.memory_space<hbm>>
      %dma_wait3A_84 = tpu.memref_squeeze %dma_wait3A_83 : memref<1x80x128xf32, #tpu.memory_space<hbm>> -> memref<80x128xf32, #tpu.memory_space<hbm>>
      %dma_wait3A_85 = arith.constant 0 : i32
      %dma_wait3A_86 = tpu.memref_slice %arg8[%arg0, %add3A_75, %dma_wait3A_85] : memref<2x10000x128xf32, #tpu.memory_space<hbm>> -> memref<1x80x128xf32, #tpu.memory_space<hbm>>
      %dma_wait3A_87 = tpu.memref_squeeze %dma_wait3A_86 : memref<1x80x128xf32, #tpu.memory_space<hbm>> -> memref<80x128xf32, #tpu.memory_space<hbm>>
      tpu.wait_dma2 semaphore(%run_scoped3A : memref<!tpu.dma_semaphore, #tpu.memory_space<semaphore_mem>>) src(%arg15 : memref<80x128xf32, #tpu.memory_space<vmem>>) dst(%dma_wait3A_87 : memref<80x128xf32, #tpu.memory_space<hbm>>)
      tpu.yield
    }) : () -> ()
    %add3A_76 = arith.constant 560 : i32
    %add3A_77 = arith.addi %mul3A_61, %add3A_76 : i32
    "tpu.region"() ({
      %run_scoped3A = tpu.sem_alloc : memref<!tpu.dma_semaphore, #tpu.memory_space<semaphore_mem>>
      %dma_start3A = arith.constant 0 : i32
      %dma_start3A_78 = arith.constant 0 : i32
      %dma_start3A_79 = tpu.memref_slice %arg15[%dma_start3A, %dma_start3A_78] : memref<80x128xf32, #tpu.memory_space<vmem>> -> memref<65x128xf32, #tpu.memory_space<vmem>>
      %dma_start3A_80 = arith.constant 0 : i32
      %dma_start3A_81 = tpu.memref_slice %arg24[%add3A_77, %dma_start3A_80] : memref<10000x128xf32, #tpu.memory_space<vmem_shared>> -> memref<65x128xf32, #tpu.memory_space<vmem_shared>>
      %dma_start3A_82 = arith.constant 0 : i32
      %dma_start3A_83 = arith.constant 0 : i32
      %dma_start3A_84 = tpu.memref_slice %arg15[%dma_start3A_82, %dma_start3A_83] : memref<80x128xf32, #tpu.memory_space<vmem>> -> memref<65x128xf32, #tpu.memory_space<vmem>>
      %dma_start3A_85 = arith.constant 0 : i32
      %dma_start3A_86 = tpu.memref_slice %arg24[%add3A_77, %dma_start3A_85] : memref<10000x128xf32, #tpu.memory_space<vmem_shared>> -> memref<65x128xf32, #tpu.memory_space<vmem_shared>>
      tpu.enqueue_dma source(%dma_start3A_86 : memref<65x128xf32, #tpu.memory_space<vmem_shared>>) target(%dma_start3A_84 : memref<65x128xf32, #tpu.memory_space<vmem>>) target_semaphore(%run_scoped3A : memref<!tpu.dma_semaphore, #tpu.memory_space<semaphore_mem>>)
      %dma_wait3A = arith.constant 0 : i32
      %dma_wait3A_87 = arith.constant 0 : i32
      %dma_wait3A_88 = tpu.memref_slice %arg15[%dma_wait3A, %dma_wait3A_87] : memref<80x128xf32, #tpu.memory_space<vmem>> -> memref<65x128xf32, #tpu.memory_space<vmem>>
      %dma_wait3A_89 = arith.constant 0 : i32
      %dma_wait3A_90 = tpu.memref_slice %arg24[%add3A_77, %dma_wait3A_89] : memref<10000x128xf32, #tpu.memory_space<vmem_shared>> -> memref<65x128xf32, #tpu.memory_space<vmem_shared>>
      %dma_wait3A_91 = arith.constant 0 : i32
      %dma_wait3A_92 = arith.constant 0 : i32
      %dma_wait3A_93 = tpu.memref_slice %arg15[%dma_wait3A_91, %dma_wait3A_92] : memref<80x128xf32, #tpu.memory_space<vmem>> -> memref<65x128xf32, #tpu.memory_space<vmem>>
      %dma_wait3A_94 = arith.constant 0 : i32
      %dma_wait3A_95 = tpu.memref_slice %arg24[%add3A_77, %dma_wait3A_94] : memref<10000x128xf32, #tpu.memory_space<vmem_shared>> -> memref<65x128xf32, #tpu.memory_space<vmem_shared>>
      tpu.wait_dma2 semaphore(%run_scoped3A : memref<!tpu.dma_semaphore, #tpu.memory_space<semaphore_mem>>) src(%dma_wait3A_95 : memref<65x128xf32, #tpu.memory_space<vmem_shared>>) dst(%dma_wait3A_93 : memref<65x128xf32, #tpu.memory_space<vmem>>)
      tpu.yield
    }) : () -> ()
    "tpu.region"() ({
      %run_scoped3A = tpu.sem_alloc : memref<!tpu.dma_semaphore, #tpu.memory_space<semaphore_mem>>
      %dma_start3A = arith.constant 0 : i32
      %dma_start3A_78 = arith.constant 0 : i32
      %dma_start3A_79 = tpu.memref_slice %arg15[%dma_start3A, %dma_start3A_78] : memref<80x128xf32, #tpu.memory_space<vmem>> -> memref<65x128xf32, #tpu.memory_space<vmem>>
      %dma_start3A_80 = arith.constant 0 : i32
      %dma_start3A_81 = tpu.memref_slice %arg8[%arg0, %add3A_77, %dma_start3A_80] : memref<2x10000x128xf32, #tpu.memory_space<hbm>> -> memref<1x65x128xf32, #tpu.memory_space<hbm>>
      %dma_start3A_82 = tpu.memref_squeeze %dma_start3A_81 : memref<1x65x128xf32, #tpu.memory_space<hbm>> -> memref<65x128xf32, #tpu.memory_space<hbm>>
      %dma_start3A_83 = arith.constant 0 : i32
      %dma_start3A_84 = tpu.memref_slice %arg8[%arg0, %add3A_77, %dma_start3A_83] : memref<2x10000x128xf32, #tpu.memory_space<hbm>> -> memref<1x65x128xf32, #tpu.memory_space<hbm>>
      %dma_start3A_85 = tpu.memref_squeeze %dma_start3A_84 : memref<1x65x128xf32, #tpu.memory_space<hbm>> -> memref<65x128xf32, #tpu.memory_space<hbm>>
      %dma_start3A_86 = arith.constant 0 : i32
      %dma_start3A_87 = arith.constant 0 : i32
      %dma_start3A_88 = tpu.memref_slice %arg15[%dma_start3A_86, %dma_start3A_87] : memref<80x128xf32, #tpu.memory_space<vmem>> -> memref<65x128xf32, #tpu.memory_space<vmem>>
      tpu.enqueue_dma source(%dma_start3A_88 : memref<65x128xf32, #tpu.memory_space<vmem>>) target(%dma_start3A_85 : memref<65x128xf32, #tpu.memory_space<hbm>>) target_semaphore(%run_scoped3A : memref<!tpu.dma_semaphore, #tpu.memory_space<semaphore_mem>>)
      %dma_wait3A = arith.constant 0 : i32
      %dma_wait3A_89 = arith.constant 0 : i32
      %dma_wait3A_90 = tpu.memref_slice %arg15[%dma_wait3A, %dma_wait3A_89] : memref<80x128xf32, #tpu.memory_space<vmem>> -> memref<65x128xf32, #tpu.memory_space<vmem>>
      %dma_wait3A_91 = arith.constant 0 : i32
      %dma_wait3A_92 = tpu.memref_slice %arg8[%arg0, %add3A_77, %dma_wait3A_91] : memref<2x10000x128xf32, #tpu.memory_space<hbm>> -> memref<1x65x128xf32, #tpu.memory_space<hbm>>
      %dma_wait3A_93 = tpu.memref_squeeze %dma_wait3A_92 : memref<1x65x128xf32, #tpu.memory_space<hbm>> -> memref<65x128xf32, #tpu.memory_space<hbm>>
      %dma_wait3A_94 = arith.constant 0 : i32
      %dma_wait3A_95 = tpu.memref_slice %arg8[%arg0, %add3A_77, %dma_wait3A_94] : memref<2x10000x128xf32, #tpu.memory_space<hbm>> -> memref<1x65x128xf32, #tpu.memory_space<hbm>>
      %dma_wait3A_96 = tpu.memref_squeeze %dma_wait3A_95 : memref<1x65x128xf32, #tpu.memory_space<hbm>> -> memref<65x128xf32, #tpu.memory_space<hbm>>
      %dma_wait3A_97 = arith.constant 0 : i32
      %dma_wait3A_98 = arith.constant 0 : i32
      %dma_wait3A_99 = tpu.memref_slice %arg15[%dma_wait3A_97, %dma_wait3A_98] : memref<80x128xf32, #tpu.memory_space<vmem>> -> memref<65x128xf32, #tpu.memory_space<vmem>>
      tpu.wait_dma2 semaphore(%run_scoped3A : memref<!tpu.dma_semaphore, #tpu.memory_space<semaphore_mem>>) src(%dma_wait3A_99 : memref<65x128xf32, #tpu.memory_space<vmem>>) dst(%dma_wait3A_96 : memref<65x128xf32, #tpu.memory_space<hbm>>)
      tpu.yield
    }) : () -> ()
    return
  }
}

#map = affine_map<(d0, d1) -> (0, 0)>
#map1 = affine_map<(d0, d1) -> (0, 0, 0)>
module attributes {stable_mosaic.version = 14 : i64} {
  func.func @_sc_pass2_body(%arg0: i32, %arg1: i32, %arg2: memref<4000x80xi32, #tpu.memory_space<hbm>>, %arg3: memref<4000x80xi32, #tpu.memory_space<hbm>>, %arg4: memref<32x10000xf32, #tpu.memory_space<hbm>>, %arg5: memref<10000x128xf32, #tpu.memory_space<hbm>>, %arg6: memref<2x10000x128xf32, #tpu.memory_space<hbm>>, %arg7: memref<25x80xi32, #tpu.memory_space<vmem>>, %arg8: memref<25x80xi32, #tpu.memory_space<vmem>>, %arg9: memref<2000xf32, #tpu.memory_space<vmem>>, %arg10: memref<80x128xf32, #tpu.memory_space<vmem>>, %arg11: memref<80x128xf32, #tpu.memory_space<vmem>>, %arg12: memref<!tpu.dma_semaphore, #tpu.memory_space<semaphore_mem>>, %arg13: memref<!tpu.dma_semaphore, #tpu.memory_space<semaphore_mem>>, %arg14: memref<!tpu.dma_semaphore, #tpu.memory_space<semaphore_mem>>, %arg15: memref<!tpu.dma_semaphore, #tpu.memory_space<semaphore_mem>>, %arg16: memref<10000x128xf32, #tpu.memory_space<vmem_shared>>) attributes {dimension_semantics = [#tpu.dimension_semantics<core_parallel>, #tpu.dimension_semantics<subcore_parallel>], iteration_bounds = array<i64: 2, 16>, scalar_prefetch = 0 : i64, scratch_operands = 10 : i64, tpu.core_type = #tpu.core_type<sc_vector_subcore>, window_params = [{transform_indices = #map}, {transform_indices = #map}, {transform_indices = #map}, {transform_indices = #map}, {transform_indices = #map1}]} {
    %mul3A = arith.constant 16 : i32
    %mul3A_0 = arith.muli %arg0, %mul3A : i32
    %add3A = arith.addi %mul3A_0, %arg1 : i32
    %broadcast_in_dim3A = arith.constant 0.000000e+00 : f32
    %broadcast_in_dim3A_1 = vector.broadcast %broadcast_in_dim3A : f32 to vector<16xf32>
    %scan3A = arith.constant 0 : i32
    %scan3A_2 = arith.constant 0 : i32
    %scan3A_3 = arith.constant 80 : i32
    %scan3A_4 = arith.addi %scan3A_2, %scan3A_3 : i32
    %scan3A_5 = arith.constant 1 : i32
    %scan3A_6 = scf.for %scan3A_52 = %scan3A_2 to %scan3A_4 step %scan3A_5 iter_args(%scan3A_53 = %scan3A) -> (i32)  : i32 {
      %swap3A = arith.index_cast %scan3A_52 : i32 to index
      %swap3A_54 = arith.constant 0 : index
      %swap3A_55 = tpu.vector_load %arg10[%swap3A, %swap3A_54] {strides = array<i32>} : memref<80x128xf32, #tpu.memory_space<vmem>>, vector<16xf32>,
      tpu.vector_store %arg10[%swap3A, %swap3A_54], %broadcast_in_dim3A_1 {strides = array<i32>} : memref<80x128xf32, #tpu.memory_space<vmem>>, vector<16xf32>,
      %swap3A_56 = arith.index_cast %scan3A_52 : i32 to index
      %swap3A_57 = arith.constant 16 : index
      %swap3A_58 = tpu.vector_load %arg10[%swap3A_56, %swap3A_57] {strides = array<i32>} : memref<80x128xf32, #tpu.memory_space<vmem>>, vector<16xf32>,
      tpu.vector_store %arg10[%swap3A_56, %swap3A_57], %broadcast_in_dim3A_1 {strides = array<i32>} : memref<80x128xf32, #tpu.memory_space<vmem>>, vector<16xf32>,
      %swap3A_59 = arith.index_cast %scan3A_52 : i32 to index
      %swap3A_60 = arith.constant 32 : index
      %swap3A_61 = tpu.vector_load %arg10[%swap3A_59, %swap3A_60] {strides = array<i32>} : memref<80x128xf32, #tpu.memory_space<vmem>>, vector<16xf32>,
      tpu.vector_store %arg10[%swap3A_59, %swap3A_60], %broadcast_in_dim3A_1 {strides = array<i32>} : memref<80x128xf32, #tpu.memory_space<vmem>>, vector<16xf32>,
      %swap3A_62 = arith.index_cast %scan3A_52 : i32 to index
      %swap3A_63 = arith.constant 48 : index
      %swap3A_64 = tpu.vector_load %arg10[%swap3A_62, %swap3A_63] {strides = array<i32>} : memref<80x128xf32, #tpu.memory_space<vmem>>, vector<16xf32>,
      tpu.vector_store %arg10[%swap3A_62, %swap3A_63], %broadcast_in_dim3A_1 {strides = array<i32>} : memref<80x128xf32, #tpu.memory_space<vmem>>, vector<16xf32>,
      %swap3A_65 = arith.index_cast %scan3A_52 : i32 to index
      %swap3A_66 = arith.constant 64 : index
      %swap3A_67 = tpu.vector_load %arg10[%swap3A_65, %swap3A_66] {strides = array<i32>} : memref<80x128xf32, #tpu.memory_space<vmem>>, vector<16xf32>,
      tpu.vector_store %arg10[%swap3A_65, %swap3A_66], %broadcast_in_dim3A_1 {strides = array<i32>} : memref<80x128xf32, #tpu.memory_space<vmem>>, vector<16xf32>,
      %swap3A_68 = arith.index_cast %scan3A_52 : i32 to index
      %swap3A_69 = arith.constant 80 : index
      %swap3A_70 = tpu.vector_load %arg10[%swap3A_68, %swap3A_69] {strides = array<i32>} : memref<80x128xf32, #tpu.memory_space<vmem>>, vector<16xf32>,
      tpu.vector_store %arg10[%swap3A_68, %swap3A_69], %broadcast_in_dim3A_1 {strides = array<i32>} : memref<80x128xf32, #tpu.memory_space<vmem>>, vector<16xf32>,
      %swap3A_71 = arith.index_cast %scan3A_52 : i32 to index
      %swap3A_72 = arith.constant 96 : index
      %swap3A_73 = tpu.vector_load %arg10[%swap3A_71, %swap3A_72] {strides = array<i32>} : memref<80x128xf32, #tpu.memory_space<vmem>>, vector<16xf32>,
      tpu.vector_store %arg10[%swap3A_71, %swap3A_72], %broadcast_in_dim3A_1 {strides = array<i32>} : memref<80x128xf32, #tpu.memory_space<vmem>>, vector<16xf32>,
      %swap3A_74 = arith.index_cast %scan3A_52 : i32 to index
      %swap3A_75 = arith.constant 112 : index
      %swap3A_76 = tpu.vector_load %arg10[%swap3A_74, %swap3A_75] {strides = array<i32>} : memref<80x128xf32, #tpu.memory_space<vmem>>, vector<16xf32>,
      tpu.vector_store %arg10[%swap3A_74, %swap3A_75], %broadcast_in_dim3A_1 {strides = array<i32>} : memref<80x128xf32, #tpu.memory_space<vmem>>, vector<16xf32>,
      %scan3A_77 = arith.constant 0 : i32
      scf.yield %scan3A_77 : i32
    }
    %scan3A_7 = arith.constant 80 : i32
    %mul3A_8 = arith.constant 625 : i32
    %mul3A_9 = arith.muli %arg1, %mul3A_8 : i32
    %add3A_10 = arith.constant 0 : i32
    %add3A_11 = arith.addi %mul3A_9, %add3A_10 : i32
    "tpu.region"() ({
      %run_scoped3A = tpu.sem_alloc : memref<!tpu.dma_semaphore, #tpu.memory_space<semaphore_mem>>
      %dma_start3A = arith.constant 0 : i32
      %dma_start3A_52 = tpu.memref_slice %arg16[%add3A_11, %dma_start3A] : memref<10000x128xf32, #tpu.memory_space<vmem_shared>> -> memref<80x128xf32, #tpu.memory_space<vmem_shared>>
      %dma_start3A_53 = arith.constant 0 : i32
      %dma_start3A_54 = tpu.memref_slice %arg16[%add3A_11, %dma_start3A_53] : memref<10000x128xf32, #tpu.memory_space<vmem_shared>> -> memref<80x128xf32, #tpu.memory_space<vmem_shared>>
      tpu.enqueue_dma source(%arg10 : memref<80x128xf32, #tpu.memory_space<vmem>>) target(%dma_start3A_54 : memref<80x128xf32, #tpu.memory_space<vmem_shared>>) target_semaphore(%run_scoped3A : memref<!tpu.dma_semaphore, #tpu.memory_space<semaphore_mem>>)
      %dma_wait3A = arith.constant 0 : i32
      %dma_wait3A_55 = tpu.memref_slice %arg16[%add3A_11, %dma_wait3A] : memref<10000x128xf32, #tpu.memory_space<vmem_shared>> -> memref<80x128xf32, #tpu.memory_space<vmem_shared>>
      %dma_wait3A_56 = arith.constant 0 : i32
      %dma_wait3A_57 = tpu.memref_slice %arg16[%add3A_11, %dma_wait3A_56] : memref<10000x128xf32, #tpu.memory_space<vmem_shared>> -> memref<80x128xf32, #tpu.memory_space<vmem_shared>>
      tpu.wait_dma2 semaphore(%run_scoped3A : memref<!tpu.dma_semaphore, #tpu.memory_space<semaphore_mem>>) src(%arg10 : memref<80x128xf32, #tpu.memory_space<vmem>>) dst(%dma_wait3A_57 : memref<80x128xf32, #tpu.memory_space<vmem_shared>>)
      tpu.yield
    }) : () -> ()
    %add3A_12 = arith.constant 80 : i32
    %add3A_13 = arith.addi %mul3A_9, %add3A_12 : i32
    "tpu.region"() ({
      %run_scoped3A = tpu.sem_alloc : memref<!tpu.dma_semaphore, #tpu.memory_space<semaphore_mem>>
      %dma_start3A = arith.constant 0 : i32
      %dma_start3A_52 = tpu.memref_slice %arg16[%add3A_13, %dma_start3A] : memref<10000x128xf32, #tpu.memory_space<vmem_shared>> -> memref<80x128xf32, #tpu.memory_space<vmem_shared>>
      %dma_start3A_53 = arith.constant 0 : i32
      %dma_start3A_54 = tpu.memref_slice %arg16[%add3A_13, %dma_start3A_53] : memref<10000x128xf32, #tpu.memory_space<vmem_shared>> -> memref<80x128xf32, #tpu.memory_space<vmem_shared>>
      tpu.enqueue_dma source(%arg10 : memref<80x128xf32, #tpu.memory_space<vmem>>) target(%dma_start3A_54 : memref<80x128xf32, #tpu.memory_space<vmem_shared>>) target_semaphore(%run_scoped3A : memref<!tpu.dma_semaphore, #tpu.memory_space<semaphore_mem>>)
      %dma_wait3A = arith.constant 0 : i32
      %dma_wait3A_55 = tpu.memref_slice %arg16[%add3A_13, %dma_wait3A] : memref<10000x128xf32, #tpu.memory_space<vmem_shared>> -> memref<80x128xf32, #tpu.memory_space<vmem_shared>>
      %dma_wait3A_56 = arith.constant 0 : i32
      %dma_wait3A_57 = tpu.memref_slice %arg16[%add3A_13, %dma_wait3A_56] : memref<10000x128xf32, #tpu.memory_space<vmem_shared>> -> memref<80x128xf32, #tpu.memory_space<vmem_shared>>
      tpu.wait_dma2 semaphore(%run_scoped3A : memref<!tpu.dma_semaphore, #tpu.memory_space<semaphore_mem>>) src(%arg10 : memref<80x128xf32, #tpu.memory_space<vmem>>) dst(%dma_wait3A_57 : memref<80x128xf32, #tpu.memory_space<vmem_shared>>)
      tpu.yield
    }) : () -> ()
    %add3A_14 = arith.constant 160 : i32
    %add3A_15 = arith.addi %mul3A_9, %add3A_14 : i32
    "tpu.region"() ({
      %run_scoped3A = tpu.sem_alloc : memref<!tpu.dma_semaphore, #tpu.memory_space<semaphore_mem>>
      %dma_start3A = arith.constant 0 : i32
      %dma_start3A_52 = tpu.memref_slice %arg16[%add3A_15, %dma_start3A] : memref<10000x128xf32, #tpu.memory_space<vmem_shared>> -> memref<80x128xf32, #tpu.memory_space<vmem_shared>>
      %dma_start3A_53 = arith.constant 0 : i32
      %dma_start3A_54 = tpu.memref_slice %arg16[%add3A_15, %dma_start3A_53] : memref<10000x128xf32, #tpu.memory_space<vmem_shared>> -> memref<80x128xf32, #tpu.memory_space<vmem_shared>>
      tpu.enqueue_dma source(%arg10 : memref<80x128xf32, #tpu.memory_space<vmem>>) target(%dma_start3A_54 : memref<80x128xf32, #tpu.memory_space<vmem_shared>>) target_semaphore(%run_scoped3A : memref<!tpu.dma_semaphore, #tpu.memory_space<semaphore_mem>>)
      %dma_wait3A = arith.constant 0 : i32
      %dma_wait3A_55 = tpu.memref_slice %arg16[%add3A_15, %dma_wait3A] : memref<10000x128xf32, #tpu.memory_space<vmem_shared>> -> memref<80x128xf32, #tpu.memory_space<vmem_shared>>
      %dma_wait3A_56 = arith.constant 0 : i32
      %dma_wait3A_57 = tpu.memref_slice %arg16[%add3A_15, %dma_wait3A_56] : memref<10000x128xf32, #tpu.memory_space<vmem_shared>> -> memref<80x128xf32, #tpu.memory_space<vmem_shared>>
      tpu.wait_dma2 semaphore(%run_scoped3A : memref<!tpu.dma_semaphore, #tpu.memory_space<semaphore_mem>>) src(%arg10 : memref<80x128xf32, #tpu.memory_space<vmem>>) dst(%dma_wait3A_57 : memref<80x128xf32, #tpu.memory_space<vmem_shared>>)
      tpu.yield
    }) : () -> ()
    %add3A_16 = arith.constant 240 : i32
    %add3A_17 = arith.addi %mul3A_9, %add3A_16 : i32
    "tpu.region"() ({
      %run_scoped3A = tpu.sem_alloc : memref<!tpu.dma_semaphore, #tpu.memory_space<semaphore_mem>>
      %dma_start3A = arith.constant 0 : i32
      %dma_start3A_52 = tpu.memref_slice %arg16[%add3A_17, %dma_start3A] : memref<10000x128xf32, #tpu.memory_space<vmem_shared>> -> memref<80x128xf32, #tpu.memory_space<vmem_shared>>
      %dma_start3A_53 = arith.constant 0 : i32
      %dma_start3A_54 = tpu.memref_slice %arg16[%add3A_17, %dma_start3A_53] : memref<10000x128xf32, #tpu.memory_space<vmem_shared>> -> memref<80x128xf32, #tpu.memory_space<vmem_shared>>
      tpu.enqueue_dma source(%arg10 : memref<80x128xf32, #tpu.memory_space<vmem>>) target(%dma_start3A_54 : memref<80x128xf32, #tpu.memory_space<vmem_shared>>) target_semaphore(%run_scoped3A : memref<!tpu.dma_semaphore, #tpu.memory_space<semaphore_mem>>)
      %dma_wait3A = arith.constant 0 : i32
      %dma_wait3A_55 = tpu.memref_slice %arg16[%add3A_17, %dma_wait3A] : memref<10000x128xf32, #tpu.memory_space<vmem_shared>> -> memref<80x128xf32, #tpu.memory_space<vmem_shared>>
      %dma_wait3A_56 = arith.constant 0 : i32
      %dma_wait3A_57 = tpu.memref_slice %arg16[%add3A_17, %dma_wait3A_56] : memref<10000x128xf32, #tpu.memory_space<vmem_shared>> -> memref<80x128xf32, #tpu.memory_space<vmem_shared>>
      tpu.wait_dma2 semaphore(%run_scoped3A : memref<!tpu.dma_semaphore, #tpu.memory_space<semaphore_mem>>) src(%arg10 : memref<80x128xf32, #tpu.memory_space<vmem>>) dst(%dma_wait3A_57 : memref<80x128xf32, #tpu.memory_space<vmem_shared>>)
      tpu.yield
    }) : () -> ()
    %add3A_18 = arith.constant 320 : i32
    %add3A_19 = arith.addi %mul3A_9, %add3A_18 : i32
    "tpu.region"() ({
      %run_scoped3A = tpu.sem_alloc : memref<!tpu.dma_semaphore, #tpu.memory_space<semaphore_mem>>
      %dma_start3A = arith.constant 0 : i32
      %dma_start3A_52 = tpu.memref_slice %arg16[%add3A_19, %dma_start3A] : memref<10000x128xf32, #tpu.memory_space<vmem_shared>> -> memref<80x128xf32, #tpu.memory_space<vmem_shared>>
      %dma_start3A_53 = arith.constant 0 : i32
      %dma_start3A_54 = tpu.memref_slice %arg16[%add3A_19, %dma_start3A_53] : memref<10000x128xf32, #tpu.memory_space<vmem_shared>> -> memref<80x128xf32, #tpu.memory_space<vmem_shared>>
      tpu.enqueue_dma source(%arg10 : memref<80x128xf32, #tpu.memory_space<vmem>>) target(%dma_start3A_54 : memref<80x128xf32, #tpu.memory_space<vmem_shared>>) target_semaphore(%run_scoped3A : memref<!tpu.dma_semaphore, #tpu.memory_space<semaphore_mem>>)
      %dma_wait3A = arith.constant 0 : i32
      %dma_wait3A_55 = tpu.memref_slice %arg16[%add3A_19, %dma_wait3A] : memref<10000x128xf32, #tpu.memory_space<vmem_shared>> -> memref<80x128xf32, #tpu.memory_space<vmem_shared>>
      %dma_wait3A_56 = arith.constant 0 : i32
      %dma_wait3A_57 = tpu.memref_slice %arg16[%add3A_19, %dma_wait3A_56] : memref<10000x128xf32, #tpu.memory_space<vmem_shared>> -> memref<80x128xf32, #tpu.memory_space<vmem_shared>>
      tpu.wait_dma2 semaphore(%run_scoped3A : memref<!tpu.dma_semaphore, #tpu.memory_space<semaphore_mem>>) src(%arg10 : memref<80x128xf32, #tpu.memory_space<vmem>>) dst(%dma_wait3A_57 : memref<80x128xf32, #tpu.memory_space<vmem_shared>>)
      tpu.yield
    }) : () -> ()
    %add3A_20 = arith.constant 400 : i32
    %add3A_21 = arith.addi %mul3A_9, %add3A_20 : i32
    "tpu.region"() ({
      %run_scoped3A = tpu.sem_alloc : memref<!tpu.dma_semaphore, #tpu.memory_space<semaphore_mem>>
      %dma_start3A = arith.constant 0 : i32
      %dma_start3A_52 = tpu.memref_slice %arg16[%add3A_21, %dma_start3A] : memref<10000x128xf32, #tpu.memory_space<vmem_shared>> -> memref<80x128xf32, #tpu.memory_space<vmem_shared>>
      %dma_start3A_53 = arith.constant 0 : i32
      %dma_start3A_54 = tpu.memref_slice %arg16[%add3A_21, %dma_start3A_53] : memref<10000x128xf32, #tpu.memory_space<vmem_shared>> -> memref<80x128xf32, #tpu.memory_space<vmem_shared>>
      tpu.enqueue_dma source(%arg10 : memref<80x128xf32, #tpu.memory_space<vmem>>) target(%dma_start3A_54 : memref<80x128xf32, #tpu.memory_space<vmem_shared>>) target_semaphore(%run_scoped3A : memref<!tpu.dma_semaphore, #tpu.memory_space<semaphore_mem>>)
      %dma_wait3A = arith.constant 0 : i32
      %dma_wait3A_55 = tpu.memref_slice %arg16[%add3A_21, %dma_wait3A] : memref<10000x128xf32, #tpu.memory_space<vmem_shared>> -> memref<80x128xf32, #tpu.memory_space<vmem_shared>>
      %dma_wait3A_56 = arith.constant 0 : i32
      %dma_wait3A_57 = tpu.memref_slice %arg16[%add3A_21, %dma_wait3A_56] : memref<10000x128xf32, #tpu.memory_space<vmem_shared>> -> memref<80x128xf32, #tpu.memory_space<vmem_shared>>
      tpu.wait_dma2 semaphore(%run_scoped3A : memref<!tpu.dma_semaphore, #tpu.memory_space<semaphore_mem>>) src(%arg10 : memref<80x128xf32, #tpu.memory_space<vmem>>) dst(%dma_wait3A_57 : memref<80x128xf32, #tpu.memory_space<vmem_shared>>)
      tpu.yield
    }) : () -> ()
    %add3A_22 = arith.constant 480 : i32
    %add3A_23 = arith.addi %mul3A_9, %add3A_22 : i32
    "tpu.region"() ({
      %run_scoped3A = tpu.sem_alloc : memref<!tpu.dma_semaphore, #tpu.memory_space<semaphore_mem>>
      %dma_start3A = arith.constant 0 : i32
      %dma_start3A_52 = tpu.memref_slice %arg16[%add3A_23, %dma_start3A] : memref<10000x128xf32, #tpu.memory_space<vmem_shared>> -> memref<80x128xf32, #tpu.memory_space<vmem_shared>>
      %dma_start3A_53 = arith.constant 0 : i32
      %dma_start3A_54 = tpu.memref_slice %arg16[%add3A_23, %dma_start3A_53] : memref<10000x128xf32, #tpu.memory_space<vmem_shared>> -> memref<80x128xf32, #tpu.memory_space<vmem_shared>>
      tpu.enqueue_dma source(%arg10 : memref<80x128xf32, #tpu.memory_space<vmem>>) target(%dma_start3A_54 : memref<80x128xf32, #tpu.memory_space<vmem_shared>>) target_semaphore(%run_scoped3A : memref<!tpu.dma_semaphore, #tpu.memory_space<semaphore_mem>>)
      %dma_wait3A = arith.constant 0 : i32
      %dma_wait3A_55 = tpu.memref_slice %arg16[%add3A_23, %dma_wait3A] : memref<10000x128xf32, #tpu.memory_space<vmem_shared>> -> memref<80x128xf32, #tpu.memory_space<vmem_shared>>
      %dma_wait3A_56 = arith.constant 0 : i32
      %dma_wait3A_57 = tpu.memref_slice %arg16[%add3A_23, %dma_wait3A_56] : memref<10000x128xf32, #tpu.memory_space<vmem_shared>> -> memref<80x128xf32, #tpu.memory_space<vmem_shared>>
      tpu.wait_dma2 semaphore(%run_scoped3A : memref<!tpu.dma_semaphore, #tpu.memory_space<semaphore_mem>>) src(%arg10 : memref<80x128xf32, #tpu.memory_space<vmem>>) dst(%dma_wait3A_57 : memref<80x128xf32, #tpu.memory_space<vmem_shared>>)
      tpu.yield
    }) : () -> ()
    %add3A_24 = arith.constant 560 : i32
    %add3A_25 = arith.addi %mul3A_9, %add3A_24 : i32
    "tpu.region"() ({
      %run_scoped3A = tpu.sem_alloc : memref<!tpu.dma_semaphore, #tpu.memory_space<semaphore_mem>>
      %dma_start3A = arith.constant 0 : i32
      %dma_start3A_52 = arith.constant 0 : i32
      %dma_start3A_53 = tpu.memref_slice %arg10[%dma_start3A, %dma_start3A_52] : memref<80x128xf32, #tpu.memory_space<vmem>> -> memref<65x128xf32, #tpu.memory_space<vmem>>
      %dma_start3A_54 = arith.constant 0 : i32
      %dma_start3A_55 = tpu.memref_slice %arg16[%add3A_25, %dma_start3A_54] : memref<10000x128xf32, #tpu.memory_space<vmem_shared>> -> memref<65x128xf32, #tpu.memory_space<vmem_shared>>
      %dma_start3A_56 = arith.constant 0 : i32
      %dma_start3A_57 = tpu.memref_slice %arg16[%add3A_25, %dma_start3A_56] : memref<10000x128xf32, #tpu.memory_space<vmem_shared>> -> memref<65x128xf32, #tpu.memory_space<vmem_shared>>
      %dma_start3A_58 = arith.constant 0 : i32
      %dma_start3A_59 = arith.constant 0 : i32
      %dma_start3A_60 = tpu.memref_slice %arg10[%dma_start3A_58, %dma_start3A_59] : memref<80x128xf32, #tpu.memory_space<vmem>> -> memref<65x128xf32, #tpu.memory_space<vmem>>
      tpu.enqueue_dma source(%dma_start3A_60 : memref<65x128xf32, #tpu.memory_space<vmem>>) target(%dma_start3A_57 : memref<65x128xf32, #tpu.memory_space<vmem_shared>>) target_semaphore(%run_scoped3A : memref<!tpu.dma_semaphore, #tpu.memory_space<semaphore_mem>>)
      %dma_wait3A = arith.constant 0 : i32
      %dma_wait3A_61 = arith.constant 0 : i32
      %dma_wait3A_62 = tpu.memref_slice %arg10[%dma_wait3A, %dma_wait3A_61] : memref<80x128xf32, #tpu.memory_space<vmem>> -> memref<65x128xf32, #tpu.memory_space<vmem>>
      %dma_wait3A_63 = arith.constant 0 : i32
      %dma_wait3A_64 = tpu.memref_slice %arg16[%add3A_25, %dma_wait3A_63] : memref<10000x128xf32, #tpu.memory_space<vmem_shared>> -> memref<65x128xf32, #tpu.memory_space<vmem_shared>>
      %dma_wait3A_65 = arith.constant 0 : i32
      %dma_wait3A_66 = tpu.memref_slice %arg16[%add3A_25, %dma_wait3A_65] : memref<10000x128xf32, #tpu.memory_space<vmem_shared>> -> memref<65x128xf32, #tpu.memory_space<vmem_shared>>
      %dma_wait3A_67 = arith.constant 0 : i32
      %dma_wait3A_68 = arith.constant 0 : i32
      %dma_wait3A_69 = tpu.memref_slice %arg10[%dma_wait3A_67, %dma_wait3A_68] : memref<80x128xf32, #tpu.memory_space<vmem>> -> memref<65x128xf32, #tpu.memory_space<vmem>>
      tpu.wait_dma2 semaphore(%run_scoped3A : memref<!tpu.dma_semaphore, #tpu.memory_space<semaphore_mem>>) src(%dma_wait3A_69 : memref<65x128xf32, #tpu.memory_space<vmem>>) dst(%dma_wait3A_66 : memref<65x128xf32, #tpu.memory_space<vmem_shared>>)
      tpu.yield
    }) : () -> ()
    %barrier3A = arith.constant 0 : index
    tpu.barrier barrier_id(%barrier3A)
    %scan3A_26 = arith.constant 0 : i32
    %scan3A_27 = arith.constant 0 : i32
    %scan3A_28 = arith.constant 5 : i32
    %scan3A_29 = arith.addi %scan3A_27, %scan3A_28 : i32
    %scan3A_30 = arith.constant 1 : i32
    %scan3A_31 = scf.for %scan3A_52 = %scan3A_27 to %scan3A_29 step %scan3A_30 iter_args(%scan3A_53 = %scan3A_26) -> (i32)  : i32 {
      %mul3A_54 = arith.constant 125 : i32
      %mul3A_55 = arith.muli %add3A, %mul3A_54 : i32
      %mul3A_56 = arith.constant 25 : i32
      %mul3A_57 = arith.muli %scan3A_52, %mul3A_56 : i32
      %add3A_58 = arith.addi %mul3A_55, %mul3A_57 : i32
      "tpu.region"() ({
        %run_scoped3A_91 = tpu.sem_alloc : memref<!tpu.dma_semaphore, #tpu.memory_space<semaphore_mem>>
        %dma_start3A_92 = arith.constant 0 : i32
        %dma_start3A_93 = tpu.memref_slice %arg2[%add3A_58, %dma_start3A_92] : memref<4000x80xi32, #tpu.memory_space<hbm>> -> memref<25x80xi32, #tpu.memory_space<hbm>>
        %dma_start3A_94 = arith.constant 0 : i32
        %dma_start3A_95 = tpu.memref_slice %arg2[%add3A_58, %dma_start3A_94] : memref<4000x80xi32, #tpu.memory_space<hbm>> -> memref<25x80xi32, #tpu.memory_space<hbm>>
        tpu.enqueue_dma source(%dma_start3A_95 : memref<25x80xi32, #tpu.memory_space<hbm>>) target(%arg7 : memref<25x80xi32, #tpu.memory_space<vmem>>) target_semaphore(%run_scoped3A_91 : memref<!tpu.dma_semaphore, #tpu.memory_space<semaphore_mem>>)
        %dma_wait3A_96 = arith.constant 0 : i32
        %dma_wait3A_97 = tpu.memref_slice %arg2[%add3A_58, %dma_wait3A_96] : memref<4000x80xi32, #tpu.memory_space<hbm>> -> memref<25x80xi32, #tpu.memory_space<hbm>>
        %dma_wait3A_98 = arith.constant 0 : i32
        %dma_wait3A_99 = tpu.memref_slice %arg2[%add3A_58, %dma_wait3A_98] : memref<4000x80xi32, #tpu.memory_space<hbm>> -> memref<25x80xi32, #tpu.memory_space<hbm>>
        tpu.wait_dma2 semaphore(%run_scoped3A_91 : memref<!tpu.dma_semaphore, #tpu.memory_space<semaphore_mem>>) src(%dma_wait3A_99 : memref<25x80xi32, #tpu.memory_space<hbm>>) dst(%arg7 : memref<25x80xi32, #tpu.memory_space<vmem>>)
        tpu.yield
      }) : () -> ()
      "tpu.region"() ({
        %run_scoped3A_91 = tpu.sem_alloc : memref<!tpu.dma_semaphore, #tpu.memory_space<semaphore_mem>>
        %dma_start3A_92 = arith.constant 0 : i32
        %dma_start3A_93 = tpu.memref_slice %arg3[%add3A_58, %dma_start3A_92] : memref<4000x80xi32, #tpu.memory_space<hbm>> -> memref<25x80xi32, #tpu.memory_space<hbm>>
        %dma_start3A_94 = arith.constant 0 : i32
        %dma_start3A_95 = tpu.memref_slice %arg3[%add3A_58, %dma_start3A_94] : memref<4000x80xi32, #tpu.memory_space<hbm>> -> memref<25x80xi32, #tpu.memory_space<hbm>>
        tpu.enqueue_dma source(%dma_start3A_95 : memref<25x80xi32, #tpu.memory_space<hbm>>) target(%arg8 : memref<25x80xi32, #tpu.memory_space<vmem>>) target_semaphore(%run_scoped3A_91 : memref<!tpu.dma_semaphore, #tpu.memory_space<semaphore_mem>>)
        %dma_wait3A_96 = arith.constant 0 : i32
        %dma_wait3A_97 = tpu.memref_slice %arg3[%add3A_58, %dma_wait3A_96] : memref<4000x80xi32, #tpu.memory_space<hbm>> -> memref<25x80xi32, #tpu.memory_space<hbm>>
        %dma_wait3A_98 = arith.constant 0 : i32
        %dma_wait3A_99 = tpu.memref_slice %arg3[%add3A_58, %dma_wait3A_98] : memref<4000x80xi32, #tpu.memory_space<hbm>> -> memref<25x80xi32, #tpu.memory_space<hbm>>
        tpu.wait_dma2 semaphore(%run_scoped3A_91 : memref<!tpu.dma_semaphore, #tpu.memory_space<semaphore_mem>>) src(%dma_wait3A_99 : memref<25x80xi32, #tpu.memory_space<hbm>>) dst(%arg8 : memref<25x80xi32, #tpu.memory_space<vmem>>)
        tpu.yield
      }) : () -> ()
      %mul3A_59 = arith.constant 2000 : i32
      %mul3A_60 = arith.muli %scan3A_52, %mul3A_59 : i32
      "tpu.region"() ({
        %run_scoped3A_91 = tpu.sem_alloc : memref<!tpu.dma_semaphore, #tpu.memory_space<semaphore_mem>>
        %dma_start3A_92 = tpu.memref_slice %arg4[%add3A, %mul3A_60] : memref<32x10000xf32, #tpu.memory_space<hbm>> -> memref<1x2000xf32, #tpu.memory_space<hbm>>
        %dma_start3A_93 = tpu.memref_squeeze %dma_start3A_92 : memref<1x2000xf32, #tpu.memory_space<hbm>> -> memref<2000xf32, #tpu.memory_space<hbm>>
        %dma_start3A_94 = tpu.memref_slice %arg4[%add3A, %mul3A_60] : memref<32x10000xf32, #tpu.memory_space<hbm>> -> memref<1x2000xf32, #tpu.memory_space<hbm>>
        %dma_start3A_95 = tpu.memref_squeeze %dma_start3A_94 : memref<1x2000xf32, #tpu.memory_space<hbm>> -> memref<2000xf32, #tpu.memory_space<hbm>>
        tpu.enqueue_dma source(%dma_start3A_95 : memref<2000xf32, #tpu.memory_space<hbm>>) target(%arg9 : memref<2000xf32, #tpu.memory_space<vmem>>) target_semaphore(%run_scoped3A_91 : memref<!tpu.dma_semaphore, #tpu.memory_space<semaphore_mem>>)
        %dma_wait3A_96 = tpu.memref_slice %arg4[%add3A, %mul3A_60] : memref<32x10000xf32, #tpu.memory_space<hbm>> -> memref<1x2000xf32, #tpu.memory_space<hbm>>
        %dma_wait3A_97 = tpu.memref_squeeze %dma_wait3A_96 : memref<1x2000xf32, #tpu.memory_space<hbm>> -> memref<2000xf32, #tpu.memory_space<hbm>>
        %dma_wait3A_98 = tpu.memref_slice %arg4[%add3A, %mul3A_60] : memref<32x10000xf32, #tpu.memory_space<hbm>> -> memref<1x2000xf32, #tpu.memory_space<hbm>>
        %dma_wait3A_99 = tpu.memref_squeeze %dma_wait3A_98 : memref<1x2000xf32, #tpu.memory_space<hbm>> -> memref<2000xf32, #tpu.memory_space<hbm>>
        tpu.wait_dma2 semaphore(%run_scoped3A_91 : memref<!tpu.dma_semaphore, #tpu.memory_space<semaphore_mem>>) src(%dma_wait3A_99 : memref<2000xf32, #tpu.memory_space<hbm>>) dst(%arg9 : memref<2000xf32, #tpu.memory_space<vmem>>)
        tpu.yield
      }) : () -> ()
      %dma_start3A = arith.constant 0 : i32
      %dma_start3A_61 = arith.constant 0 : i32
      %dma_start3A_62 = tpu.memref_slice %arg7[%dma_start3A, %dma_start3A_61] : memref<25x80xi32, #tpu.memory_space<vmem>> -> memref<1x80xi32, #tpu.memory_space<vmem>>
      %dma_start3A_63 = tpu.memref_squeeze %dma_start3A_62 : memref<1x80xi32, #tpu.memory_space<vmem>> -> memref<80xi32, #tpu.memory_space<vmem>>
      %dma_start3A_64 = arith.constant 0 : i32
      %dma_start3A_65 = arith.constant 0 : i32
      %dma_start3A_66 = tpu.memref_slice %arg5[%dma_start3A_64, %dma_start3A_65] : memref<10000x128xf32, #tpu.memory_space<hbm>> -> memref<10000x128xf32, #tpu.memory_space<hbm>>
      tpu.enqueue_indirect_dma source(%dma_start3A_66 : memref<10000x128xf32, #tpu.memory_space<hbm>>) target(%arg10 : memref<80x128xf32, #tpu.memory_space<vmem>>) offsets(%dma_start3A_63 : memref<80xi32, #tpu.memory_space<vmem>>) semaphore(%arg12 : memref<!tpu.dma_semaphore, #tpu.memory_space<semaphore_mem>>)
      %scan3A_67 = arith.constant 0 : i32
      %scan3A_68 = arith.constant 0 : i32
      %scan3A_69 = arith.constant 12 : i32
      %scan3A_70 = arith.addi %scan3A_68, %scan3A_69 : i32
      %scan3A_71 = arith.constant 1 : i32
      %scan3A_72 = scf.for %scan3A_91 = %scan3A_68 to %scan3A_70 step %scan3A_71 iter_args(%scan3A_92 = %scan3A_67) -> (i32)  : i32 {
        %mul3A_93 = arith.constant 2 : i32
        %mul3A_94 = arith.muli %mul3A_93, %scan3A_91 : i32
        %add3A_95 = arith.constant 1 : i32
        %add3A_96 = arith.addi %mul3A_94, %add3A_95 : i32
        %gt3A = arith.constant 0 : i32
        %gt3A_97 = arith.cmpi sgt, %scan3A_91, %gt3A : i32
        %convert_element_type3A = arith.extui %gt3A_97 : i1 to i32
        %cond3A = arith.constant 0 : i32
        %cond3A_98 = arith.cmpi ne, %convert_element_type3A, %cond3A : i32
        scf.if %cond3A_98 {
          %sub3A = arith.constant 2 : i32
          %sub3A_140 = arith.subi %add3A_96, %sub3A : i32
          %dma_wait3A_141 = arith.constant 0 : i32
          %dma_wait3A_142 = tpu.memref_slice %arg8[%sub3A_140, %dma_wait3A_141] : memref<25x80xi32, #tpu.memory_space<vmem>> -> memref<1x80xi32, #tpu.memory_space<vmem>>
          %dma_wait3A_143 = tpu.memref_squeeze %dma_wait3A_142 : memref<1x80xi32, #tpu.memory_space<vmem>> -> memref<80xi32, #tpu.memory_space<vmem>>
          %dma_wait3A_144 = arith.constant 0 : i32
          %dma_wait3A_145 = arith.constant 0 : i32
          %dma_wait3A_146 = tpu.memref_slice %arg16[%dma_wait3A_144, %dma_wait3A_145] : memref<10000x128xf32, #tpu.memory_space<vmem_shared>> -> memref<10000x128xf32, #tpu.memory_space<vmem_shared>>
          tpu.wait_indirect_dma semaphore(%arg15 : memref<!tpu.dma_semaphore, #tpu.memory_space<semaphore_mem>>) src(%arg11 : memref<80x128xf32, #tpu.memory_space<vmem>>) dst(%dma_wait3A_146 : memref<10000x128xf32, #tpu.memory_space<vmem_shared>>)
        } else {
        }
        %dma_start3A_99 = arith.constant 0 : i32
        %dma_start3A_100 = tpu.memref_slice %arg7[%add3A_96, %dma_start3A_99] : memref<25x80xi32, #tpu.memory_space<vmem>> -> memref<1x80xi32, #tpu.memory_space<vmem>>
        %dma_start3A_101 = tpu.memref_squeeze %dma_start3A_100 : memref<1x80xi32, #tpu.memory_space<vmem>> -> memref<80xi32, #tpu.memory_space<vmem>>
        %dma_start3A_102 = arith.constant 0 : i32
        %dma_start3A_103 = arith.constant 0 : i32
        %dma_start3A_104 = tpu.memref_slice %arg5[%dma_start3A_102, %dma_start3A_103] : memref<10000x128xf32, #tpu.memory_space<hbm>> -> memref<10000x128xf32, #tpu.memory_space<hbm>>
        tpu.enqueue_indirect_dma source(%dma_start3A_104 : memref<10000x128xf32, #tpu.memory_space<hbm>>) target(%arg11 : memref<80x128xf32, #tpu.memory_space<vmem>>) offsets(%dma_start3A_101 : memref<80xi32, #tpu.memory_space<vmem>>) semaphore(%arg13 : memref<!tpu.dma_semaphore, #tpu.memory_space<semaphore_mem>>)
        %dma_wait3A_105 = arith.constant 0 : i32
        %dma_wait3A_106 = tpu.memref_slice %arg7[%mul3A_94, %dma_wait3A_105] : memref<25x80xi32, #tpu.memory_space<vmem>> -> memref<1x80xi32, #tpu.memory_space<vmem>>
        %dma_wait3A_107 = tpu.memref_squeeze %dma_wait3A_106 : memref<1x80xi32, #tpu.memory_space<vmem>> -> memref<80xi32, #tpu.memory_space<vmem>>
        %dma_wait3A_108 = arith.constant 0 : i32
        %dma_wait3A_109 = arith.constant 0 : i32
        %dma_wait3A_110 = tpu.memref_slice %arg5[%dma_wait3A_108, %dma_wait3A_109] : memref<10000x128xf32, #tpu.memory_space<hbm>> -> memref<10000x128xf32, #tpu.memory_space<hbm>>
        tpu.wait_indirect_dma semaphore(%arg12 : memref<!tpu.dma_semaphore, #tpu.memory_space<semaphore_mem>>) src(%dma_wait3A_110 : memref<10000x128xf32, #tpu.memory_space<hbm>>) dst(%arg10 : memref<80x128xf32, #tpu.memory_space<vmem>>)
        %parallel_loop3A_111 = arith.constant 0 : i32
        %parallel_loop3A_112 = arith.constant 80 : i32
        %parallel_loop3A_113 = arith.constant 1 : i32
        scf.for %parallel_loop3A_140 = %parallel_loop3A_111 to %parallel_loop3A_112 step %parallel_loop3A_113  : i32 {
          %parallel_loop3A_141 = arith.constant 80 : i32
          %parallel_loop3A_142 = arith.muli %mul3A_94, %parallel_loop3A_141 : i32
          %parallel_loop3A_143 = arith.addi %parallel_loop3A_142, %parallel_loop3A_140 : i32
          %parallel_loop3A_144 = vector.broadcast %parallel_loop3A_143 : i32 to vector<16xi32>
          %parallel_loop3A_145 = tpu.vector_load_idx %arg9[%parallel_loop3A_144] : memref<2000xf32, #tpu.memory_space<vmem>>[vector<16xi32>], vector<16xf32>,
          %parallel_loop3A_146 = arith.index_cast %parallel_loop3A_140 : i32 to index
          %parallel_loop3A_147 = arith.constant 0 : index
          %parallel_loop3A_148 = tpu.vector_load %arg10[%parallel_loop3A_146, %parallel_loop3A_147] {strides = array<i32>} : memref<80x128xf32, #tpu.memory_space<vmem>>, vector<16xf32>,
          %parallel_loop3A_149 = arith.mulf %parallel_loop3A_148, %parallel_loop3A_145 : vector<16xf32>
          %parallel_loop3A_150 = arith.index_cast %parallel_loop3A_140 : i32 to index
          %parallel_loop3A_151 = arith.constant 0 : index
          %parallel_loop3A_152 = tpu.vector_load %arg10[%parallel_loop3A_150, %parallel_loop3A_151] {strides = array<i32>} : memref<80x128xf32, #tpu.memory_space<vmem>>, vector<16xf32>,
          tpu.vector_store %arg10[%parallel_loop3A_150, %parallel_loop3A_151], %parallel_loop3A_149 {strides = array<i32>} : memref<80x128xf32, #tpu.memory_space<vmem>>, vector<16xf32>,
          %parallel_loop3A_153 = arith.index_cast %parallel_loop3A_140 : i32 to index
          %parallel_loop3A_154 = arith.constant 16 : index
          %parallel_loop3A_155 = tpu.vector_load %arg10[%parallel_loop3A_153, %parallel_loop3A_154] {strides = array<i32>} : memref<80x128xf32, #tpu.memory_space<vmem>>, vector<16xf32>,
          %parallel_loop3A_156 = arith.mulf %parallel_loop3A_155, %parallel_loop3A_145 : vector<16xf32>
          %parallel_loop3A_157 = arith.index_cast %parallel_loop3A_140 : i32 to index
          %parallel_loop3A_158 = arith.constant 16 : index
          %parallel_loop3A_159 = tpu.vector_load %arg10[%parallel_loop3A_157, %parallel_loop3A_158] {strides = array<i32>} : memref<80x128xf32, #tpu.memory_space<vmem>>, vector<16xf32>,
          tpu.vector_store %arg10[%parallel_loop3A_157, %parallel_loop3A_158], %parallel_loop3A_156 {strides = array<i32>} : memref<80x128xf32, #tpu.memory_space<vmem>>, vector<16xf32>,
          %parallel_loop3A_160 = arith.index_cast %parallel_loop3A_140 : i32 to index
          %parallel_loop3A_161 = arith.constant 32 : index
          %parallel_loop3A_162 = tpu.vector_load %arg10[%parallel_loop3A_160, %parallel_loop3A_161] {strides = array<i32>} : memref<80x128xf32, #tpu.memory_space<vmem>>, vector<16xf32>,
          %parallel_loop3A_163 = arith.mulf %parallel_loop3A_162, %parallel_loop3A_145 : vector<16xf32>
          %parallel_loop3A_164 = arith.index_cast %parallel_loop3A_140 : i32 to index
          %parallel_loop3A_165 = arith.constant 32 : index
          %parallel_loop3A_166 = tpu.vector_load %arg10[%parallel_loop3A_164, %parallel_loop3A_165] {strides = array<i32>} : memref<80x128xf32, #tpu.memory_space<vmem>>, vector<16xf32>,
          tpu.vector_store %arg10[%parallel_loop3A_164, %parallel_loop3A_165], %parallel_loop3A_163 {strides = array<i32>} : memref<80x128xf32, #tpu.memory_space<vmem>>, vector<16xf32>,
          %parallel_loop3A_167 = arith.index_cast %parallel_loop3A_140 : i32 to index
          %parallel_loop3A_168 = arith.constant 48 : index
          %parallel_loop3A_169 = tpu.vector_load %arg10[%parallel_loop3A_167, %parallel_loop3A_168] {strides = array<i32>} : memref<80x128xf32, #tpu.memory_space<vmem>>, vector<16xf32>,
          %parallel_loop3A_170 = arith.mulf %parallel_loop3A_169, %parallel_loop3A_145 : vector<16xf32>
          %parallel_loop3A_171 = arith.index_cast %parallel_loop3A_140 : i32 to index
          %parallel_loop3A_172 = arith.constant 48 : index
          %parallel_loop3A_173 = tpu.vector_load %arg10[%parallel_loop3A_171, %parallel_loop3A_172] {strides = array<i32>} : memref<80x128xf32, #tpu.memory_space<vmem>>, vector<16xf32>,
          tpu.vector_store %arg10[%parallel_loop3A_171, %parallel_loop3A_172], %parallel_loop3A_170 {strides = array<i32>} : memref<80x128xf32, #tpu.memory_space<vmem>>, vector<16xf32>,
          %parallel_loop3A_174 = arith.index_cast %parallel_loop3A_140 : i32 to index
          %parallel_loop3A_175 = arith.constant 64 : index
          %parallel_loop3A_176 = tpu.vector_load %arg10[%parallel_loop3A_174, %parallel_loop3A_175] {strides = array<i32>} : memref<80x128xf32, #tpu.memory_space<vmem>>, vector<16xf32>,
          %parallel_loop3A_177 = arith.mulf %parallel_loop3A_176, %parallel_loop3A_145 : vector<16xf32>
          %parallel_loop3A_178 = arith.index_cast %parallel_loop3A_140 : i32 to index
          %parallel_loop3A_179 = arith.constant 64 : index
          %parallel_loop3A_180 = tpu.vector_load %arg10[%parallel_loop3A_178, %parallel_loop3A_179] {strides = array<i32>} : memref<80x128xf32, #tpu.memory_space<vmem>>, vector<16xf32>,
          tpu.vector_store %arg10[%parallel_loop3A_178, %parallel_loop3A_179], %parallel_loop3A_177 {strides = array<i32>} : memref<80x128xf32, #tpu.memory_space<vmem>>, vector<16xf32>,
          %parallel_loop3A_181 = arith.index_cast %parallel_loop3A_140 : i32 to index
          %parallel_loop3A_182 = arith.constant 80 : index
          %parallel_loop3A_183 = tpu.vector_load %arg10[%parallel_loop3A_181, %parallel_loop3A_182] {strides = array<i32>} : memref<80x128xf32, #tpu.memory_space<vmem>>, vector<16xf32>,
          %parallel_loop3A_184 = arith.mulf %parallel_loop3A_183, %parallel_loop3A_145 : vector<16xf32>
          %parallel_loop3A_185 = arith.index_cast %parallel_loop3A_140 : i32 to index
          %parallel_loop3A_186 = arith.constant 80 : index
          %parallel_loop3A_187 = tpu.vector_load %arg10[%parallel_loop3A_185, %parallel_loop3A_186] {strides = array<i32>} : memref<80x128xf32, #tpu.memory_space<vmem>>, vector<16xf32>,
          tpu.vector_store %arg10[%parallel_loop3A_185, %parallel_loop3A_186], %parallel_loop3A_184 {strides = array<i32>} : memref<80x128xf32, #tpu.memory_space<vmem>>, vector<16xf32>,
          %parallel_loop3A_188 = arith.index_cast %parallel_loop3A_140 : i32 to index
          %parallel_loop3A_189 = arith.constant 96 : index
          %parallel_loop3A_190 = tpu.vector_load %arg10[%parallel_loop3A_188, %parallel_loop3A_189] {strides = array<i32>} : memref<80x128xf32, #tpu.memory_space<vmem>>, vector<16xf32>,
          %parallel_loop3A_191 = arith.mulf %parallel_loop3A_190, %parallel_loop3A_145 : vector<16xf32>
          %parallel_loop3A_192 = arith.index_cast %parallel_loop3A_140 : i32 to index
          %parallel_loop3A_193 = arith.constant 96 : index
          %parallel_loop3A_194 = tpu.vector_load %arg10[%parallel_loop3A_192, %parallel_loop3A_193] {strides = array<i32>} : memref<80x128xf32, #tpu.memory_space<vmem>>, vector<16xf32>,
          tpu.vector_store %arg10[%parallel_loop3A_192, %parallel_loop3A_193], %parallel_loop3A_191 {strides = array<i32>} : memref<80x128xf32, #tpu.memory_space<vmem>>, vector<16xf32>,
          %parallel_loop3A_195 = arith.index_cast %parallel_loop3A_140 : i32 to index
          %parallel_loop3A_196 = arith.constant 112 : index
          %parallel_loop3A_197 = tpu.vector_load %arg10[%parallel_loop3A_195, %parallel_loop3A_196] {strides = array<i32>} : memref<80x128xf32, #tpu.memory_space<vmem>>, vector<16xf32>,
          %parallel_loop3A_198 = arith.mulf %parallel_loop3A_197, %parallel_loop3A_145 : vector<16xf32>
          %parallel_loop3A_199 = arith.index_cast %parallel_loop3A_140 : i32 to index
          %parallel_loop3A_200 = arith.constant 112 : index
          %parallel_loop3A_201 = tpu.vector_load %arg10[%parallel_loop3A_199, %parallel_loop3A_200] {strides = array<i32>} : memref<80x128xf32, #tpu.memory_space<vmem>>, vector<16xf32>,
          tpu.vector_store %arg10[%parallel_loop3A_199, %parallel_loop3A_200], %parallel_loop3A_198 {strides = array<i32>} : memref<80x128xf32, #tpu.memory_space<vmem>>, vector<16xf32>,
        } {sc.loop_unroll_factor = 4 : i64, sc.parallel_access}
        %dma_start3A_114 = arith.constant 0 : i32
        %dma_start3A_115 = tpu.memref_slice %arg8[%mul3A_94, %dma_start3A_114] : memref<25x80xi32, #tpu.memory_space<vmem>> -> memref<1x80xi32, #tpu.memory_space<vmem>>
        %dma_start3A_116 = tpu.memref_squeeze %dma_start3A_115 : memref<1x80xi32, #tpu.memory_space<vmem>> -> memref<80xi32, #tpu.memory_space<vmem>>
        %dma_start3A_117 = arith.constant 0 : i32
        %dma_start3A_118 = arith.constant 0 : i32
        %dma_start3A_119 = tpu.memref_slice %arg16[%dma_start3A_117, %dma_start3A_118] : memref<10000x128xf32, #tpu.memory_space<vmem_shared>> -> memref<10000x128xf32, #tpu.memory_space<vmem_shared>>
        tpu.enqueue_indirect_dma source(%arg10 : memref<80x128xf32, #tpu.memory_space<vmem>>) target(%dma_start3A_119 : memref<10000x128xf32, #tpu.memory_space<vmem_shared>>) offsets(%dma_start3A_116 : memref<80xi32, #tpu.memory_space<vmem>>) semaphore(%arg14 : memref<!tpu.dma_semaphore, #tpu.memory_space<semaphore_mem>>) {add = true}
        %lt3A = arith.constant 11 : i32
        %lt3A_120 = arith.cmpi slt, %scan3A_91, %lt3A : i32
        %convert_element_type3A_121 = arith.extui %lt3A_120 : i1 to i32
        %cond3A_122 = arith.constant 0 : i32
        %cond3A_123 = arith.cmpi ne, %convert_element_type3A_121, %cond3A_122 : i32
        scf.if %cond3A_123 {
          %dma_wait3A_140 = arith.constant 0 : i32
          %dma_wait3A_141 = tpu.memref_slice %arg8[%mul3A_94, %dma_wait3A_140] : memref<25x80xi32, #tpu.memory_space<vmem>> -> memref<1x80xi32, #tpu.memory_space<vmem>>
          %dma_wait3A_142 = tpu.memref_squeeze %dma_wait3A_141 : memref<1x80xi32, #tpu.memory_space<vmem>> -> memref<80xi32, #tpu.memory_space<vmem>>
          %dma_wait3A_143 = arith.constant 0 : i32
          %dma_wait3A_144 = arith.constant 0 : i32
          %dma_wait3A_145 = tpu.memref_slice %arg16[%dma_wait3A_143, %dma_wait3A_144] : memref<10000x128xf32, #tpu.memory_space<vmem_shared>> -> memref<10000x128xf32, #tpu.memory_space<vmem_shared>>
          tpu.wait_indirect_dma semaphore(%arg14 : memref<!tpu.dma_semaphore, #tpu.memory_space<semaphore_mem>>) src(%arg10 : memref<80x128xf32, #tpu.memory_space<vmem>>) dst(%dma_wait3A_145 : memref<10000x128xf32, #tpu.memory_space<vmem_shared>>)
          %add3A_146 = arith.constant 2 : i32
          %add3A_147 = arith.addi %mul3A_94, %add3A_146 : i32
          %dma_start3A_148 = arith.constant 0 : i32
          %dma_start3A_149 = tpu.memref_slice %arg7[%add3A_147, %dma_start3A_148] : memref<25x80xi32, #tpu.memory_space<vmem>> -> memref<1x80xi32, #tpu.memory_space<vmem>>
          %dma_start3A_150 = tpu.memref_squeeze %dma_start3A_149 : memref<1x80xi32, #tpu.memory_space<vmem>> -> memref<80xi32, #tpu.memory_space<vmem>>
          %dma_start3A_151 = arith.constant 0 : i32
          %dma_start3A_152 = arith.constant 0 : i32
          %dma_start3A_153 = tpu.memref_slice %arg5[%dma_start3A_151, %dma_start3A_152] : memref<10000x128xf32, #tpu.memory_space<hbm>> -> memref<10000x128xf32, #tpu.memory_space<hbm>>
          tpu.enqueue_indirect_dma source(%dma_start3A_153 : memref<10000x128xf32, #tpu.memory_space<hbm>>) target(%arg10 : memref<80x128xf32, #tpu.memory_space<vmem>>) offsets(%dma_start3A_150 : memref<80xi32, #tpu.memory_space<vmem>>) semaphore(%arg12 : memref<!tpu.dma_semaphore, #tpu.memory_space<semaphore_mem>>)
        } else {
        }
        %dma_wait3A_124 = arith.constant 0 : i32
        %dma_wait3A_125 = tpu.memref_slice %arg7[%add3A_96, %dma_wait3A_124] : memref<25x80xi32, #tpu.memory_space<vmem>> -> memref<1x80xi32, #tpu.memory_space<vmem>>
        %dma_wait3A_126 = tpu.memref_squeeze %dma_wait3A_125 : memref<1x80xi32, #tpu.memory_space<vmem>> -> memref<80xi32, #tpu.memory_space<vmem>>
        %dma_wait3A_127 = arith.constant 0 : i32
        %dma_wait3A_128 = arith.constant 0 : i32
        %dma_wait3A_129 = tpu.memref_slice %arg5[%dma_wait3A_127, %dma_wait3A_128] : memref<10000x128xf32, #tpu.memory_space<hbm>> -> memref<10000x128xf32, #tpu.memory_space<hbm>>
        tpu.wait_indirect_dma semaphore(%arg13 : memref<!tpu.dma_semaphore, #tpu.memory_space<semaphore_mem>>) src(%dma_wait3A_129 : memref<10000x128xf32, #tpu.memory_space<hbm>>) dst(%arg11 : memref<80x128xf32, #tpu.memory_space<vmem>>)
        %parallel_loop3A_130 = arith.constant 0 : i32
        %parallel_loop3A_131 = arith.constant 80 : i32
        %parallel_loop3A_132 = arith.constant 1 : i32
        scf.for %parallel_loop3A_140 = %parallel_loop3A_130 to %parallel_loop3A_131 step %parallel_loop3A_132  : i32 {
          %parallel_loop3A_141 = arith.constant 80 : i32
          %parallel_loop3A_142 = arith.muli %add3A_96, %parallel_loop3A_141 : i32
          %parallel_loop3A_143 = arith.addi %parallel_loop3A_142, %parallel_loop3A_140 : i32
          %parallel_loop3A_144 = vector.broadcast %parallel_loop3A_143 : i32 to vector<16xi32>
          %parallel_loop3A_145 = tpu.vector_load_idx %arg9[%parallel_loop3A_144] : memref<2000xf32, #tpu.memory_space<vmem>>[vector<16xi32>], vector<16xf32>,
          %parallel_loop3A_146 = arith.index_cast %parallel_loop3A_140 : i32 to index
          %parallel_loop3A_147 = arith.constant 0 : index
          %parallel_loop3A_148 = tpu.vector_load %arg11[%parallel_loop3A_146, %parallel_loop3A_147] {strides = array<i32>} : memref<80x128xf32, #tpu.memory_space<vmem>>, vector<16xf32>,
          %parallel_loop3A_149 = arith.mulf %parallel_loop3A_148, %parallel_loop3A_145 : vector<16xf32>
          %parallel_loop3A_150 = arith.index_cast %parallel_loop3A_140 : i32 to index
          %parallel_loop3A_151 = arith.constant 0 : index
          %parallel_loop3A_152 = tpu.vector_load %arg11[%parallel_loop3A_150, %parallel_loop3A_151] {strides = array<i32>} : memref<80x128xf32, #tpu.memory_space<vmem>>, vector<16xf32>,
          tpu.vector_store %arg11[%parallel_loop3A_150, %parallel_loop3A_151], %parallel_loop3A_149 {strides = array<i32>} : memref<80x128xf32, #tpu.memory_space<vmem>>, vector<16xf32>,
          %parallel_loop3A_153 = arith.index_cast %parallel_loop3A_140 : i32 to index
          %parallel_loop3A_154 = arith.constant 16 : index
          %parallel_loop3A_155 = tpu.vector_load %arg11[%parallel_loop3A_153, %parallel_loop3A_154] {strides = array<i32>} : memref<80x128xf32, #tpu.memory_space<vmem>>, vector<16xf32>,
          %parallel_loop3A_156 = arith.mulf %parallel_loop3A_155, %parallel_loop3A_145 : vector<16xf32>
          %parallel_loop3A_157 = arith.index_cast %parallel_loop3A_140 : i32 to index
          %parallel_loop3A_158 = arith.constant 16 : index
          %parallel_loop3A_159 = tpu.vector_load %arg11[%parallel_loop3A_157, %parallel_loop3A_158] {strides = array<i32>} : memref<80x128xf32, #tpu.memory_space<vmem>>, vector<16xf32>,
          tpu.vector_store %arg11[%parallel_loop3A_157, %parallel_loop3A_158], %parallel_loop3A_156 {strides = array<i32>} : memref<80x128xf32, #tpu.memory_space<vmem>>, vector<16xf32>,
          %parallel_loop3A_160 = arith.index_cast %parallel_loop3A_140 : i32 to index
          %parallel_loop3A_161 = arith.constant 32 : index
          %parallel_loop3A_162 = tpu.vector_load %arg11[%parallel_loop3A_160, %parallel_loop3A_161] {strides = array<i32>} : memref<80x128xf32, #tpu.memory_space<vmem>>, vector<16xf32>,
          %parallel_loop3A_163 = arith.mulf %parallel_loop3A_162, %parallel_loop3A_145 : vector<16xf32>
          %parallel_loop3A_164 = arith.index_cast %parallel_loop3A_140 : i32 to index
          %parallel_loop3A_165 = arith.constant 32 : index
          %parallel_loop3A_166 = tpu.vector_load %arg11[%parallel_loop3A_164, %parallel_loop3A_165] {strides = array<i32>} : memref<80x128xf32, #tpu.memory_space<vmem>>, vector<16xf32>,
          tpu.vector_store %arg11[%parallel_loop3A_164, %parallel_loop3A_165], %parallel_loop3A_163 {strides = array<i32>} : memref<80x128xf32, #tpu.memory_space<vmem>>, vector<16xf32>,
          %parallel_loop3A_167 = arith.index_cast %parallel_loop3A_140 : i32 to index
          %parallel_loop3A_168 = arith.constant 48 : index
          %parallel_loop3A_169 = tpu.vector_load %arg11[%parallel_loop3A_167, %parallel_loop3A_168] {strides = array<i32>} : memref<80x128xf32, #tpu.memory_space<vmem>>, vector<16xf32>,
          %parallel_loop3A_170 = arith.mulf %parallel_loop3A_169, %parallel_loop3A_145 : vector<16xf32>
          %parallel_loop3A_171 = arith.index_cast %parallel_loop3A_140 : i32 to index
          %parallel_loop3A_172 = arith.constant 48 : index
          %parallel_loop3A_173 = tpu.vector_load %arg11[%parallel_loop3A_171, %parallel_loop3A_172] {strides = array<i32>} : memref<80x128xf32, #tpu.memory_space<vmem>>, vector<16xf32>,
          tpu.vector_store %arg11[%parallel_loop3A_171, %parallel_loop3A_172], %parallel_loop3A_170 {strides = array<i32>} : memref<80x128xf32, #tpu.memory_space<vmem>>, vector<16xf32>,
          %parallel_loop3A_174 = arith.index_cast %parallel_loop3A_140 : i32 to index
          %parallel_loop3A_175 = arith.constant 64 : index
          %parallel_loop3A_176 = tpu.vector_load %arg11[%parallel_loop3A_174, %parallel_loop3A_175] {strides = array<i32>} : memref<80x128xf32, #tpu.memory_space<vmem>>, vector<16xf32>,
          %parallel_loop3A_177 = arith.mulf %parallel_loop3A_176, %parallel_loop3A_145 : vector<16xf32>
          %parallel_loop3A_178 = arith.index_cast %parallel_loop3A_140 : i32 to index
          %parallel_loop3A_179 = arith.constant 64 : index
          %parallel_loop3A_180 = tpu.vector_load %arg11[%parallel_loop3A_178, %parallel_loop3A_179] {strides = array<i32>} : memref<80x128xf32, #tpu.memory_space<vmem>>, vector<16xf32>,
          tpu.vector_store %arg11[%parallel_loop3A_178, %parallel_loop3A_179], %parallel_loop3A_177 {strides = array<i32>} : memref<80x128xf32, #tpu.memory_space<vmem>>, vector<16xf32>,
          %parallel_loop3A_181 = arith.index_cast %parallel_loop3A_140 : i32 to index
          %parallel_loop3A_182 = arith.constant 80 : index
          %parallel_loop3A_183 = tpu.vector_load %arg11[%parallel_loop3A_181, %parallel_loop3A_182] {strides = array<i32>} : memref<80x128xf32, #tpu.memory_space<vmem>>, vector<16xf32>,
          %parallel_loop3A_184 = arith.mulf %parallel_loop3A_183, %parallel_loop3A_145 : vector<16xf32>
          %parallel_loop3A_185 = arith.index_cast %parallel_loop3A_140 : i32 to index
          %parallel_loop3A_186 = arith.constant 80 : index
          %parallel_loop3A_187 = tpu.vector_load %arg11[%parallel_loop3A_185, %parallel_loop3A_186] {strides = array<i32>} : memref<80x128xf32, #tpu.memory_space<vmem>>, vector<16xf32>,
          tpu.vector_store %arg11[%parallel_loop3A_185, %parallel_loop3A_186], %parallel_loop3A_184 {strides = array<i32>} : memref<80x128xf32, #tpu.memory_space<vmem>>, vector<16xf32>,
          %parallel_loop3A_188 = arith.index_cast %parallel_loop3A_140 : i32 to index
          %parallel_loop3A_189 = arith.constant 96 : index
          %parallel_loop3A_190 = tpu.vector_load %arg11[%parallel_loop3A_188, %parallel_loop3A_189] {strides = array<i32>} : memref<80x128xf32, #tpu.memory_space<vmem>>, vector<16xf32>,
          %parallel_loop3A_191 = arith.mulf %parallel_loop3A_190, %parallel_loop3A_145 : vector<16xf32>
          %parallel_loop3A_192 = arith.index_cast %parallel_loop3A_140 : i32 to index
          %parallel_loop3A_193 = arith.constant 96 : index
          %parallel_loop3A_194 = tpu.vector_load %arg11[%parallel_loop3A_192, %parallel_loop3A_193] {strides = array<i32>} : memref<80x128xf32, #tpu.memory_space<vmem>>, vector<16xf32>,
          tpu.vector_store %arg11[%parallel_loop3A_192, %parallel_loop3A_193], %parallel_loop3A_191 {strides = array<i32>} : memref<80x128xf32, #tpu.memory_space<vmem>>, vector<16xf32>,
          %parallel_loop3A_195 = arith.index_cast %parallel_loop3A_140 : i32 to index
          %parallel_loop3A_196 = arith.constant 112 : index
          %parallel_loop3A_197 = tpu.vector_load %arg11[%parallel_loop3A_195, %parallel_loop3A_196] {strides = array<i32>} : memref<80x128xf32, #tpu.memory_space<vmem>>, vector<16xf32>,
          %parallel_loop3A_198 = arith.mulf %parallel_loop3A_197, %parallel_loop3A_145 : vector<16xf32>
          %parallel_loop3A_199 = arith.index_cast %parallel_loop3A_140 : i32 to index
          %parallel_loop3A_200 = arith.constant 112 : index
          %parallel_loop3A_201 = tpu.vector_load %arg11[%parallel_loop3A_199, %parallel_loop3A_200] {strides = array<i32>} : memref<80x128xf32, #tpu.memory_space<vmem>>, vector<16xf32>,
          tpu.vector_store %arg11[%parallel_loop3A_199, %parallel_loop3A_200], %parallel_loop3A_198 {strides = array<i32>} : memref<80x128xf32, #tpu.memory_space<vmem>>, vector<16xf32>,
        } {sc.loop_unroll_factor = 4 : i64, sc.parallel_access}
        %dma_start3A_133 = arith.constant 0 : i32
        %dma_start3A_134 = tpu.memref_slice %arg8[%add3A_96, %dma_start3A_133] : memref<25x80xi32, #tpu.memory_space<vmem>> -> memref<1x80xi32, #tpu.memory_space<vmem>>
        %dma_start3A_135 = tpu.memref_squeeze %dma_start3A_134 : memref<1x80xi32, #tpu.memory_space<vmem>> -> memref<80xi32, #tpu.memory_space<vmem>>
        %dma_start3A_136 = arith.constant 0 : i32
        %dma_start3A_137 = arith.constant 0 : i32
        %dma_start3A_138 = tpu.memref_slice %arg16[%dma_start3A_136, %dma_start3A_137] : memref<10000x128xf32, #tpu.memory_space<vmem_shared>> -> memref<10000x128xf32, #tpu.memory_space<vmem_shared>>
        tpu.enqueue_indirect_dma source(%arg11 : memref<80x128xf32, #tpu.memory_space<vmem>>) target(%dma_start3A_138 : memref<10000x128xf32, #tpu.memory_space<vmem_shared>>) offsets(%dma_start3A_135 : memref<80xi32, #tpu.memory_space<vmem>>) semaphore(%arg15 : memref<!tpu.dma_semaphore, #tpu.memory_space<semaphore_mem>>) {add = true}
        %scan3A_139 = arith.constant 0 : i32
        scf.yield %scan3A_139 : i32
      }
      %scan3A_73 = arith.constant 12 : i32
      %dma_wait3A = arith.constant 22 : i32
      %dma_wait3A_74 = arith.constant 0 : i32
      %dma_wait3A_75 = tpu.memref_slice %arg8[%dma_wait3A, %dma_wait3A_74] : memref<25x80xi32, #tpu.memory_space<vmem>> -> memref<1x80xi32, #tpu.memory_space<vmem>>
      %dma_wait3A_76 = tpu.memref_squeeze %dma_wait3A_75 : memref<1x80xi32, #tpu.memory_space<vmem>> -> memref<80xi32, #tpu.memory_space<vmem>>
      %dma_wait3A_77 = arith.constant 0 : i32
      %dma_wait3A_78 = arith.constant 0 : i32
      %dma_wait3A_79 = tpu.memref_slice %arg16[%dma_wait3A_77, %dma_wait3A_78] : memref<10000x128xf32, #tpu.memory_space<vmem_shared>> -> memref<10000x128xf32, #tpu.memory_space<vmem_shared>>
      tpu.wait_indirect_dma semaphore(%arg14 : memref<!tpu.dma_semaphore, #tpu.memory_space<semaphore_mem>>) src(%arg10 : memref<80x128xf32, #tpu.memory_space<vmem>>) dst(%dma_wait3A_79 : memref<10000x128xf32, #tpu.memory_space<vmem_shared>>)
      %run_scoped3A = arith.constant 24 : i32
      "tpu.region"() ({
        %run_scoped3A_91 = tpu.sem_alloc : memref<!tpu.dma_semaphore, #tpu.memory_space<semaphore_mem>>
        %dma_start3A_92 = arith.constant 0 : i32
        %dma_start3A_93 = tpu.memref_slice %arg7[%run_scoped3A, %dma_start3A_92] : memref<25x80xi32, #tpu.memory_space<vmem>> -> memref<1x80xi32, #tpu.memory_space<vmem>>
        %dma_start3A_94 = tpu.memref_squeeze %dma_start3A_93 : memref<1x80xi32, #tpu.memory_space<vmem>> -> memref<80xi32, #tpu.memory_space<vmem>>
        %dma_start3A_95 = arith.constant 0 : i32
        %dma_start3A_96 = arith.constant 0 : i32
        %dma_start3A_97 = tpu.memref_slice %arg5[%dma_start3A_95, %dma_start3A_96] : memref<10000x128xf32, #tpu.memory_space<hbm>> -> memref<10000x128xf32, #tpu.memory_space<hbm>>
        tpu.enqueue_indirect_dma source(%dma_start3A_97 : memref<10000x128xf32, #tpu.memory_space<hbm>>) target(%arg10 : memref<80x128xf32, #tpu.memory_space<vmem>>) offsets(%dma_start3A_94 : memref<80xi32, #tpu.memory_space<vmem>>) semaphore(%run_scoped3A_91 : memref<!tpu.dma_semaphore, #tpu.memory_space<semaphore_mem>>)
        %dma_wait3A_98 = arith.constant 0 : i32
        %dma_wait3A_99 = tpu.memref_slice %arg7[%run_scoped3A, %dma_wait3A_98] : memref<25x80xi32, #tpu.memory_space<vmem>> -> memref<1x80xi32, #tpu.memory_space<vmem>>
        %dma_wait3A_100 = tpu.memref_squeeze %dma_wait3A_99 : memref<1x80xi32, #tpu.memory_space<vmem>> -> memref<80xi32, #tpu.memory_space<vmem>>
        %dma_wait3A_101 = arith.constant 0 : i32
        %dma_wait3A_102 = arith.constant 0 : i32
        %dma_wait3A_103 = tpu.memref_slice %arg5[%dma_wait3A_101, %dma_wait3A_102] : memref<10000x128xf32, #tpu.memory_space<hbm>> -> memref<10000x128xf32, #tpu.memory_space<hbm>>
        tpu.wait_indirect_dma semaphore(%run_scoped3A_91 : memref<!tpu.dma_semaphore, #tpu.memory_space<semaphore_mem>>) src(%dma_wait3A_103 : memref<10000x128xf32, #tpu.memory_space<hbm>>) dst(%arg10 : memref<80x128xf32, #tpu.memory_space<vmem>>)
        tpu.yield
      }) : () -> ()
      %parallel_loop3A = arith.constant 0 : i32
      %parallel_loop3A_80 = arith.constant 80 : i32
      %parallel_loop3A_81 = arith.constant 1 : i32
      scf.for %parallel_loop3A_91 = %parallel_loop3A to %parallel_loop3A_80 step %parallel_loop3A_81  : i32 {
        %parallel_loop3A_92 = arith.constant 1920 : i32
        %parallel_loop3A_93 = arith.addi %parallel_loop3A_92, %parallel_loop3A_91 : i32
        %parallel_loop3A_94 = vector.broadcast %parallel_loop3A_93 : i32 to vector<16xi32>
        %parallel_loop3A_95 = tpu.vector_load_idx %arg9[%parallel_loop3A_94] : memref<2000xf32, #tpu.memory_space<vmem>>[vector<16xi32>], vector<16xf32>,
        %parallel_loop3A_96 = arith.index_cast %parallel_loop3A_91 : i32 to index
        %parallel_loop3A_97 = arith.constant 0 : index
        %parallel_loop3A_98 = tpu.vector_load %arg10[%parallel_loop3A_96, %parallel_loop3A_97] {strides = array<i32>} : memref<80x128xf32, #tpu.memory_space<vmem>>, vector<16xf32>,
        %parallel_loop3A_99 = arith.mulf %parallel_loop3A_98, %parallel_loop3A_95 : vector<16xf32>
        %parallel_loop3A_100 = arith.index_cast %parallel_loop3A_91 : i32 to index
        %parallel_loop3A_101 = arith.constant 0 : index
        %parallel_loop3A_102 = tpu.vector_load %arg10[%parallel_loop3A_100, %parallel_loop3A_101] {strides = array<i32>} : memref<80x128xf32, #tpu.memory_space<vmem>>, vector<16xf32>,
        tpu.vector_store %arg10[%parallel_loop3A_100, %parallel_loop3A_101], %parallel_loop3A_99 {strides = array<i32>} : memref<80x128xf32, #tpu.memory_space<vmem>>, vector<16xf32>,
        %parallel_loop3A_103 = arith.index_cast %parallel_loop3A_91 : i32 to index
        %parallel_loop3A_104 = arith.constant 16 : index
        %parallel_loop3A_105 = tpu.vector_load %arg10[%parallel_loop3A_103, %parallel_loop3A_104] {strides = array<i32>} : memref<80x128xf32, #tpu.memory_space<vmem>>, vector<16xf32>,
        %parallel_loop3A_106 = arith.mulf %parallel_loop3A_105, %parallel_loop3A_95 : vector<16xf32>
        %parallel_loop3A_107 = arith.index_cast %parallel_loop3A_91 : i32 to index
        %parallel_loop3A_108 = arith.constant 16 : index
        %parallel_loop3A_109 = tpu.vector_load %arg10[%parallel_loop3A_107, %parallel_loop3A_108] {strides = array<i32>} : memref<80x128xf32, #tpu.memory_space<vmem>>, vector<16xf32>,
        tpu.vector_store %arg10[%parallel_loop3A_107, %parallel_loop3A_108], %parallel_loop3A_106 {strides = array<i32>} : memref<80x128xf32, #tpu.memory_space<vmem>>, vector<16xf32>,
        %parallel_loop3A_110 = arith.index_cast %parallel_loop3A_91 : i32 to index
        %parallel_loop3A_111 = arith.constant 32 : index
        %parallel_loop3A_112 = tpu.vector_load %arg10[%parallel_loop3A_110, %parallel_loop3A_111] {strides = array<i32>} : memref<80x128xf32, #tpu.memory_space<vmem>>, vector<16xf32>,
        %parallel_loop3A_113 = arith.mulf %parallel_loop3A_112, %parallel_loop3A_95 : vector<16xf32>
        %parallel_loop3A_114 = arith.index_cast %parallel_loop3A_91 : i32 to index
        %parallel_loop3A_115 = arith.constant 32 : index
        %parallel_loop3A_116 = tpu.vector_load %arg10[%parallel_loop3A_114, %parallel_loop3A_115] {strides = array<i32>} : memref<80x128xf32, #tpu.memory_space<vmem>>, vector<16xf32>,
        tpu.vector_store %arg10[%parallel_loop3A_114, %parallel_loop3A_115], %parallel_loop3A_113 {strides = array<i32>} : memref<80x128xf32, #tpu.memory_space<vmem>>, vector<16xf32>,
        %parallel_loop3A_117 = arith.index_cast %parallel_loop3A_91 : i32 to index
        %parallel_loop3A_118 = arith.constant 48 : index
        %parallel_loop3A_119 = tpu.vector_load %arg10[%parallel_loop3A_117, %parallel_loop3A_118] {strides = array<i32>} : memref<80x128xf32, #tpu.memory_space<vmem>>, vector<16xf32>,
        %parallel_loop3A_120 = arith.mulf %parallel_loop3A_119, %parallel_loop3A_95 : vector<16xf32>
        %parallel_loop3A_121 = arith.index_cast %parallel_loop3A_91 : i32 to index
        %parallel_loop3A_122 = arith.constant 48 : index
        %parallel_loop3A_123 = tpu.vector_load %arg10[%parallel_loop3A_121, %parallel_loop3A_122] {strides = array<i32>} : memref<80x128xf32, #tpu.memory_space<vmem>>, vector<16xf32>,
        tpu.vector_store %arg10[%parallel_loop3A_121, %parallel_loop3A_122], %parallel_loop3A_120 {strides = array<i32>} : memref<80x128xf32, #tpu.memory_space<vmem>>, vector<16xf32>,
        %parallel_loop3A_124 = arith.index_cast %parallel_loop3A_91 : i32 to index
        %parallel_loop3A_125 = arith.constant 64 : index
        %parallel_loop3A_126 = tpu.vector_load %arg10[%parallel_loop3A_124, %parallel_loop3A_125] {strides = array<i32>} : memref<80x128xf32, #tpu.memory_space<vmem>>, vector<16xf32>,
        %parallel_loop3A_127 = arith.mulf %parallel_loop3A_126, %parallel_loop3A_95 : vector<16xf32>
        %parallel_loop3A_128 = arith.index_cast %parallel_loop3A_91 : i32 to index
        %parallel_loop3A_129 = arith.constant 64 : index
        %parallel_loop3A_130 = tpu.vector_load %arg10[%parallel_loop3A_128, %parallel_loop3A_129] {strides = array<i32>} : memref<80x128xf32, #tpu.memory_space<vmem>>, vector<16xf32>,
        tpu.vector_store %arg10[%parallel_loop3A_128, %parallel_loop3A_129], %parallel_loop3A_127 {strides = array<i32>} : memref<80x128xf32, #tpu.memory_space<vmem>>, vector<16xf32>,
        %parallel_loop3A_131 = arith.index_cast %parallel_loop3A_91 : i32 to index
        %parallel_loop3A_132 = arith.constant 80 : index
        %parallel_loop3A_133 = tpu.vector_load %arg10[%parallel_loop3A_131, %parallel_loop3A_132] {strides = array<i32>} : memref<80x128xf32, #tpu.memory_space<vmem>>, vector<16xf32>,
        %parallel_loop3A_134 = arith.mulf %parallel_loop3A_133, %parallel_loop3A_95 : vector<16xf32>
        %parallel_loop3A_135 = arith.index_cast %parallel_loop3A_91 : i32 to index
        %parallel_loop3A_136 = arith.constant 80 : index
        %parallel_loop3A_137 = tpu.vector_load %arg10[%parallel_loop3A_135, %parallel_loop3A_136] {strides = array<i32>} : memref<80x128xf32, #tpu.memory_space<vmem>>, vector<16xf32>,
        tpu.vector_store %arg10[%parallel_loop3A_135, %parallel_loop3A_136], %parallel_loop3A_134 {strides = array<i32>} : memref<80x128xf32, #tpu.memory_space<vmem>>, vector<16xf32>,
        %parallel_loop3A_138 = arith.index_cast %parallel_loop3A_91 : i32 to index
        %parallel_loop3A_139 = arith.constant 96 : index
        %parallel_loop3A_140 = tpu.vector_load %arg10[%parallel_loop3A_138, %parallel_loop3A_139] {strides = array<i32>} : memref<80x128xf32, #tpu.memory_space<vmem>>, vector<16xf32>,
        %parallel_loop3A_141 = arith.mulf %parallel_loop3A_140, %parallel_loop3A_95 : vector<16xf32>
        %parallel_loop3A_142 = arith.index_cast %parallel_loop3A_91 : i32 to index
        %parallel_loop3A_143 = arith.constant 96 : index
        %parallel_loop3A_144 = tpu.vector_load %arg10[%parallel_loop3A_142, %parallel_loop3A_143] {strides = array<i32>} : memref<80x128xf32, #tpu.memory_space<vmem>>, vector<16xf32>,
        tpu.vector_store %arg10[%parallel_loop3A_142, %parallel_loop3A_143], %parallel_loop3A_141 {strides = array<i32>} : memref<80x128xf32, #tpu.memory_space<vmem>>, vector<16xf32>,
        %parallel_loop3A_145 = arith.index_cast %parallel_loop3A_91 : i32 to index
        %parallel_loop3A_146 = arith.constant 112 : index
        %parallel_loop3A_147 = tpu.vector_load %arg10[%parallel_loop3A_145, %parallel_loop3A_146] {strides = array<i32>} : memref<80x128xf32, #tpu.memory_space<vmem>>, vector<16xf32>,
        %parallel_loop3A_148 = arith.mulf %parallel_loop3A_147, %parallel_loop3A_95 : vector<16xf32>
        %parallel_loop3A_149 = arith.index_cast %parallel_loop3A_91 : i32 to index
        %parallel_loop3A_150 = arith.constant 112 : index
        %parallel_loop3A_151 = tpu.vector_load %arg10[%parallel_loop3A_149, %parallel_loop3A_150] {strides = array<i32>} : memref<80x128xf32, #tpu.memory_space<vmem>>, vector<16xf32>,
        tpu.vector_store %arg10[%parallel_loop3A_149, %parallel_loop3A_150], %parallel_loop3A_148 {strides = array<i32>} : memref<80x128xf32, #tpu.memory_space<vmem>>, vector<16xf32>,
      } {sc.loop_unroll_factor = 4 : i64, sc.parallel_access}
      %dma_wait3A_82 = arith.constant 23 : i32
      %dma_wait3A_83 = arith.constant 0 : i32
      %dma_wait3A_84 = tpu.memref_slice %arg8[%dma_wait3A_82, %dma_wait3A_83] : memref<25x80xi32, #tpu.memory_space<vmem>> -> memref<1x80xi32, #tpu.memory_space<vmem>>
      %dma_wait3A_85 = tpu.memref_squeeze %dma_wait3A_84 : memref<1x80xi32, #tpu.memory_space<vmem>> -> memref<80xi32, #tpu.memory_space<vmem>>
      %dma_wait3A_86 = arith.constant 0 : i32
      %dma_wait3A_87 = arith.constant 0 : i32
      %dma_wait3A_88 = tpu.memref_slice %arg16[%dma_wait3A_86, %dma_wait3A_87] : memref<10000x128xf32, #tpu.memory_space<vmem_shared>> -> memref<10000x128xf32, #tpu.memory_space<vmem_shared>>
      tpu.wait_indirect_dma semaphore(%arg15 : memref<!tpu.dma_semaphore, #tpu.memory_space<semaphore_mem>>) src(%arg11 : memref<80x128xf32, #tpu.memory_space<vmem>>) dst(%dma_wait3A_88 : memref<10000x128xf32, #tpu.memory_space<vmem_shared>>)
      %run_scoped3A_89 = arith.constant 24 : i32
      "tpu.region"() ({
        %run_scoped3A_91 = tpu.sem_alloc : memref<!tpu.dma_semaphore, #tpu.memory_space<semaphore_mem>>
        %dma_start3A_92 = arith.constant 0 : i32
        %dma_start3A_93 = tpu.memref_slice %arg8[%run_scoped3A_89, %dma_start3A_92] : memref<25x80xi32, #tpu.memory_space<vmem>> -> memref<1x80xi32, #tpu.memory_space<vmem>>
        %dma_start3A_94 = tpu.memref_squeeze %dma_start3A_93 : memref<1x80xi32, #tpu.memory_space<vmem>> -> memref<80xi32, #tpu.memory_space<vmem>>
        %dma_start3A_95 = arith.constant 0 : i32
        %dma_start3A_96 = arith.constant 0 : i32
        %dma_start3A_97 = tpu.memref_slice %arg16[%dma_start3A_95, %dma_start3A_96] : memref<10000x128xf32, #tpu.memory_space<vmem_shared>> -> memref<10000x128xf32, #tpu.memory_space<vmem_shared>>
        tpu.enqueue_indirect_dma source(%arg10 : memref<80x128xf32, #tpu.memory_space<vmem>>) target(%dma_start3A_97 : memref<10000x128xf32, #tpu.memory_space<vmem_shared>>) offsets(%dma_start3A_94 : memref<80xi32, #tpu.memory_space<vmem>>) semaphore(%run_scoped3A_91 : memref<!tpu.dma_semaphore, #tpu.memory_space<semaphore_mem>>) {add = true}
        %dma_wait3A_98 = arith.constant 0 : i32
        %dma_wait3A_99 = tpu.memref_slice %arg8[%run_scoped3A_89, %dma_wait3A_98] : memref<25x80xi32, #tpu.memory_space<vmem>> -> memref<1x80xi32, #tpu.memory_space<vmem>>
        %dma_wait3A_100 = tpu.memref_squeeze %dma_wait3A_99 : memref<1x80xi32, #tpu.memory_space<vmem>> -> memref<80xi32, #tpu.memory_space<vmem>>
        %dma_wait3A_101 = arith.constant 0 : i32
        %dma_wait3A_102 = arith.constant 0 : i32
        %dma_wait3A_103 = tpu.memref_slice %arg16[%dma_wait3A_101, %dma_wait3A_102] : memref<10000x128xf32, #tpu.memory_space<vmem_shared>> -> memref<10000x128xf32, #tpu.memory_space<vmem_shared>>
        tpu.wait_indirect_dma semaphore(%run_scoped3A_91 : memref<!tpu.dma_semaphore, #tpu.memory_space<semaphore_mem>>) src(%arg10 : memref<80x128xf32, #tpu.memory_space<vmem>>) dst(%dma_wait3A_103 : memref<10000x128xf32, #tpu.memory_space<vmem_shared>>)
        tpu.yield
      }) : () -> ()
      %scan3A_90 = arith.constant 0 : i32
      scf.yield %scan3A_90 : i32
    }
    %scan3A_32 = arith.constant 5 : i32
    %barrier3A_33 = arith.constant 0 : index
    tpu.barrier barrier_id(%barrier3A_33)
    %mul3A_34 = arith.constant 625 : i32
    %mul3A_35 = arith.muli %arg1, %mul3A_34 : i32
    %add3A_36 = arith.constant 0 : i32
    %add3A_37 = arith.addi %mul3A_35, %add3A_36 : i32
    "tpu.region"() ({
      %run_scoped3A = tpu.sem_alloc : memref<!tpu.dma_semaphore, #tpu.memory_space<semaphore_mem>>
      %dma_start3A = arith.constant 0 : i32
      %dma_start3A_52 = tpu.memref_slice %arg16[%add3A_37, %dma_start3A] : memref<10000x128xf32, #tpu.memory_space<vmem_shared>> -> memref<80x128xf32, #tpu.memory_space<vmem_shared>>
      %dma_start3A_53 = arith.constant 0 : i32
      %dma_start3A_54 = tpu.memref_slice %arg16[%add3A_37, %dma_start3A_53] : memref<10000x128xf32, #tpu.memory_space<vmem_shared>> -> memref<80x128xf32, #tpu.memory_space<vmem_shared>>
      tpu.enqueue_dma source(%dma_start3A_54 : memref<80x128xf32, #tpu.memory_space<vmem_shared>>) target(%arg10 : memref<80x128xf32, #tpu.memory_space<vmem>>) target_semaphore(%run_scoped3A : memref<!tpu.dma_semaphore, #tpu.memory_space<semaphore_mem>>)
      %dma_wait3A = arith.constant 0 : i32
      %dma_wait3A_55 = tpu.memref_slice %arg16[%add3A_37, %dma_wait3A] : memref<10000x128xf32, #tpu.memory_space<vmem_shared>> -> memref<80x128xf32, #tpu.memory_space<vmem_shared>>
      %dma_wait3A_56 = arith.constant 0 : i32
      %dma_wait3A_57 = tpu.memref_slice %arg16[%add3A_37, %dma_wait3A_56] : memref<10000x128xf32, #tpu.memory_space<vmem_shared>> -> memref<80x128xf32, #tpu.memory_space<vmem_shared>>
      tpu.wait_dma2 semaphore(%run_scoped3A : memref<!tpu.dma_semaphore, #tpu.memory_space<semaphore_mem>>) src(%dma_wait3A_57 : memref<80x128xf32, #tpu.memory_space<vmem_shared>>) dst(%arg10 : memref<80x128xf32, #tpu.memory_space<vmem>>)
      tpu.yield
    }) : () -> ()
    "tpu.region"() ({
      %run_scoped3A = tpu.sem_alloc : memref<!tpu.dma_semaphore, #tpu.memory_space<semaphore_mem>>
      %dma_start3A = arith.constant 0 : i32
      %dma_start3A_52 = tpu.memref_slice %arg6[%arg0, %add3A_37, %dma_start3A] : memref<2x10000x128xf32, #tpu.memory_space<hbm>> -> memref<1x80x128xf32, #tpu.memory_space<hbm>>
      %dma_start3A_53 = tpu.memref_squeeze %dma_start3A_52 : memref<1x80x128xf32, #tpu.memory_space<hbm>> -> memref<80x128xf32, #tpu.memory_space<hbm>>
      %dma_start3A_54 = arith.constant 0 : i32
      %dma_start3A_55 = tpu.memref_slice %arg6[%arg0, %add3A_37, %dma_start3A_54] : memref<2x10000x128xf32, #tpu.memory_space<hbm>> -> memref<1x80x128xf32, #tpu.memory_space<hbm>>
      %dma_start3A_56 = tpu.memref_squeeze %dma_start3A_55 : memref<1x80x128xf32, #tpu.memory_space<hbm>> -> memref<80x128xf32, #tpu.memory_space<hbm>>
      tpu.enqueue_dma source(%arg10 : memref<80x128xf32, #tpu.memory_space<vmem>>) target(%dma_start3A_56 : memref<80x128xf32, #tpu.memory_space<hbm>>) target_semaphore(%run_scoped3A : memref<!tpu.dma_semaphore, #tpu.memory_space<semaphore_mem>>)
      %dma_wait3A = arith.constant 0 : i32
      %dma_wait3A_57 = tpu.memref_slice %arg6[%arg0, %add3A_37, %dma_wait3A] : memref<2x10000x128xf32, #tpu.memory_space<hbm>> -> memref<1x80x128xf32, #tpu.memory_space<hbm>>
      %dma_wait3A_58 = tpu.memref_squeeze %dma_wait3A_57 : memref<1x80x128xf32, #tpu.memory_space<hbm>> -> memref<80x128xf32, #tpu.memory_space<hbm>>
      %dma_wait3A_59 = arith.constant 0 : i32
      %dma_wait3A_60 = tpu.memref_slice %arg6[%arg0, %add3A_37, %dma_wait3A_59] : memref<2x10000x128xf32, #tpu.memory_space<hbm>> -> memref<1x80x128xf32, #tpu.memory_space<hbm>>
      %dma_wait3A_61 = tpu.memref_squeeze %dma_wait3A_60 : memref<1x80x128xf32, #tpu.memory_space<hbm>> -> memref<80x128xf32, #tpu.memory_space<hbm>>
      tpu.wait_dma2 semaphore(%run_scoped3A : memref<!tpu.dma_semaphore, #tpu.memory_space<semaphore_mem>>) src(%arg10 : memref<80x128xf32, #tpu.memory_space<vmem>>) dst(%dma_wait3A_61 : memref<80x128xf32, #tpu.memory_space<hbm>>)
      tpu.yield
    }) : () -> ()
    %add3A_38 = arith.constant 80 : i32
    %add3A_39 = arith.addi %mul3A_35, %add3A_38 : i32
    "tpu.region"() ({
      %run_scoped3A = tpu.sem_alloc : memref<!tpu.dma_semaphore, #tpu.memory_space<semaphore_mem>>
      %dma_start3A = arith.constant 0 : i32
      %dma_start3A_52 = tpu.memref_slice %arg16[%add3A_39, %dma_start3A] : memref<10000x128xf32, #tpu.memory_space<vmem_shared>> -> memref<80x128xf32, #tpu.memory_space<vmem_shared>>
      %dma_start3A_53 = arith.constant 0 : i32
      %dma_start3A_54 = tpu.memref_slice %arg16[%add3A_39, %dma_start3A_53] : memref<10000x128xf32, #tpu.memory_space<vmem_shared>> -> memref<80x128xf32, #tpu.memory_space<vmem_shared>>
      tpu.enqueue_dma source(%dma_start3A_54 : memref<80x128xf32, #tpu.memory_space<vmem_shared>>) target(%arg10 : memref<80x128xf32, #tpu.memory_space<vmem>>) target_semaphore(%run_scoped3A : memref<!tpu.dma_semaphore, #tpu.memory_space<semaphore_mem>>)
      %dma_wait3A = arith.constant 0 : i32
      %dma_wait3A_55 = tpu.memref_slice %arg16[%add3A_39, %dma_wait3A] : memref<10000x128xf32, #tpu.memory_space<vmem_shared>> -> memref<80x128xf32, #tpu.memory_space<vmem_shared>>
      %dma_wait3A_56 = arith.constant 0 : i32
      %dma_wait3A_57 = tpu.memref_slice %arg16[%add3A_39, %dma_wait3A_56] : memref<10000x128xf32, #tpu.memory_space<vmem_shared>> -> memref<80x128xf32, #tpu.memory_space<vmem_shared>>
      tpu.wait_dma2 semaphore(%run_scoped3A : memref<!tpu.dma_semaphore, #tpu.memory_space<semaphore_mem>>) src(%dma_wait3A_57 : memref<80x128xf32, #tpu.memory_space<vmem_shared>>) dst(%arg10 : memref<80x128xf32, #tpu.memory_space<vmem>>)
      tpu.yield
    }) : () -> ()
    "tpu.region"() ({
      %run_scoped3A = tpu.sem_alloc : memref<!tpu.dma_semaphore, #tpu.memory_space<semaphore_mem>>
      %dma_start3A = arith.constant 0 : i32
      %dma_start3A_52 = tpu.memref_slice %arg6[%arg0, %add3A_39, %dma_start3A] : memref<2x10000x128xf32, #tpu.memory_space<hbm>> -> memref<1x80x128xf32, #tpu.memory_space<hbm>>
      %dma_start3A_53 = tpu.memref_squeeze %dma_start3A_52 : memref<1x80x128xf32, #tpu.memory_space<hbm>> -> memref<80x128xf32, #tpu.memory_space<hbm>>
      %dma_start3A_54 = arith.constant 0 : i32
      %dma_start3A_55 = tpu.memref_slice %arg6[%arg0, %add3A_39, %dma_start3A_54] : memref<2x10000x128xf32, #tpu.memory_space<hbm>> -> memref<1x80x128xf32, #tpu.memory_space<hbm>>
      %dma_start3A_56 = tpu.memref_squeeze %dma_start3A_55 : memref<1x80x128xf32, #tpu.memory_space<hbm>> -> memref<80x128xf32, #tpu.memory_space<hbm>>
      tpu.enqueue_dma source(%arg10 : memref<80x128xf32, #tpu.memory_space<vmem>>) target(%dma_start3A_56 : memref<80x128xf32, #tpu.memory_space<hbm>>) target_semaphore(%run_scoped3A : memref<!tpu.dma_semaphore, #tpu.memory_space<semaphore_mem>>)
      %dma_wait3A = arith.constant 0 : i32
      %dma_wait3A_57 = tpu.memref_slice %arg6[%arg0, %add3A_39, %dma_wait3A] : memref<2x10000x128xf32, #tpu.memory_space<hbm>> -> memref<1x80x128xf32, #tpu.memory_space<hbm>>
      %dma_wait3A_58 = tpu.memref_squeeze %dma_wait3A_57 : memref<1x80x128xf32, #tpu.memory_space<hbm>> -> memref<80x128xf32, #tpu.memory_space<hbm>>
      %dma_wait3A_59 = arith.constant 0 : i32
      %dma_wait3A_60 = tpu.memref_slice %arg6[%arg0, %add3A_39, %dma_wait3A_59] : memref<2x10000x128xf32, #tpu.memory_space<hbm>> -> memref<1x80x128xf32, #tpu.memory_space<hbm>>
      %dma_wait3A_61 = tpu.memref_squeeze %dma_wait3A_60 : memref<1x80x128xf32, #tpu.memory_space<hbm>> -> memref<80x128xf32, #tpu.memory_space<hbm>>
      tpu.wait_dma2 semaphore(%run_scoped3A : memref<!tpu.dma_semaphore, #tpu.memory_space<semaphore_mem>>) src(%arg10 : memref<80x128xf32, #tpu.memory_space<vmem>>) dst(%dma_wait3A_61 : memref<80x128xf32, #tpu.memory_space<hbm>>)
      tpu.yield
    }) : () -> ()
    %add3A_40 = arith.constant 160 : i32
    %add3A_41 = arith.addi %mul3A_35, %add3A_40 : i32
    "tpu.region"() ({
      %run_scoped3A = tpu.sem_alloc : memref<!tpu.dma_semaphore, #tpu.memory_space<semaphore_mem>>
      %dma_start3A = arith.constant 0 : i32
      %dma_start3A_52 = tpu.memref_slice %arg16[%add3A_41, %dma_start3A] : memref<10000x128xf32, #tpu.memory_space<vmem_shared>> -> memref<80x128xf32, #tpu.memory_space<vmem_shared>>
      %dma_start3A_53 = arith.constant 0 : i32
      %dma_start3A_54 = tpu.memref_slice %arg16[%add3A_41, %dma_start3A_53] : memref<10000x128xf32, #tpu.memory_space<vmem_shared>> -> memref<80x128xf32, #tpu.memory_space<vmem_shared>>
      tpu.enqueue_dma source(%dma_start3A_54 : memref<80x128xf32, #tpu.memory_space<vmem_shared>>) target(%arg10 : memref<80x128xf32, #tpu.memory_space<vmem>>) target_semaphore(%run_scoped3A : memref<!tpu.dma_semaphore, #tpu.memory_space<semaphore_mem>>)
      %dma_wait3A = arith.constant 0 : i32
      %dma_wait3A_55 = tpu.memref_slice %arg16[%add3A_41, %dma_wait3A] : memref<10000x128xf32, #tpu.memory_space<vmem_shared>> -> memref<80x128xf32, #tpu.memory_space<vmem_shared>>
      %dma_wait3A_56 = arith.constant 0 : i32
      %dma_wait3A_57 = tpu.memref_slice %arg16[%add3A_41, %dma_wait3A_56] : memref<10000x128xf32, #tpu.memory_space<vmem_shared>> -> memref<80x128xf32, #tpu.memory_space<vmem_shared>>
      tpu.wait_dma2 semaphore(%run_scoped3A : memref<!tpu.dma_semaphore, #tpu.memory_space<semaphore_mem>>) src(%dma_wait3A_57 : memref<80x128xf32, #tpu.memory_space<vmem_shared>>) dst(%arg10 : memref<80x128xf32, #tpu.memory_space<vmem>>)
      tpu.yield
    }) : () -> ()
    "tpu.region"() ({
      %run_scoped3A = tpu.sem_alloc : memref<!tpu.dma_semaphore, #tpu.memory_space<semaphore_mem>>
      %dma_start3A = arith.constant 0 : i32
      %dma_start3A_52 = tpu.memref_slice %arg6[%arg0, %add3A_41, %dma_start3A] : memref<2x10000x128xf32, #tpu.memory_space<hbm>> -> memref<1x80x128xf32, #tpu.memory_space<hbm>>
      %dma_start3A_53 = tpu.memref_squeeze %dma_start3A_52 : memref<1x80x128xf32, #tpu.memory_space<hbm>> -> memref<80x128xf32, #tpu.memory_space<hbm>>
      %dma_start3A_54 = arith.constant 0 : i32
      %dma_start3A_55 = tpu.memref_slice %arg6[%arg0, %add3A_41, %dma_start3A_54] : memref<2x10000x128xf32, #tpu.memory_space<hbm>> -> memref<1x80x128xf32, #tpu.memory_space<hbm>>
      %dma_start3A_56 = tpu.memref_squeeze %dma_start3A_55 : memref<1x80x128xf32, #tpu.memory_space<hbm>> -> memref<80x128xf32, #tpu.memory_space<hbm>>
      tpu.enqueue_dma source(%arg10 : memref<80x128xf32, #tpu.memory_space<vmem>>) target(%dma_start3A_56 : memref<80x128xf32, #tpu.memory_space<hbm>>) target_semaphore(%run_scoped3A : memref<!tpu.dma_semaphore, #tpu.memory_space<semaphore_mem>>)
      %dma_wait3A = arith.constant 0 : i32
      %dma_wait3A_57 = tpu.memref_slice %arg6[%arg0, %add3A_41, %dma_wait3A] : memref<2x10000x128xf32, #tpu.memory_space<hbm>> -> memref<1x80x128xf32, #tpu.memory_space<hbm>>
      %dma_wait3A_58 = tpu.memref_squeeze %dma_wait3A_57 : memref<1x80x128xf32, #tpu.memory_space<hbm>> -> memref<80x128xf32, #tpu.memory_space<hbm>>
      %dma_wait3A_59 = arith.constant 0 : i32
      %dma_wait3A_60 = tpu.memref_slice %arg6[%arg0, %add3A_41, %dma_wait3A_59] : memref<2x10000x128xf32, #tpu.memory_space<hbm>> -> memref<1x80x128xf32, #tpu.memory_space<hbm>>
      %dma_wait3A_61 = tpu.memref_squeeze %dma_wait3A_60 : memref<1x80x128xf32, #tpu.memory_space<hbm>> -> memref<80x128xf32, #tpu.memory_space<hbm>>
      tpu.wait_dma2 semaphore(%run_scoped3A : memref<!tpu.dma_semaphore, #tpu.memory_space<semaphore_mem>>) src(%arg10 : memref<80x128xf32, #tpu.memory_space<vmem>>) dst(%dma_wait3A_61 : memref<80x128xf32, #tpu.memory_space<hbm>>)
      tpu.yield
    }) : () -> ()
    %add3A_42 = arith.constant 240 : i32
    %add3A_43 = arith.addi %mul3A_35, %add3A_42 : i32
    "tpu.region"() ({
      %run_scoped3A = tpu.sem_alloc : memref<!tpu.dma_semaphore, #tpu.memory_space<semaphore_mem>>
      %dma_start3A = arith.constant 0 : i32
      %dma_start3A_52 = tpu.memref_slice %arg16[%add3A_43, %dma_start3A] : memref<10000x128xf32, #tpu.memory_space<vmem_shared>> -> memref<80x128xf32, #tpu.memory_space<vmem_shared>>
      %dma_start3A_53 = arith.constant 0 : i32
      %dma_start3A_54 = tpu.memref_slice %arg16[%add3A_43, %dma_start3A_53] : memref<10000x128xf32, #tpu.memory_space<vmem_shared>> -> memref<80x128xf32, #tpu.memory_space<vmem_shared>>
      tpu.enqueue_dma source(%dma_start3A_54 : memref<80x128xf32, #tpu.memory_space<vmem_shared>>) target(%arg10 : memref<80x128xf32, #tpu.memory_space<vmem>>) target_semaphore(%run_scoped3A : memref<!tpu.dma_semaphore, #tpu.memory_space<semaphore_mem>>)
      %dma_wait3A = arith.constant 0 : i32
      %dma_wait3A_55 = tpu.memref_slice %arg16[%add3A_43, %dma_wait3A] : memref<10000x128xf32, #tpu.memory_space<vmem_shared>> -> memref<80x128xf32, #tpu.memory_space<vmem_shared>>
      %dma_wait3A_56 = arith.constant 0 : i32
      %dma_wait3A_57 = tpu.memref_slice %arg16[%add3A_43, %dma_wait3A_56] : memref<10000x128xf32, #tpu.memory_space<vmem_shared>> -> memref<80x128xf32, #tpu.memory_space<vmem_shared>>
      tpu.wait_dma2 semaphore(%run_scoped3A : memref<!tpu.dma_semaphore, #tpu.memory_space<semaphore_mem>>) src(%dma_wait3A_57 : memref<80x128xf32, #tpu.memory_space<vmem_shared>>) dst(%arg10 : memref<80x128xf32, #tpu.memory_space<vmem>>)
      tpu.yield
    }) : () -> ()
    "tpu.region"() ({
      %run_scoped3A = tpu.sem_alloc : memref<!tpu.dma_semaphore, #tpu.memory_space<semaphore_mem>>
      %dma_start3A = arith.constant 0 : i32
      %dma_start3A_52 = tpu.memref_slice %arg6[%arg0, %add3A_43, %dma_start3A] : memref<2x10000x128xf32, #tpu.memory_space<hbm>> -> memref<1x80x128xf32, #tpu.memory_space<hbm>>
      %dma_start3A_53 = tpu.memref_squeeze %dma_start3A_52 : memref<1x80x128xf32, #tpu.memory_space<hbm>> -> memref<80x128xf32, #tpu.memory_space<hbm>>
      %dma_start3A_54 = arith.constant 0 : i32
      %dma_start3A_55 = tpu.memref_slice %arg6[%arg0, %add3A_43, %dma_start3A_54] : memref<2x10000x128xf32, #tpu.memory_space<hbm>> -> memref<1x80x128xf32, #tpu.memory_space<hbm>>
      %dma_start3A_56 = tpu.memref_squeeze %dma_start3A_55 : memref<1x80x128xf32, #tpu.memory_space<hbm>> -> memref<80x128xf32, #tpu.memory_space<hbm>>
      tpu.enqueue_dma source(%arg10 : memref<80x128xf32, #tpu.memory_space<vmem>>) target(%dma_start3A_56 : memref<80x128xf32, #tpu.memory_space<hbm>>) target_semaphore(%run_scoped3A : memref<!tpu.dma_semaphore, #tpu.memory_space<semaphore_mem>>)
      %dma_wait3A = arith.constant 0 : i32
      %dma_wait3A_57 = tpu.memref_slice %arg6[%arg0, %add3A_43, %dma_wait3A] : memref<2x10000x128xf32, #tpu.memory_space<hbm>> -> memref<1x80x128xf32, #tpu.memory_space<hbm>>
      %dma_wait3A_58 = tpu.memref_squeeze %dma_wait3A_57 : memref<1x80x128xf32, #tpu.memory_space<hbm>> -> memref<80x128xf32, #tpu.memory_space<hbm>>
      %dma_wait3A_59 = arith.constant 0 : i32
      %dma_wait3A_60 = tpu.memref_slice %arg6[%arg0, %add3A_43, %dma_wait3A_59] : memref<2x10000x128xf32, #tpu.memory_space<hbm>> -> memref<1x80x128xf32, #tpu.memory_space<hbm>>
      %dma_wait3A_61 = tpu.memref_squeeze %dma_wait3A_60 : memref<1x80x128xf32, #tpu.memory_space<hbm>> -> memref<80x128xf32, #tpu.memory_space<hbm>>
      tpu.wait_dma2 semaphore(%run_scoped3A : memref<!tpu.dma_semaphore, #tpu.memory_space<semaphore_mem>>) src(%arg10 : memref<80x128xf32, #tpu.memory_space<vmem>>) dst(%dma_wait3A_61 : memref<80x128xf32, #tpu.memory_space<hbm>>)
      tpu.yield
    }) : () -> ()
    %add3A_44 = arith.constant 320 : i32
    %add3A_45 = arith.addi %mul3A_35, %add3A_44 : i32
    "tpu.region"() ({
      %run_scoped3A = tpu.sem_alloc : memref<!tpu.dma_semaphore, #tpu.memory_space<semaphore_mem>>
      %dma_start3A = arith.constant 0 : i32
      %dma_start3A_52 = tpu.memref_slice %arg16[%add3A_45, %dma_start3A] : memref<10000x128xf32, #tpu.memory_space<vmem_shared>> -> memref<80x128xf32, #tpu.memory_space<vmem_shared>>
      %dma_start3A_53 = arith.constant 0 : i32
      %dma_start3A_54 = tpu.memref_slice %arg16[%add3A_45, %dma_start3A_53] : memref<10000x128xf32, #tpu.memory_space<vmem_shared>> -> memref<80x128xf32, #tpu.memory_space<vmem_shared>>
      tpu.enqueue_dma source(%dma_start3A_54 : memref<80x128xf32, #tpu.memory_space<vmem_shared>>) target(%arg10 : memref<80x128xf32, #tpu.memory_space<vmem>>) target_semaphore(%run_scoped3A : memref<!tpu.dma_semaphore, #tpu.memory_space<semaphore_mem>>)
      %dma_wait3A = arith.constant 0 : i32
      %dma_wait3A_55 = tpu.memref_slice %arg16[%add3A_45, %dma_wait3A] : memref<10000x128xf32, #tpu.memory_space<vmem_shared>> -> memref<80x128xf32, #tpu.memory_space<vmem_shared>>
      %dma_wait3A_56 = arith.constant 0 : i32
      %dma_wait3A_57 = tpu.memref_slice %arg16[%add3A_45, %dma_wait3A_56] : memref<10000x128xf32, #tpu.memory_space<vmem_shared>> -> memref<80x128xf32, #tpu.memory_space<vmem_shared>>
      tpu.wait_dma2 semaphore(%run_scoped3A : memref<!tpu.dma_semaphore, #tpu.memory_space<semaphore_mem>>) src(%dma_wait3A_57 : memref<80x128xf32, #tpu.memory_space<vmem_shared>>) dst(%arg10 : memref<80x128xf32, #tpu.memory_space<vmem>>)
      tpu.yield
    }) : () -> ()
    "tpu.region"() ({
      %run_scoped3A = tpu.sem_alloc : memref<!tpu.dma_semaphore, #tpu.memory_space<semaphore_mem>>
      %dma_start3A = arith.constant 0 : i32
      %dma_start3A_52 = tpu.memref_slice %arg6[%arg0, %add3A_45, %dma_start3A] : memref<2x10000x128xf32, #tpu.memory_space<hbm>> -> memref<1x80x128xf32, #tpu.memory_space<hbm>>
      %dma_start3A_53 = tpu.memref_squeeze %dma_start3A_52 : memref<1x80x128xf32, #tpu.memory_space<hbm>> -> memref<80x128xf32, #tpu.memory_space<hbm>>
      %dma_start3A_54 = arith.constant 0 : i32
      %dma_start3A_55 = tpu.memref_slice %arg6[%arg0, %add3A_45, %dma_start3A_54] : memref<2x10000x128xf32, #tpu.memory_space<hbm>> -> memref<1x80x128xf32, #tpu.memory_space<hbm>>
      %dma_start3A_56 = tpu.memref_squeeze %dma_start3A_55 : memref<1x80x128xf32, #tpu.memory_space<hbm>> -> memref<80x128xf32, #tpu.memory_space<hbm>>
      tpu.enqueue_dma source(%arg10 : memref<80x128xf32, #tpu.memory_space<vmem>>) target(%dma_start3A_56 : memref<80x128xf32, #tpu.memory_space<hbm>>) target_semaphore(%run_scoped3A : memref<!tpu.dma_semaphore, #tpu.memory_space<semaphore_mem>>)
      %dma_wait3A = arith.constant 0 : i32
      %dma_wait3A_57 = tpu.memref_slice %arg6[%arg0, %add3A_45, %dma_wait3A] : memref<2x10000x128xf32, #tpu.memory_space<hbm>> -> memref<1x80x128xf32, #tpu.memory_space<hbm>>
      %dma_wait3A_58 = tpu.memref_squeeze %dma_wait3A_57 : memref<1x80x128xf32, #tpu.memory_space<hbm>> -> memref<80x128xf32, #tpu.memory_space<hbm>>
      %dma_wait3A_59 = arith.constant 0 : i32
      %dma_wait3A_60 = tpu.memref_slice %arg6[%arg0, %add3A_45, %dma_wait3A_59] : memref<2x10000x128xf32, #tpu.memory_space<hbm>> -> memref<1x80x128xf32, #tpu.memory_space<hbm>>
      %dma_wait3A_61 = tpu.memref_squeeze %dma_wait3A_60 : memref<1x80x128xf32, #tpu.memory_space<hbm>> -> memref<80x128xf32, #tpu.memory_space<hbm>>
      tpu.wait_dma2 semaphore(%run_scoped3A : memref<!tpu.dma_semaphore, #tpu.memory_space<semaphore_mem>>) src(%arg10 : memref<80x128xf32, #tpu.memory_space<vmem>>) dst(%dma_wait3A_61 : memref<80x128xf32, #tpu.memory_space<hbm>>)
      tpu.yield
    }) : () -> ()
    %add3A_46 = arith.constant 400 : i32
    %add3A_47 = arith.addi %mul3A_35, %add3A_46 : i32
    "tpu.region"() ({
      %run_scoped3A = tpu.sem_alloc : memref<!tpu.dma_semaphore, #tpu.memory_space<semaphore_mem>>
      %dma_start3A = arith.constant 0 : i32
      %dma_start3A_52 = tpu.memref_slice %arg16[%add3A_47, %dma_start3A] : memref<10000x128xf32, #tpu.memory_space<vmem_shared>> -> memref<80x128xf32, #tpu.memory_space<vmem_shared>>
      %dma_start3A_53 = arith.constant 0 : i32
      %dma_start3A_54 = tpu.memref_slice %arg16[%add3A_47, %dma_start3A_53] : memref<10000x128xf32, #tpu.memory_space<vmem_shared>> -> memref<80x128xf32, #tpu.memory_space<vmem_shared>>
      tpu.enqueue_dma source(%dma_start3A_54 : memref<80x128xf32, #tpu.memory_space<vmem_shared>>) target(%arg10 : memref<80x128xf32, #tpu.memory_space<vmem>>) target_semaphore(%run_scoped3A : memref<!tpu.dma_semaphore, #tpu.memory_space<semaphore_mem>>)
      %dma_wait3A = arith.constant 0 : i32
      %dma_wait3A_55 = tpu.memref_slice %arg16[%add3A_47, %dma_wait3A] : memref<10000x128xf32, #tpu.memory_space<vmem_shared>> -> memref<80x128xf32, #tpu.memory_space<vmem_shared>>
      %dma_wait3A_56 = arith.constant 0 : i32
      %dma_wait3A_57 = tpu.memref_slice %arg16[%add3A_47, %dma_wait3A_56] : memref<10000x128xf32, #tpu.memory_space<vmem_shared>> -> memref<80x128xf32, #tpu.memory_space<vmem_shared>>
      tpu.wait_dma2 semaphore(%run_scoped3A : memref<!tpu.dma_semaphore, #tpu.memory_space<semaphore_mem>>) src(%dma_wait3A_57 : memref<80x128xf32, #tpu.memory_space<vmem_shared>>) dst(%arg10 : memref<80x128xf32, #tpu.memory_space<vmem>>)
      tpu.yield
    }) : () -> ()
    "tpu.region"() ({
      %run_scoped3A = tpu.sem_alloc : memref<!tpu.dma_semaphore, #tpu.memory_space<semaphore_mem>>
      %dma_start3A = arith.constant 0 : i32
      %dma_start3A_52 = tpu.memref_slice %arg6[%arg0, %add3A_47, %dma_start3A] : memref<2x10000x128xf32, #tpu.memory_space<hbm>> -> memref<1x80x128xf32, #tpu.memory_space<hbm>>
      %dma_start3A_53 = tpu.memref_squeeze %dma_start3A_52 : memref<1x80x128xf32, #tpu.memory_space<hbm>> -> memref<80x128xf32, #tpu.memory_space<hbm>>
      %dma_start3A_54 = arith.constant 0 : i32
      %dma_start3A_55 = tpu.memref_slice %arg6[%arg0, %add3A_47, %dma_start3A_54] : memref<2x10000x128xf32, #tpu.memory_space<hbm>> -> memref<1x80x128xf32, #tpu.memory_space<hbm>>
      %dma_start3A_56 = tpu.memref_squeeze %dma_start3A_55 : memref<1x80x128xf32, #tpu.memory_space<hbm>> -> memref<80x128xf32, #tpu.memory_space<hbm>>
      tpu.enqueue_dma source(%arg10 : memref<80x128xf32, #tpu.memory_space<vmem>>) target(%dma_start3A_56 : memref<80x128xf32, #tpu.memory_space<hbm>>) target_semaphore(%run_scoped3A : memref<!tpu.dma_semaphore, #tpu.memory_space<semaphore_mem>>)
      %dma_wait3A = arith.constant 0 : i32
      %dma_wait3A_57 = tpu.memref_slice %arg6[%arg0, %add3A_47, %dma_wait3A] : memref<2x10000x128xf32, #tpu.memory_space<hbm>> -> memref<1x80x128xf32, #tpu.memory_space<hbm>>
      %dma_wait3A_58 = tpu.memref_squeeze %dma_wait3A_57 : memref<1x80x128xf32, #tpu.memory_space<hbm>> -> memref<80x128xf32, #tpu.memory_space<hbm>>
      %dma_wait3A_59 = arith.constant 0 : i32
      %dma_wait3A_60 = tpu.memref_slice %arg6[%arg0, %add3A_47, %dma_wait3A_59] : memref<2x10000x128xf32, #tpu.memory_space<hbm>> -> memref<1x80x128xf32, #tpu.memory_space<hbm>>
      %dma_wait3A_61 = tpu.memref_squeeze %dma_wait3A_60 : memref<1x80x128xf32, #tpu.memory_space<hbm>> -> memref<80x128xf32, #tpu.memory_space<hbm>>
      tpu.wait_dma2 semaphore(%run_scoped3A : memref<!tpu.dma_semaphore, #tpu.memory_space<semaphore_mem>>) src(%arg10 : memref<80x128xf32, #tpu.memory_space<vmem>>) dst(%dma_wait3A_61 : memref<80x128xf32, #tpu.memory_space<hbm>>)
      tpu.yield
    }) : () -> ()
    %add3A_48 = arith.constant 480 : i32
    %add3A_49 = arith.addi %mul3A_35, %add3A_48 : i32
    "tpu.region"() ({
      %run_scoped3A = tpu.sem_alloc : memref<!tpu.dma_semaphore, #tpu.memory_space<semaphore_mem>>
      %dma_start3A = arith.constant 0 : i32
      %dma_start3A_52 = tpu.memref_slice %arg16[%add3A_49, %dma_start3A] : memref<10000x128xf32, #tpu.memory_space<vmem_shared>> -> memref<80x128xf32, #tpu.memory_space<vmem_shared>>
      %dma_start3A_53 = arith.constant 0 : i32
      %dma_start3A_54 = tpu.memref_slice %arg16[%add3A_49, %dma_start3A_53] : memref<10000x128xf32, #tpu.memory_space<vmem_shared>> -> memref<80x128xf32, #tpu.memory_space<vmem_shared>>
      tpu.enqueue_dma source(%dma_start3A_54 : memref<80x128xf32, #tpu.memory_space<vmem_shared>>) target(%arg10 : memref<80x128xf32, #tpu.memory_space<vmem>>) target_semaphore(%run_scoped3A : memref<!tpu.dma_semaphore, #tpu.memory_space<semaphore_mem>>)
      %dma_wait3A = arith.constant 0 : i32
      %dma_wait3A_55 = tpu.memref_slice %arg16[%add3A_49, %dma_wait3A] : memref<10000x128xf32, #tpu.memory_space<vmem_shared>> -> memref<80x128xf32, #tpu.memory_space<vmem_shared>>
      %dma_wait3A_56 = arith.constant 0 : i32
      %dma_wait3A_57 = tpu.memref_slice %arg16[%add3A_49, %dma_wait3A_56] : memref<10000x128xf32, #tpu.memory_space<vmem_shared>> -> memref<80x128xf32, #tpu.memory_space<vmem_shared>>
      tpu.wait_dma2 semaphore(%run_scoped3A : memref<!tpu.dma_semaphore, #tpu.memory_space<semaphore_mem>>) src(%dma_wait3A_57 : memref<80x128xf32, #tpu.memory_space<vmem_shared>>) dst(%arg10 : memref<80x128xf32, #tpu.memory_space<vmem>>)
      tpu.yield
    }) : () -> ()
    "tpu.region"() ({
      %run_scoped3A = tpu.sem_alloc : memref<!tpu.dma_semaphore, #tpu.memory_space<semaphore_mem>>
      %dma_start3A = arith.constant 0 : i32
      %dma_start3A_52 = tpu.memref_slice %arg6[%arg0, %add3A_49, %dma_start3A] : memref<2x10000x128xf32, #tpu.memory_space<hbm>> -> memref<1x80x128xf32, #tpu.memory_space<hbm>>
      %dma_start3A_53 = tpu.memref_squeeze %dma_start3A_52 : memref<1x80x128xf32, #tpu.memory_space<hbm>> -> memref<80x128xf32, #tpu.memory_space<hbm>>
      %dma_start3A_54 = arith.constant 0 : i32
      %dma_start3A_55 = tpu.memref_slice %arg6[%arg0, %add3A_49, %dma_start3A_54] : memref<2x10000x128xf32, #tpu.memory_space<hbm>> -> memref<1x80x128xf32, #tpu.memory_space<hbm>>
      %dma_start3A_56 = tpu.memref_squeeze %dma_start3A_55 : memref<1x80x128xf32, #tpu.memory_space<hbm>> -> memref<80x128xf32, #tpu.memory_space<hbm>>
      tpu.enqueue_dma source(%arg10 : memref<80x128xf32, #tpu.memory_space<vmem>>) target(%dma_start3A_56 : memref<80x128xf32, #tpu.memory_space<hbm>>) target_semaphore(%run_scoped3A : memref<!tpu.dma_semaphore, #tpu.memory_space<semaphore_mem>>)
      %dma_wait3A = arith.constant 0 : i32
      %dma_wait3A_57 = tpu.memref_slice %arg6[%arg0, %add3A_49, %dma_wait3A] : memref<2x10000x128xf32, #tpu.memory_space<hbm>> -> memref<1x80x128xf32, #tpu.memory_space<hbm>>
      %dma_wait3A_58 = tpu.memref_squeeze %dma_wait3A_57 : memref<1x80x128xf32, #tpu.memory_space<hbm>> -> memref<80x128xf32, #tpu.memory_space<hbm>>
      %dma_wait3A_59 = arith.constant 0 : i32
      %dma_wait3A_60 = tpu.memref_slice %arg6[%arg0, %add3A_49, %dma_wait3A_59] : memref<2x10000x128xf32, #tpu.memory_space<hbm>> -> memref<1x80x128xf32, #tpu.memory_space<hbm>>
      %dma_wait3A_61 = tpu.memref_squeeze %dma_wait3A_60 : memref<1x80x128xf32, #tpu.memory_space<hbm>> -> memref<80x128xf32, #tpu.memory_space<hbm>>
      tpu.wait_dma2 semaphore(%run_scoped3A : memref<!tpu.dma_semaphore, #tpu.memory_space<semaphore_mem>>) src(%arg10 : memref<80x128xf32, #tpu.memory_space<vmem>>) dst(%dma_wait3A_61 : memref<80x128xf32, #tpu.memory_space<hbm>>)
      tpu.yield
    }) : () -> ()
    %add3A_50 = arith.constant 560 : i32
    %add3A_51 = arith.addi %mul3A_35, %add3A_50 : i32
    "tpu.region"() ({
      %run_scoped3A = tpu.sem_alloc : memref<!tpu.dma_semaphore, #tpu.memory_space<semaphore_mem>>
      %dma_start3A = arith.constant 0 : i32
      %dma_start3A_52 = arith.constant 0 : i32
      %dma_start3A_53 = tpu.memref_slice %arg10[%dma_start3A, %dma_start3A_52] : memref<80x128xf32, #tpu.memory_space<vmem>> -> memref<65x128xf32, #tpu.memory_space<vmem>>
      %dma_start3A_54 = arith.constant 0 : i32
      %dma_start3A_55 = tpu.memref_slice %arg16[%add3A_51, %dma_start3A_54] : memref<10000x128xf32, #tpu.memory_space<vmem_shared>> -> memref<65x128xf32, #tpu.memory_space<vmem_shared>>
      %dma_start3A_56 = arith.constant 0 : i32
      %dma_start3A_57 = arith.constant 0 : i32
      %dma_start3A_58 = tpu.memref_slice %arg10[%dma_start3A_56, %dma_start3A_57] : memref<80x128xf32, #tpu.memory_space<vmem>> -> memref<65x128xf32, #tpu.memory_space<vmem>>
      %dma_start3A_59 = arith.constant 0 : i32
      %dma_start3A_60 = tpu.memref_slice %arg16[%add3A_51, %dma_start3A_59] : memref<10000x128xf32, #tpu.memory_space<vmem_shared>> -> memref<65x128xf32, #tpu.memory_space<vmem_shared>>
      tpu.enqueue_dma source(%dma_start3A_60 : memref<65x128xf32, #tpu.memory_space<vmem_shared>>) target(%dma_start3A_58 : memref<65x128xf32, #tpu.memory_space<vmem>>) target_semaphore(%run_scoped3A : memref<!tpu.dma_semaphore, #tpu.memory_space<semaphore_mem>>)
      %dma_wait3A = arith.constant 0 : i32
      %dma_wait3A_61 = arith.constant 0 : i32
      %dma_wait3A_62 = tpu.memref_slice %arg10[%dma_wait3A, %dma_wait3A_61] : memref<80x128xf32, #tpu.memory_space<vmem>> -> memref<65x128xf32, #tpu.memory_space<vmem>>
      %dma_wait3A_63 = arith.constant 0 : i32
      %dma_wait3A_64 = tpu.memref_slice %arg16[%add3A_51, %dma_wait3A_63] : memref<10000x128xf32, #tpu.memory_space<vmem_shared>> -> memref<65x128xf32, #tpu.memory_space<vmem_shared>>
      %dma_wait3A_65 = arith.constant 0 : i32
      %dma_wait3A_66 = arith.constant 0 : i32
      %dma_wait3A_67 = tpu.memref_slice %arg10[%dma_wait3A_65, %dma_wait3A_66] : memref<80x128xf32, #tpu.memory_space<vmem>> -> memref<65x128xf32, #tpu.memory_space<vmem>>
      %dma_wait3A_68 = arith.constant 0 : i32
      %dma_wait3A_69 = tpu.memref_slice %arg16[%add3A_51, %dma_wait3A_68] : memref<10000x128xf32, #tpu.memory_space<vmem_shared>> -> memref<65x128xf32, #tpu.memory_space<vmem_shared>>
      tpu.wait_dma2 semaphore(%run_scoped3A : memref<!tpu.dma_semaphore, #tpu.memory_space<semaphore_mem>>) src(%dma_wait3A_69 : memref<65x128xf32, #tpu.memory_space<vmem_shared>>) dst(%dma_wait3A_67 : memref<65x128xf32, #tpu.memory_space<vmem>>)
      tpu.yield
    }) : () -> ()
    "tpu.region"() ({
      %run_scoped3A = tpu.sem_alloc : memref<!tpu.dma_semaphore, #tpu.memory_space<semaphore_mem>>
      %dma_start3A = arith.constant 0 : i32
      %dma_start3A_52 = arith.constant 0 : i32
      %dma_start3A_53 = tpu.memref_slice %arg10[%dma_start3A, %dma_start3A_52] : memref<80x128xf32, #tpu.memory_space<vmem>> -> memref<65x128xf32, #tpu.memory_space<vmem>>
      %dma_start3A_54 = arith.constant 0 : i32
      %dma_start3A_55 = tpu.memref_slice %arg6[%arg0, %add3A_51, %dma_start3A_54] : memref<2x10000x128xf32, #tpu.memory_space<hbm>> -> memref<1x65x128xf32, #tpu.memory_space<hbm>>
      %dma_start3A_56 = tpu.memref_squeeze %dma_start3A_55 : memref<1x65x128xf32, #tpu.memory_space<hbm>> -> memref<65x128xf32, #tpu.memory_space<hbm>>
      %dma_start3A_57 = arith.constant 0 : i32
      %dma_start3A_58 = tpu.memref_slice %arg6[%arg0, %add3A_51, %dma_start3A_57] : memref<2x10000x128xf32, #tpu.memory_space<hbm>> -> memref<1x65x128xf32, #tpu.memory_space<hbm>>
      %dma_start3A_59 = tpu.memref_squeeze %dma_start3A_58 : memref<1x65x128xf32, #tpu.memory_space<hbm>> -> memref<65x128xf32, #tpu.memory_space<hbm>>
      %dma_start3A_60 = arith.constant 0 : i32
      %dma_start3A_61 = arith.constant 0 : i32
      %dma_start3A_62 = tpu.memref_slice %arg10[%dma_start3A_60, %dma_start3A_61] : memref<80x128xf32, #tpu.memory_space<vmem>> -> memref<65x128xf32, #tpu.memory_space<vmem>>
      tpu.enqueue_dma source(%dma_start3A_62 : memref<65x128xf32, #tpu.memory_space<vmem>>) target(%dma_start3A_59 : memref<65x128xf32, #tpu.memory_space<hbm>>) target_semaphore(%run_scoped3A : memref<!tpu.dma_semaphore, #tpu.memory_space<semaphore_mem>>)
      %dma_wait3A = arith.constant 0 : i32
      %dma_wait3A_63 = arith.constant 0 : i32
      %dma_wait3A_64 = tpu.memref_slice %arg10[%dma_wait3A, %dma_wait3A_63] : memref<80x128xf32, #tpu.memory_space<vmem>> -> memref<65x128xf32, #tpu.memory_space<vmem>>
      %dma_wait3A_65 = arith.constant 0 : i32
      %dma_wait3A_66 = tpu.memref_slice %arg6[%arg0, %add3A_51, %dma_wait3A_65] : memref<2x10000x128xf32, #tpu.memory_space<hbm>> -> memref<1x65x128xf32, #tpu.memory_space<hbm>>
      %dma_wait3A_67 = tpu.memref_squeeze %dma_wait3A_66 : memref<1x65x128xf32, #tpu.memory_space<hbm>> -> memref<65x128xf32, #tpu.memory_space<hbm>>
      %dma_wait3A_68 = arith.constant 0 : i32
      %dma_wait3A_69 = tpu.memref_slice %arg6[%arg0, %add3A_51, %dma_wait3A_68] : memref<2x10000x128xf32, #tpu.memory_space<hbm>> -> memref<1x65x128xf32, #tpu.memory_space<hbm>>
      %dma_wait3A_70 = tpu.memref_squeeze %dma_wait3A_69 : memref<1x65x128xf32, #tpu.memory_space<hbm>> -> memref<65x128xf32, #tpu.memory_space<hbm>>
      %dma_wait3A_71 = arith.constant 0 : i32
      %dma_wait3A_72 = arith.constant 0 : i32
      %dma_wait3A_73 = tpu.memref_slice %arg10[%dma_wait3A_71, %dma_wait3A_72] : memref<80x128xf32, #tpu.memory_space<vmem>> -> memref<65x128xf32, #tpu.memory_space<vmem>>
      tpu.wait_dma2 semaphore(%run_scoped3A : memref<!tpu.dma_semaphore, #tpu.memory_space<semaphore_mem>>) src(%dma_wait3A_73 : memref<65x128xf32, #tpu.memory_space<vmem>>) dst(%dma_wait3A_70 : memref<65x128xf32, #tpu.memory_space<hbm>>)
      tpu.yield
    }) : () -> ()
    return
  }
}

module attributes {stable_mosaic.version = 14 : i64} {
  func.func @_combine_body(%arg0: i32, %arg1: memref<1000x128xf32, #tpu.memory_space<vmem>>, %arg2: memref<1000x128xf32, #tpu.memory_space<vmem>>, %arg3: memref<1000x128xf32, #tpu.memory_space<vmem>>) attributes {dimension_semantics = [#tpu.dimension_semantics<arbitrary>], iteration_bounds = array<i64: 10>, scalar_prefetch = 0 : i64, scratch_operands = 0 : i64, tpu.core_type = #tpu.core_type<tc>, window_params = [{transform_indices = @transform_0, window_bounds = array<i64: 1000, 128>}, {transform_indices = @transform_1, window_bounds = array<i64: 1000, 128>}, {transform_indices = @transform_2, window_bounds = array<i64: 1000, 128>}]} {
    %get3A = arith.constant 0 : index
    %get3A_0 = arith.constant 0 : index
    %get3A_1 = vector.load %arg1[%get3A, %get3A_0] : memref<1000x128xf32, #tpu.memory_space<vmem>>, vector<1000x128xf32>
    %get3A_2 = arith.constant 0 : index
    %get3A_3 = arith.constant 0 : index
    %get3A_4 = vector.load %arg2[%get3A_2, %get3A_3] : memref<1000x128xf32, #tpu.memory_space<vmem>>, vector<1000x128xf32>
    %add3A = arith.addf %get3A_1, %get3A_4 : vector<1000x128xf32>
    %swap3A = arith.constant 0 : index
    %swap3A_5 = arith.constant 0 : index
    %swap3A_6 = vector.load %arg3[%swap3A, %swap3A_5] : memref<1000x128xf32, #tpu.memory_space<vmem>>, vector<1000x128xf32>
    tpu.vector_store %arg3[%swap3A, %swap3A_5], %add3A {strides = array<i32>} : memref<1000x128xf32, #tpu.memory_space<vmem>>, vector<1000x128xf32>,
    return
  }
  func.func @transform_0(%arg0: i32) -> (i32, i32) {
    %c0_i32 = arith.constant 0 : i32
    %c0_i32_0 = arith.constant 0 : i32
    return %arg0, %c0_i32 : i32, i32
  }
  func.func @transform_1(%arg0: i32) -> (i32, i32) {
    %c0_i32 = arith.constant 0 : i32
    %c0_i32_0 = arith.constant 0 : i32
    return %arg0, %c0_i32 : i32, i32
  }
  func.func @transform_2(%arg0: i32) -> (i32, i32) {
    %c0_i32 = arith.constant 0 : i32
    %c0_i32_0 = arith.constant 0 : i32
    return %arg0, %c0_i32 : i32, i32
  }
}

module attributes {stable_mosaic.version = 14 : i64} {
  func.func @_dense_body(%arg0: i32, %arg1: memref<1000x128xf32, #tpu.memory_space<vmem>>, %arg2: memref<1000x128xf32, #tpu.memory_space<vmem>>, %arg3: memref<1000x128xf32, #tpu.memory_space<vmem>>, %arg4: memref<1000x128xf32, #tpu.memory_space<vmem>>, %arg5: memref<384x384xf32, #tpu.memory_space<vmem>>, %arg6: memref<1x384xf32, #tpu.memory_space<vmem>>, %arg7: memref<1x128xf32, #tpu.memory_space<vmem>>, %arg8: memref<1000x128xf32, #tpu.memory_space<vmem>>) attributes {dimension_semantics = [#tpu.dimension_semantics<arbitrary>], iteration_bounds = array<i64: 10>, scalar_prefetch = 0 : i64, scratch_operands = 0 : i64, tpu.core_type = #tpu.core_type<tc>, window_params = [{transform_indices = @transform_0, window_bounds = array<i64: 1000, 128>}, {transform_indices = @transform_1, window_bounds = array<i64: 1000, 128>}, {transform_indices = @transform_2, window_bounds = array<i64: 1000, 128>}, {transform_indices = @transform_3, window_bounds = array<i64: 1000, 128>}, {pipeline_mode = #tpu.pipeline_mode<synchronous>, transform_indices = @transform_4, window_bounds = array<i64: 384, 384>}, {pipeline_mode = #tpu.pipeline_mode<synchronous>, transform_indices = @transform_5, window_bounds = array<i64: 1, 384>}, {pipeline_mode = #tpu.pipeline_mode<synchronous>, transform_indices = @transform_6, window_bounds = array<i64: 1, 128>}, {transform_indices = @transform_7, window_bounds = array<i64: 1000, 128>}]} {
    %get3A = arith.constant 0 : index
    %get3A_0 = arith.constant 0 : index
    %get3A_1 = vector.load %arg1[%get3A, %get3A_0] : memref<1000x128xf32, #tpu.memory_space<vmem>>, vector<1000x128xf32>
    %get3A_2 = arith.constant 0 : index
    %get3A_3 = arith.constant 0 : index
    %get3A_4 = vector.load %arg2[%get3A_2, %get3A_3] : memref<1000x128xf32, #tpu.memory_space<vmem>>, vector<1000x128xf32>
    %get3A_5 = arith.constant 0 : index
    %get3A_6 = arith.constant 0 : index
    %get3A_7 = vector.load %arg3[%get3A_5, %get3A_6] : memref<1000x128xf32, #tpu.memory_space<vmem>>, vector<1000x128xf32>
    %get3A_8 = arith.constant 0 : index
    %get3A_9 = arith.constant 0 : index
    %get3A_10 = vector.load %arg4[%get3A_8, %get3A_9] : memref<1000x128xf32, #tpu.memory_space<vmem>>, vector<1000x128xf32>
    %add3A = arith.addf %get3A_7, %get3A_10 : vector<1000x128xf32>
    %mul3A = arith.constant 2.000000e+00 : f32
    %mul3A_11 = vector.broadcast %mul3A : f32 to vector<1000x128xf32>
    %mul3A_12 = arith.mulf %mul3A_11, %add3A : vector<1000x128xf32>
    %sub3A = arith.subf %mul3A_12, %get3A_1 : vector<1000x128xf32>
    %get3A_13 = arith.constant 0 : index
    %get3A_14 = arith.constant 0 : index
    %get3A_15 = vector.load %arg5[%get3A_13, %get3A_14] : memref<384x384xf32, #tpu.memory_space<vmem>>, vector<384x384xf32>
    %slice3A = vector.extract_strided_slice %get3A_15 {offsets = [0, 0], sizes = [128, 384], strides = [1, 1]} : vector<384x384xf32> to vector<128x384xf32>
    %dot_general3A = arith.constant dense<0.000000e+00> : vector<1000x384xf32>
    %dot_general3A_16 = tpu.matmul %get3A_1, %slice3A, %dot_general3A {dimension_numbers = #tpu.dot_dimension_numbers<[1], [0], [0], [1], [0, 0, 1, 1], [], []>, transpose_lhs_hint = false} : vector<1000x128xf32>, vector<128x384xf32>, vector<1000x384xf32> -> vector<1000x384xf32>
    %slice3A_17 = vector.extract_strided_slice %get3A_15 {offsets = [128, 0], sizes = [128, 384], strides = [1, 1]} : vector<384x384xf32> to vector<128x384xf32>
    %dot_general3A_18 = arith.constant dense<0.000000e+00> : vector<1000x384xf32>
    %dot_general3A_19 = tpu.matmul %get3A_4, %slice3A_17, %dot_general3A_18 {dimension_numbers = #tpu.dot_dimension_numbers<[1], [0], [0], [1], [0, 0, 1, 1], [], []>, transpose_lhs_hint = false} : vector<1000x128xf32>, vector<128x384xf32>, vector<1000x384xf32> -> vector<1000x384xf32>
    %add3A_20 = arith.addf %dot_general3A_16, %dot_general3A_19 : vector<1000x384xf32>
    %slice3A_21 = vector.extract_strided_slice %get3A_15 {offsets = [256, 0], sizes = [128, 384], strides = [1, 1]} : vector<384x384xf32> to vector<128x384xf32>
    %dot_general3A_22 = arith.constant dense<0.000000e+00> : vector<1000x384xf32>
    %dot_general3A_23 = tpu.matmul %sub3A, %slice3A_21, %dot_general3A_22 {dimension_numbers = #tpu.dot_dimension_numbers<[1], [0], [0], [1], [0, 0, 1, 1], [], []>, transpose_lhs_hint = false} : vector<1000x128xf32>, vector<128x384xf32>, vector<1000x384xf32> -> vector<1000x384xf32>
    %add3A_24 = arith.addf %add3A_20, %dot_general3A_23 : vector<1000x384xf32>
    %get3A_25 = arith.constant 0 : index
    %get3A_26 = arith.constant 0 : index
    %get3A_27 = vector.load %arg6[%get3A_25, %get3A_26] : memref<1x384xf32, #tpu.memory_space<vmem>>, vector<1x384xf32>
    %add3A_28 = vector.broadcast %get3A_27 : vector<1x384xf32> to vector<1000x384xf32>
    %add3A_29 = arith.addf %add3A_24, %add3A_28 : vector<1000x384xf32>
    %slice3A_30 = vector.extract_strided_slice %add3A_29 {offsets = [0, 0], sizes = [1000, 128], strides = [1, 1]} : vector<1000x384xf32> to vector<1000x128xf32>
    %logistic3A = arith.negf %slice3A_30 : vector<1000x128xf32>
    %logistic3A_31 = math.exp %logistic3A : vector<1000x128xf32>
    %logistic3A_32 = arith.constant 1.000000e+00 : f32
    %logistic3A_33 = vector.broadcast %logistic3A_32 : f32 to vector<1000x128xf32>
    %logistic3A_34 = arith.addf %logistic3A_33, %logistic3A_31 : vector<1000x128xf32>
    %logistic3A_35 = arith.divf %logistic3A_33, %logistic3A_34 : vector<1000x128xf32>
    %slice3A_36 = vector.extract_strided_slice %add3A_29 {offsets = [0, 128], sizes = [1000, 128], strides = [1, 1]} : vector<1000x384xf32> to vector<1000x128xf32>
    %tanh3A = math.tanh %slice3A_36 : vector<1000x128xf32>
    %mul3A_37 = arith.mulf %logistic3A_35, %tanh3A : vector<1000x128xf32>
    %slice3A_38 = vector.extract_strided_slice %add3A_29 {offsets = [0, 256], sizes = [1000, 128], strides = [1, 1]} : vector<1000x384xf32> to vector<1000x128xf32>
    %get3A_39 = arith.constant 0 : index
    %get3A_40 = arith.constant 0 : index
    %get3A_41 = vector.load %arg7[%get3A_39, %get3A_40] : memref<1x128xf32, #tpu.memory_space<vmem>>, vector<1x128xf32>
    %mul3A_42 = vector.broadcast %get3A_41 : vector<1x128xf32> to vector<1000x128xf32>
    %mul3A_43 = arith.mulf %mul3A_42, %mul3A_37 : vector<1000x128xf32>
    %add3A_44 = arith.addf %slice3A_38, %mul3A_43 : vector<1000x128xf32>
    %logistic3A_45 = arith.negf %add3A_44 : vector<1000x128xf32>
    %logistic3A_46 = math.exp %logistic3A_45 : vector<1000x128xf32>
    %logistic3A_47 = arith.constant 1.000000e+00 : f32
    %logistic3A_48 = vector.broadcast %logistic3A_47 : f32 to vector<1000x128xf32>
    %logistic3A_49 = arith.addf %logistic3A_48, %logistic3A_46 : vector<1000x128xf32>
    %logistic3A_50 = arith.divf %logistic3A_48, %logistic3A_49 : vector<1000x128xf32>
    %tanh3A_51 = math.tanh %mul3A_37 : vector<1000x128xf32>
    %mul3A_52 = arith.mulf %logistic3A_50, %tanh3A_51 : vector<1000x128xf32>
    %max3A = arith.constant 0.000000e+00 : f32
    %max3A_53 = vector.broadcast %max3A : f32 to vector<1000x128xf32>
    %max3A_54 = arith.maximumf %mul3A_52, %max3A_53 : vector<1000x128xf32>
    %swap3A = arith.constant 0 : index
    %swap3A_55 = arith.constant 0 : index
    %swap3A_56 = vector.load %arg8[%swap3A, %swap3A_55] : memref<1000x128xf32, #tpu.memory_space<vmem>>, vector<1000x128xf32>
    tpu.vector_store %arg8[%swap3A, %swap3A_55], %max3A_54 {strides = array<i32>} : memref<1000x128xf32, #tpu.memory_space<vmem>>, vector<1000x128xf32>,
    return
  }
  func.func @transform_0(%arg0: i32) -> (i32, i32) {
    %c0_i32 = arith.constant 0 : i32
    %c0_i32_0 = arith.constant 0 : i32
    return %arg0, %c0_i32 : i32, i32
  }
  func.func @transform_1(%arg0: i32) -> (i32, i32) {
    %c0_i32 = arith.constant 0 : i32
    %c0_i32_0 = arith.constant 0 : i32
    return %arg0, %c0_i32 : i32, i32
  }
  func.func @transform_2(%arg0: i32) -> (i32, i32) {
    %c0_i32 = arith.constant 0 : i32
    %c0_i32_0 = arith.constant 0 : i32
    return %arg0, %c0_i32 : i32, i32
  }
  func.func @transform_3(%arg0: i32) -> (i32, i32) {
    %c0_i32 = arith.constant 0 : i32
    %c0_i32_0 = arith.constant 0 : i32
    return %arg0, %c0_i32 : i32, i32
  }
  func.func @transform_4(%arg0: i32) -> (i32, i32) {
    %c0_i32 = arith.constant 0 : i32
    %c0_i32_0 = arith.constant 0 : i32
    %c0_i32_1 = arith.constant 0 : i32
    return %c0_i32, %c0_i32_0 : i32, i32
  }
  func.func @transform_5(%arg0: i32) -> (i32, i32) {
    %c0_i32 = arith.constant 0 : i32
    %c0_i32_0 = arith.constant 0 : i32
    %c0_i32_1 = arith.constant 0 : i32
    return %c0_i32, %c0_i32_0 : i32, i32
  }
  func.func @transform_6(%arg0: i32) -> (i32, i32) {
    %c0_i32 = arith.constant 0 : i32
    %c0_i32_0 = arith.constant 0 : i32
    %c0_i32_1 = arith.constant 0 : i32
    return %c0_i32, %c0_i32_0 : i32, i32
  }
  func.func @transform_7(%arg0: i32) -> (i32, i32) {
    %c0_i32 = arith.constant 0 : i32
    %c0_i32_0 = arith.constant 0 : i32
    return %arg0, %c0_i32 : i32, i32
  }
}

</mosaic_0001>

<sc_bundles>
// kernel: kernel.6.cloned.1.call-start
scs
__scs_entry_jumppad:
0x0: {  	(pc) =	sbr.rel $0x88, $3  }
0x1: {  	(tag) =	ssettag $0x0;
	lr =	simm.s32 $0x1  }
0x2: {  	[smem:$0x3F91] =	sst lr;
	_ =	strace $0xD0000000  }
0x3: {  	_ = 	snop  }
0x4: {  	_ = 	snop  }
0x5: {  	_ = 	snop  }
0x6: {  	_ = 	snop  }
0x7: {  	_ = 	snop  }
__scs_overlays_trampoline_lowered:
0x8: {  	[smem:$0x3FA0] =	sst s0  }
0x9: {  	[smem:$0x3FA1] =	sst s1  }
0xa: {  	[smem:$0x3FA2] =	sst s2  }
0xb: {  	[smem:$0x3FA3] =	sst s3  }
0xc: {  	[smem:$0x3FA4] =	sst s4  }
0xd: {  	[smem:$0x3FA5] =	sst s5  }
0xe: {  	[smem:$0x3FA6] =	sst s6  }
0xf: {  	[smem:$0x3FA7] =	sst s7  }
0x10: {  	[smem:$0x3FA8] =	sst s8  }
0x11: {  	[smem:$0x3FA9] =	sst s9;
	s0 =	simm.s32 @!p0 $0x0  }
0x12: {  	s1 =	sld [smem:$0x3F8F];
	s0 =	simm.s32 @p0 $0x1  }
0x13: {  	[smem:$0x3FAA] =	sst s0;
	s0 =	simm.s32 @!p1 $0x0  }
0x14: {  	s2 =	sld [smem:$0x3F8E];
	s0 =	simm.s32 @p1 $0x1  }
0x15: {  	[smem:$0x3FAB] =	sst s0;
	s0 =	simm.s32 @!p2 $0x0  }
0x16: {  	s3 =	sld [smem:$0x3FDB];
	s0 =	simm.s32 @p2 $0x1  }
0x17: {  	s4 =	simm.s32 $0x1BF5;
	[smem:$0x3FAD] =	sst s0  }
0x18: {  	s0 =	sld [smem:$0x3F90];
	_ =	swait.ge [sflag:s4], $0x0  }
0x19: {  	s7 =	sld [smem:$0x3F91]  }
0x1a: {  	s8 =	sadd.s32 $0xFFFFE003, lr  }
0x1b: {  	s9 =	sadd.s32 $0xFFFFFEF7, lr;
	s5 =	simm.s32 $0xFFFFFFFF;
	p2 =	slt.u32 s8, $0xFFFFF086  }
0x1c: {  	p1 =	slt.u32 s9, $0xF7A;
	s5 =	simm.s32 @!p2 $0x0  }
0x1d: {  	s5 =	simm.s32 @p1 $0x1;
	p0 =	seq.s32 s7, s2  }
0x1e: {  	s7 =	smul.u32 @!p0 $0xF7A, s2;
	p2 =	seq.s32 @!p0 s5, $0x0  }
0x1f: {  	s9 =	smul.u32 $0xF7A, s1;
	s8 =	simm.s32 @!p0 $0x1BF5;
	p2 =	por !p2, p0  }
0x20: {  	[sflag:s8] =	ssyncset.s32 @!p0 $0xFFFFF086;
	s6 =	sadd.s32 @!p0 s3, s7;
	s7 =	simm.s32 @!p0 $0x108  }
0x21: {  	s3 =	sadd.s32 s3, s9;
	s6 =	sadd.s32 @!p0 $0x88, s6;
	s7 =	simm.s32 @p2 $0x1082  }
0x22: {  	[simem:s7], [sflag:s8] =	dma.local @!p0 [hbm:s6], $0xF7A  }
0x23: {  	s9 =	sor.u32 $0xD0000000, s2;
	s6 =	simm.s32 $0x108;
	_ =	swait.ge @!p0 [sflag:s8], $0x0  }
0x24: {  	s3 =	sadd.s32 $0x88, s3;
	s6 =	simm.s32 @!p1 $0x1082;
	[sflag:s4] =	ssyncset.s32 $0xFFFFF086  }
0x25: {  	[simem:s6], [sflag:s4] =	dma.local [hbm:s3], $0xF7A  }
0x26: {  	[smem:$0x3F91] =	sst s1;
	(tag) =	ssettag s2;
	_ =	strace s9  }
0x27: {  	s1 =	sld [smem:$0x3FA1]  }
0x28: {  	s2 =	sld [smem:$0x3FA2]  }
0x29: {  	s4 =	sld [smem:$0x3FA4]  }
0x2a: {  	p0 =	seq.s32 s5, $0x0;
	s5 =	sld [smem:$0x3FA5]  }
0x2b: {  	s6 =	sld [smem:$0x3FA6]  }
0x2c: {  	s7 =	sld [smem:$0x3FA7]  }
0x2d: {  	s3 =	simm.s32 $0x108;
	s8 =	sld [smem:$0x3FA8]  }
0x2e: {  	s3 =	simm.s32 @!p0 $0x1082;
	s9 =	sld [smem:$0x3FA9]  }
0x2f: {  	lr =	sadd.s32 s0, s3;
	s0 =	sld [smem:$0x3FA0]  }
0x30: {  	s3 =	sld [smem:$0x3FA3]  }
0x31: {  	[smem:$0x3FAC] =	sst s10  }
0x32: {  	s10 =	sld [smem:$0x3FAA];
	_ =	sdelay $0x3  }
0x33: {  	p0 =	seq.s32 s10, $0x1;
	s10 =	sld [smem:$0x3FAC];
	_ =	sdelay $0x3  }
0x34: {  	[smem:$0x3FAC] =	sst s10  }
0x35: {  	s10 =	sld [smem:$0x3FAB];
	_ =	sdelay $0x3  }
0x36: {  	p1 =	seq.s32 s10, $0x1;
	s10 =	sld [smem:$0x3FAC];
	_ =	sdelay $0x3  }
0x37: {  	[smem:$0x3FAC] =	sst s10  }
0x38: {  	s10 =	sld [smem:$0x3FAD]  }
0x39: {  	_ = 	snop;
	(pc) =	sbr.ind lr, $3  }
0x3a: {  	_ = 	snop  }
0x3b: {  	_ = 	snop  }
0x3c: {  	p2 =	seq.s32 s10, $0x1;
	s10 =	sld [smem:$0x3FAC]  }
0x3d: {  	_ =	shalt  }
0x3e: {  	_ =	shalt  }
0x3f: {  	_ =	shalt  }
0x40: {  	_ =	shalt  }
0x41: {  	_ =	shalt  }
0x42: {  	_ =	shalt  }
0x43: {  	_ =	shalt  }
0x44: {  	_ =	shalt  }
0x45: {  	_ =	shalt  }
0x46: {  	_ =	shalt  }
0x47: {  	_ =	shalt  }
0x48: {  	_ =	shalt  }
0x49: {  	_ =	shalt  }
0x4a: {  	_ =	shalt  }
0x4b: {  	_ =	shalt  }
0x4c: {  	_ =	shalt  }
0x4d: {  	_ =	shalt  }
0x4e: {  	_ =	shalt  }
0x4f: {  	_ =	shalt  }
0x50: {  	_ =	shalt  }
0x51: {  	_ =	shalt  }
0x52: {  	_ =	shalt  }
0x53: {  	_ =	shalt  }
0x54: {  	_ =	shalt  }
0x55: {  	_ =	shalt  }
0x56: {  	_ =	shalt  }
0x57: {  	_ =	shalt  }
0x58: {  	_ =	shalt  }
0x59: {  	_ =	shalt  }
0x5a: {  	_ =	shalt  }
0x5b: {  	_ =	shalt  }
0x5c: {  	_ =	shalt  }
0x5d: {  	_ =	shalt  }
0x5e: {  	_ =	shalt  }
0x5f: {  	_ =	shalt  }
0x60: {  	_ =	shalt  }
0x61: {  	_ =	shalt  }
0x62: {  	_ =	shalt  }
0x63: {  	_ =	shalt  }
0x64: {  	_ =	shalt  }
0x65: {  	_ =	shalt  }
0x66: {  	_ =	shalt  }
0x67: {  	_ =	shalt  }
0x68: {  	_ =	shalt  }
0x69: {  	_ =	shalt  }
0x6a: {  	_ =	shalt  }
0x6b: {  	_ =	shalt  }
0x6c: {  	_ =	shalt  }
0x6d: {  	_ =	shalt  }
0x6e: {  	_ =	shalt  }
0x6f: {  	_ =	shalt  }
0x70: {  	_ =	shalt  }
0x71: {  	_ =	shalt  }
0x72: {  	_ =	shalt  }
0x73: {  	_ =	shalt  }
0x74: {  	_ =	shalt  }
0x75: {  	_ =	shalt  }
0x76: {  	_ =	shalt  }
0x77: {  	_ =	shalt  }
0x78: {  	_ =	shalt  }
0x79: {  	_ =	shalt  }
0x7a: {  	_ =	shalt  }
0x7b: {  	_ =	shalt  }
0x7c: {  	_ =	shalt  }
0x7d: {  	_ =	shalt  }
0x7e: {  	_ =	shalt  }
0x7f: {  	_ =	shalt  }
0x80: {  	_ =	shalt  }
0x81: {  	_ =	shalt  }
0x82: {  	_ =	shalt  }
0x83: {  	_ =	shalt  }
0x84: {  	_ =	shalt  }
0x85: {  	_ =	shalt  }
0x86: {  	_ =	shalt  }
0x87: {  	_ =	shalt  }
.Lfunc_end0:
.L_simem_size_0:
called_computation_lowered:
.L_overlay_start_0:
0x88: {  	s2 =	sld [smem:$0x3FD9]  }
0x89: {  	s3 =	sld [smem:$0x3FFE];
	_ =	sdelay $0x1  }
0x8a: {  	s1 =	srdreg.scid  }
0x8b: {  	s0 =	sand.u32 $0x1, s1  }
0x8c: {  	s17 =	sshll.u32 s0, $0xA;
	s2 =	sadd.s32 s3, s2  }
0x8d: {  	s2 =	sadd.s32 s2, s17  }
0x8e: {  	[smem:$0x3FB8] =	sst s2  }
0x8f: {  	_ = 	snop  }
0x90: {  	s2 =	sld [smem:$0x3FD0];
	(tm) =	ssettm $0x1  }
0x91: {  	s18 =	sld [smem:$0x3FFB];
	_ =	sdelay $0x3  }
0x92: {  	_ =	strace s18  }
0x93: {  	s3 =	sld [smem:$0x3FFC];
	_ =	sdelay $0x3  }
0x94: {  	_ =	strace s3  }
0x95: {  	s3 =	sld [smem:$0x3FFD];
	_ =	sdelay $0x3  }
0x96: {  	_ =	strace s3  }
0x97: {  	_ =	strace $0x8FFFFFFF  }
0x98: {  	s19 =	sld [smem:$0x3FDB];
	_ =	sdelay $0x1  }
0x99: {  	s4 =	simm.s32 $_scs_section_size  }
0x9a: {  	s5 =	simm.s32 $_size__tile_overlayer_lowered;
	s6 =	simm.s32 $_tile_overlayer_lowered  }
0x9b: {  	s22 =	simm.s32 $0x1BFF;
	s21 =	sshll.u32 s6, $0x1;
	s3 =	sadd.s32 s4, s19  }
0x9c: {  	s7 =	simm.s32 $0x0;
	s20 =	sshll.u32 s5, $0x1;
	s5 =	sadd.s32 s21, s3  }
0x9d: {  	[timem:s7], [sflag:s22] =	dma.local [hbm:s5], s20  }
0x9e: {  	_ =	swait.ge [sflag:s22], s20  }
0x9f: {  	s4 =	ssub.s32 $0x0, s20;
	[sflag:s22] =	ssyncset.done $0x0  }
0xa0: {  	[sflag:s22] =	ssyncadd.s32 s4;
	_ =	sdelay $0x1  }
0xa1: {  	s23 =	simm.s32 $0x1B8B  }
0xa2: {  	_ =	swait.ge [sflag:s23], $0x1  }
0xa3: {  	[sflag:s23] =	ssyncset.done $0x0  }
0xa4: {  	s25 =	simm.s32 $0x1B8E;
	s24 =	sld [smem:$0x3FFE];
	[sflag:s23] =	ssyncadd.s32 $0xFFFFFFFF  }
0xa5: {  	s26 =	simm.s32 $execute0_lowered;
	[smem:$0x3FD2] =	sst s25  }
0xa6: {  	s5 =	sshll.u32 s26, $0x1;
	_ =	strace $0x80000046;
	[dreg:$0x1] =	wrdreg $0xFFFFFFFF  }
0xa7: {  	s28 =	simm.s32 $_size_execute0_lowered;
	s3 =	sadd.s32 s3, s5;
	[dreg:$0x0] =	wrdreg $0x0  }
0xa8: {  	s5 =	sshll.u32 s28, $0x1;
	[dreg:$0x2] =	wrdreg s3  }
0xa9: {  	[dreg:$0x3] =	wrdreg s5  }
0xaa: {  	[dreg:$0x4] =	wrdreg $0xC0  }
0xab: {  	_ =	task [dreg:s7], $0x5FFFF  }
0xac: {  	[dreg:$0x1] =	wrdreg $0xFFFFFFFF  }
0xad: {  	[dreg:$0x0] =	wrdreg $0x60  }
0xae: {  	[dreg:$0x2] =	wrdreg s24  }
0xaf: {  	[dreg:$0x3] =	wrdreg s2  }
0xb0: {  	[dreg:$0x4] =	wrdreg $0x9E500  }
0xb1: {  	[dreg:$0x5] =	wrdreg $0xA0C80  }
0xb2: {  	[dreg:$0x6] =	wrdreg $0x9  }
0xb3: {  	_ =	task.clear_ibuf [dreg:s7], $0x7FFFF;
	_ =	strace $0x90000046  }
0xb4: {  	s29 =	simm.s32 $0x9;
	_ =	strace $0x80000048  }
0xb5: {  	_ =	swait.ge [sflag:s29], $0x1  }
0xb6: {  	[sflag:s29] =	ssyncadd.s32 $0xFFFFFFFF  }
0xb7: {  	_ =	strace $0x90000048  }
0xb8: {  	_ =	sfence  }
0xb9: {  	s30 =	sld [smem:$0x0];
	_ =	sdelay $0x2  }
0xba: {  	s31 =	sshll.u32 s1, $0xD;
	s1 =	sshrl.u32 s1, $0x2  }
0xbb: {  	s3 =	sand.u32 $0x4000, s31;
	s1 =	sadd.s32 s1, s30  }
0xbc: {  	s0 =	sor.u32 s3, s0;
	s1 =	sshll.u32 s1, $0x11  }
0xbd: {  	s0 =	sor.u32 s1, s0  }
0xbe: {  	s0 =	sadd.s32 $0x8F2B, s0  }
0xbf: {  	[sflag:s0] =	ssyncadd.remote.s32 $0x1  }
0xc0: {  	_ =	sfence.sel $0xFFFF  }
0xc1: {  	[dreg:$0x0] =	wrdreg $0xFFFFFFFF;
	(pc) =	sbr.abs _section_cstart, $3  }
0xc2: {  	[dreg:$0x1] =	wrdreg $0xFFFFFFFF  }
0xc3: {  	_ =	task.clear_ibuf [dreg:s7], $0x2FFFF;
	_ =	strace $0x9FFFFFFF  }
0xc4: {  	(tm) =	ssettm $0x7FFFFFFF  }
0xc5: {  	_ =	shalt  }
tec
execute0_lowered:
.L_overlay_start_1:
0x0: {  	(tag) =	ssettag $0x1  }
0x1: {  	s1 =	rddreg [dreg:$0x0]  }
0x2: {  	s0 =	rddreg [dreg:$0x1]  }
0x3: {  	s2 =	rddreg [dreg:$0x2]  }
0x4: {  	s4 =	srdreg.scid;
	s5 =	stileid.u32  }
0x5: {  	s3 =	rddreg [dreg:$0x3];
	s6 =	sand.u32 $0x1, s4;
	s8 =	smul.u32 $0x13880, s5  }
0x6: {  	s4 =	simm.s32 $0x0;
	s9 =	sadd.s32 $0x34A00, s1;
	p0 =	sne.s32 s5, $0x0  }
0x7: {  	s7 =	ssub.s32 $0x2, s6;
	s11 =	smul.u32 $0x138800, s6;
	[smem:$0x7FF] =	sst s4  }
0x8: {  	s6 =	sshll.u32 s6, $0x4;
	s10 =	sshrl.u32 s7, $0x1;
	s12 =	sadd.s32 $0x5000, s8  }
0x9: {  	s13 =	sadd.s32 $0x7800, s8;
	s14 =	sadd.s32 $0xA000, s8;
	s15 =	sadd.s32 $0xC800, s8  }
0xa: {  	s16 =	sadd.s32 $0xF000, s8;
	s18 =	sadd.s32 $0x11800, s8;
	s7 =	ssub.s32 s7, s10  }
0xb: {  	s10 =	sadd.s32 $0x2800, s8;
	s17 =	sadd.s32 s8, s11;
	s20 =	sadd.s32 s11, s12  }
0xc: {  	s22 =	sadd.s32 s11, s13;
	s24 =	sadd.s32 s11, s14;
	s26 =	sadd.s32 s11, s15  }
0xd: {  	s17 =	sshrl.u32 s17, $0x3;
	s19 =	sadd.s32 s11, s10;
	s21 =	sshrl.u32 s20, $0x3  }
0xe: {  	s23 =	sshrl.u32 s22, $0x3;
	s17 =	sadd.s32 s9, s17;
	s19 =	sshrl.u32 s19, $0x3  }
0xf: {  	s25 =	sshrl.u32 s24, $0x3;
	[dreg:$0x6] =	wrdreg s17;
	s17 =	sadd.s32 s9, s19  }
0x10: {  	s20 =	sadd.s32 s11, s16;
	[dreg:$0x7] =	wrdreg s17;
	s17 =	sadd.s32 s9, s21  }
0x11: {  	s11 =	sadd.s32 s11, s18;
	[dreg:$0x8] =	wrdreg s17;
	s17 =	sadd.s32 s9, s23  }
0x12: {  	s19 =	sshrl.u32 s26, $0x3;
	[dreg:$0x9] =	wrdreg s17;
	s17 =	sadd.s32 s9, s25  }
0x13: {  	s21 =	sshrl.u32 s20, $0x3;
	[dreg:$0xa] =	wrdreg s17;
	s17 =	sadd.s32 s9, s19  }
0x14: {  	s11 =	sshrl.u32 s11, $0x3;
	[dreg:$0xb] =	wrdreg s17;
	s17 =	sadd.s32 s9, s21  }
0x15: {  	s6 =	sor.u32 s5, s6;
	s9 =	sadd.s32 s9, s11;
	[dreg:$0xc] =	wrdreg s17  }
0x16: {  	s22 =	smul.u32 $0xA00, s5;
	s23 =	sadd.s32 $0x3000, s1;
	[dreg:$0xd] =	wrdreg s9  }
0x17: {  	s24 =	sadd.s32 $0xCE00, s1;
	_ =	strace $0x80000047;
	[dreg:$0xe] =	wrdreg s23  }
0x18: {  	s5 =	smul.u32 $0x270, s5;
	s25 =	sadd.s32 $0x16C00, s1;
	[dreg:$0xf] =	wrdreg s24  }
0x19: {  	s9 =	sadd.s32 s22, s1;
	s1 =	sadd.s32 $0x82C00, s1;
	[dreg:$0x10] =	wrdreg s25  }
0x1a: {  	s26 =	sadd.s32 s5, s2;
	[dreg:$0x11] =	wrdreg s1  }
0x1b: {  	s5 =	sadd.s32 $0x1F40, s5;
	[dreg:$0x12] =	wrdreg s26  }
0x1c: {  	s30 =	simm.s32 $0x9C50;
	s8 =	sadd.s32 s8, s3;
	[dreg:$0x13] =	wrdreg s5  }
0x1d: {  	s28 =	simm.s32 $0x1;
	s11 =	sadd.s32 s10, s3;
	[dreg:$0x14] =	wrdreg s8  }
0x1e: {  	s29 =	simm.s32 $0x2;
	s12 =	sadd.s32 s12, s3;
	[dreg:$0x15] =	wrdreg s11  }
0x1f: {  	s20 =	sadd.s32 s15, s3;
	s17 =	sadd.s32 s13, s3;
	[dreg:$0x16] =	wrdreg s12  }
0x20: {  	s15 =	simm.s32 $0x1770;
	s19 =	sadd.s32 s14, s3;
	[dreg:$0x17] =	wrdreg s17  }
0x21: {  	s14 =	simm.s32 $0x9D50;
	s21 =	smul.u32 $0x7D, s6;
	[dreg:$0x18] =	wrdreg s19  }
0x22: {  	s10 =	sadd.s32 s18, s3;
	s18 =	simm.s32 $0x99D0;
	[dreg:$0x19] =	wrdreg s20  }
0x23: {  	s22 =	sadd.s32 s16, s3;
	s3 =	simm.s32 $0x9DD0;
	[dreg:$0x1a] =	wrdreg s21  }
0x24: {  	s13 =	simm.s32 $0x1F40;
	s16 =	simm.s32 $0x50;
	[dreg:$0x1b] =	wrdreg s22  }
0x25: {  	s23 =	smul.u32 $0x2710, s6;
	s24 =	smax.u32 s7, $0x1;
	s31 =	sadd.s32 $0x2AA00, s9  }
0x26: {  	s25 =	sadd.s32 $0x20A00, s9;
	s26 =	sadd.s32 $0x2700, s2;
	s6 =	simm.s32 $0x5  }
0x27: {  	s1 =	simm.s32 $0x9650;
	s8 =	simm.s32 $0x9A50;
	s9 =	simm.s32 $0x7D  }
0x28: {  	s19 =	simm.s32 $0x96D0;
	s20 =	simm.s32 $0x9AD0;
	[dreg:$0x1c] =	wrdreg s10  }
0x29: {  	s21 =	simm.s32 $0x9750;
	s22 =	simm.s32 $0x9B50;
	[dreg:$0x1e] =	wrdreg s24  }
0x2a: {  	s11 =	simm.s32 $0x98D0;
	s12 =	simm.s32 $0x9CD0;
	[dreg:$0x5] =	wrdreg s25  }
0x2b: {  	s17 =	simm.s32 $0x9950;
	s7 =	simm.s32 $0x0;
	[dreg:$0x1f] =	wrdreg s26  }
0x2c: {  	s24 =	simm.s32 $0x9BD0;
	s26 =	simm.s32 $0x9850;
	[smem:$0x7FD] =	sst s31  }
0x2d: {  	v0 =	vimm.f32 $0.0e+00;
	s25 =	simm.s32 $0x6E50;
	[dreg:$0x1d] =	wrdreg s23;
	s23 =	simm.s32 $0x97D0  }
.LBB2_1:
0x2e: {  	[smem:$0x7FC] =	sst s7;
	s5 =	simm.s32 $0x40;
	s10 =	simm.s32 $0x0  }
.LBB2_2:
0x2f: {  	p1 =	sne.s32 s5, $0x9C00;
	[tilespmem:s10+$0x1F40] =	vst v0;
	s10 =	smov.u32 s5;
	s5 =	sadd.s32 $0x40, s5  }
.Ltmp0:
0x30: {  	(pc) =	sbr.rel @p1 .LBB2_2-.Ltmp0, $2  }
0x31: {  	_ =	sdelay $0x2  }
0x32: {  	s10 =	sshra.s32 s10, $0x2  }
0x33: {  	s5 =	rddreg [dreg:$0x12]  }
0x34: {  	[tilespmem:s10+$0x1F40] =	vst v0;
	s7 =	rddreg [dreg:$0x13]  }
0x35: {  	[spmem:s5] =	stream.linear.scatter [tilespmem:s7], [sflag:$0x5], $0x270, $0x38;
	[tilespmem:$0x1D948] =	vst v63  }
0x36: {  	_ =	swait.ge [sflag:s6], $0x270  }
0x37: {  	[sflag:s6] =	ssyncset.done $0x0  }
0x38: {  	s5 =	simm.s32 @!p0 $0x4640;
	s10 =	rddreg [dreg:$0x1f];
	[sflag:s6] =	ssyncadd.s32 $0xFFFFFD90  }
0x39: {  	[spmem:s10] =	stream.linear.scatter @!p0 [tilespmem:s5], [sflag:$0x5], $0x10, $0x38;
	[tilespmem:$0x1D948] =	vst v63  }
0x3a: {  	s5 =	simm.s32 @!p0 $0x5  }
0x3b: {  	_ =	swait.ge @!p0 [sflag:s5], $0x10  }
0x3c: {  	[sflag:s5] =	ssyncset.done @!p0 $0x0  }
0x3d: {  	[sflag:s5] =	ssyncadd.s32 @!p0 $0xFFFFFFF0  }
0x3e: {  	[bflag:$0x0] =	sbarrier.arrive $0xFFFF  }
0x3f: {  	s10 =	rddreg [dreg:$0x5]  }
0x40: {  	s7 =	sadd.s32 $0x0, s10  }
0x41: {  	[tilespmem:s1], [sflag:$0x5] =	stream.linear.gather [hbm4b:s7+s4], $0x400, $0x38;
	[tilespmem:$0x1D948] =	vst v63  }
0x42: {  	_ =	swait.ge [sflag:s6], $0x400  }
0x43: {  	[sflag:s6] =	ssyncset.done $0x0  }
0x44: {  	s7 =	sadd.s32 $0x0, s31;
	[sflag:s6] =	ssyncadd.s32 $0xFFFFFC00  }
0x45: {  	[tilespmem:s8], [sflag:$0x5] =	stream.linear.gather [hbm4b:s7+s4], $0x400, $0x38;
	[tilespmem:$0x1D948] =	vst v63  }
0x46: {  	_ =	swait.ge [sflag:s6], $0x400  }
0x47: {  	[sflag:s6] =	ssyncset.done $0x0  }
0x48: {  	[sflag:s6] =	ssyncadd.s32 $0xFFFFFC00  }
0x49: {  	[spmem:s2] =	stream.indirect.scatter.add.f32 [tilespmem:s8], [sflag:$0x1], $0x1, s1, s9, $0xb8;
	[tilespmem:$0x1D948] =	vst v63  }
0x4a: {  	_ = 	snop  }
0x4b: {  	[spmem:s2] =	stream.indirect.scatter.add.f32 [tilespmem:s20], [sflag:$0x1], $0x1, s19, s9, $0xb8;
	[tilespmem:$0x1D948] =	vst v63  }
0x4c: {  	_ = 	snop  }
0x4d: {  	[spmem:s2] =	stream.indirect.scatter.add.f32 [tilespmem:s22], [sflag:$0x1], $0x1, s21, s9, $0xb8;
	[tilespmem:$0x1D948] =	vst v63  }
0x4e: {  	_ = 	snop  }
0x4f: {  	[spmem:s2] =	stream.indirect.scatter.add.f32 [tilespmem:s24], [sflag:$0x1], $0x1, s23, s9, $0xb8;
	[tilespmem:$0x1D948] =	vst v63  }
0x50: {  	_ = 	snop  }
0x51: {  	[spmem:s2] =	stream.indirect.scatter.add.f32 [tilespmem:s30], [sflag:$0x1], $0x1, s26, s9, $0xb8;
	[tilespmem:$0x1D948] =	vst v63  }
0x52: {  	_ = 	snop  }
0x53: {  	[spmem:s2] =	stream.indirect.scatter.add.f32 [tilespmem:s12], [sflag:$0x1], $0x1, s11, s9, $0xb8;
	[tilespmem:$0x1D948] =	vst v63  }
0x54: {  	_ = 	snop  }
0x55: {  	[spmem:s2] =	stream.indirect.scatter.add.f32 [tilespmem:s14], [sflag:$0x1], $0x1, s17, s9, $0xb8;
	[tilespmem:$0x1D948] =	vst v63  }
0x56: {  	_ = 	snop  }
0x57: {  	[spmem:s2] =	stream.indirect.scatter.add.f32 [tilespmem:s3], [sflag:$0x1], $0x1, s18, s9, $0xb8;
	[tilespmem:$0x1D948] =	vst v63  }
0x58: {  	_ =	swait.ge [sflag:s28], $0x7D  }
0x59: {  	[sflag:s28] =	ssyncset.done $0x0  }
0x5a: {  	[sflag:s28] =	ssyncadd.s32 $0xFFFFFF83  }
0x5b: {  	_ =	swait.ge [sflag:s28], $0x7D  }
0x5c: {  	[sflag:s28] =	ssyncset.done $0x0  }
0x5d: {  	[sflag:s28] =	ssyncadd.s32 $0xFFFFFF83  }
0x5e: {  	_ =	swait.ge [sflag:s28], $0x7D  }
0x5f: {  	[sflag:s28] =	ssyncset.done $0x0  }
0x60: {  	[sflag:s28] =	ssyncadd.s32 $0xFFFFFF83  }
0x61: {  	_ =	swait.ge [sflag:s28], $0x7D  }
0x62: {  	[sflag:s28] =	ssyncset.done $0x0  }
0x63: {  	[sflag:s28] =	ssyncadd.s32 $0xFFFFFF83  }
0x64: {  	_ =	swait.ge [sflag:s28], $0x7D  }
0x65: {  	[sflag:s28] =	ssyncset.done $0x0  }
0x66: {  	[sflag:s28] =	ssyncadd.s32 $0xFFFFFF83  }
0x67: {  	_ =	swait.ge [sflag:s28], $0x7D  }
0x68: {  	[sflag:s28] =	ssyncset.done $0x0  }
0x69: {  	[sflag:s28] =	ssyncadd.s32 $0xFFFFFF83  }
0x6a: {  	_ =	swait.ge [sflag:s28], $0x7D  }
0x6b: {  	s5 =	simm.s32 $0x80;
	s7 =	simm.s32 $0x9DD0;
	[sflag:s28] =	ssyncset.done $0x0  }
0x6c: {  	s8 =	simm.s32 $0x9650;
	s1 =	simm.s32 $0x99D0;
	[sflag:s28] =	ssyncadd.s32 $0xFFFFFF83  }
0x6d: {  	s11 =	simm.s32 $0x100;
	s14 =	simm.s32 $0x9D50;
	_ =	swait.ge [sflag:s28], $0x7D  }
0x6e: {  	s3 =	simm.s32 $0x9A50;
	s18 =	simm.s32 $0x9950;
	[sflag:s28] =	ssyncset.done $0x0  }
.LBB2_4:
0x6f: {  	s12 =	sadd.s32 s5, s10;
	[sflag:s28] =	ssyncadd.s32 $0xFFFFFF83  }
0x70: {  	[tilespmem:s8], [sflag:$0x5] =	stream.linear.gather [hbm4b:s12+s4], $0x400, $0x38;
	[tilespmem:$0x1D948] =	vst v63  }
0x71: {  	_ =	swait.ge [sflag:s6], $0x400  }
0x72: {  	s17 =	smov.u32 s11;
	s10 =	sadd.s32 $0x80, s11;
	[sflag:s6] =	ssyncset.done $0x0  }
0x73: {  	p1 =	sne.s32 s11, $0x980;
	s11 =	sadd.s32 s5, s31;
	[sflag:s6] =	ssyncadd.s32 $0xFFFFFC00  }
0x74: {  	[tilespmem:s3], [sflag:$0x5] =	stream.linear.gather [hbm4b:s11+s4], $0x400, $0x38;
	[tilespmem:$0x1D948] =	vst v63  }
0x75: {  	_ =	swait.ge [sflag:s6], $0x400  }
0x76: {  	[sflag:s6] =	ssyncset.done $0x0  }
0x77: {  	[sflag:s6] =	ssyncadd.s32 $0xFFFFFC00  }
0x78: {  	[spmem:s2] =	stream.indirect.scatter.add.f32 [tilespmem:s3], [sflag:$0x1], $0x1, s8, s9, $0xb8;
	[tilespmem:$0x1D948] =	vst v63  }
0x79: {  	_ = 	snop  }
0x7a: {  	[spmem:s2] =	stream.indirect.scatter.add.f32 [tilespmem:s20], [sflag:$0x1], $0x1, s19, s9, $0xb8;
	[tilespmem:$0x1D948] =	vst v63  }
0x7b: {  	_ = 	snop  }
0x7c: {  	[spmem:s2] =	stream.indirect.scatter.add.f32 [tilespmem:s22], [sflag:$0x1], $0x1, s21, s9, $0xb8;
	[tilespmem:$0x1D948] =	vst v63  }
0x7d: {  	_ = 	snop  }
0x7e: {  	[spmem:s2] =	stream.indirect.scatter.add.f32 [tilespmem:s24], [sflag:$0x1], $0x1, s23, s9, $0xb8;
	[tilespmem:$0x1D948] =	vst v63  }
0x7f: {  	_ = 	snop  }
0x80: {  	[spmem:s2] =	stream.indirect.scatter.add.f32 [tilespmem:s30], [sflag:$0x1], $0x1, s26, s9, $0xb8;
	[tilespmem:$0x1D948] =	vst v63  }
0x81: {  	s12 =	simm.s32 $0x98D0;
	s5 =	smov.u32 s17;
	s17 =	simm.s32 $0x9CD0  }
0x82: {  	[spmem:s2] =	stream.indirect.scatter.add.f32 [tilespmem:s17], [sflag:$0x1], $0x1, s12, s9, $0xb8;
	[tilespmem:$0x1D948] =	vst v63  }
0x83: {  	_ = 	snop  }
0x84: {  	[spmem:s2] =	stream.indirect.scatter.add.f32 [tilespmem:s14], [sflag:$0x1], $0x1, s18, s9, $0xb8;
	[tilespmem:$0x1D948] =	vst v63  }
0x85: {  	_ = 	snop  }
0x86: {  	[spmem:s2] =	stream.indirect.scatter.add.f32 [tilespmem:s7], [sflag:$0x1], $0x1, s1, s9, $0xb8;
	[tilespmem:$0x1D948] =	vst v63  }
0x87: {  	_ =	swait.ge [sflag:s28], $0x7D  }
0x88: {  	[sflag:s28] =	ssyncset.done $0x0  }
0x89: {  	[sflag:s28] =	ssyncadd.s32 $0xFFFFFF83  }
0x8a: {  	_ =	swait.ge [sflag:s28], $0x7D  }
0x8b: {  	[sflag:s28] =	ssyncset.done $0x0  }
0x8c: {  	[sflag:s28] =	ssyncadd.s32 $0xFFFFFF83  }
0x8d: {  	_ =	swait.ge [sflag:s28], $0x7D  }
0x8e: {  	[sflag:s28] =	ssyncset.done $0x0  }
0x8f: {  	[sflag:s28] =	ssyncadd.s32 $0xFFFFFF83  }
0x90: {  	_ =	swait.ge [sflag:s28], $0x7D  }
0x91: {  	[sflag:s28] =	ssyncset.done $0x0  }
0x92: {  	[sflag:s28] =	ssyncadd.s32 $0xFFFFFF83  }
0x93: {  	_ =	swait.ge [sflag:s28], $0x7D  }
0x94: {  	[sflag:s28] =	ssyncset.done $0x0  }
0x95: {  	[sflag:s28] =	ssyncadd.s32 $0xFFFFFF83  }
0x96: {  	_ =	swait.ge [sflag:s28], $0x7D  }
0x97: {  	[sflag:s28] =	ssyncset.done $0x0  }
0x98: {  	[sflag:s28] =	ssyncadd.s32 $0xFFFFFF83  }
.Ltmp1:
0x99: {  	_ =	swait.ge [sflag:s28], $0x7D;
	(pc) =	sbr.rel @p1 .LBB2_4-.Ltmp1, $4  }
0x9a: {  	[sflag:s28] =	ssyncset.done $0x0  }
0x9b: {  	[sflag:s28] =	ssyncadd.s32 $0xFFFFFF83  }
0x9c: {  	_ =	swait.ge [sflag:s28], $0x7D  }
0x9d: {  	s11 =	smov.u32 s10;
	[sflag:s28] =	ssyncset.done $0x0;
	s10 =	rddreg [dreg:$0x5]  }
0x9e: {  	s10 =	sadd.s32 s5, s10;
	[sflag:s28] =	ssyncadd.s32 $0xFFFFFF83  }
0x9f: {  	[tilespmem:s8], [sflag:$0x5] =	stream.linear.gather [hbm4b:s10+s4], $0x400, $0x38;
	[tilespmem:$0x1D948] =	vst v63  }
0xa0: {  	_ =	swait.ge [sflag:s6], $0x400  }
0xa1: {  	[sflag:s6] =	ssyncset.done $0x0  }
0xa2: {  	s31 =	sadd.s32 s5, s31;
	[sflag:s6] =	ssyncadd.s32 $0xFFFFFC00  }
0xa3: {  	[tilespmem:s3], [sflag:$0x5] =	stream.linear.gather [hbm4b:s31+s4], $0x400, $0x38;
	[tilespmem:$0x1D948] =	vst v63  }
0xa4: {  	_ =	swait.ge [sflag:s6], $0x400  }
0xa5: {  	[sflag:s6] =	ssyncset.done $0x0  }
0xa6: {  	[sflag:s6] =	ssyncadd.s32 $0xFFFFFC00  }
0xa7: {  	[spmem:s2] =	stream.indirect.scatter.add.f32 [tilespmem:s3], [sflag:$0x1], $0x1, s8, s9, $0xb8;
	[tilespmem:$0x1D948] =	vst v63  }
0xa8: {  	_ = 	snop  }
0xa9: {  	[spmem:s2] =	stream.indirect.scatter.add.f32 [tilespmem:s20], [sflag:$0x1], $0x1, s19, s9, $0xb8;
	[tilespmem:$0x1D948] =	vst v63  }
0xaa: {  	_ = 	snop  }
0xab: {  	[spmem:s2] =	stream.indirect.scatter.add.f32 [tilespmem:s22], [sflag:$0x1], $0x1, s21, s9, $0xb8;
	[tilespmem:$0x1D948] =	vst v63  }
0xac: {  	_ = 	snop  }
0xad: {  	[spmem:s2] =	stream.indirect.scatter.add.f32 [tilespmem:s24], [sflag:$0x1], $0x1, s23, s9, $0xb8;
	[tilespmem:$0x1D948] =	vst v63  }
0xae: {  	_ = 	snop  }
0xaf: {  	[spmem:s2] =	stream.indirect.scatter.add.f32 [tilespmem:s30], [sflag:$0x1], $0x1, s26, s9, $0xb8;
	[tilespmem:$0x1D948] =	vst v63  }
0xb0: {  	_ = 	snop  }
0xb1: {  	[spmem:s2] =	stream.indirect.scatter.add.f32 [tilespmem:s17], [sflag:$0x1], $0x1, s12, s9, $0xb8;
	[tilespmem:$0x1D948] =	vst v63  }
0xb2: {  	_ = 	snop  }
0xb3: {  	[spmem:s2] =	stream.indirect.scatter.add.f32 [tilespmem:s14], [sflag:$0x1], $0x1, s18, s9, $0xb8;
	[tilespmem:$0x1D948] =	vst v63  }
0xb4: {  	_ = 	snop  }
0xb5: {  	[spmem:s2] =	stream.indirect.scatter.add.f32 [tilespmem:s7], [sflag:$0x1], $0x1, s1, s9, $0xb8;
	[tilespmem:$0x1D948] =	vst v63  }
0xb6: {  	_ =	swait.ge [sflag:s28], $0x7D  }
0xb7: {  	[sflag:s28] =	ssyncset.done $0x0  }
0xb8: {  	[sflag:s28] =	ssyncadd.s32 $0xFFFFFF83  }
0xb9: {  	_ =	swait.ge [sflag:s28], $0x7D  }
0xba: {  	[sflag:s28] =	ssyncset.done $0x0  }
0xbb: {  	[sflag:s28] =	ssyncadd.s32 $0xFFFFFF83  }
0xbc: {  	_ =	swait.ge [sflag:s28], $0x7D  }
0xbd: {  	[sflag:s28] =	ssyncset.done $0x0  }
0xbe: {  	[sflag:s28] =	ssyncadd.s32 $0xFFFFFF83  }
0xbf: {  	_ =	swait.ge [sflag:s28], $0x7D  }
0xc0: {  	[sflag:s28] =	ssyncset.done $0x0  }
0xc1: {  	[sflag:s28] =	ssyncadd.s32 $0xFFFFFF83  }
0xc2: {  	_ =	swait.ge [sflag:s28], $0x7D  }
0xc3: {  	[sflag:s28] =	ssyncset.done $0x0  }
0xc4: {  	[sflag:s28] =	ssyncadd.s32 $0xFFFFFF83  }
0xc5: {  	_ =	swait.ge [sflag:s28], $0x7D  }
0xc6: {  	[sflag:s28] =	ssyncset.done $0x0  }
0xc7: {  	[sflag:s28] =	ssyncadd.s32 $0xFFFFFF83  }
0xc8: {  	_ =	swait.ge [sflag:s28], $0x7D  }
0xc9: {  	[sflag:s28] =	ssyncset.done $0x0  }
0xca: {  	[sflag:s28] =	ssyncadd.s32 $0xFFFFFF83  }
0xcb: {  	_ =	swait.ge [sflag:s28], $0x7D  }
0xcc: {  	[sflag:s28] =	ssyncset.done $0x0  }
0xcd: {  	[sflag:s28] =	ssyncadd.s32 $0xFFFFFF83  }
0xce: {  	[bflag:$0x0] =	sbarrier.arrive $0xFFFF  }
0xcf: {  	[tilespmem:s13], [sflag:$0x5] =	stream.linear.gather [spmem:s2], $0x2710, $0x38;
	[tilespmem:$0x1D948] =	vst v63  }
0xd0: {  	_ =	swait.ge [sflag:s6], $0x2710  }
0xd1: {  	[sflag:s6] =	ssyncset.done $0x0  }
0xd2: {  	s10 =	simm.s32 $0x1F60;
	[sflag:s6] =	ssyncadd.s32 $0xFFFFD8F0  }
0xd3: {  	v1 =	vld [tilespmem:s10+$0x10];
	_ =	sdelay $0x2  }
0xd4: {  	v2 =	vld [tilespmem:s10+$0xFFFFFFF0]  }
0xd5: {  	v3 =	vld [tilespmem:s10+$0xFFFFFFE0]  }
0xd6: {  	v4 =	vld [tilespmem:s10+$0x0];
	vm1 =	vgt.f32 v1, $0.0e+00  }
0xd7: {  	v1 =	vnsel vm1, $0x3F800000, v1  }
0xd8: {  	v5 =	vshra.s32 v1, $0x1;
	v1 =	vmul.f32 $5.000000000e-01, v1  }
0xd9: {  	v5 =	vsub.s32 $0x5F3759DF, v5  }
0xda: {  	vm2 =	vgt.f32 v3, $0.0e+00;
	v6 =	vmul.f32 v5, v1  }
0xdb: {  	vm3 =	vgt.f32 v2, $0.0e+00;
	vm0 =	vgt.f32 v4, $0.0e+00;
	v3 =	vnsel vm2, $0x3F800000, v3  }
0xdc: {  	v2 =	vnsel vm3, $0x3F800000, v2;
	v7 =	vshra.s32 v3, $0x1;
	v6 =	vmul.f32 v5, v6  }
0xdd: {  	v8 =	vmul.f32 $5.000000000e-01, v3;
	v3 =	vnsel vm0, $0x3F800000, v4;
	v4 =	vshra.s32 v2, $0x1  }
0xde: {  	v9 =	vmul.f32 $5.000000000e-01, v2;
	v2 =	vsub.s32 $0x5F3759DF, v7;
	v6 =	vsub.f32 $1.500000000e+00, v6  }
0xdf: {  	v7 =	vshra.s32 v3, $0x1;
	v10 =	vmul.f32 $5.000000000e-01, v3;
	v3 =	vsub.s32 $0x5F3759DF, v4  }
0xe0: {  	v4 =	vsub.s32 $0x5F3759DF, v7;
	v7 =	vmul.f32 v2, v8;
	v5 =	vmul.f32 v5, v6  }
0xe1: {  	v11 =	vmul.f32 v4, v10;
	v6 =	vmul.f32 v3, v9  }
0xe2: {  	v7 =	vmul.f32 v2, v7;
	v12 =	vmul.f32 v5, v1  }
0xe3: {  	v11 =	vmul.f32 v4, v11;
	v6 =	vmul.f32 v3, v6  }
0xe4: {  	v7 =	vsub.f32 $1.500000000e+00, v7;
	v12 =	vmul.f32 v12, v5  }
0xe5: {  	s5 =	simm.s32 $0x1FA0;
	v11 =	vsub.f32 $1.500000000e+00, v11;
	v6 =	vsub.f32 $1.500000000e+00, v6  }
0xe6: {  	v13 =	vld [tilespmem:s5+$0xFFFFFFF0];
	v2 =	vmul.f32 v2, v7;
	v7 =	vsub.f32 $1.500000000e+00, v12  }
0xe7: {  	v15 =	vld [tilespmem:s5+$0xFFFFFFE0];
	v4 =	vmul.f32 v4, v11;
	v6 =	vmul.f32 v3, v6  }
0xe8: {  	v3 =	vmul.f32 v2, v8;
	v5 =	vmul.f32 v7, v5  }
0xe9: {  	v11 =	vmul.f32 v4, v10;
	v7 =	vmul.f32 v6, v9  }
0xea: {  	v12 =	vld [tilespmem:s5+$0x10];
	v3 =	vmul.f32 v3, v2;
	v1 =	vmul.f32 v5, v1  }
0xeb: {  	vm6 =	vgt.f32 v13, $0.0e+00;
	v11 =	vmul.f32 v11, v4;
	v7 =	vmul.f32 v7, v6  }
0xec: {  	vm4 =	vgt.f32 v15, $0.0e+00;
	v3 =	vsub.f32 $1.500000000e+00, v3;
	v1 =	vmul.f32 v1, v5  }
0xed: {  	vm1 =	vmmov vm1;
	v11 =	vsub.f32 $1.500000000e+00, v11;
	v7 =	vsub.f32 $1.500000000e+00, v7  }
0xee: {  	v14 =	vld [tilespmem:s5+$0x0];
	vm5 =	vmmov vm3;
	v3 =	vmul.f32 v3, v2;
	v16 =	vsub.f32 $1.500000000e+00, v1  }
0xef: {  	vm3 =	vgt.f32 v12, $0.0e+00;
	v2 =	vmul.f32 v7, v6;
	v1 =	vmul.f32 v11, v4  }
0xf0: {  	v7 =	vmul.f32 v3, v8;
	v4 =	vmul.f32 v16, v5;
	v5 =	vnsel vm3, $0x3F800000, v12  }
0xf1: {  	v8 =	vmul.f32 v2, v9;
	v6 =	vshra.s32 v5, $0x1;
	v18 =	vmul.f32 $5.000000000e-01, v5  }
0xf2: {  	v5 =	vnsel vm6, $0x3F800000, v13;
	v17 =	vnsel vm1, $0x0, v4;
	v9 =	vsub.s32 $0x5F3759DF, v6  }
0xf3: {  	vm1 =	vgt.f32 v14, $0.0e+00;
	v4 =	vnsel vm4, $0x3F800000, v15;
	v6 =	vmul.f32 v9, v18  }
0xf4: {  	v13 =	vshra.s32 v5, $0x1;
	v11 =	vshra.s32 v4, $0x1;
	v4 =	vmul.f32 $5.000000000e-01, v4  }
0xf5: {  	v12 =	vnsel vm1, $0x3F800000, v14;
	v11 =	vsub.s32 $0x5F3759DF, v11;
	v14 =	vmul.f32 v9, v6  }
0xf6: {  	v5 =	vmul.f32 $5.000000000e-01, v5;
	v15 =	vshra.s32 v12, $0x1;
	v16 =	vmul.f32 v11, v4  }
0xf7: {  	v6 =	vmul.f32 $5.000000000e-01, v12;
	v12 =	vsub.s32 $0x5F3759DF, v13;
	v13 =	vsub.f32 $1.500000000e+00, v14  }
0xf8: {  	v14 =	vsub.s32 $0x5F3759DF, v15;
	v15 =	vmul.f32 v12, v5;
	v16 =	vmul.f32 v11, v16  }
0xf9: {  	vm7 =	vmmov vm2;
	v9 =	vmul.f32 v9, v13;
	v13 =	vmul.f32 v14, v6  }
0xfa: {  	vm9 =	vmmov vm0;
	v19 =	vmul.f32 v1, v10;
	v10 =	vsub.f32 $1.500000000e+00, v16  }
0xfb: {  	vm2 =	vmmov vm6;
	v15 =	vmul.f32 v12, v15;
	v13 =	vmul.f32 v14, v13  }
0xfc: {  	vm5 =	vmmov vm5;
	v10 =	vmul.f32 v11, v10;
	v11 =	vmul.f32 v9, v18  }
0xfd: {  	vm8 =	vmmov vm7;
	vm0 =	vmmov vm4;
	v15 =	vsub.f32 $1.500000000e+00, v15  }
0xfe: {  	v7 =	vmul.f32 v7, v3;
	v16 =	vsub.f32 $1.500000000e+00, v13;
	v20 =	vmul.f32 v11, v9  }
0xff: {  	vm3 =	vmmov vm3;
	v8 =	vmul.f32 v8, v2;
	v13 =	vmul.f32 v12, v15  }
0x100: {  	v19 =	vmul.f32 v19, v1;
	v12 =	vmul.f32 v14, v16;
	v14 =	vsub.f32 $1.500000000e+00, v20  }
0x101: {  	vm6 =	vmmov vm9;
	v15 =	vmul.f32 v10, v4;
	v16 =	vmul.f32 v13, v5  }
0x102: {  	v7 =	vsub.f32 $1.500000000e+00, v7;
	v9 =	vmul.f32 v14, v9;
	v14 =	vmul.f32 v12, v6  }
0x103: {  	v11 =	vsub.f32 $1.500000000e+00, v8;
	v15 =	vmul.f32 v15, v10;
	v16 =	vmul.f32 v16, v13  }
0x104: {  	s11 =	simm.s32 $0x4;
	s12 =	simm.s32 $0x1FE0;
	[tilespmem:s10+$0x10] =	vst v17;
	v8 =	vsub.f32 $1.500000000e+00, v19;
	v17 =	vmul.f32 v14, v12;
	v14 =	vmul.f32 v9, v18  }
.LBB2_6:
0x105: {  	v15 =	vsub.f32 $1.500000000e+00, v15  }
0x106: {  	v18 =	vld [tilespmem:s12+$0x10];
	s11 =	sadd.s32 $0x4, s11;
	v16 =	vsub.f32 $1.500000000e+00, v16;
	v7 =	vmul.f32 v7, v3;
	vm4 =	vmmov vm1  }
0x107: {  	v11 =	vmul.f32 v11, v2;
	v19 =	vld [tilespmem:s12+$0xFFFFFFF0];
	p1 =	slt.u32 s11, $0x26C;
	v17 =	vsub.f32 $1.500000000e+00, v17;
	v14 =	vmul.f32 v14, v9  }
0x108: {  	v20 =	vld [tilespmem:s12+$0x0];
	v3 =	vmul.f32 v15, v10;
	v2 =	vmul.f32 v16, v13;
	v7 =	vnsel vm8, $0x0, v7  }
0x109: {  	v8 =	vmul.f32 v8, v1;
	v10 =	vld [tilespmem:s12+$0xFFFFFFE0];
	v13 =	vsub.f32 $1.500000000e+00, v14;
	[tilespmem:s10+$0xFFFFFFE0] =	vst v7;
	v1 =	vmul.f32 v17, v12  }
0x10a: {  	v4 =	vmul.f32 v3, v4;
	v12 =	vmul.f32 v2, v5;
	v5 =	vnsel vm5, $0x0, v11  }
0x10b: {  	vm5 =	vgt.f32 v18, $0.0e+00;
	v11 =	vmul.f32 v1, v6;
	v6 =	vmul.f32 v13, v9;
	[tilespmem:s10+$0xFFFFFFF0] =	vst v5  }
0x10c: {  	vm8 =	vgt.f32 v19, $0.0e+00;
	v5 =	vnsel vm5, $0x3F800000, v18;
	v7 =	vmul.f32 v4, v3  }
0x10d: {  	v4 =	vshra.s32 v5, $0x1;
	v14 =	vmul.f32 $5.000000000e-01, v5;
	v5 =	vnsel vm3, $0x0, v6  }
0x10e: {  	vm1 =	vgt.f32 v20, $0.0e+00;
	vm7 =	vgt.f32 v10, $0.0e+00;
	v9 =	vsub.s32 $0x5F3759DF, v4;
	[tilespmem:s5+$0x10] =	vst v5  }
0x10f: {  	v5 =	vnsel vm8, $0x3F800000, v19;
	v4 =	vnsel vm7, $0x3F800000, v10;
	v6 =	vmul.f32 v9, v14  }
0x110: {  	v13 =	vnsel vm1, $0x3F800000, v20;
	v10 =	vshra.s32 v4, $0x1;
	v4 =	vmul.f32 $5.000000000e-01, v4  }
0x111: {  	v15 =	vshra.s32 v5, $0x1;
	v5 =	vmul.f32 $5.000000000e-01, v5;
	v16 =	vmul.f32 v9, v6  }
0x112: {  	v17 =	vshra.s32 v13, $0x1;
	v10 =	vsub.s32 $0x5F3759DF, v10;
	v6 =	vmul.f32 $5.000000000e-01, v13  }
0x113: {  	v13 =	vsub.s32 $0x5F3759DF, v15;
	v15 =	vsub.s32 $0x5F3759DF, v17;
	v16 =	vsub.f32 $1.500000000e+00, v16  }
0x114: {  	v7 =	vsub.f32 $1.500000000e+00, v7;
	v17 =	vmul.f32 v10, v4;
	v18 =	vmul.f32 v13, v5  }
0x115: {  	v8 =	vnsel vm6, $0x0, v8;
	v19 =	vmul.f32 v15, v6;
	v9 =	vmul.f32 v9, v16  }
0x116: {  	vm3 =	vmmov vm5;
	v16 =	vmul.f32 v10, v17;
	v17 =	vmul.f32 v13, v18;
	[tilespmem:s10+$0x0] =	vst v8;
	s10 =	smov.u32 s5;
	s5 =	smov.u32 s12  }
0x117: {  	vm5 =	vmmov vm2;
	v8 =	vmul.f32 v15, v19;
	v18 =	vmul.f32 v9, v14  }
0x118: {  	v12 =	vmul.f32 v12, v2;
	v16 =	vsub.f32 $1.500000000e+00, v16;
	v17 =	vsub.f32 $1.500000000e+00, v17  }
0x119: {  	v19 =	vmul.f32 v11, v1;
	v8 =	vsub.f32 $1.500000000e+00, v8;
	v18 =	vmul.f32 v18, v9  }
0x11a: {  	v11 =	vsub.f32 $1.500000000e+00, v12;
	v10 =	vmul.f32 v10, v16;
	v13 =	vmul.f32 v13, v17  }
.Ltmp2:
0x11b: {  	v12 =	vmul.f32 v15, v8;
	v8 =	vsub.f32 $1.500000000e+00, v19;
	v15 =	vsub.f32 $1.500000000e+00, v18;
	(pc) =	sbr.rel @p1 .LBB2_6-.Ltmp2, $4  }
0x11c: {  	vm2 =	vmmov vm8;
	v16 =	vmul.f32 v10, v4;
	v17 =	vmul.f32 v13, v5  }
0x11d: {  	vm8 =	vmmov vm0;
	v18 =	vmul.f32 v12, v6;
	v9 =	vmul.f32 v15, v9  }
0x11e: {  	vm0 =	vmmov vm7;
	v15 =	vmul.f32 v16, v10;
	v16 =	vmul.f32 v17, v13  }
0x11f: {  	vm6 =	vmmov vm4;
	s12 =	sadd.s32 $0x40, s12;
	v17 =	vmul.f32 v18, v12;
	v14 =	vmul.f32 v9, v14  }
0x120: {  	v15 =	vsub.f32 $1.500000000e+00, v15  }
0x121: {  	v16 =	vsub.f32 $1.500000000e+00, v16  }
0x122: {  	v17 =	vsub.f32 $1.500000000e+00, v17;
	v10 =	vmul.f32 v15, v10  }
0x123: {  	v14 =	vmul.f32 v14, v9;
	v13 =	vmul.f32 v16, v13  }
0x124: {  	v12 =	vmul.f32 v17, v12;
	v4 =	vmul.f32 v10, v4  }
0x125: {  	v3 =	vmul.f32 v7, v3;
	vm1 =	vmmov vm1;
	v5 =	vmul.f32 v13, v5  }
0x126: {  	v62 =	vsub.f32 $1.500000000e+00, v14;
	v6 =	vmul.f32 v12, v6;
	v4 =	vmul.f32 v4, v10  }
0x127: {  	v2 =	vmul.f32 v11, v2;
	v3 =	vnsel vm8, $0x0, v3;
	v5 =	vmul.f32 v5, v13  }
0x128: {  	v7 =	vmul.f32 v62, v9;
	v6 =	vmul.f32 v6, v12;
	v4 =	vsub.f32 $1.500000000e+00, v4  }
0x129: {  	v1 =	vmul.f32 v8, v1;
	v2 =	vnsel vm5, $0x0, v2;
	[tilespmem:s10+$0xFFFFFFE0] =	vst v3;
	v3 =	vsub.f32 $1.500000000e+00, v5  }
0x12a: {  	[tilespmem:s10+$0xFFFFFFF0] =	vst v2;
	v2 =	vnsel vm3, $0x0, v7;
	v63 =	vsub.f32 $1.500000000e+00, v6;
	v4 =	vmul.f32 v4, v10  }
0x12b: {  	vm0 =	vmmov vm0;
	v1 =	vnsel vm6, $0x0, v1;
	[tilespmem:s5+$0x10] =	vst v2;
	v2 =	vmul.f32 v3, v13  }
0x12c: {  	vm2 =	vmmov vm2;
	[tilespmem:s10+$0x0] =	vst v1;
	v3 =	vmul.f32 v63, v12;
	v1 =	vnsel vm0, $0x0, v4  }
0x12d: {  	vm14 =	vmmov vm1;
	[tilespmem:s5+$0xFFFFFFE0] =	vst v1;
	v1 =	vnsel vm2, $0x0, v2  }
0x12e: {  	[tilespmem:s5+$0xFFFFFFF0] =	vst v1;
	v1 =	vnsel vm14, $0x0, v3  }
0x12f: {  	[tilespmem:s5+$0x0] =	vst v1  }
0x130: {  	v1 =	vld [tilespmem:$0x4640];
	_ =	sdelay $0x4  }
0x131: {  	vm15 =	vgt.f32 v1, $0.0e+00  }
0x132: {  	v1 =	vnsel vm15, $0x3F800000, v1  }
0x133: {  	v2 =	vshra.s32 v1, $0x1;
	v1 =	vmul.f32 $5.000000000e-01, v1  }
0x134: {  	v2 =	vsub.s32 $0x5F3759DF, v2  }
0x135: {  	v3 =	vmul.f32 v2, v1;
	_ =	sdelay $0x1  }
0x136: {  	v3 =	vmul.f32 v2, v3;
	_ =	sdelay $0x1  }
0x137: {  	v3 =	vsub.f32 $1.500000000e+00, v3;
	_ =	sdelay $0x1  }
0x138: {  	v2 =	vmul.f32 v2, v3;
	_ =	sdelay $0x1  }
0x139: {  	v3 =	vmul.f32 v2, v1;
	_ =	sdelay $0x1  }
0x13a: {  	v3 =	vmul.f32 v3, v2;
	_ =	sdelay $0x1  }
0x13b: {  	v3 =	vsub.f32 $1.500000000e+00, v3;
	_ =	sdelay $0x1  }
0x13c: {  	v2 =	vmul.f32 v3, v2;
	_ =	sdelay $0x1  }
0x13d: {  	v1 =	vmul.f32 v2, v1;
	_ =	sdelay $0x1  }
0x13e: {  	v1 =	vmul.f32 v1, v2;
	_ =	sdelay $0x1  }
0x13f: {  	v1 =	vsub.f32 $1.500000000e+00, v1;
	_ =	sdelay $0x1  }
0x140: {  	v1 =	vmul.f32 v1, v2;
	_ =	sdelay $0x1  }
0x141: {  	s3 =	rddreg [dreg:$0x3];
	s7 =	simm.s32 $0x4650;
	v1 =	vnsel vm15, $0x0, v1  }
0x142: {  	s14 =	simm.s32 $0x7D0;
	s10 =	simm.s32 $0x200;
	s5 =	simm.s32 $0x0;
	[tilespmem:$0x4640] =	vst v1  }
.LBB2_8:
0x143: {  	p1 =	sne.s32 s10, $0x9E00;
	[tilespmem:s5+$0x46C0] =	vst v0  }
0x144: {  	[tilespmem:s5+$0x4650] =	vst v0  }
0x145: {  	[tilespmem:s5+$0x4660] =	vst v0  }
.Ltmp3:
0x146: {  	[tilespmem:s5+$0x4670] =	vst v0;
	(pc) =	sbr.rel @p1 .LBB2_8-.Ltmp3, $4  }
0x147: {  	[tilespmem:s5+$0x4680] =	vst v0  }
0x148: {  	[tilespmem:s5+$0x4690] =	vst v0  }
0x149: {  	[tilespmem:s5+$0x46A0] =	vst v0  }
0x14a: {  	[tilespmem:s5+$0x46B0] =	vst v0;
	s5 =	sshra.s32 s10, $0x2;
	s10 =	sadd.s32 $0x200, s10  }
0x14b: {  	[tilespmem:s5+$0x46C0] =	vst v0  }
0x14c: {  	[tilespmem:s5+$0x4650] =	vst v0  }
0x14d: {  	[tilespmem:s5+$0x4660] =	vst v0  }
0x14e: {  	[tilespmem:s5+$0x4670] =	vst v0  }
0x14f: {  	[tilespmem:s5+$0x4680] =	vst v0  }
0x150: {  	[tilespmem:s5+$0x4690] =	vst v0  }
0x151: {  	[tilespmem:s5+$0x46A0] =	vst v0  }
0x152: {  	[tilespmem:s5+$0x46B0] =	vst v0;
	s20 =	rddreg [dreg:$0x14]  }
0x153: {  	[spmem:s20] =	stream.linear.scatter [tilespmem:s7], [sflag:$0x5], $0x2800, $0x38;
	[tilespmem:$0x1D948] =	vst v63  }
0x154: {  	_ =	swait.ge [sflag:s6], $0x2800  }
0x155: {  	[sflag:s6] =	ssyncset.done $0x0  }
0x156: {  	s21 =	rddreg [dreg:$0x15];
	[sflag:s6] =	ssyncadd.s32 $0xFFFFD800  }
0x157: {  	[spmem:s21] =	stream.linear.scatter [tilespmem:s7], [sflag:$0x5], $0x2800, $0x38;
	[tilespmem:$0x1D948] =	vst v63  }
0x158: {  	_ =	swait.ge [sflag:s6], $0x2800  }
0x159: {  	[sflag:s6] =	ssyncset.done $0x0  }
0x15a: {  	s22 =	rddreg [dreg:$0x16];
	[sflag:s6] =	ssyncadd.s32 $0xFFFFD800  }
0x15b: {  	[spmem:s22] =	stream.linear.scatter [tilespmem:s7], [sflag:$0x5], $0x2800, $0x38;
	[tilespmem:$0x1D948] =	vst v63  }
0x15c: {  	_ =	swait.ge [sflag:s6], $0x2800  }
0x15d: {  	[sflag:s6] =	ssyncset.done $0x0  }
0x15e: {  	s23 =	rddreg [dreg:$0x17];
	[sflag:s6] =	ssyncadd.s32 $0xFFFFD800  }
0x15f: {  	[spmem:s23] =	stream.linear.scatter [tilespmem:s7], [sflag:$0x5], $0x2800, $0x38;
	[tilespmem:$0x1D948] =	vst v63  }
0x160: {  	_ =	swait.ge [sflag:s6], $0x2800  }
0x161: {  	[sflag:s6] =	ssyncset.done $0x0  }
0x162: {  	s24 =	rddreg [dreg:$0x18];
	[sflag:s6] =	ssyncadd.s32 $0xFFFFD800  }
0x163: {  	[spmem:s24] =	stream.linear.scatter [tilespmem:s7], [sflag:$0x5], $0x2800, $0x38;
	[tilespmem:$0x1D948] =	vst v63  }
0x164: {  	_ =	swait.ge [sflag:s6], $0x2800  }
0x165: {  	[sflag:s6] =	ssyncset.done $0x0  }
0x166: {  	s26 =	rddreg [dreg:$0x19];
	[sflag:s6] =	ssyncadd.s32 $0xFFFFD800  }
0x167: {  	[spmem:s26] =	stream.linear.scatter [tilespmem:s7], [sflag:$0x5], $0x2800, $0x38;
	[tilespmem:$0x1D948] =	vst v63  }
0x168: {  	_ =	swait.ge [sflag:s6], $0x2800  }
0x169: {  	[sflag:s6] =	ssyncset.done $0x0  }
0x16a: {  	s30 =	rddreg [dreg:$0x1b];
	[sflag:s6] =	ssyncadd.s32 $0xFFFFD800  }
0x16b: {  	[spmem:s30] =	stream.linear.scatter [tilespmem:s7], [sflag:$0x5], $0x2800, $0x38;
	[tilespmem:$0x1D948] =	vst v63  }
0x16c: {  	_ =	swait.ge [sflag:s6], $0x2800  }
0x16d: {  	[sflag:s6] =	ssyncset.done $0x0  }
0x16e: {  	s1 =	rddreg [dreg:$0x1c];
	[sflag:s6] =	ssyncadd.s32 $0xFFFFD800  }
0x16f: {  	[spmem:s1] =	stream.linear.scatter [tilespmem:s7], [sflag:$0x5], $0x2080, $0x38;
	[tilespmem:$0x1D948] =	vst v63  }
0x170: {  	_ =	swait.ge [sflag:s6], $0x2080  }
0x171: {  	[sflag:s6] =	ssyncset.done $0x0  }
0x172: {  	[sflag:s6] =	ssyncadd.s32 $0xFFFFDF80  }
0x173: {  	[bflag:$0x0] =	sbarrier.arrive $0xFFFF  }
0x174: {  	s5 =	simm.s32 $0x0;
	s1 =	simm.s32 $0x9650;
	s31 =	sld [smem:$0x7FD]  }
.LBB2_10:
0x175: {  	s21 =	smul.u32 $0x19, s5  }
0x176: {  	s10 =	rddreg [dreg:$0x1a]  }
0x177: {  	s8 =	smov.u32 s5;
	s5 =	sadd.s32 s10, s21  }
0x178: {  	s5 =	smul.u32 $0xA, s5  }
0x179: {  	s22 =	rddreg [dreg:$0xe]  }
0x17a: {  	s10 =	sadd.s32 s22, s5  }
0x17b: {  	[tilespmem:s4], [sflag:$0x5] =	stream.linear.gather [hbm4b:s10+s4], $0x7D0, $0x38;
	[tilespmem:$0x1D948] =	vst v63  }
0x17c: {  	_ =	swait.ge [sflag:s6], $0x7D0  }
0x17d: {  	[sflag:s6] =	ssyncset.done $0x0;
	s23 =	rddreg [dreg:$0xf]  }
0x17e: {  	[sflag:s6] =	ssyncadd.s32 $0xFFFFF830;
	s10 =	sadd.s32 s23, s5  }
0x17f: {  	[tilespmem:s14], [sflag:$0x5] =	stream.linear.gather [hbm4b:s10+s4], $0x7D0, $0x38;
	[tilespmem:$0x1D948] =	vst v63  }
0x180: {  	_ =	swait.ge [sflag:s6], $0x7D0  }
0x181: {  	[sflag:s6] =	ssyncset.done $0x0;
	s24 =	rddreg [dreg:$0x10]  }
0x182: {  	s26 =	simm.s32 $0xFA0;
	[sflag:s6] =	ssyncadd.s32 $0xFFFFF830;
	s5 =	sadd.s32 s24, s5  }
0x183: {  	[tilespmem:s26], [sflag:$0x5] =	stream.linear.gather [hbm4b:s5+s4], $0x7D0, $0x38;
	[tilespmem:$0x1D948] =	vst v63  }
0x184: {  	_ =	swait.ge [sflag:s6], $0x7D0  }
0x185: {  	[sflag:s6] =	ssyncset.done $0x0  }
0x186: {  	s22 =	simm.s32 $0x50;
	[sflag:s6] =	ssyncadd.s32 $0xFFFFF830  }
0x187: {  	v1 =	vld [tilespmem:s22+$0x0]  }
0x188: {  	s20 =	simm.s32 $0x820  }
0x189: {  	v2 =	vld [tilespmem:s20+$0x0];
	_ =	sdelay $0x3  }
0x18a: {  	s21 =	simm.s32 $0xFF0  }
0x18b: {  	v3 =	vld [tilespmem:s21+$0x0]  }
0x18c: {  	v1 =	vld.idx.msk [tilespmem:v1+s13+$0x0], $0xffff;
	_ =	sdelay $0x1  }
0x18d: {  	v2 =	vld.idx.msk [tilespmem:v2+s13+$0x0], $0xffff;
	_ =	sdelay $0x2  }
0x18e: {  	v1 =	vmul.f32 v1, v3;
	_ =	sdelay $0x1  }
0x18f: {  	v1 =	vmul.f32 v2, v1  }
0x190: {  	v2 =	vld [tilespmem:s22+$0xFFFFFFB0]  }
0x191: {  	v1 =	vsub.f32 $0.0e+00, v1  }
0x192: {  	s10 =	simm.s32 $0x17C0;
	v3 =	vld [tilespmem:s20+$0xFFFFFFB0]  }
0x193: {  	[tilespmem:s10+$0x0] =	vst v1  }
0x194: {  	v1 =	vld [tilespmem:s22+$0x10];
	_ =	sdelay $0x1  }
0x195: {  	v4 =	vld [tilespmem:s20+$0x10]  }
0x196: {  	v5 =	vld [tilespmem:s21+$0xFFFFFFB0]  }
0x197: {  	v2 =	vld.idx.msk [tilespmem:v2+s13+$0x0], $0xffff;
	_ =	sdelay $0x1  }
0x198: {  	v3 =	vld.idx.msk [tilespmem:v3+s13+$0x0], $0xffff  }
0x199: {  	v6 =	vld [tilespmem:s21+$0x10]  }
0x19a: {  	v1 =	vld.idx.msk [tilespmem:v1+s13+$0x0], $0xffff  }
0x19b: {  	v2 =	vmul.f32 v2, v5  }
0x19c: {  	v4 =	vld.idx.msk [tilespmem:v4+s13+$0x0], $0xffff  }
0x19d: {  	v2 =	vmul.f32 v3, v2;
	_ =	sdelay $0x1  }
0x19e: {  	v2 =	vsub.f32 $0.0e+00, v2;
	v1 =	vmul.f32 v1, v6;
	_ =	sdelay $0x1  }
0x19f: {  	[tilespmem:s10+$0xFFFFFFB0] =	vst v2;
	v1 =	vmul.f32 v4, v1  }
0x1a0: {  	v2 =	vld [tilespmem:s22+$0xFFFFFFC0]  }
0x1a1: {  	v1 =	vsub.f32 $0.0e+00, v1  }
0x1a2: {  	s12 =	simm.s32 $0x8C0;
	v3 =	vld [tilespmem:s20+$0xFFFFFFC0]  }
0x1a3: {  	v7 =	vld [tilespmem:s12+$0x0];
	[tilespmem:s10+$0x10] =	vst v1  }
0x1a4: {  	v1 =	vld [tilespmem:s22+$0x20]  }
0x1a5: {  	v8 =	vld [tilespmem:s12+$0xFFFFFFB0]  }
0x1a6: {  	v4 =	vld [tilespmem:s21+$0xFFFFFFC0]  }
0x1a7: {  	v5 =	vld [tilespmem:s20+$0x20]  }
0x1a8: {  	s17 =	simm.s32 $0xF0;
	v2 =	vld.idx.msk [tilespmem:v2+s13+$0x0], $0xffff  }
0x1a9: {  	v6 =	vld [tilespmem:s17+$0x0]  }
0x1aa: {  	s18 =	simm.s32 $0x1090;
	v3 =	vld.idx.msk [tilespmem:v3+s13+$0x0], $0xffff  }
0x1ab: {  	v9 =	vld [tilespmem:s18+$0xFFFFFFB0]  }
0x1ac: {  	v1 =	vld.idx.msk [tilespmem:v1+s13+$0x0], $0xffff  }
0x1ad: {  	s30 =	simm.s32 $0x190;
	v2 =	vmul.f32 v2, v4;
	v4 =	vld [tilespmem:s21+$0x20]  }
0x1ae: {  	v11 =	vld [tilespmem:s30+$0x0]  }
0x1af: {  	v2 =	vmul.f32 v3, v2;
	v3 =	vld.idx.msk [tilespmem:v5+s13+$0x0], $0xffff  }
0x1b0: {  	s5 =	simm.s32 $0x960;
	v5 =	vld [tilespmem:s17+$0xFFFFFFB0]  }
0x1b1: {  	v12 =	vld [tilespmem:s5+$0x0];
	v2 =	vsub.f32 $0.0e+00, v2  }
0x1b2: {  	v6 =	vld.idx.msk [tilespmem:v6+s13+$0x0], $0xffff;
	v1 =	vmul.f32 v1, v4  }
0x1b3: {  	[tilespmem:s10+$0xFFFFFFC0] =	vst v2;
	v2 =	vld [tilespmem:s18+$0x0]  }
0x1b4: {  	v4 =	vld [tilespmem:s22+$0xFFFFFFD0];
	v1 =	vmul.f32 v3, v1  }
0x1b5: {  	v3 =	vld.idx.msk [tilespmem:v7+s13+$0x0], $0xffff  }
0x1b6: {  	v7 =	vld [tilespmem:s20+$0xFFFFFFD0];
	v1 =	vsub.f32 $0.0e+00, v1  }
0x1b7: {  	v15 =	vld [tilespmem:s30+$0xFFFFFFB0]  }
0x1b8: {  	v5 =	vld.idx.msk [tilespmem:v5+s13+$0x0], $0xffff;
	v2 =	vmul.f32 v6, v2;
	[tilespmem:s10+$0x20] =	vst v1  }
0x1b9: {  	v1 =	vld [tilespmem:s22+$0x30]  }
0x1ba: {  	v2 =	vmul.f32 v3, v2;
	v3 =	vld.idx.msk [tilespmem:v8+s13+$0x0], $0xffff  }
0x1bb: {  	v8 =	vld [tilespmem:s20+$0x30]  }
0x1bc: {  	v6 =	vld [tilespmem:s21+$0xFFFFFFD0];
	v2 =	vsub.f32 $0.0e+00, v2  }
0x1bd: {  	s11 =	simm.s32 $0x1860;
	v4 =	vld.idx.msk [tilespmem:v4+s13+$0x0], $0xffff;
	v5 =	vmul.f32 v5, v9  }
0x1be: {  	v7 =	vld.idx.msk [tilespmem:v7+s13+$0x0], $0xffff;
	[tilespmem:s11+$0x0] =	vst v2  }
0x1bf: {  	v2 =	vld [tilespmem:s17+$0x10];
	v3 =	vmul.f32 v3, v5  }
0x1c0: {  	v9 =	vld [tilespmem:s21+$0x30]  }
0x1c1: {  	v5 =	vld [tilespmem:s12+$0x10];
	v3 =	vsub.f32 $0.0e+00, v3  }
0x1c2: {  	v1 =	vld.idx.msk [tilespmem:v1+s13+$0x0], $0xffff  }
0x1c3: {  	v4 =	vmul.f32 v4, v6;
	[tilespmem:s11+$0xFFFFFFB0] =	vst v3;
	v3 =	vld.idx.msk [tilespmem:v8+s13+$0x0], $0xffff  }
0x1c4: {  	v6 =	vld [tilespmem:s17+$0xFFFFFFC0]  }
0x1c5: {  	v4 =	vmul.f32 v7, v4;
	v8 =	vld [tilespmem:s18+$0x10]  }
0x1c6: {  	v7 =	vld [tilespmem:s12+$0xFFFFFFC0]  }
0x1c7: {  	v4 =	vsub.f32 $0.0e+00, v4;
	v2 =	vld.idx.msk [tilespmem:v2+s13+$0x0], $0xffff  }
0x1c8: {  	v16 =	vld [tilespmem:s5+$0xFFFFFFB0]  }
0x1c9: {  	[tilespmem:s10+$0xFFFFFFD0] =	vst v4;
	v4 =	vld.idx.msk [tilespmem:v5+s13+$0x0], $0xffff  }
0x1ca: {  	v1 =	vmul.f32 v1, v9;
	v5 =	vld [tilespmem:s20+$0xFFFFFFE0]  }
0x1cb: {  	v9 =	vld [tilespmem:s18+$0xFFFFFFC0]  }
0x1cc: {  	s19 =	simm.s32 $0x1130;
	v1 =	vmul.f32 v3, v1;
	v6 =	vld.idx.msk [tilespmem:v6+s13+$0x0], $0xffff;
	v2 =	vmul.f32 v2, v8  }
0x1cd: {  	v54 =	vld [tilespmem:s19+$0x0]  }
0x1ce: {  	v1 =	vsub.f32 $0.0e+00, v1;
	v7 =	vld.idx.msk [tilespmem:v7+s13+$0x0], $0xffff;
	v2 =	vmul.f32 v4, v2  }
0x1cf: {  	v11 =	vld.idx.msk [tilespmem:v11+s13+$0x0], $0xffff  }
0x1d0: {  	v55 =	vld.idx.msk [tilespmem:v16+s13+$0x0], $0xffff;
	[tilespmem:s10+$0x30] =	vst v1;
	v2 =	vsub.f32 $0.0e+00, v2  }
0x1d1: {  	v1 =	vld [tilespmem:s22+$0x40];
	v6 =	vmul.f32 v6, v9  }
0x1d2: {  	[tilespmem:s11+$0x10] =	vst v2;
	v2 =	vld.idx.msk [tilespmem:v5+s13+$0x0], $0xffff  }
0x1d3: {  	v5 =	vmul.f32 v7, v6;
	v7 =	vld [tilespmem:s17+$0x20]  }
0x1d4: {  	v3 =	vld [tilespmem:s22+$0xFFFFFFE0]  }
0x1d5: {  	v6 =	vld [tilespmem:s12+$0x20]  }
0x1d6: {  	v8 =	vld [tilespmem:s21+$0xFFFFFFE0]  }
0x1d7: {  	v4 =	vld [tilespmem:s20+$0x40];
	v5 =	vsub.f32 $0.0e+00, v5  }
0x1d8: {  	v13 =	vld [tilespmem:s18+$0x20]  }
0x1d9: {  	v9 =	vld.idx.msk [tilespmem:v1+s13+$0x0], $0xffff;
	[tilespmem:s11+$0xFFFFFFC0] =	vst v5  }
0x1da: {  	v1 =	vld [tilespmem:s17+$0xFFFFFFD0]  }
0x1db: {  	v7 =	vld.idx.msk [tilespmem:v7+s13+$0x0], $0xffff  }
0x1dc: {  	v5 =	vld [tilespmem:s12+$0xFFFFFFD0]  }
0x1dd: {  	v6 =	vld.idx.msk [tilespmem:v6+s13+$0x0], $0xffff  }
0x1de: {  	v3 =	vld.idx.msk [tilespmem:v3+s13+$0x0], $0xffff  }
0x1df: {  	v10 =	vld [tilespmem:s21+$0x40]  }
0x1e0: {  	v4 =	vld.idx.msk [tilespmem:v4+s13+$0x0], $0xffff;
	v7 =	vmul.f32 v7, v13  }
0x1e1: {  	v14 =	vld [tilespmem:s18+$0xFFFFFFD0]  }
0x1e2: {  	v6 =	vmul.f32 v6, v7;
	v7 =	vld.idx.msk [tilespmem:v1+s13+$0x0], $0xffff  }
0x1e3: {  	v1 =	vmul.f32 v3, v8;
	v3 =	vld.idx.msk [tilespmem:v12+s13+$0x0], $0xffff  }
0x1e4: {  	v8 =	vld [tilespmem:s19+$0xFFFFFFB0];
	v6 =	vsub.f32 $0.0e+00, v6  }
0x1e5: {  	v1 =	vmul.f32 v2, v1;
	v2 =	vld.idx.msk [tilespmem:v5+s13+$0x0], $0xffff  }
0x1e6: {  	v11 =	vmul.f32 v11, v54;
	v5 =	vld.idx.msk [tilespmem:v15+s13+$0x0], $0xffff;
	[tilespmem:s11+$0x20] =	vst v6  }
0x1e7: {  	v1 =	vsub.f32 $0.0e+00, v1;
	v6 =	vld [tilespmem:s17+$0x30]  }
0x1e8: {  	v3 =	vmul.f32 v3, v11;
	v11 =	vld [tilespmem:s12+$0x30]  }
0x1e9: {  	v58 =	vld [tilespmem:s18+$0x30];
	[tilespmem:s10+$0xFFFFFFE0] =	vst v1  }
0x1ea: {  	v56 =	vld [tilespmem:s22+$0xFFFFFFF0];
	v3 =	vsub.f32 $0.0e+00, v3  }
0x1eb: {  	v1 =	vld [tilespmem:s20+$0xFFFFFFF0];
	v5 =	vmul.f32 v5, v8;
	s20 =	simm.s32 $0x1900  }
0x1ec: {  	v8 =	vld [tilespmem:s21+$0xFFFFFFF0];
	[tilespmem:s20+$0x0] =	vst v3  }
0x1ed: {  	v7 =	vmul.f32 v7, v14;
	v3 =	vmul.f32 v55, v5;
	v5 =	vld [tilespmem:s30+$0x10]  }
0x1ee: {  	v57 =	vld [tilespmem:s5+$0x10]  }
0x1ef: {  	v2 =	vmul.f32 v2, v7;
	v60 =	vld [tilespmem:s19+$0x10];
	v3 =	vsub.f32 $0.0e+00, v3  }
0x1f0: {  	v6 =	vld.idx.msk [tilespmem:v6+s13+$0x0], $0xffff  }
0x1f1: {  	v2 =	vsub.f32 $0.0e+00, v2;
	[tilespmem:s20+$0xFFFFFFB0] =	vst v3;
	v3 =	vld.idx.msk [tilespmem:v11+s13+$0x0], $0xffff  }
0x1f2: {  	v11 =	vld [tilespmem:s30+$0xFFFFFFC0]  }
0x1f3: {  	[tilespmem:s11+$0xFFFFFFD0] =	vst v2;
	v7 =	vld [tilespmem:s5+$0xFFFFFFC0]  }
0x1f4: {  	v61 =	vld [tilespmem:s12+$0xFFFFFFE0]  }
0x1f5: {  	v5 =	vld.idx.msk [tilespmem:v5+s13+$0x0], $0xffff;
	v6 =	vmul.f32 v6, v58  }
0x1f6: {  	v62 =	vld [tilespmem:s18+$0xFFFFFFE0]  }
0x1f7: {  	v2 =	vld.idx.msk [tilespmem:v57+s13+$0x0], $0xffff;
	v3 =	vmul.f32 v3, v6  }
0x1f8: {  	v6 =	vld [tilespmem:s17+$0xFFFFFFE0]  }
0x1f9: {  	v59 =	vld [tilespmem:s19+$0xFFFFFFC0];
	v3 =	vsub.f32 $0.0e+00, v3  }
0x1fa: {  	v11 =	vld.idx.msk [tilespmem:v11+s13+$0x0], $0xffff;
	v5 =	vmul.f32 v5, v60  }
0x1fb: {  	v7 =	vld.idx.msk [tilespmem:v7+s13+$0x0], $0xffff;
	[tilespmem:s11+$0x30] =	vst v3  }
0x1fc: {  	v3 =	vld [tilespmem:s17+$0x40];
	v2 =	vmul.f32 v2, v5  }
0x1fd: {  	v63 =	vld [tilespmem:s12+$0x40]  }
0x1fe: {  	v13 =	vld.idx.msk [tilespmem:v56+s13+$0x0], $0xffff;
	v2 =	vsub.f32 $0.0e+00, v2  }
0x1ff: {  	v12 =	vld.idx.msk [tilespmem:v61+s13+$0x0], $0xffff;
	v5 =	vmul.f32 v11, v59  }
0x200: {  	v11 =	vld.idx.msk [tilespmem:v6+s13+$0x0], $0xffff;
	[tilespmem:s20+$0x10] =	vst v2  }
0x201: {  	v2 =	vmul.f32 v7, v5;
	v5 =	vmul.f32 v9, v10;
	v6 =	vld [tilespmem:s5+$0x20]  }
0x202: {  	v9 =	vld [tilespmem:s30+$0x20]  }
0x203: {  	v2 =	vsub.f32 $0.0e+00, v2;
	v7 =	vmul.f32 v4, v5;
	v5 =	vld [tilespmem:s18+$0x40]  }
0x204: {  	v3 =	vld.idx.msk [tilespmem:v3+s13+$0x0], $0xffff  }
0x205: {  	[tilespmem:s20+$0xFFFFFFC0] =	vst v2;
	v4 =	vld.idx.msk [tilespmem:v63+s13+$0x0], $0xffff;
	v11 =	vmul.f32 v11, v62  }
0x206: {  	v2 =	vsub.f32 $0.0e+00, v7;
	v10 =	vld [tilespmem:s30+$0xFFFFFFD0]  }
0x207: {  	s23 =	simm.s32 $0x960;
	s24 =	simm.s32 $0x4;
	v7 =	vld [tilespmem:s5+$0xFFFFFFD0];
	v11 =	vmul.f32 v12, v11  }
0x208: {  	s26 =	simm.s32 $0x230;
	s22 =	simm.s32 $0x1130;
	s21 =	simm.s32 $0x1900;
	[tilespmem:s10+$0x40] =	vst v2;
	v2 =	vmul.f32 v13, v8;
	v8 =	vld [tilespmem:s19+$0xFFFFFFD0]  }
.LBB2_11:
0x209: {  	v12 =	vld [tilespmem:s26+$0x0];
	s5 =	sadd.s32 $0xA0, s5;
	v11 =	vsub.f32 $0.0e+00, v11;
	v3 =	vmul.f32 v3, v5  }
0x20a: {  	v5 =	vld [tilespmem:s5+$0x0]  }
0x20b: {  	s24 =	sadd.s32 $0x2, s24;
	v9 =	vld.idx.msk [tilespmem:v9+s13+$0x0], $0xffff;
	[tilespmem:s11+$0xFFFFFFE0] =	vst v11;
	v3 =	vmul.f32 v4, v3  }
0x20c: {  	p1 =	slt.u32 s24, $0x16;
	v4 =	vld [tilespmem:s19+$0x20]  }
0x20d: {  	v6 =	vld.idx.msk [tilespmem:v6+s13+$0x0], $0xffff;
	v3 =	vsub.f32 $0.0e+00, v3  }
0x20e: {  	v11 =	vld [tilespmem:s26+$0xFFFFFFB0]  }
0x20f: {  	v13 =	vld [tilespmem:s5+$0xFFFFFFB0];
	[tilespmem:s11+$0x40] =	vst v3  }
0x210: {  	v3 =	vld.idx.msk [tilespmem:v10+s13+$0x0], $0xffff  }
0x211: {  	s19 =	sadd.s32 $0xA0, s19;
	v10 =	vld.idx.msk [tilespmem:v12+s13+$0x0], $0xffff;
	v4 =	vmul.f32 v9, v4  }
0x212: {  	v9 =	vld [tilespmem:s19+$0x0]  }
0x213: {  	v5 =	vld.idx.msk [tilespmem:v5+s13+$0x0], $0xffff;
	v4 =	vmul.f32 v6, v4  }
0x214: {  	v6 =	vld [tilespmem:s19+$0xFFFFFFB0]  }
0x215: {  	v7 =	vld.idx.msk [tilespmem:v7+s13+$0x0], $0xffff;
	v4 =	vsub.f32 $0.0e+00, v4  }
0x216: {  	v3 =	vmul.f32 v3, v8;
	v11 =	vld.idx.msk [tilespmem:v11+s13+$0x0], $0xffff  }
0x217: {  	v8 =	vld.idx.msk [tilespmem:v13+s13+$0x0], $0xffff;
	v9 =	vmul.f32 v10, v9;
	[tilespmem:s20+$0x20] =	vst v4  }
0x218: {  	v4 =	vld [tilespmem:s30+$0x30]  }
0x219: {  	v5 =	vmul.f32 v5, v9;
	v9 =	vld [tilespmem:s17+$0xFFFFFFF0];
	s17 =	smov.u32 s30;
	s30 =	smov.u32 s26  }
0x21a: {  	v10 =	vld [tilespmem:s23+$0x30]  }
0x21b: {  	v3 =	vmul.f32 v7, v3;
	v5 =	vsub.f32 $0.0e+00, v5;
	v7 =	vld [tilespmem:s12+$0xFFFFFFF0];
	s12 =	smov.u32 s23;
	s23 =	smov.u32 s5  }
0x21c: {  	s20 =	sadd.s32 $0xA0, s20;
	v6 =	vmul.f32 v11, v6;
	v11 =	vld [tilespmem:s18+$0xFFFFFFF0];
	s18 =	smov.u32 s22;
	s22 =	smov.u32 s19  }
0x21d: {  	v3 =	vsub.f32 $0.0e+00, v3;
	[tilespmem:s20+$0x0] =	vst v5;
	v5 =	vld.idx.msk [tilespmem:v1+s13+$0x0], $0xffff  }
0x21e: {  	v12 =	vmul.f32 v8, v6;
	v6 =	vld [tilespmem:s26+$0x10]  }
0x21f: {  	v8 =	vld [tilespmem:s5+$0x10];
	[tilespmem:s21+$0xFFFFFFD0] =	vst v3  }
0x220: {  	v3 =	vsub.f32 $0.0e+00, v12;
	v4 =	vld.idx.msk [tilespmem:v4+s13+$0x0], $0xffff;
	v1 =	vmov v7  }
0x221: {  	v7 =	vld [tilespmem:s18+$0x30]  }
0x222: {  	[tilespmem:s20+$0xFFFFFFB0] =	vst v3;
	v3 =	vld.idx.msk [tilespmem:v10+s13+$0x0], $0xffff  }
0x223: {  	v2 =	vmul.f32 v5, v2;
	v10 =	vld [tilespmem:s26+$0xFFFFFFC0]  }
0x224: {  	v5 =	vld [tilespmem:s5+$0xFFFFFFC0]  }
0x225: {  	v2 =	vsub.f32 $0.0e+00, v2;
	v12 =	vld [tilespmem:s19+$0xFFFFFFC0]  }
0x226: {  	v6 =	vld.idx.msk [tilespmem:v6+s13+$0x0], $0xffff;
	v4 =	vmul.f32 v4, v7  }
0x227: {  	v7 =	vld [tilespmem:s19+$0x10];
	[tilespmem:s10+$0xFFFFFFF0] =	vst v2;
	s10 =	smov.u32 s11;
	s11 =	smov.u32 s21;
	s21 =	smov.u32 s20  }
0x228: {  	v2 =	vld.idx.msk [tilespmem:v8+s13+$0x0], $0xffff;
	v3 =	vmul.f32 v3, v4  }
0x229: {  	v4 =	vld [tilespmem:s17+$0xFFFFFFE0]  }
0x22a: {  	v8 =	vld [tilespmem:s12+$0xFFFFFFE0];
	v3 =	vsub.f32 $0.0e+00, v3  }
0x22b: {  	v10 =	vld.idx.msk [tilespmem:v10+s13+$0x0], $0xffff  }
0x22c: {  	v5 =	vld.idx.msk [tilespmem:v5+s13+$0x0], $0xffff;
	v6 =	vmul.f32 v6, v7;
	[tilespmem:s11+$0x30] =	vst v3  }
0x22d: {  	v3 =	vld [tilespmem:s17+$0x40]  }
0x22e: {  	v2 =	vmul.f32 v2, v6;
	v7 =	vld [tilespmem:s18+$0xFFFFFFE0]  }
0x22f: {  	v13 =	vld [tilespmem:s12+$0x40]  }
0x230: {  	v2 =	vsub.f32 $0.0e+00, v2;
	v14 =	vld.idx.msk [tilespmem:v9+s13+$0x0], $0xffff  }
0x231: {  	v6 =	vmul.f32 v10, v12;
	v4 =	vld.idx.msk [tilespmem:v4+s13+$0x0], $0xffff  }
0x232: {  	[tilespmem:s20+$0x10] =	vst v2;
	v8 =	vld.idx.msk [tilespmem:v8+s13+$0x0], $0xffff  }
0x233: {  	v2 =	vmul.f32 v5, v6;
	v6 =	vld [tilespmem:s5+$0x20]  }
0x234: {  	v9 =	vld [tilespmem:s26+$0x20]  }
0x235: {  	v10 =	vsub.f32 $0.0e+00, v2;
	v3 =	vld.idx.msk [tilespmem:v3+s13+$0x0], $0xffff  }
.Ltmp4:
0x236: {  	v2 =	vmul.f32 v14, v11;
	v5 =	vld [tilespmem:s18+$0x40];
	(pc) =	sbr.rel @p1 .LBB2_11-.Ltmp4, $4  }
0x237: {  	v11 =	vmul.f32 v4, v7;
	[tilespmem:s20+$0xFFFFFFC0] =	vst v10;
	v4 =	vld.idx.msk [tilespmem:v13+s13+$0x0], $0xffff  }
0x238: {  	v10 =	vld [tilespmem:s26+$0xFFFFFFD0]  }
0x239: {  	v11 =	vmul.f32 v8, v11;
	v7 =	vld [tilespmem:s5+$0xFFFFFFD0]  }
0x23a: {  	s26 =	sadd.s32 $0xA0, s26;
	v8 =	vld [tilespmem:s19+$0xFFFFFFD0]  }
0x23b: {  	_ =	sdelay $0x3  }
0x23c: {  	v9 =	vld.idx.msk [tilespmem:v9+s13+$0x0], $0xffff  }
0x23d: {  	v12 =	vld [tilespmem:s19+$0x20]  }
0x23e: {  	v6 =	vld.idx.msk [tilespmem:v6+s13+$0x0], $0xffff  }
0x23f: {  	v10 =	vld.idx.msk [tilespmem:v10+s13+$0x0], $0xffff;
	_ =	sdelay $0x1  }
0x240: {  	v7 =	vld.idx.msk [tilespmem:v7+s13+$0x0], $0xffff  }
0x241: {  	v9 =	vmul.f32 v9, v12;
	_ =	sdelay $0x1  }
0x242: {  	v6 =	vmul.f32 v6, v9;
	v8 =	vmul.f32 v10, v8;
	_ =	sdelay $0x1  }
0x243: {  	v6 =	vsub.f32 $0.0e+00, v6;
	v7 =	vmul.f32 v7, v8;
	_ =	sdelay $0x1  }
0x244: {  	[tilespmem:s20+$0x20] =	vst v6;
	v7 =	vsub.f32 $0.0e+00, v7  }
0x245: {  	v6 =	vld [tilespmem:s30+$0x30]  }
0x246: {  	v45 =	vld [tilespmem:s23+$0x30];
	[tilespmem:s21+$0xFFFFFFD0] =	vst v7  }
0x247: {  	v7 =	vld [tilespmem:s30+$0xFFFFFFE0];
	_ =	sdelay $0x1  }
0x248: {  	v46 =	vld [tilespmem:s23+$0xFFFFFFE0];
	_ =	sdelay $0x1  }
0x249: {  	v47 =	vld [tilespmem:s22+$0x30]  }
0x24a: {  	v48 =	vld [tilespmem:s22+$0xFFFFFFE0]  }
0x24b: {  	v6 =	vld.idx.msk [tilespmem:v6+s13+$0x0], $0xffff  }
0x24c: {  	v8 =	vld.idx.msk [tilespmem:v45+s13+$0x0], $0xffff  }
0x24d: {  	v7 =	vld.idx.msk [tilespmem:v7+s13+$0x0], $0xffff;
	_ =	sdelay $0x1  }
0x24e: {  	v9 =	vld.idx.msk [tilespmem:v46+s13+$0x0], $0xffff  }
0x24f: {  	v6 =	vmul.f32 v6, v47  }
0x250: {  	v49 =	vsub.f32 $0.0e+00, v11  }
0x251: {  	v6 =	vmul.f32 v8, v6;
	v7 =	vmul.f32 v7, v48  }
0x252: {  	[tilespmem:s11+$0xFFFFFFE0] =	vst v49  }
0x253: {  	v52 =	vld [tilespmem:s12+$0xFFFFFFF0];
	v6 =	vsub.f32 $0.0e+00, v6;
	v50 =	vmul.f32 v9, v7  }
0x254: {  	v1 =	vld.idx.msk [tilespmem:v1+s13+$0x0], $0xffff  }
0x255: {  	v54 =	vld [tilespmem:s18+$0xFFFFFFF0];
	[tilespmem:s21+$0x30] =	vst v6;
	v6 =	vsub.f32 $0.0e+00, v50  }
0x256: {  	v8 =	vld [tilespmem:s17+$0xFFFFFFF0]  }
0x257: {  	v51 =	vld [tilespmem:s30+$0x40];
	[tilespmem:s21+$0xFFFFFFE0] =	vst v6  }
0x258: {  	v6 =	vld [tilespmem:s30+$0xFFFFFFF0]  }
0x259: {  	v53 =	vld [tilespmem:s23+$0x40]  }
0x25a: {  	v55 =	vld [tilespmem:s23+$0xFFFFFFF0]  }
0x25b: {  	v56 =	vld.idx.msk [tilespmem:v52+s13+$0x0], $0xffff  }
0x25c: {  	v13 =	vld [tilespmem:s22+$0x40]  }
0x25d: {  	v14 =	vld [tilespmem:s22+$0xFFFFFFF0]  }
0x25e: {  	v8 =	vld.idx.msk [tilespmem:v8+s13+$0x0], $0xffff  }
0x25f: {  	v7 =	vld.idx.msk [tilespmem:v51+s13+$0x0], $0xffff  }
0x260: {  	v6 =	vld.idx.msk [tilespmem:v6+s13+$0x0], $0xffff  }
0x261: {  	v10 =	vld.idx.msk [tilespmem:v53+s13+$0x0], $0xffff  }
0x262: {  	v3 =	vmul.f32 v3, v5;
	v57 =	vld.idx.msk [tilespmem:v55+s13+$0x0], $0xffff  }
0x263: {  	v1 =	vmul.f32 v1, v2;
	v2 =	vmul.f32 v8, v54  }
0x264: {  	v3 =	vmul.f32 v4, v3;
	v58 =	vmul.f32 v7, v13  }
0x265: {  	v1 =	vsub.f32 $0.0e+00, v1;
	v2 =	vmul.f32 v56, v2;
	v6 =	vmul.f32 v6, v14  }
0x266: {  	v3 =	vsub.f32 $0.0e+00, v3;
	v4 =	vmul.f32 v10, v58  }
0x267: {  	[tilespmem:s10+$0xFFFFFFF0] =	vst v1;
	v1 =	vsub.f32 $0.0e+00, v2;
	v59 =	vmul.f32 v57, v6  }
0x268: {  	[tilespmem:s11+$0x40] =	vst v3;
	v3 =	vsub.f32 $0.0e+00, v4  }
0x269: {  	[tilespmem:s11+$0xFFFFFFF0] =	vst v1;
	v2 =	vsub.f32 $0.0e+00, v59  }
0x26a: {  	[tilespmem:s21+$0x40] =	vst v3  }
0x26b: {  	[tilespmem:s21+$0xFFFFFFF0] =	vst v2  }
0x26c: {  	v1 =	vld [tilespmem:$0x780];
	_ =	sdelay $0x1  }
0x26d: {  	v2 =	vld [tilespmem:$0xF50];
	_ =	sdelay $0x4  }
0x26e: {  	v3 =	vld [tilespmem:$0x1720]  }
0x26f: {  	v1 =	vld.idx.msk [tilespmem:v1+s13+$0x0], $0xffff;
	_ =	sdelay $0x1  }
0x270: {  	v2 =	vld.idx.msk [tilespmem:v2+s13+$0x0], $0xffff;
	_ =	sdelay $0x1  }
0x271: {  	v60 =	vld [tilespmem:$0x790]  }
0x272: {  	v1 =	vmul.f32 v1, v3  }
0x273: {  	v3 =	vld [tilespmem:$0xF60]  }
0x274: {  	v1 =	vmul.f32 v2, v1;
	_ =	sdelay $0x1  }
0x275: {  	v1 =	vsub.f32 $0.0e+00, v1;
	_ =	sdelay $0x1  }
0x276: {  	[tilespmem:$0x1EF0] =	vst v1;
	v1 =	vld [tilespmem:$0x1730]  }
0x277: {  	v2 =	vld.idx.msk [tilespmem:v60+s13+$0x0], $0xffff;
	_ =	sdelay $0x1  }
0x278: {  	v3 =	vld.idx.msk [tilespmem:v3+s13+$0x0], $0xffff;
	_ =	sdelay $0x1  }
0x279: {  	v61 =	vld [tilespmem:$0x7A0]  }
0x27a: {  	v1 =	vmul.f32 v2, v1  }
0x27b: {  	v2 =	vld [tilespmem:$0xF70]  }
0x27c: {  	v1 =	vmul.f32 v3, v1;
	_ =	sdelay $0x1  }
0x27d: {  	v1 =	vsub.f32 $0.0e+00, v1;
	_ =	sdelay $0x1  }
0x27e: {  	[tilespmem:$0x1F00] =	vst v1;
	v1 =	vld [tilespmem:$0x1740]  }
0x27f: {  	v3 =	vld.idx.msk [tilespmem:v61+s13+$0x0], $0xffff;
	_ =	sdelay $0x1  }
0x280: {  	v2 =	vld.idx.msk [tilespmem:v2+s13+$0x0], $0xffff;
	_ =	sdelay $0x1  }
0x281: {  	v62 =	vld [tilespmem:$0x7B0]  }
0x282: {  	v1 =	vmul.f32 v3, v1  }
0x283: {  	v3 =	vld [tilespmem:$0xF80]  }
0x284: {  	v1 =	vmul.f32 v2, v1;
	_ =	sdelay $0x1  }
0x285: {  	v1 =	vsub.f32 $0.0e+00, v1;
	_ =	sdelay $0x1  }
0x286: {  	[tilespmem:$0x1F10] =	vst v1;
	v1 =	vld [tilespmem:$0x1750]  }
0x287: {  	v2 =	vld.idx.msk [tilespmem:v62+s13+$0x0], $0xffff;
	_ =	sdelay $0x1  }
0x288: {  	v3 =	vld.idx.msk [tilespmem:v3+s13+$0x0], $0xffff;
	_ =	sdelay $0x1  }
0x289: {  	v63 =	vld [tilespmem:$0x7C0]  }
0x28a: {  	v1 =	vmul.f32 v2, v1  }
0x28b: {  	v2 =	vld [tilespmem:$0xF90]  }
0x28c: {  	v1 =	vmul.f32 v3, v1;
	_ =	sdelay $0x1  }
0x28d: {  	v1 =	vsub.f32 $0.0e+00, v1;
	_ =	sdelay $0x1  }
0x28e: {  	[tilespmem:$0x1F20] =	vst v1;
	v1 =	vld [tilespmem:$0x1760]  }
0x28f: {  	v3 =	vld.idx.msk [tilespmem:v63+s13+$0x0], $0xffff;
	_ =	sdelay $0x1  }
0x290: {  	v2 =	vld.idx.msk [tilespmem:v2+s13+$0x0], $0xffff;
	_ =	sdelay $0x2  }
0x291: {  	v1 =	vmul.f32 v3, v1;
	_ =	sdelay $0x1  }
0x292: {  	s5 =	smul.u32 $0x7D0, s8;
	v1 =	vmul.f32 v2, v1  }
0x293: {  	s10 =	rddreg [dreg:$0x1d]  }
0x294: {  	s5 =	sadd.s32 s10, s5;
	v1 =	vsub.f32 $0.0e+00, v1  }
0x295: {  	s26 =	rddreg [dreg:$0x11];
	s5 =	sshrl.u32 s5, $0x3  }
0x296: {  	s10 =	simm.s32 $0x0;
	s5 =	sadd.s32 s26, s5;
	[tilespmem:$0x1F30] =	vst v1  }
0x297: {  	[hbm4b:s5+s10] =	stream.linear.scatter [tilespmem:s15], [sflag:$0x5], $0x7D0, $0x38;
	[tilespmem:$0x1D948] =	vst v63  }
0x298: {  	s24 =	simm.s32 $0x9BD0;
	s22 =	simm.s32 $0x9B50;
	_ =	swait.ge [sflag:s6], $0x7D0  }
0x299: {  	s23 =	simm.s32 $0x97D0;
	s30 =	simm.s32 $0x9C50;
	[sflag:s6] =	ssyncset.done $0x0  }
0x29a: {  	s11 =	simm.s32 $0x0;
	s26 =	simm.s32 $0x9850;
	[sflag:s6] =	ssyncadd.s32 $0xFFFFF830  }
0x29b: {  	[tilespmem:s7], [sflag:$0x1] =	stream.indirect.gather [hbm4b:s0+s16], $0x80, s10, s16, $0xb8;
	[tilespmem:$0x1D948] =	vst v63  }
.LBB2_13:
0x29c: {  	p1 =	seq.s32 s11, $0x0  }
0x29d: {  	s12 =	simm.s32 @!p1 $0x4  }
0x29e: {  	s17 =	sadd.s32 $0xFFFFFFFC, s10;
	s20 =	smul.u32 $0xA0, s11;
	_ =	swait.ge @!p1 [sflag:s12], $0x2800  }
0x29f: {  	s5 =	sadd.s32 $0x6, s17;
	[sflag:s12] =	ssyncset.done @!p1 $0x0  }
0x2a0: {  	s18 =	sadd.s32 $0x4, s17;
	[sflag:s12] =	ssyncadd.s32 @!p1 $0xFFFFD800;
	s12 =	sadd.s32 $0x50, s20  }
0x2a1: {  	v2 =	vmov s18;
	[tilespmem:s25], [sflag:$0x2] =	stream.indirect.gather [hbm4b:s0+s16], $0x80, s12, s16, $0xb8;
	[tilespmem:$0x1D948] =	vst v63  }
0x2a2: {  	v1 =	vmov s5;
	v2 =	vand.u32 $0xFFFFFFFC, v2;
	_ =	swait.ge [sflag:s28], $0x2800  }
0x2a3: {  	v1 =	vand.u32 $0xFFFFFFFE, v1;
	v2 =	vbroadcast v2, $0x0;
	[sflag:s28] =	ssyncset.done $0x0  }
0x2a4: {  	s5 =	simm.s32 $0x4750;
	v1 =	vbroadcast v1, $0x0;
	[sflag:s28] =	ssyncadd.s32 $0xFFFFD800  }
0x2a5: {  	v3 =	vld [tilespmem:s5+$0x70]  }
0x2a6: {  	v5 =	vld [tilespmem:s5+$0xFFFFFF00]  }
0x2a7: {  	s21 =	sadd.s32 $0x5, s17;
	v6 =	vld [tilespmem:s5+$0xFFFFFF10]  }
0x2a8: {  	v4 =	vmov s21;
	v7 =	vld [tilespmem:s5+$0xFFFFFF20]  }
0x2a9: {  	v4 =	vand.u32 $0xFFFFFFFD, v4;
	v2 =	vld.idx.msk [tilespmem:v2+s15+$0x0], $0xffff  }
0x2aa: {  	v4 =	vbroadcast v4, $0x0;
	v1 =	vld.idx.msk [tilespmem:v1+s15+$0x0], $0xffff  }
0x2ab: {  	v8 =	vld [tilespmem:s5+$0xFFFFFF30]  }
0x2ac: {  	v9 =	vld [tilespmem:s5+$0xFFFFFF40]  }
0x2ad: {  	v10 =	vld [tilespmem:s5+$0xFFFFFF50]  }
0x2ae: {  	v11 =	vld [tilespmem:s5+$0xFFFFFF60];
	v5 =	vmul.f32 v5, v2  }
0x2af: {  	v13 =	vld [tilespmem:s5+$0xFFFFFFD0];
	v3 =	vmul.f32 v3, v1  }
0x2b0: {  	v4 =	vld.idx.msk [tilespmem:v4+s15+$0x0], $0xffff;
	[tilespmem:s5+$0xFFFFFF00] =	vst v5;
	v5 =	vmul.f32 v6, v2  }
0x2b1: {  	v6 =	vld [tilespmem:s5+$0xFFFFFF70];
	[tilespmem:s5+$0x70] =	vst v3;
	v3 =	vmul.f32 v7, v2  }
0x2b2: {  	s17 =	sadd.s32 $0x7, s17;
	v7 =	vld [tilespmem:s5+$0xFFFFFF80];
	[tilespmem:s5+$0xFFFFFF10] =	vst v5;
	v5 =	vmul.f32 v8, v2  }
0x2b3: {  	v12 =	vmov s17;
	v8 =	vld [tilespmem:s5+$0xFFFFFF90];
	[tilespmem:s5+$0xFFFFFF20] =	vst v3;
	v3 =	vmul.f32 v9, v2  }
0x2b4: {  	v9 =	vld [tilespmem:s5+$0xFFFFFFA0];
	[tilespmem:s5+$0xFFFFFF30] =	vst v5;
	v5 =	vmul.f32 v10, v2  }
0x2b5: {  	v10 =	vld [tilespmem:s5+$0xFFFFFFB0];
	[tilespmem:s5+$0xFFFFFF40] =	vst v3;
	v3 =	vmul.f32 v11, v2  }
0x2b6: {  	v11 =	vld [tilespmem:s5+$0xFFFFFFC0];
	v6 =	vmul.f32 v6, v2;
	[tilespmem:s5+$0xFFFFFF50] =	vst v5  }
0x2b7: {  	v14 =	vld [tilespmem:s5+$0xFFFFFFE0];
	v5 =	vmul.f32 v7, v4;
	[tilespmem:s5+$0xFFFFFF60] =	vst v3  }
0x2b8: {  	v2 =	vld.idx.msk [tilespmem:v12+s15+$0x0], $0xffff;
	v3 =	vmul.f32 v8, v4;
	[tilespmem:s5+$0xFFFFFF70] =	vst v6  }
0x2b9: {  	v8 =	vld [tilespmem:s5+$0xFFFFFFF0];
	[tilespmem:s5+$0xFFFFFF80] =	vst v5;
	v5 =	vmul.f32 v9, v4  }
0x2ba: {  	v7 =	vld [tilespmem:s5+$0x0];
	[tilespmem:s5+$0xFFFFFF90] =	vst v3;
	v3 =	vmul.f32 v10, v4  }
0x2bb: {  	v6 =	vld [tilespmem:s5+$0x10];
	v9 =	vmul.f32 v11, v4;
	[tilespmem:s5+$0xFFFFFFA0] =	vst v5  }
0x2bc: {  	v10 =	vmul.f32 v13, v4;
	v5 =	vld [tilespmem:s5+$0x20];
	[tilespmem:s5+$0xFFFFFFB0] =	vst v3  }
0x2bd: {  	[tilespmem:s5+$0xFFFFFFC0] =	vst v9;
	v3 =	vld [tilespmem:s5+$0x30];
	v9 =	vmul.f32 v14, v4  }
0x2be: {  	s18 =	simm.s32 $0x0;
	s17 =	simm.s32 $0x4750;
	[tilespmem:s5+$0xFFFFFFD0] =	vst v10;
	v8 =	vmul.f32 v8, v4;
	v4 =	vld [tilespmem:s5+$0x40]  }
.LBB2_14:
0x2bf: {  	s19 =	sadd.s32 s18, s10;
	s18 =	sadd.s32 $0x4, s18;
	[tilespmem:s5+$0xFFFFFFE0] =	vst v9;
	v7 =	vmul.f32 v7, v1;
	v9 =	vld [tilespmem:s5+$0x50]  }
0x2c0: {  	s20 =	sadd.s32 $0x4, s19;
	s21 =	sadd.s32 $0x6, s19;
	p1 =	slt.u32 s18, $0x4C;
	[tilespmem:s5+$0xFFFFFFF0] =	vst v8;
	v6 =	vmul.f32 v6, v1;
	v8 =	vld [tilespmem:s5+$0x60]  }
0x2c1: {  	v10 =	vmov s20;
	s20 =	sadd.s32 $0x5, s19;
	v11 =	vmov s21;
	s19 =	sadd.s32 $0x7, s19;
	[tilespmem:s5+$0x0] =	vst v7;
	v5 =	vmul.f32 v5, v1;
	v7 =	vld [tilespmem:s5+$0x80]  }
0x2c2: {  	v10 =	vand.u32 $0xFFFFFFFC, v10;
	v12 =	vmov s20;
	v11 =	vand.u32 $0xFFFFFFFE, v11;
	[tilespmem:s5+$0x10] =	vst v6;
	v6 =	vld [tilespmem:s5+$0x90]  }
0x2c3: {  	v10 =	vbroadcast v10, $0x0;
	v12 =	vand.u32 $0xFFFFFFFD, v12;
	v11 =	vbroadcast v11, $0x0;
	[tilespmem:s5+$0x20] =	vst v5;
	v5 =	vld [tilespmem:s5+$0xA0]  }
0x2c4: {  	v13 =	vmov s19;
	v3 =	vmul.f32 v3, v1;
	v12 =	vbroadcast v12, $0x0;
	v14 =	vld [tilespmem:s5+$0xB0]  }
0x2c5: {  	v4 =	vmul.f32 v4, v1;
	v9 =	vmul.f32 v9, v1;
	v15 =	vld [tilespmem:s5+$0xC0]  }
0x2c6: {  	[tilespmem:s5+$0x30] =	vst v3;
	v3 =	vmul.f32 v8, v1;
	v7 =	vmul.f32 v7, v2;
	v8 =	vld [tilespmem:s5+$0xD0]  }
0x2c7: {  	[tilespmem:s5+$0x40] =	vst v4;
	v4 =	vmul.f32 v6, v2;
	v6 =	vld [tilespmem:s5+$0xE0]  }
0x2c8: {  	[tilespmem:s5+$0x50] =	vst v9;
	v5 =	vmul.f32 v5, v2;
	v9 =	vld [tilespmem:s5+$0xF0]  }
0x2c9: {  	s5 =	sadd.s32 $0x200, s5;
	v1 =	vld.idx.msk [tilespmem:v11+s15+$0x0], $0xffff;
	[tilespmem:s17+$0x60] =	vst v3;
	v3 =	vmul.f32 v14, v2  }
0x2ca: {  	v11 =	vld [tilespmem:s5+$0x70];
	[tilespmem:s17+$0x80] =	vst v7;
	v7 =	vmul.f32 v15, v2  }
0x2cb: {  	v10 =	vld.idx.msk [tilespmem:v10+s15+$0x0], $0xffff;
	[tilespmem:s17+$0x90] =	vst v4;
	v4 =	vmul.f32 v8, v2  }
0x2cc: {  	v8 =	vld.idx.msk [tilespmem:v12+s15+$0x0], $0xffff;
	[tilespmem:s17+$0xA0] =	vst v5;
	v5 =	vmul.f32 v6, v2  }
0x2cd: {  	[tilespmem:s17+$0xB0] =	vst v3;
	v3 =	vmul.f32 v9, v2;
	v2 =	vld.idx.msk [tilespmem:v13+s15+$0x0], $0xffff  }
0x2ce: {  	v6 =	vld [tilespmem:s5+$0xFFFFFF00];
	[tilespmem:s17+$0xC0] =	vst v7  }
0x2cf: {  	v7 =	vld [tilespmem:s5+$0xFFFFFF10];
	v9 =	vmul.f32 v11, v1;
	[tilespmem:s17+$0xD0] =	vst v4  }
0x2d0: {  	v4 =	vld [tilespmem:s5+$0xFFFFFF20];
	[tilespmem:s17+$0xE0] =	vst v5  }
0x2d1: {  	v5 =	vld [tilespmem:s5+$0xFFFFFF30];
	[tilespmem:s5+$0x70] =	vst v9  }
0x2d2: {  	v9 =	vld [tilespmem:s5+$0xFFFFFF40];
	[tilespmem:s17+$0xF0] =	vst v3;
	s17 =	smov.u32 s5  }
0x2d3: {  	v3 =	vmul.f32 v6, v10;
	v6 =	vld [tilespmem:s5+$0xFFFFFF50]  }
0x2d4: {  	v7 =	vmul.f32 v7, v10;
	v11 =	vld [tilespmem:s5+$0xFFFFFF60]  }
0x2d5: {  	[tilespmem:s5+$0xFFFFFF00] =	vst v3;
	v3 =	vmul.f32 v4, v10;
	v4 =	vld [tilespmem:s5+$0xFFFFFF70]  }
0x2d6: {  	[tilespmem:s5+$0xFFFFFF10] =	vst v7;
	v5 =	vmul.f32 v5, v10;
	v7 =	vld [tilespmem:s5+$0xFFFFFF80]  }
0x2d7: {  	[tilespmem:s5+$0xFFFFFF20] =	vst v3;
	v3 =	vmul.f32 v9, v10;
	v9 =	vld [tilespmem:s5+$0xFFFFFF90]  }
0x2d8: {  	[tilespmem:s5+$0xFFFFFF30] =	vst v5;
	v5 =	vmul.f32 v6, v10;
	v6 =	vld [tilespmem:s5+$0xFFFFFFA0]  }
0x2d9: {  	[tilespmem:s5+$0xFFFFFF40] =	vst v3;
	v3 =	vmul.f32 v11, v10;
	v11 =	vld [tilespmem:s5+$0xFFFFFFB0]  }
0x2da: {  	[tilespmem:s5+$0xFFFFFF50] =	vst v5;
	v4 =	vmul.f32 v4, v10;
	v5 =	vld [tilespmem:s5+$0xFFFFFFC0]  }
0x2db: {  	[tilespmem:s5+$0xFFFFFF60] =	vst v3;
	v3 =	vmul.f32 v7, v8;
	v10 =	vld [tilespmem:s5+$0xFFFFFFD0]  }
0x2dc: {  	[tilespmem:s5+$0xFFFFFF70] =	vst v4;
	v4 =	vmul.f32 v9, v8;
	v9 =	vld [tilespmem:s5+$0xFFFFFFE0]  }
0x2dd: {  	[tilespmem:s5+$0xFFFFFF80] =	vst v3;
	v3 =	vmul.f32 v6, v8;
	v12 =	vld [tilespmem:s5+$0xFFFFFFF0]  }
.Ltmp5:
0x2de: {  	[tilespmem:s5+$0xFFFFFF90] =	vst v4;
	v4 =	vmul.f32 v11, v8;
	v7 =	vld [tilespmem:s5+$0x0];
	(pc) =	sbr.rel @p1 .LBB2_14-.Ltmp5, $4  }
0x2df: {  	[tilespmem:s5+$0xFFFFFFA0] =	vst v3;
	v3 =	vmul.f32 v5, v8;
	v6 =	vld [tilespmem:s5+$0x10]  }
0x2e0: {  	[tilespmem:s5+$0xFFFFFFB0] =	vst v4;
	v4 =	vmul.f32 v10, v8;
	v5 =	vld [tilespmem:s5+$0x20]  }
0x2e1: {  	[tilespmem:s5+$0xFFFFFFC0] =	vst v3;
	v9 =	vmul.f32 v9, v8;
	v3 =	vld [tilespmem:s5+$0x30]  }
0x2e2: {  	[tilespmem:s5+$0xFFFFFFD0] =	vst v4;
	v8 =	vmul.f32 v12, v8;
	v4 =	vld [tilespmem:s5+$0x40]  }
0x2e3: {  	v10 =	vld [tilespmem:s5+$0x50];
	[tilespmem:s5+$0xFFFFFFE0] =	vst v9;
	v7 =	vmul.f32 v7, v1  }
0x2e4: {  	v9 =	vld [tilespmem:s5+$0x60];
	[tilespmem:s5+$0xFFFFFFF0] =	vst v8;
	v6 =	vmul.f32 v6, v1  }
0x2e5: {  	v8 =	vld [tilespmem:s5+$0x80];
	[tilespmem:s5+$0x0] =	vst v7;
	v5 =	vmul.f32 v5, v1  }
0x2e6: {  	v7 =	vld [tilespmem:s5+$0x90];
	[tilespmem:s5+$0x10] =	vst v6;
	v3 =	vmul.f32 v3, v1  }
0x2e7: {  	v6 =	vld [tilespmem:s5+$0xA0];
	[tilespmem:s5+$0x20] =	vst v5;
	v4 =	vmul.f32 v4, v1  }
0x2e8: {  	v5 =	vld [tilespmem:s5+$0xB0];
	v10 =	vmul.f32 v10, v1;
	[tilespmem:s5+$0x30] =	vst v3  }
0x2e9: {  	v11 =	vld [tilespmem:s5+$0xC0];
	v1 =	vmul.f32 v9, v1;
	[tilespmem:s5+$0x40] =	vst v4  }
0x2ea: {  	v3 =	vld [tilespmem:s5+$0xD0];
	v4 =	vmul.f32 v8, v2;
	[tilespmem:s5+$0x50] =	vst v10  }
0x2eb: {  	v8 =	vld [tilespmem:s5+$0xE0];
	v7 =	vmul.f32 v7, v2;
	[tilespmem:s17+$0x60] =	vst v1  }
0x2ec: {  	v9 =	vld [tilespmem:s5+$0xF0];
	v1 =	vmul.f32 v6, v2;
	[tilespmem:s17+$0x80] =	vst v4  }
0x2ed: {  	v4 =	vmul.f32 v5, v2;
	[tilespmem:s17+$0x90] =	vst v7  }
0x2ee: {  	v5 =	vmul.f32 v11, v2;
	[tilespmem:s17+$0xA0] =	vst v1  }
0x2ef: {  	v1 =	vmul.f32 v3, v2;
	[tilespmem:s17+$0xB0] =	vst v4  }
0x2f0: {  	s5 =	smul.u32 $0x280, s11;
	v3 =	vmul.f32 v8, v2;
	[tilespmem:s17+$0xC0] =	vst v5  }
0x2f1: {  	v2 =	vmul.f32 v9, v2;
	[tilespmem:s17+$0xD0] =	vst v1  }
0x2f2: {  	p1 =	seq.s32 s11, $0xB;
	s18 =	sshra.s32 s5, $0x2;
	[tilespmem:s17+$0xE0] =	vst v3  }
0x2f3: {  	s5 =	sshra.s32 @!p1 s5, $0x2;
	s19 =	sadd.s32 $0x7D0, s18;
	s18 =	simm.s32 @!p1 $0x3;
	[tilespmem:s17+$0xF0] =	vst v2  }
0x2f4: {  	[spmem:s3] =	stream.indirect.scatter.add.f32 [tilespmem:s7], [sflag:$0x3], $0x80, s19, s16, $0xb8;
	[tilespmem:$0x1D948] =	vst v63  }
0x2f5: {  	s5 =	sadd.s32 @!p1 $0xA0, s5;
	s17 =	sadd.s32 $0xFFFFFFFC, s10;
	_ =	swait.ge @!p1 [sflag:s18], $0x2800  }
0x2f6: {  	s19 =	sadd.s32 $0x56, s17;
	s20 =	sadd.s32 $0x54, s17;
	[sflag:s18] =	ssyncset.done @!p1 $0x0  }
0x2f7: {  	v1 =	vmov s19;
	s19 =	simm.s32 @!p1 $0x4650;
	[sflag:s18] =	ssyncadd.s32 @!p1 $0xFFFFD800;
	s18 =	simm.s32 @!p1 $0x50  }
0x2f8: {  	v2 =	vmov s20;
	[tilespmem:s19], [sflag:$0x1] =	stream.indirect.gather @!p1 [hbm4b:s0+s18], $0x80, s5, s18, $0xb8;
	[tilespmem:$0x1D948] =	vst v63  }
0x2f9: {  	v2 =	vand.u32 $0xFFFFFFFC, v2;
	_ =	swait.ge [sflag:s29], $0x2800  }
0x2fa: {  	v1 =	vand.u32 $0xFFFFFFFE, v1;
	v2 =	vbroadcast v2, $0x0;
	[sflag:s29] =	ssyncset.done $0x0  }
0x2fb: {  	v1 =	vbroadcast v1, $0x0;
	s5 =	simm.s32 $0x6F50;
	[sflag:s29] =	ssyncadd.s32 $0xFFFFD800  }
0x2fc: {  	v3 =	vld [tilespmem:s5+$0x70]  }
0x2fd: {  	v5 =	vld [tilespmem:s5+$0xFFFFFF00]  }
0x2fe: {  	s21 =	sadd.s32 $0x55, s17;
	v6 =	vld [tilespmem:s5+$0xFFFFFF10]  }
0x2ff: {  	v4 =	vmov s21;
	v7 =	vld [tilespmem:s5+$0xFFFFFF20]  }
0x300: {  	v4 =	vand.u32 $0xFFFFFFFD, v4;
	v2 =	vld.idx.msk [tilespmem:v2+s15+$0x0], $0xffff  }
0x301: {  	v4 =	vbroadcast v4, $0x0;
	v1 =	vld.idx.msk [tilespmem:v1+s15+$0x0], $0xffff  }
0x302: {  	v8 =	vld [tilespmem:s5+$0xFFFFFF30]  }
0x303: {  	v9 =	vld [tilespmem:s5+$0xFFFFFF40]  }
0x304: {  	v10 =	vld [tilespmem:s5+$0xFFFFFF50]  }
0x305: {  	v11 =	vld [tilespmem:s5+$0xFFFFFF60];
	v5 =	vmul.f32 v5, v2  }
0x306: {  	v13 =	vld [tilespmem:s5+$0xFFFFFFD0];
	v3 =	vmul.f32 v3, v1  }
0x307: {  	v4 =	vld.idx.msk [tilespmem:v4+s15+$0x0], $0xffff;
	[tilespmem:s5+$0xFFFFFF00] =	vst v5;
	v5 =	vmul.f32 v6, v2  }
0x308: {  	v6 =	vld [tilespmem:s5+$0xFFFFFF70];
	[tilespmem:s5+$0x70] =	vst v3;
	v3 =	vmul.f32 v7, v2  }
0x309: {  	s17 =	sadd.s32 $0x57, s17;
	v7 =	vld [tilespmem:s5+$0xFFFFFF80];
	[tilespmem:s5+$0xFFFFFF10] =	vst v5;
	v5 =	vmul.f32 v8, v2  }
0x30a: {  	v12 =	vmov s17;
	v8 =	vld [tilespmem:s5+$0xFFFFFF90];
	[tilespmem:s5+$0xFFFFFF20] =	vst v3;
	v3 =	vmul.f32 v9, v2  }
0x30b: {  	v9 =	vld [tilespmem:s5+$0xFFFFFFA0];
	[tilespmem:s5+$0xFFFFFF30] =	vst v5;
	v5 =	vmul.f32 v10, v2  }
0x30c: {  	v10 =	vld [tilespmem:s5+$0xFFFFFFB0];
	[tilespmem:s5+$0xFFFFFF40] =	vst v3;
	v3 =	vmul.f32 v11, v2  }
0x30d: {  	v11 =	vld [tilespmem:s5+$0xFFFFFFC0];
	v6 =	vmul.f32 v6, v2;
	[tilespmem:s5+$0xFFFFFF50] =	vst v5  }
0x30e: {  	v14 =	vld [tilespmem:s5+$0xFFFFFFE0];
	v5 =	vmul.f32 v7, v4;
	[tilespmem:s5+$0xFFFFFF60] =	vst v3  }
0x30f: {  	v2 =	vld.idx.msk [tilespmem:v12+s15+$0x0], $0xffff;
	v3 =	vmul.f32 v8, v4;
	[tilespmem:s5+$0xFFFFFF70] =	vst v6  }
0x310: {  	v8 =	vld [tilespmem:s5+$0xFFFFFFF0];
	[tilespmem:s5+$0xFFFFFF80] =	vst v5;
	v5 =	vmul.f32 v9, v4  }
0x311: {  	v7 =	vld [tilespmem:s5+$0x0];
	[tilespmem:s5+$0xFFFFFF90] =	vst v3;
	v3 =	vmul.f32 v10, v4  }
0x312: {  	v6 =	vld [tilespmem:s5+$0x10];
	v9 =	vmul.f32 v11, v4;
	[tilespmem:s5+$0xFFFFFFA0] =	vst v5  }
0x313: {  	v10 =	vmul.f32 v13, v4;
	v5 =	vld [tilespmem:s5+$0x20];
	[tilespmem:s5+$0xFFFFFFB0] =	vst v3  }
0x314: {  	[tilespmem:s5+$0xFFFFFFC0] =	vst v9;
	v3 =	vld [tilespmem:s5+$0x30];
	v9 =	vmul.f32 v14, v4  }
0x315: {  	s17 =	simm.s32 $0x6F50;
	s18 =	simm.s32 $0x0;
	[tilespmem:s5+$0xFFFFFFD0] =	vst v10;
	v8 =	vmul.f32 v8, v4;
	v4 =	vld [tilespmem:s5+$0x40]  }
.LBB2_16:
0x316: {  	s19 =	sadd.s32 s18, s10;
	s18 =	sadd.s32 $0x4, s18;
	[tilespmem:s5+$0xFFFFFFE0] =	vst v9;
	v7 =	vmul.f32 v7, v1;
	v9 =	vld [tilespmem:s5+$0x50]  }
0x317: {  	s20 =	sadd.s32 $0x54, s19;
	s21 =	sadd.s32 $0x56, s19;
	p1 =	slt.u32 s18, $0x4C;
	[tilespmem:s5+$0xFFFFFFF0] =	vst v8;
	v6 =	vmul.f32 v6, v1;
	v8 =	vld [tilespmem:s5+$0x60]  }
0x318: {  	v10 =	vmov s20;
	s20 =	sadd.s32 $0x55, s19;
	v11 =	vmov s21;
	s19 =	sadd.s32 $0x57, s19;
	[tilespmem:s5+$0x0] =	vst v7;
	v5 =	vmul.f32 v5, v1;
	v7 =	vld [tilespmem:s5+$0x80]  }
0x319: {  	v10 =	vand.u32 $0xFFFFFFFC, v10;
	v12 =	vmov s20;
	v11 =	vand.u32 $0xFFFFFFFE, v11;
	[tilespmem:s5+$0x10] =	vst v6;
	v6 =	vld [tilespmem:s5+$0x90]  }
0x31a: {  	v10 =	vbroadcast v10, $0x0;
	v12 =	vand.u32 $0xFFFFFFFD, v12;
	v11 =	vbroadcast v11, $0x0;
	[tilespmem:s5+$0x20] =	vst v5;
	v5 =	vld [tilespmem:s5+$0xA0]  }
0x31b: {  	v13 =	vmov s19;
	v3 =	vmul.f32 v3, v1;
	v12 =	vbroadcast v12, $0x0;
	v14 =	vld [tilespmem:s5+$0xB0]  }
0x31c: {  	v4 =	vmul.f32 v4, v1;
	v9 =	vmul.f32 v9, v1;
	v15 =	vld [tilespmem:s5+$0xC0]  }
0x31d: {  	[tilespmem:s5+$0x30] =	vst v3;
	v3 =	vmul.f32 v8, v1;
	v7 =	vmul.f32 v7, v2;
	v8 =	vld [tilespmem:s5+$0xD0]  }
0x31e: {  	[tilespmem:s5+$0x40] =	vst v4;
	v4 =	vmul.f32 v6, v2;
	v6 =	vld [tilespmem:s5+$0xE0]  }
0x31f: {  	[tilespmem:s5+$0x50] =	vst v9;
	v5 =	vmul.f32 v5, v2;
	v9 =	vld [tilespmem:s5+$0xF0]  }
0x320: {  	s5 =	sadd.s32 $0x200, s5;
	v1 =	vld.idx.msk [tilespmem:v11+s15+$0x0], $0xffff;
	[tilespmem:s17+$0x60] =	vst v3;
	v3 =	vmul.f32 v14, v2  }
0x321: {  	v11 =	vld [tilespmem:s5+$0x70];
	[tilespmem:s17+$0x80] =	vst v7;
	v7 =	vmul.f32 v15, v2  }
0x322: {  	v10 =	vld.idx.msk [tilespmem:v10+s15+$0x0], $0xffff;
	[tilespmem:s17+$0x90] =	vst v4;
	v4 =	vmul.f32 v8, v2  }
0x323: {  	v8 =	vld.idx.msk [tilespmem:v12+s15+$0x0], $0xffff;
	[tilespmem:s17+$0xA0] =	vst v5;
	v5 =	vmul.f32 v6, v2  }
0x324: {  	[tilespmem:s17+$0xB0] =	vst v3;
	v3 =	vmul.f32 v9, v2;
	v2 =	vld.idx.msk [tilespmem:v13+s15+$0x0], $0xffff  }
0x325: {  	v6 =	vld [tilespmem:s5+$0xFFFFFF00];
	[tilespmem:s17+$0xC0] =	vst v7  }
0x326: {  	v7 =	vld [tilespmem:s5+$0xFFFFFF10];
	v9 =	vmul.f32 v11, v1;
	[tilespmem:s17+$0xD0] =	vst v4  }
0x327: {  	v4 =	vld [tilespmem:s5+$0xFFFFFF20];
	[tilespmem:s17+$0xE0] =	vst v5  }
0x328: {  	v5 =	vld [tilespmem:s5+$0xFFFFFF30];
	[tilespmem:s5+$0x70] =	vst v9  }
0x329: {  	v9 =	vld [tilespmem:s5+$0xFFFFFF40];
	[tilespmem:s17+$0xF0] =	vst v3;
	s17 =	smov.u32 s5  }
0x32a: {  	v3 =	vmul.f32 v6, v10;
	v6 =	vld [tilespmem:s5+$0xFFFFFF50]  }
0x32b: {  	v7 =	vmul.f32 v7, v10;
	v11 =	vld [tilespmem:s5+$0xFFFFFF60]  }
0x32c: {  	[tilespmem:s5+$0xFFFFFF00] =	vst v3;
	v3 =	vmul.f32 v4, v10;
	v4 =	vld [tilespmem:s5+$0xFFFFFF70]  }
0x32d: {  	[tilespmem:s5+$0xFFFFFF10] =	vst v7;
	v5 =	vmul.f32 v5, v10;
	v7 =	vld [tilespmem:s5+$0xFFFFFF80]  }
0x32e: {  	[tilespmem:s5+$0xFFFFFF20] =	vst v3;
	v3 =	vmul.f32 v9, v10;
	v9 =	vld [tilespmem:s5+$0xFFFFFF90]  }
0x32f: {  	[tilespmem:s5+$0xFFFFFF30] =	vst v5;
	v5 =	vmul.f32 v6, v10;
	v6 =	vld [tilespmem:s5+$0xFFFFFFA0]  }
0x330: {  	[tilespmem:s5+$0xFFFFFF40] =	vst v3;
	v3 =	vmul.f32 v11, v10;
	v11 =	vld [tilespmem:s5+$0xFFFFFFB0]  }
0x331: {  	[tilespmem:s5+$0xFFFFFF50] =	vst v5;
	v4 =	vmul.f32 v4, v10;
	v5 =	vld [tilespmem:s5+$0xFFFFFFC0]  }
0x332: {  	[tilespmem:s5+$0xFFFFFF60] =	vst v3;
	v3 =	vmul.f32 v7, v8;
	v10 =	vld [tilespmem:s5+$0xFFFFFFD0]  }
0x333: {  	[tilespmem:s5+$0xFFFFFF70] =	vst v4;
	v4 =	vmul.f32 v9, v8;
	v9 =	vld [tilespmem:s5+$0xFFFFFFE0]  }
0x334: {  	[tilespmem:s5+$0xFFFFFF80] =	vst v3;
	v3 =	vmul.f32 v6, v8;
	v12 =	vld [tilespmem:s5+$0xFFFFFFF0]  }
.Ltmp6:
0x335: {  	[tilespmem:s5+$0xFFFFFF90] =	vst v4;
	v4 =	vmul.f32 v11, v8;
	v7 =	vld [tilespmem:s5+$0x0];
	(pc) =	sbr.rel @p1 .LBB2_16-.Ltmp6, $4  }
0x336: {  	[tilespmem:s5+$0xFFFFFFA0] =	vst v3;
	v3 =	vmul.f32 v5, v8;
	v6 =	vld [tilespmem:s5+$0x10]  }
0x337: {  	[tilespmem:s5+$0xFFFFFFB0] =	vst v4;
	v4 =	vmul.f32 v10, v8;
	v5 =	vld [tilespmem:s5+$0x20]  }
0x338: {  	[tilespmem:s5+$0xFFFFFFC0] =	vst v3;
	v9 =	vmul.f32 v9, v8;
	v3 =	vld [tilespmem:s5+$0x30]  }
0x339: {  	[tilespmem:s5+$0xFFFFFFD0] =	vst v4;
	v8 =	vmul.f32 v12, v8;
	v4 =	vld [tilespmem:s5+$0x40]  }
0x33a: {  	v10 =	vld [tilespmem:s5+$0x50]  }
0x33b: {  	[tilespmem:s5+$0xFFFFFFE0] =	vst v9;
	v7 =	vmul.f32 v7, v1;
	v54 =	vld [tilespmem:s5+$0x60]  }
0x33c: {  	v55 =	vld [tilespmem:s5+$0x80];
	[tilespmem:s5+$0xFFFFFFF0] =	vst v8;
	v6 =	vmul.f32 v6, v1  }
0x33d: {  	v56 =	vld [tilespmem:s5+$0x90];
	[tilespmem:s5+$0x0] =	vst v7;
	v5 =	vmul.f32 v5, v1  }
0x33e: {  	v57 =	vld [tilespmem:s5+$0xA0];
	[tilespmem:s5+$0x10] =	vst v6;
	v3 =	vmul.f32 v3, v1  }
0x33f: {  	v58 =	vld [tilespmem:s5+$0xB0];
	[tilespmem:s5+$0x20] =	vst v5;
	v4 =	vmul.f32 v4, v1  }
0x340: {  	v11 =	vld [tilespmem:s5+$0xC0];
	v10 =	vmul.f32 v10, v1;
	[tilespmem:s5+$0x30] =	vst v3  }
0x341: {  	v60 =	vld [tilespmem:s5+$0xE0];
	v59 =	vmul.f32 v55, v2;
	[tilespmem:s5+$0x40] =	vst v4  }
0x342: {  	v3 =	vld [tilespmem:s5+$0xD0];
	v7 =	vmul.f32 v56, v2;
	[tilespmem:s5+$0x50] =	vst v10  }
0x343: {  	v61 =	vld [tilespmem:s5+$0xF0];
	v1 =	vmul.f32 v54, v1;
	[tilespmem:s17+$0x80] =	vst v59  }
0x344: {  	v62 =	vmul.f32 v58, v2;
	[tilespmem:s17+$0x90] =	vst v7  }
0x345: {  	[tilespmem:s17+$0x60] =	vst v1;
	v1 =	vmul.f32 v57, v2  }
0x346: {  	s11 =	sadd.s32 $0x1, s11;
	v63 =	vmul.f32 v11, v2;
	[tilespmem:s17+$0xB0] =	vst v62  }
0x347: {  	p1 =	sne.s32 s11, $0xC;
	[tilespmem:s17+$0xA0] =	vst v1;
	v1 =	vmul.f32 v3, v2  }
.Ltmp7:
0x348: {  	[tilespmem:s17+$0xC0] =	vst v63;
	v3 =	vmul.f32 v60, v2;
	(pc) =	sbr.rel @p1 .LBB2_13-.Ltmp7, $4  }
0x349: {  	v2 =	vmul.f32 v61, v2;
	[tilespmem:s17+$0xD0] =	vst v1  }
0x34a: {  	[tilespmem:s17+$0xE0] =	vst v3  }
0x34b: {  	s21 =	sadd.s32 $0x7D0, s12;
	s10 =	sadd.s32 $0xA0, s10;
	[tilespmem:s17+$0xF0] =	vst v2  }
0x34c: {  	[spmem:s3] =	stream.indirect.scatter.add.f32 [tilespmem:s25], [sflag:$0x4], $0x80, s21, s16, $0xb8;
	[tilespmem:$0x1D948] =	vst v63  }
0x34d: {  	s5 =	simm.s32 $0x780;
	s10 =	simm.s32 $0x3  }
0x34e: {  	s18 =	simm.s32 $0x782;
	v1 =	vmov s5;
	_ =	swait.ge [sflag:s10], $0x2800  }
0x34f: {  	v2 =	vmov s18;
	v1 =	vand.u32 $0xFFFFFFFC, v1;
	[sflag:s10] =	ssyncset.done $0x0  }
0x350: {  	s19 =	simm.s32 $0x780;
	v2 =	vand.u32 $0xFFFFFFFE, v2;
	v1 =	vbroadcast v1, $0x0;
	[sflag:s10] =	ssyncadd.s32 $0xFFFFD800  }
0x351: {  	v2 =	vbroadcast v2, $0x0;
	[tilespmem:s7], [sflag:$0x5] =	stream.indirect.gather [hbm4b:s0+s16], $0x80, s19, s16, $0xb8;
	[tilespmem:$0x1D948] =	vst v63  }
0x352: {  	_ =	swait.ge [sflag:s6], $0x2800  }
0x353: {  	[sflag:s6] =	ssyncset.done $0x0  }
0x354: {  	s10 =	simm.s32 $0x4750;
	[sflag:s6] =	ssyncadd.s32 $0xFFFFD800  }
0x355: {  	v4 =	vld [tilespmem:s10+$0x70]  }
0x356: {  	s20 =	simm.s32 $0x781;
	v3 =	vld.idx.msk [tilespmem:v1+s15+$0x0], $0xffff  }
0x357: {  	v1 =	vld.idx.msk [tilespmem:v2+s15+$0x0], $0xffff;
	v2 =	vmov s20  }
0x358: {  	v5 =	vld [tilespmem:s10+$0xFFFFFF00];
	v2 =	vand.u32 $0xFFFFFFFD, v2  }
0x359: {  	v6 =	vld [tilespmem:s10+$0xFFFFFF10];
	v2 =	vbroadcast v2, $0x0  }
0x35a: {  	v7 =	vld [tilespmem:s10+$0xFFFFFF20]  }
0x35b: {  	v8 =	vld [tilespmem:s10+$0xFFFFFF30]  }
0x35c: {  	v9 =	vld [tilespmem:s10+$0xFFFFFF40]  }
0x35d: {  	v10 =	vld [tilespmem:s10+$0xFFFFFF50]  }
0x35e: {  	v11 =	vld [tilespmem:s10+$0xFFFFFF60];
	v5 =	vmul.f32 v5, v3  }
0x35f: {  	v12 =	vld.idx.msk [tilespmem:v2+s15+$0x0], $0xffff;
	v2 =	vmul.f32 v4, v1  }
0x360: {  	[tilespmem:s10+$0xFFFFFF00] =	vst v5;
	v5 =	vld [tilespmem:s10+$0xFFFFFF70];
	v4 =	vmul.f32 v6, v3  }
0x361: {  	v6 =	vld [tilespmem:s10+$0xFFFFFF80];
	[tilespmem:s10+$0x70] =	vst v2;
	v2 =	vmul.f32 v7, v3  }
0x362: {  	s21 =	simm.s32 $0x783;
	[tilespmem:s10+$0xFFFFFF10] =	vst v4;
	v4 =	vmul.f32 v8, v3;
	v7 =	vld [tilespmem:s10+$0xFFFFFF90]  }
0x363: {  	v8 =	vmov s21;
	[tilespmem:s10+$0xFFFFFF20] =	vst v2;
	v2 =	vmul.f32 v9, v3;
	v9 =	vld [tilespmem:s10+$0xFFFFFFA0]  }
0x364: {  	[tilespmem:s10+$0xFFFFFF30] =	vst v4;
	v4 =	vmul.f32 v10, v3;
	v10 =	vld [tilespmem:s10+$0xFFFFFFB0]  }
0x365: {  	[tilespmem:s10+$0xFFFFFF40] =	vst v2;
	v2 =	vmul.f32 v11, v3;
	v11 =	vld [tilespmem:s10+$0xFFFFFFC0]  }
0x366: {  	[tilespmem:s10+$0xFFFFFF50] =	vst v4;
	v4 =	vmul.f32 v6, v12;
	v6 =	vld [tilespmem:s10+$0xFFFFFFD0]  }
0x367: {  	v3 =	vmul.f32 v5, v3;
	v5 =	vld [tilespmem:s10+$0xFFFFFFE0];
	[tilespmem:s10+$0xFFFFFF60] =	vst v2  }
0x368: {  	v7 =	vmul.f32 v7, v12;
	v2 =	vld.idx.msk [tilespmem:v8+s15+$0x0], $0xffff;
	[tilespmem:s10+$0xFFFFFF80] =	vst v4  }
0x369: {  	[tilespmem:s10+$0xFFFFFF70] =	vst v3;
	v8 =	vld [tilespmem:s10+$0xFFFFFFF0];
	v3 =	vmul.f32 v9, v12  }
0x36a: {  	[tilespmem:s10+$0xFFFFFF90] =	vst v7;
	v4 =	vmul.f32 v10, v12;
	v10 =	vld [tilespmem:s10+$0x0]  }
0x36b: {  	v7 =	vld [tilespmem:s10+$0x10];
	[tilespmem:s10+$0xFFFFFFA0] =	vst v3;
	v3 =	vmul.f32 v11, v12  }
0x36c: {  	[tilespmem:s10+$0xFFFFFFB0] =	vst v4;
	v4 =	vmul.f32 v6, v12;
	v6 =	vld [tilespmem:s10+$0x20]  }
0x36d: {  	[tilespmem:s10+$0xFFFFFFC0] =	vst v3;
	v3 =	vmul.f32 v5, v12;
	v5 =	vld [tilespmem:s10+$0x30]  }
0x36e: {  	s11 =	simm.s32 $0x0;
	s5 =	simm.s32 $0x4750;
	[tilespmem:s10+$0xFFFFFFD0] =	vst v4;
	v4 =	vld [tilespmem:s10+$0x40];
	v9 =	vmul.f32 v8, v12  }
0x36f: {  	s19 =	simm.s32 $0x96D0;
	s20 =	simm.s32 $0x9AD0;
	s21 =	simm.s32 $0x9750;
	v8 =	vmul.f32 v10, v1;
	[tilespmem:s10+$0xFFFFFFE0] =	vst v3;
	v3 =	vld [tilespmem:s10+$0x50]  }
.LBB2_19:
0x370: {  	s12 =	sadd.s32 $0x787, s11;
	[tilespmem:s10+$0xFFFFFFF0] =	vst v9;
	v7 =	vmul.f32 v7, v1;
	v9 =	vld [tilespmem:s10+$0x60]  }
0x371: {  	s17 =	sadd.s32 $0x784, s11;
	s18 =	sadd.s32 $0x785, s11;
	v10 =	vmov s12;
	[tilespmem:s10+$0x0] =	vst v8;
	v6 =	vmul.f32 v6, v1;
	v8 =	vld [tilespmem:s10+$0x80]  }
0x372: {  	v11 =	vmov s17;
	v12 =	vmov s18;
	[tilespmem:s10+$0x10] =	vst v7;
	v5 =	vmul.f32 v5, v1;
	v7 =	vld [tilespmem:s10+$0x90]  }
0x373: {  	s12 =	sadd.s32 $0x786, s11;
	s11 =	sadd.s32 $0x4, s11;
	v11 =	vand.u32 $0xFFFFFFFC, v11;
	v12 =	vand.u32 $0xFFFFFFFD, v12;
	[tilespmem:s10+$0x20] =	vst v6;
	v4 =	vmul.f32 v4, v1;
	v6 =	vld [tilespmem:s10+$0xA0]  }
0x374: {  	v13 =	vmov s12;
	p1 =	slt.u32 s11, $0x4C;
	v11 =	vbroadcast v11, $0x0;
	[tilespmem:s10+$0x30] =	vst v5;
	v3 =	vmul.f32 v3, v1;
	v5 =	vld [tilespmem:s10+$0xB0]  }
0x375: {  	v12 =	vbroadcast v12, $0x0;
	v13 =	vand.u32 $0xFFFFFFFE, v13;
	[tilespmem:s10+$0x40] =	vst v4;
	v1 =	vmul.f32 v9, v1;
	v4 =	vld [tilespmem:s10+$0xC0]  }
0x376: {  	v9 =	vbroadcast v13, $0x0;
	[tilespmem:s10+$0x50] =	vst v3;
	v3 =	vmul.f32 v8, v2;
	v8 =	vld [tilespmem:s10+$0xD0]  }
0x377: {  	[tilespmem:s10+$0x60] =	vst v1;
	v1 =	vmul.f32 v7, v2;
	v7 =	vld [tilespmem:s10+$0xE0]  }
0x378: {  	[tilespmem:s10+$0x80] =	vst v3;
	v3 =	vmul.f32 v6, v2;
	v6 =	vld [tilespmem:s10+$0xF0]  }
0x379: {  	v10 =	vld.idx.msk [tilespmem:v10+s15+$0x0], $0xffff;
	[tilespmem:s10+$0x90] =	vst v1;
	v1 =	vmul.f32 v5, v2  }
0x37a: {  	v5 =	vld.idx.msk [tilespmem:v11+s15+$0x0], $0xffff;
	[tilespmem:s10+$0xA0] =	vst v3;
	v3 =	vmul.f32 v4, v2  }
0x37b: {  	v4 =	vld.idx.msk [tilespmem:v12+s15+$0x0], $0xffff;
	[tilespmem:s10+$0xB0] =	vst v1;
	v8 =	vmul.f32 v8, v2  }
0x37c: {  	s10 =	sadd.s32 $0x200, s10;
	v1 =	vld.idx.msk [tilespmem:v9+s15+$0x0], $0xffff;
	[tilespmem:s5+$0xC0] =	vst v3;
	v3 =	vmul.f32 v7, v2  }
0x37d: {  	v7 =	vld [tilespmem:s10+$0x70];
	[tilespmem:s5+$0xD0] =	vst v8;
	v8 =	vmul.f32 v6, v2  }
0x37e: {  	v6 =	vld [tilespmem:s10+$0xFFFFFF00];
	[tilespmem:s5+$0xE0] =	vst v3  }
0x37f: {  	v2 =	vmov v10;
	v3 =	vld [tilespmem:s10+$0xFFFFFF10];
	[tilespmem:s5+$0xF0] =	vst v8;
	s5 =	smov.u32 s10  }
0x380: {  	v8 =	vld [tilespmem:s10+$0xFFFFFF20]  }
0x381: {  	v9 =	vld [tilespmem:s10+$0xFFFFFF30]  }
0x382: {  	v10 =	vld [tilespmem:s10+$0xFFFFFF40];
	v7 =	vmul.f32 v7, v1  }
0x383: {  	v6 =	vmul.f32 v6, v5;
	v11 =	vld [tilespmem:s10+$0xFFFFFF50]  }
0x384: {  	v3 =	vmul.f32 v3, v5;
	v12 =	vld [tilespmem:s10+$0xFFFFFF60];
	[tilespmem:s10+$0x70] =	vst v7  }
0x385: {  	[tilespmem:s10+$0xFFFFFF00] =	vst v6;
	v6 =	vmul.f32 v8, v5;
	v7 =	vld [tilespmem:s10+$0xFFFFFF70]  }
0x386: {  	[tilespmem:s10+$0xFFFFFF10] =	vst v3;
	v3 =	vmul.f32 v9, v5;
	v8 =	vld [tilespmem:s10+$0xFFFFFF80]  }
0x387: {  	[tilespmem:s10+$0xFFFFFF20] =	vst v6;
	v6 =	vmul.f32 v10, v5;
	v9 =	vld [tilespmem:s10+$0xFFFFFF90]  }
0x388: {  	[tilespmem:s10+$0xFFFFFF30] =	vst v3;
	v3 =	vmul.f32 v11, v5;
	v10 =	vld [tilespmem:s10+$0xFFFFFFA0]  }
0x389: {  	[tilespmem:s10+$0xFFFFFF40] =	vst v6;
	v6 =	vmul.f32 v12, v5;
	v11 =	vld [tilespmem:s10+$0xFFFFFFB0]  }
0x38a: {  	[tilespmem:s10+$0xFFFFFF50] =	vst v3;
	v3 =	vmul.f32 v7, v5;
	v5 =	vld [tilespmem:s10+$0xFFFFFFC0]  }
0x38b: {  	[tilespmem:s10+$0xFFFFFF60] =	vst v6;
	v6 =	vmul.f32 v8, v4;
	v8 =	vld [tilespmem:s10+$0xFFFFFFD0]  }
0x38c: {  	[tilespmem:s10+$0xFFFFFF70] =	vst v3;
	v3 =	vmul.f32 v9, v4;
	v9 =	vld [tilespmem:s10+$0xFFFFFFE0]  }
0x38d: {  	[tilespmem:s10+$0xFFFFFF80] =	vst v6;
	v6 =	vmul.f32 v10, v4;
	v10 =	vld [tilespmem:s10+$0xFFFFFFF0]  }
0x38e: {  	[tilespmem:s10+$0xFFFFFF90] =	vst v3;
	v3 =	vmul.f32 v11, v4;
	v11 =	vld [tilespmem:s10+$0x0]  }
.Ltmp8:
0x38f: {  	[tilespmem:s10+$0xFFFFFFA0] =	vst v6;
	v5 =	vmul.f32 v5, v4;
	v7 =	vld [tilespmem:s10+$0x10];
	(pc) =	sbr.rel @p1 .LBB2_19-.Ltmp8, $4  }
0x390: {  	[tilespmem:s10+$0xFFFFFFB0] =	vst v3;
	v3 =	vmul.f32 v8, v4;
	v6 =	vld [tilespmem:s10+$0x20]  }
0x391: {  	[tilespmem:s10+$0xFFFFFFC0] =	vst v5;
	v8 =	vmul.f32 v9, v4;
	v5 =	vld [tilespmem:s10+$0x30]  }
0x392: {  	[tilespmem:s10+$0xFFFFFFD0] =	vst v3;
	v9 =	vmul.f32 v10, v4;
	v4 =	vld [tilespmem:s10+$0x40]  }
0x393: {  	[tilespmem:s10+$0xFFFFFFE0] =	vst v8;
	v8 =	vmul.f32 v11, v1;
	v3 =	vld [tilespmem:s10+$0x50]  }
0x394: {  	[tilespmem:s10+$0xFFFFFFF0] =	vst v9;
	v7 =	vmul.f32 v7, v1;
	v55 =	vld [tilespmem:s10+$0x80]  }
0x395: {  	v10 =	vld [tilespmem:s10+$0x60];
	[tilespmem:s10+$0x0] =	vst v8;
	v6 =	vmul.f32 v6, v1  }
0x396: {  	v56 =	vld [tilespmem:s10+$0x90];
	[tilespmem:s10+$0x10] =	vst v7;
	v5 =	vmul.f32 v5, v1  }
0x397: {  	v57 =	vld [tilespmem:s10+$0xA0];
	[tilespmem:s10+$0x20] =	vst v6;
	v4 =	vmul.f32 v4, v1  }
0x398: {  	v58 =	vld [tilespmem:s10+$0xB0];
	[tilespmem:s10+$0x30] =	vst v5;
	v3 =	vmul.f32 v3, v1  }
0x399: {  	v59 =	vld [tilespmem:s10+$0xC0];
	[tilespmem:s10+$0x40] =	vst v4;
	v60 =	vmul.f32 v55, v2  }
0x39a: {  	v61 =	vld [tilespmem:s10+$0xD0];
	v1 =	vmul.f32 v10, v1;
	[tilespmem:s10+$0x50] =	vst v3  }
0x39b: {  	v8 =	vmul.f32 v56, v2;
	v3 =	vld [tilespmem:s10+$0xE0];
	[tilespmem:s10+$0x80] =	vst v60  }
0x39c: {  	v62 =	vld [tilespmem:s10+$0xF0];
	[tilespmem:s10+$0x60] =	vst v1;
	v1 =	vmul.f32 v57, v2  }
0x39d: {  	v6 =	vmul.f32 v58, v2;
	[tilespmem:s10+$0x90] =	vst v8  }
0x39e: {  	[tilespmem:s10+$0xA0] =	vst v1;
	v1 =	vmul.f32 v59, v2  }
0x39f: {  	v63 =	vmul.f32 v61, v2;
	[tilespmem:s10+$0xB0] =	vst v6  }
0x3a0: {  	[tilespmem:s5+$0xC0] =	vst v1;
	v1 =	vmul.f32 v3, v2  }
0x3a1: {  	[tilespmem:s5+$0xD0] =	vst v63;
	v2 =	vmul.f32 v62, v2  }
0x3a2: {  	[tilespmem:s5+$0xE0] =	vst v1  }
0x3a3: {  	s17 =	simm.s32 $0x4;
	[tilespmem:s5+$0xF0] =	vst v2  }
0x3a4: {  	s5 =	sadd.s32 $0x1, s8;
	_ =	swait.ge [sflag:s17], $0x2800  }
0x3a5: {  	p1 =	sne.s32 s5, $0x5;
	[sflag:s17] =	ssyncset.done $0x0  }
.Ltmp9:
0x3a6: {  	s18 =	simm.s32 $0xF50;
	[sflag:s17] =	ssyncadd.s32 $0xFFFFD800;
	(pc) =	sbr.rel @p1 .LBB2_10-.Ltmp9, $4  }
0x3a7: {  	[spmem:s3] =	stream.indirect.scatter.add.f32 [tilespmem:s7], [sflag:$0x5], $0x80, s18, s16, $0xb8;
	[tilespmem:$0x1D948] =	vst v63  }
0x3a8: {  	_ =	swait.ge [sflag:s6], $0x2800  }
0x3a9: {  	[sflag:s6] =	ssyncset.done $0x0  }
0x3aa: {  	[sflag:s6] =	ssyncadd.s32 $0xFFFFD800  }
0x3ab: {  	[bflag:$0x0] =	sbarrier.arrive $0xFFFF  }
0x3ac: {  	s5 =	rddreg [dreg:$0x14]  }
0x3ad: {  	[tilespmem:s7], [sflag:$0x5] =	stream.linear.gather [spmem:s5], $0x2800, $0x38;
	[tilespmem:$0x1D948] =	vst v63  }
0x3ae: {  	_ =	swait.ge [sflag:s6], $0x2800  }
0x3af: {  	[sflag:s6] =	ssyncset.done $0x0  }
0x3b0: {  	s3 =	rddreg [dreg:$0x6];
	[sflag:s6] =	ssyncadd.s32 $0xFFFFD800  }
0x3b1: {  	[hbm4b:s3+s4] =	stream.linear.scatter [tilespmem:s7], [sflag:$0x5], $0x2800, $0x38;
	[tilespmem:$0x1D948] =	vst v63  }
0x3b2: {  	_ =	swait.ge [sflag:s6], $0x2800  }
0x3b3: {  	[sflag:s6] =	ssyncset.done $0x0  }
0x3b4: {  	s8 =	rddreg [dreg:$0x15];
	[sflag:s6] =	ssyncadd.s32 $0xFFFFD800  }
0x3b5: {  	[tilespmem:s7], [sflag:$0x5] =	stream.linear.gather [spmem:s8], $0x2800, $0x38;
	[tilespmem:$0x1D948] =	vst v63  }
0x3b6: {  	_ =	swait.ge [sflag:s6], $0x2800  }
0x3b7: {  	[sflag:s6] =	ssyncset.done $0x0  }
0x3b8: {  	s10 =	rddreg [dreg:$0x7];
	[sflag:s6] =	ssyncadd.s32 $0xFFFFD800  }
0x3b9: {  	[hbm4b:s10+s4] =	stream.linear.scatter [tilespmem:s7], [sflag:$0x5], $0x2800, $0x38;
	[tilespmem:$0x1D948] =	vst v63  }
0x3ba: {  	_ =	swait.ge [sflag:s6], $0x2800  }
0x3bb: {  	[sflag:s6] =	ssyncset.done $0x0  }
0x3bc: {  	s11 =	rddreg [dreg:$0x16];
	[sflag:s6] =	ssyncadd.s32 $0xFFFFD800  }
0x3bd: {  	[tilespmem:s7], [sflag:$0x5] =	stream.linear.gather [spmem:s11], $0x2800, $0x38;
	[tilespmem:$0x1D948] =	vst v63  }
0x3be: {  	_ =	swait.ge [sflag:s6], $0x2800  }
0x3bf: {  	[sflag:s6] =	ssyncset.done $0x0  }
0x3c0: {  	s12 =	rddreg [dreg:$0x8];
	[sflag:s6] =	ssyncadd.s32 $0xFFFFD800  }
0x3c1: {  	[hbm4b:s12+s4] =	stream.linear.scatter [tilespmem:s7], [sflag:$0x5], $0x2800, $0x38;
	[tilespmem:$0x1D948] =	vst v63  }
0x3c2: {  	_ =	swait.ge [sflag:s6], $0x2800  }
0x3c3: {  	[sflag:s6] =	ssyncset.done $0x0  }
0x3c4: {  	s14 =	rddreg [dreg:$0x17];
	[sflag:s6] =	ssyncadd.s32 $0xFFFFD800  }
0x3c5: {  	[tilespmem:s7], [sflag:$0x5] =	stream.linear.gather [spmem:s14], $0x2800, $0x38;
	[tilespmem:$0x1D948] =	vst v63  }
0x3c6: {  	_ =	swait.ge [sflag:s6], $0x2800  }
0x3c7: {  	[sflag:s6] =	ssyncset.done $0x0  }
0x3c8: {  	s17 =	rddreg [dreg:$0x9];
	[sflag:s6] =	ssyncadd.s32 $0xFFFFD800  }
0x3c9: {  	[hbm4b:s17+s4] =	stream.linear.scatter [tilespmem:s7], [sflag:$0x5], $0x2800, $0x38;
	[tilespmem:$0x1D948] =	vst v63  }
0x3ca: {  	_ =	swait.ge [sflag:s6], $0x2800  }
0x3cb: {  	[sflag:s6] =	ssyncset.done $0x0  }
0x3cc: {  	s18 =	rddreg [dreg:$0x18];
	[sflag:s6] =	ssyncadd.s32 $0xFFFFD800  }
0x3cd: {  	[tilespmem:s7], [sflag:$0x5] =	stream.linear.gather [spmem:s18], $0x2800, $0x38;
	[tilespmem:$0x1D948] =	vst v63  }
0x3ce: {  	_ =	swait.ge [sflag:s6], $0x2800  }
0x3cf: {  	[sflag:s6] =	ssyncset.done $0x0  }
0x3d0: {  	s3 =	rddreg [dreg:$0xa];
	[sflag:s6] =	ssyncadd.s32 $0xFFFFD800  }
0x3d1: {  	[hbm4b:s3+s4] =	stream.linear.scatter [tilespmem:s7], [sflag:$0x5], $0x2800, $0x38;
	[tilespmem:$0x1D948] =	vst v63  }
0x3d2: {  	_ =	swait.ge [sflag:s6], $0x2800  }
0x3d3: {  	[sflag:s6] =	ssyncset.done $0x0  }
0x3d4: {  	s8 =	rddreg [dreg:$0x19];
	[sflag:s6] =	ssyncadd.s32 $0xFFFFD800  }
0x3d5: {  	[tilespmem:s7], [sflag:$0x5] =	stream.linear.gather [spmem:s8], $0x2800, $0x38;
	[tilespmem:$0x1D948] =	vst v63  }
0x3d6: {  	_ =	swait.ge [sflag:s6], $0x2800  }
0x3d7: {  	[sflag:s6] =	ssyncset.done $0x0  }
0x3d8: {  	s10 =	rddreg [dreg:$0xb];
	[sflag:s6] =	ssyncadd.s32 $0xFFFFD800  }
0x3d9: {  	[hbm4b:s10+s4] =	stream.linear.scatter [tilespmem:s7], [sflag:$0x5], $0x2800, $0x38;
	[tilespmem:$0x1D948] =	vst v63  }
0x3da: {  	_ =	swait.ge [sflag:s6], $0x2800  }
0x3db: {  	[sflag:s6] =	ssyncset.done $0x0  }
0x3dc: {  	s11 =	rddreg [dreg:$0x1b];
	[sflag:s6] =	ssyncadd.s32 $0xFFFFD800  }
0x3dd: {  	[tilespmem:s7], [sflag:$0x5] =	stream.linear.gather [spmem:s11], $0x2800, $0x38;
	[tilespmem:$0x1D948] =	vst v63  }
0x3de: {  	_ =	swait.ge [sflag:s6], $0x2800  }
0x3df: {  	[sflag:s6] =	ssyncset.done $0x0  }
0x3e0: {  	s12 =	rddreg [dreg:$0xc];
	[sflag:s6] =	ssyncadd.s32 $0xFFFFD800  }
0x3e1: {  	[hbm4b:s12+s4] =	stream.linear.scatter [tilespmem:s7], [sflag:$0x5], $0x2800, $0x38;
	[tilespmem:$0x1D948] =	vst v63  }
0x3e2: {  	_ =	swait.ge [sflag:s6], $0x2800  }
0x3e3: {  	[sflag:s6] =	ssyncset.done $0x0  }
0x3e4: {  	s10 =	rddreg [dreg:$0x1c];
	[sflag:s6] =	ssyncadd.s32 $0xFFFFD800  }
0x3e5: {  	[tilespmem:s7], [sflag:$0x5] =	stream.linear.gather [spmem:s10], $0x2080, $0x38;
	[tilespmem:$0x1D948] =	vst v63  }
0x3e6: {  	_ =	swait.ge [sflag:s6], $0x2080  }
0x3e7: {  	[sflag:s6] =	ssyncset.done $0x0  }
0x3e8: {  	s14 =	rddreg [dreg:$0xd];
	[sflag:s6] =	ssyncadd.s32 $0xFFFFDF80  }
0x3e9: {  	[hbm4b:s14+s4] =	stream.linear.scatter [tilespmem:s7], [sflag:$0x5], $0x2080, $0x38;
	[tilespmem:$0x1D948] =	vst v63  }
0x3ea: {  	_ =	swait.ge [sflag:s6], $0x2080  }
0x3eb: {  	s17 =	sld [smem:$0x7FC];
	_ =	sdelay $0x2  }
0x3ec: {  	s18 =	rddreg [dreg:$0x1e];
	s7 =	sadd.s32 $0x1, s17  }
0x3ed: {  	p1 =	sne.s32 s7, s18  }
.Ltmp10:
0x3ee: {  	_ = 	snop;
	(pc) =	sbr.rel @p1 .LBB2_1-.Ltmp10, $4  }
0x3ef: {  	_ = 	snop  }
0x3f0: {  	s3 =	simm.s32 $0x9DD0;
	s8 =	simm.s32 $0x9A50;
	s11 =	simm.s32 $0x98D0  }
0x3f1: {  	s12 =	simm.s32 $0x9CD0;
	s14 =	simm.s32 $0x9D50;
	[sflag:s6] =	ssyncset.done $0x0  }
0x3f2: {  	[sflag:s6] =	ssyncadd.s32 $0xFFFFDF80;
	s17 =	simm.s32 $0x9950;
	s18 =	simm.s32 $0x99D0  }
0x3f3: {  	_ =	sfence.sel $0x180000  }
0x3f4: {  	[bflag:$0x0] =	sbarrier.arrive $0xFFFF  }
0x3f5: {  	_ =	strace $0x90000047  }
0x3f6: {  	[bflag:$0x2] =	sbarrier.arrive $0xFFFF  }
0x3f7: {  	s0 =	rddreg [dreg:$0x4]  }
0x3f8: {  	s0 =	sadd.s32 @!p0 $0x100000, s0  }
0x3f9: {  	[sflag:s0] =	ssyncadd.tile.s32 @!p0 $0x1;
	_ =	shalt  }
.Lfunc_end2:
_tile_overlayer_lowered:
.L_overlay_start_2:
0x3fa: {  	(tag) =	ssettag $0x2  }
0x3fb: {  	s0 =	rddreg [dreg:$0x0];
	s2 =	stileid.u32  }
0x3fc: {  	s1 =	rddreg [dreg:$0x1];
	p0 =	sne.s32 s2, $0x0  }
0x3fd: {  	s3 =	rddreg [dreg:$0x2];
	[bflag:$0x3] =	sbarrier.arrive $0xFFFF;
	s2 =	simm.s32 @!p0 $0x1C05  }
0x3fe: {  	[timem:s3], [sflag:s2] =	dma.local @!p0 [hbm:s0], s1  }
0x3ff: {  	s0 =	simm.s32 @!p0 $0x5  }
0x400: {  	_ =	swait.ge @!p0 [sflag:s0], s1  }
0x401: {  	s1 =	ssub.s32 @!p0 $0x0, s1;
	[sflag:s0] =	ssyncset.done @!p0 $0x0  }
0x402: {  	[sflag:s0] =	ssyncadd.s32 @!p0 s1  }
0x403: {  	[bflag:$0x3] =	sbarrier.arrive $0xFFFF  }
0x404: {  	_ =	shalt  }

// kernel: kernel.9.cloned.1.call-start
scs
__scs_entry_jumppad:
0x0: {  	(pc) =	sbr.rel $0x88, $3  }
0x1: {  	(tag) =	ssettag $0x0;
	lr =	simm.s32 $0x1  }
0x2: {  	[smem:$0x3F91] =	sst lr;
	_ =	strace $0xD0000000  }
0x3: {  	_ = 	snop  }
0x4: {  	_ = 	snop  }
0x5: {  	_ = 	snop  }
0x6: {  	_ = 	snop  }
0x7: {  	_ = 	snop  }
__scs_overlays_trampoline_lowered:
0x8: {  	[smem:$0x3FA0] =	sst s0  }
0x9: {  	[smem:$0x3FA1] =	sst s1  }
0xa: {  	[smem:$0x3FA2] =	sst s2  }
0xb: {  	[smem:$0x3FA3] =	sst s3  }
0xc: {  	[smem:$0x3FA4] =	sst s4  }
0xd: {  	[smem:$0x3FA5] =	sst s5  }
0xe: {  	[smem:$0x3FA6] =	sst s6  }
0xf: {  	[smem:$0x3FA7] =	sst s7  }
0x10: {  	[smem:$0x3FA8] =	sst s8  }
0x11: {  	[smem:$0x3FA9] =	sst s9;
	s0 =	simm.s32 @!p0 $0x0  }
0x12: {  	s1 =	sld [smem:$0x3F8F];
	s0 =	simm.s32 @p0 $0x1  }
0x13: {  	[smem:$0x3FAA] =	sst s0;
	s0 =	simm.s32 @!p1 $0x0  }
0x14: {  	s2 =	sld [smem:$0x3F8E];
	s0 =	simm.s32 @p1 $0x1  }
0x15: {  	[smem:$0x3FAB] =	sst s0;
	s0 =	simm.s32 @!p2 $0x0  }
0x16: {  	s3 =	sld [smem:$0x3FDB];
	s0 =	simm.s32 @p2 $0x1  }
0x17: {  	s4 =	simm.s32 $0x1BF5;
	[smem:$0x3FAD] =	sst s0  }
0x18: {  	s0 =	sld [smem:$0x3F90];
	_ =	swait.ge [sflag:s4], $0x0  }
0x19: {  	s7 =	sld [smem:$0x3F91]  }
0x1a: {  	s8 =	sadd.s32 $0xFFFFE003, lr  }
0x1b: {  	s9 =	sadd.s32 $0xFFFFFEF7, lr;
	s5 =	simm.s32 $0xFFFFFFFF;
	p2 =	slt.u32 s8, $0xFFFFF086  }
0x1c: {  	p1 =	slt.u32 s9, $0xF7A;
	s5 =	simm.s32 @!p2 $0x0  }
0x1d: {  	s5 =	simm.s32 @p1 $0x1;
	p0 =	seq.s32 s7, s2  }
0x1e: {  	s7 =	smul.u32 @!p0 $0xF7A, s2;
	p2 =	seq.s32 @!p0 s5, $0x0  }
0x1f: {  	s9 =	smul.u32 $0xF7A, s1;
	s8 =	simm.s32 @!p0 $0x1BF5;
	p2 =	por !p2, p0  }
0x20: {  	[sflag:s8] =	ssyncset.s32 @!p0 $0xFFFFF086;
	s6 =	sadd.s32 @!p0 s3, s7;
	s7 =	simm.s32 @!p0 $0x108  }
0x21: {  	s3 =	sadd.s32 s3, s9;
	s6 =	sadd.s32 @!p0 $0x88, s6;
	s7 =	simm.s32 @p2 $0x1082  }
0x22: {  	[simem:s7], [sflag:s8] =	dma.local @!p0 [hbm:s6], $0xF7A  }
0x23: {  	s9 =	sor.u32 $0xD0000000, s2;
	s6 =	simm.s32 $0x108;
	_ =	swait.ge @!p0 [sflag:s8], $0x0  }
0x24: {  	s3 =	sadd.s32 $0x88, s3;
	s6 =	simm.s32 @!p1 $0x1082;
	[sflag:s4] =	ssyncset.s32 $0xFFFFF086  }
0x25: {  	[simem:s6], [sflag:s4] =	dma.local [hbm:s3], $0xF7A  }
0x26: {  	[smem:$0x3F91] =	sst s1;
	(tag) =	ssettag s2;
	_ =	strace s9  }
0x27: {  	s1 =	sld [smem:$0x3FA1]  }
0x28: {  	s2 =	sld [smem:$0x3FA2]  }
0x29: {  	s4 =	sld [smem:$0x3FA4]  }
0x2a: {  	p0 =	seq.s32 s5, $0x0;
	s5 =	sld [smem:$0x3FA5]  }
0x2b: {  	s6 =	sld [smem:$0x3FA6]  }
0x2c: {  	s7 =	sld [smem:$0x3FA7]  }
0x2d: {  	s3 =	simm.s32 $0x108;
	s8 =	sld [smem:$0x3FA8]  }
0x2e: {  	s3 =	simm.s32 @!p0 $0x1082;
	s9 =	sld [smem:$0x3FA9]  }
0x2f: {  	lr =	sadd.s32 s0, s3;
	s0 =	sld [smem:$0x3FA0]  }
0x30: {  	s3 =	sld [smem:$0x3FA3]  }
0x31: {  	[smem:$0x3FAC] =	sst s10  }
0x32: {  	s10 =	sld [smem:$0x3FAA];
	_ =	sdelay $0x3  }
0x33: {  	p0 =	seq.s32 s10, $0x1;
	s10 =	sld [smem:$0x3FAC];
	_ =	sdelay $0x3  }
0x34: {  	[smem:$0x3FAC] =	sst s10  }
0x35: {  	s10 =	sld [smem:$0x3FAB];
	_ =	sdelay $0x3  }
0x36: {  	p1 =	seq.s32 s10, $0x1;
	s10 =	sld [smem:$0x3FAC];
	_ =	sdelay $0x3  }
0x37: {  	[smem:$0x3FAC] =	sst s10  }
0x38: {  	s10 =	sld [smem:$0x3FAD]  }
0x39: {  	_ = 	snop;
	(pc) =	sbr.ind lr, $3  }
0x3a: {  	_ = 	snop  }
0x3b: {  	_ = 	snop  }
0x3c: {  	p2 =	seq.s32 s10, $0x1;
	s10 =	sld [smem:$0x3FAC]  }
0x3d: {  	_ =	shalt  }
0x3e: {  	_ =	shalt  }
0x3f: {  	_ =	shalt  }
0x40: {  	_ =	shalt  }
0x41: {  	_ =	shalt  }
0x42: {  	_ =	shalt  }
0x43: {  	_ =	shalt  }
0x44: {  	_ =	shalt  }
0x45: {  	_ =	shalt  }
0x46: {  	_ =	shalt  }
0x47: {  	_ =	shalt  }
0x48: {  	_ =	shalt  }
0x49: {  	_ =	shalt  }
0x4a: {  	_ =	shalt  }
0x4b: {  	_ =	shalt  }
0x4c: {  	_ =	shalt  }
0x4d: {  	_ =	shalt  }
0x4e: {  	_ =	shalt  }
0x4f: {  	_ =	shalt  }
0x50: {  	_ =	shalt  }
0x51: {  	_ =	shalt  }
0x52: {  	_ =	shalt  }
0x53: {  	_ =	shalt  }
0x54: {  	_ =	shalt  }
0x55: {  	_ =	shalt  }
0x56: {  	_ =	shalt  }
0x57: {  	_ =	shalt  }
0x58: {  	_ =	shalt  }
0x59: {  	_ =	shalt  }
0x5a: {  	_ =	shalt  }
0x5b: {  	_ =	shalt  }
0x5c: {  	_ =	shalt  }
0x5d: {  	_ =	shalt  }
0x5e: {  	_ =	shalt  }
0x5f: {  	_ =	shalt  }
0x60: {  	_ =	shalt  }
0x61: {  	_ =	shalt  }
0x62: {  	_ =	shalt  }
0x63: {  	_ =	shalt  }
0x64: {  	_ =	shalt  }
0x65: {  	_ =	shalt  }
0x66: {  	_ =	shalt  }
0x67: {  	_ =	shalt  }
0x68: {  	_ =	shalt  }
0x69: {  	_ =	shalt  }
0x6a: {  	_ =	shalt  }
0x6b: {  	_ =	shalt  }
0x6c: {  	_ =	shalt  }
0x6d: {  	_ =	shalt  }
0x6e: {  	_ =	shalt  }
0x6f: {  	_ =	shalt  }
0x70: {  	_ =	shalt  }
0x71: {  	_ =	shalt  }
0x72: {  	_ =	shalt  }
0x73: {  	_ =	shalt  }
0x74: {  	_ =	shalt  }
0x75: {  	_ =	shalt  }
0x76: {  	_ =	shalt  }
0x77: {  	_ =	shalt  }
0x78: {  	_ =	shalt  }
0x79: {  	_ =	shalt  }
0x7a: {  	_ =	shalt  }
0x7b: {  	_ =	shalt  }
0x7c: {  	_ =	shalt  }
0x7d: {  	_ =	shalt  }
0x7e: {  	_ =	shalt  }
0x7f: {  	_ =	shalt  }
0x80: {  	_ =	shalt  }
0x81: {  	_ =	shalt  }
0x82: {  	_ =	shalt  }
0x83: {  	_ =	shalt  }
0x84: {  	_ =	shalt  }
0x85: {  	_ =	shalt  }
0x86: {  	_ =	shalt  }
0x87: {  	_ =	shalt  }
.Lfunc_end0:
.L_simem_size_0:
called_computation.1_lowered:
.L_overlay_start_0:
0x88: {  	s2 =	sld [smem:$0x3FD9]  }
0x89: {  	s3 =	sld [smem:$0x3FFE];
	_ =	sdelay $0x1  }
0x8a: {  	s1 =	srdreg.scid  }
0x8b: {  	s0 =	sand.u32 $0x1, s1  }
0x8c: {  	s17 =	sshll.u32 s0, $0xA;
	s2 =	sadd.s32 s3, s2  }
0x8d: {  	s2 =	sadd.s32 s2, s17  }
0x8e: {  	[smem:$0x3FB8] =	sst s2  }
0x8f: {  	_ = 	snop  }
0x90: {  	s2 =	sld [smem:$0x3FD0];
	(tm) =	ssettm $0x1  }
0x91: {  	s18 =	sld [smem:$0x3FFB];
	_ =	sdelay $0x3  }
0x92: {  	_ =	strace s18  }
0x93: {  	s3 =	sld [smem:$0x3FFC];
	_ =	sdelay $0x3  }
0x94: {  	_ =	strace s3  }
0x95: {  	s3 =	sld [smem:$0x3FFD];
	_ =	sdelay $0x3  }
0x96: {  	_ =	strace s3  }
0x97: {  	_ =	strace $0x8FFFFFFF  }
0x98: {  	s19 =	sld [smem:$0x3FDB];
	_ =	sdelay $0x1  }
0x99: {  	s4 =	simm.s32 $_scs_section_size  }
0x9a: {  	s5 =	simm.s32 $_size__tile_overlayer_lowered;
	s6 =	simm.s32 $_tile_overlayer_lowered  }
0x9b: {  	s22 =	simm.s32 $0x1BFF;
	s21 =	sshll.u32 s6, $0x1;
	s3 =	sadd.s32 s4, s19  }
0x9c: {  	s7 =	simm.s32 $0x0;
	s20 =	sshll.u32 s5, $0x1;
	s5 =	sadd.s32 s21, s3  }
0x9d: {  	[timem:s7], [sflag:s22] =	dma.local [hbm:s5], s20  }
0x9e: {  	_ =	swait.ge [sflag:s22], s20  }
0x9f: {  	s4 =	ssub.s32 $0x0, s20;
	[sflag:s22] =	ssyncset.done $0x0  }
0xa0: {  	[sflag:s22] =	ssyncadd.s32 s4;
	_ =	sdelay $0x1  }
0xa1: {  	s23 =	simm.s32 $0x1B8B  }
0xa2: {  	_ =	swait.ge [sflag:s23], $0x1  }
0xa3: {  	[sflag:s23] =	ssyncset.done $0x0  }
0xa4: {  	s25 =	simm.s32 $0x1B8E;
	s24 =	sld [smem:$0x3FFE];
	[sflag:s23] =	ssyncadd.s32 $0xFFFFFFFF  }
0xa5: {  	s26 =	simm.s32 $execute0_lowered;
	[smem:$0x3FD2] =	sst s25  }
0xa6: {  	s5 =	sshll.u32 s26, $0x1;
	_ =	strace $0x80000049;
	[dreg:$0x1] =	wrdreg $0xFFFFFFFF  }
0xa7: {  	s28 =	simm.s32 $_size_execute0_lowered;
	s3 =	sadd.s32 s3, s5;
	[dreg:$0x0] =	wrdreg $0x0  }
0xa8: {  	s5 =	sshll.u32 s28, $0x1;
	[dreg:$0x2] =	wrdreg s3  }
0xa9: {  	[dreg:$0x3] =	wrdreg s5  }
0xaa: {  	[dreg:$0x4] =	wrdreg $0xC0  }
0xab: {  	_ =	task [dreg:s7], $0x5FFFF  }
0xac: {  	[dreg:$0x1] =	wrdreg $0xFFFFFFFF  }
0xad: {  	[dreg:$0x0] =	wrdreg $0x60  }
0xae: {  	[dreg:$0x2] =	wrdreg s24  }
0xaf: {  	[dreg:$0x3] =	wrdreg s2  }
0xb0: {  	[dreg:$0x4] =	wrdreg $0x67700  }
0xb1: {  	[dreg:$0x5] =	wrdreg $0x9  }
0xb2: {  	_ =	task.clear_ibuf [dreg:s7], $0x6FFFF;
	_ =	strace $0x90000049  }
0xb3: {  	s29 =	simm.s32 $0x9;
	_ =	strace $0x8000004B  }
0xb4: {  	_ =	swait.ge [sflag:s29], $0x1  }
0xb5: {  	[sflag:s29] =	ssyncadd.s32 $0xFFFFFFFF  }
0xb6: {  	_ =	strace $0x9000004B  }
0xb7: {  	_ =	sfence  }
0xb8: {  	s30 =	sld [smem:$0x0];
	_ =	sdelay $0x2  }
0xb9: {  	s31 =	sshll.u32 s1, $0xD;
	s1 =	sshrl.u32 s1, $0x2  }
0xba: {  	s3 =	sand.u32 $0x4000, s31;
	s1 =	sadd.s32 s1, s30  }
0xbb: {  	s0 =	sor.u32 s3, s0;
	s1 =	sshll.u32 s1, $0x11  }
0xbc: {  	s0 =	sor.u32 s1, s0  }
0xbd: {  	s0 =	sadd.s32 $0x8F2B, s0  }
0xbe: {  	[sflag:s0] =	ssyncadd.remote.s32 $0x1  }
0xbf: {  	_ =	sfence.sel $0xFFFF  }
0xc0: {  	[dreg:$0x0] =	wrdreg $0xFFFFFFFF;
	(pc) =	sbr.abs _section_cstart, $3  }
0xc1: {  	[dreg:$0x1] =	wrdreg $0xFFFFFFFF  }
0xc2: {  	_ =	task.clear_ibuf [dreg:s7], $0x2FFFF;
	_ =	strace $0x9FFFFFFF  }
0xc3: {  	(tm) =	ssettm $0x7FFFFFFF  }
tec
execute0_lowered:
.L_overlay_start_1:
0x0: {  	(tag) =	ssettag $0x1  }
0x1: {  	s0 =	rddreg [dreg:$0x0]  }
0x2: {  	s1 =	rddreg [dreg:$0x1]  }
0x3: {  	s2 =	rddreg [dreg:$0x2];
	s3 =	srdreg.scid;
	s4 =	simm.s32 $0x0  }
0x4: {  	s28 =	simm.s32 $0x1770;
	s29 =	simm.s32 $0x5;
	s30 =	simm.s32 $0x7D0  }
0x5: {  	s31 =	simm.s32 $0xFA0;
	s3 =	sand.u32 $0x1, s3;
	[smem:$0x7FF] =	sst s4  }
0x6: {  	s4 =	stileid.u32;
	s5 =	sadd.s32 $0x3000, s0;
	s6 =	ssub.s32 $0x2, s3  }
0x7: {  	s9 =	sadd.s32 $0x16C00, s0;
	s8 =	smul.u32 $0x13880, s4;
	s7 =	sshrl.u32 s6, $0x1  }
0x8: {  	_ =	strace $0x8000004A;
	s6 =	ssub.s32 s6, s7;
	s7 =	sshll.u32 s3, $0x4  }
0x9: {  	s10 =	sadd.s32 $0x2800, s8;
	s3 =	smul.u32 $0x138800, s3;
	s11 =	sadd.s32 $0x5000, s8  }
0xa: {  	s12 =	sadd.s32 $0x7800, s8;
	s13 =	sadd.s32 $0xA000, s8;
	s16 =	sadd.s32 $0xC800, s8  }
0xb: {  	s17 =	sadd.s32 $0xF000, s8;
	s18 =	sadd.s32 $0x11800, s8;
	s14 =	sadd.s32 s8, s3  }
0xc: {  	s15 =	sadd.s32 s3, s10;
	s20 =	sadd.s32 s3, s11;
	s21 =	sadd.s32 s3, s12  }
0xd: {  	s24 =	sadd.s32 s3, s16;
	s25 =	sadd.s32 s3, s17;
	s17 =	sadd.s32 s17, s2  }
0xe: {  	s14 =	sshrl.u32 s14, $0x3;
	s15 =	sshrl.u32 s15, $0x3;
	[dreg:$0x12] =	wrdreg s17  }
0xf: {  	s14 =	sadd.s32 s9, s14;
	s19 =	sadd.s32 s9, s15;
	s15 =	sshrl.u32 s21, $0x3  }
0x10: {  	s21 =	sadd.s32 s11, s2;
	s11 =	simm.s32 $0xF50;
	[dreg:$0x4] =	wrdreg s14  }
0x11: {  	[dreg:$0x5] =	wrdreg s19;
	s19 =	sadd.s32 s3, s13;
	s14 =	sshrl.u32 s20, $0x3  }
0x12: {  	s22 =	sadd.s32 s9, s15;
	s3 =	sadd.s32 s3, s18;
	s15 =	sshrl.u32 s25, $0x3  }
0x13: {  	s20 =	sadd.s32 s10, s2;
	s18 =	sadd.s32 s18, s2;
	[dreg:$0xe] =	wrdreg s21  }
0x14: {  	s10 =	simm.s32 $0x4;
	s19 =	sshrl.u32 s19, $0x3;
	[dreg:$0x7] =	wrdreg s22  }
0x15: {  	s14 =	sadd.s32 s9, s14;
	s3 =	sshrl.u32 s3, $0x3;
	[dreg:$0xd] =	wrdreg s20  }
0x16: {  	s26 =	sadd.s32 s9, s15;
	s15 =	sadd.s32 $0x82C00, s0;
	[dreg:$0x13] =	wrdreg s18  }
0x17: {  	s22 =	sadd.s32 s12, s2;
	s12 =	simm.s32 $0x0;
	[dreg:$0x6] =	wrdreg s14  }
0x18: {  	s23 =	sadd.s32 s9, s19;
	s14 =	sshrl.u32 s24, $0x3;
	[dreg:$0xa] =	wrdreg s26  }
0x19: {  	s3 =	sadd.s32 s9, s3;
	s19 =	sadd.s32 s8, s2;
	[dreg:$0xf] =	wrdreg s22  }
0x1a: {  	s26 =	sadd.s32 s16, s2;
	s16 =	smax.u32 s6, $0x1;
	[dreg:$0x8] =	wrdreg s23  }
0x1b: {  	s6 =	simm.s32 $0x1;
	s8 =	simm.s32 $0x3;
	[dreg:$0xb] =	wrdreg s3  }
0x1c: {  	s14 =	sadd.s32 s9, s14;
	s9 =	sor.u32 s4, s7;
	[dreg:$0x14] =	wrdreg s16  }
0x1d: {  	s23 =	sadd.s32 s13, s2;
	s3 =	simm.s32 $0x3F70;
	[dreg:$0xc] =	wrdreg s19  }
0x1e: {  	s7 =	simm.s32 $0x2;
	[dreg:$0x11] =	wrdreg s26;
	s24 =	smul.u32 $0x7D, s9  }
0x1f: {  	[dreg:$0x9] =	wrdreg s14;
	s14 =	sadd.s32 $0xCE00, s0;
	s25 =	smul.u32 $0x2710, s9  }
0x20: {  	v0 =	vimm.f32 $0.0e+00;
	s0 =	simm.s32 $0x50;
	s9 =	simm.s32 $0x780;
	[dreg:$0x10] =	wrdreg s23  }
.LBB2_1:
0x21: {  	s13 =	simm.s32 $0x0;
	s16 =	simm.s32 $0x200  }
.LBB2_2:
0x22: {  	p0 =	sne.s32 s16, $0x9E00;
	[tilespmem:s13+$0x17E0] =	vst v0  }
0x23: {  	[tilespmem:s13+$0x1770] =	vst v0  }
0x24: {  	[tilespmem:s13+$0x1780] =	vst v0  }
.Ltmp0:
0x25: {  	[tilespmem:s13+$0x1790] =	vst v0;
	(pc) =	sbr.rel @p0 .LBB2_2-.Ltmp0, $4  }
0x26: {  	[tilespmem:s13+$0x17A0] =	vst v0  }
0x27: {  	[tilespmem:s13+$0x17B0] =	vst v0  }
0x28: {  	[tilespmem:s13+$0x17C0] =	vst v0  }
0x29: {  	[tilespmem:s13+$0x17D0] =	vst v0;
	s13 =	sshra.s32 s16, $0x2;
	s16 =	sadd.s32 $0x200, s16  }
0x2a: {  	[tilespmem:s13+$0x17E0] =	vst v0  }
0x2b: {  	[tilespmem:s13+$0x1770] =	vst v0  }
0x2c: {  	[tilespmem:s13+$0x1780] =	vst v0  }
0x2d: {  	[tilespmem:s13+$0x1790] =	vst v0  }
0x2e: {  	[tilespmem:s13+$0x17A0] =	vst v0  }
0x2f: {  	[tilespmem:s13+$0x17B0] =	vst v0  }
0x30: {  	[tilespmem:s13+$0x17C0] =	vst v0  }
0x31: {  	[tilespmem:s13+$0x17D0] =	vst v0  }
0x32: {  	[spmem:s19] =	stream.linear.scatter [tilespmem:s28], [sflag:$0x5], $0x2800, $0x38;
	[tilespmem:$0x19FF0] =	vst v63  }
0x33: {  	_ =	swait.ge [sflag:s29], $0x2800  }
0x34: {  	[sflag:s29] =	ssyncset.done $0x0  }
0x35: {  	[sflag:s29] =	ssyncadd.s32 $0xFFFFD800  }
0x36: {  	[spmem:s20] =	stream.linear.scatter [tilespmem:s28], [sflag:$0x5], $0x2800, $0x38;
	[tilespmem:$0x19FF0] =	vst v63  }
0x37: {  	_ =	swait.ge [sflag:s29], $0x2800  }
0x38: {  	[sflag:s29] =	ssyncset.done $0x0  }
0x39: {  	[sflag:s29] =	ssyncadd.s32 $0xFFFFD800  }
0x3a: {  	[spmem:s21] =	stream.linear.scatter [tilespmem:s28], [sflag:$0x5], $0x2800, $0x38;
	[tilespmem:$0x19FF0] =	vst v63  }
0x3b: {  	_ =	swait.ge [sflag:s29], $0x2800  }
0x3c: {  	[sflag:s29] =	ssyncset.done $0x0  }
0x3d: {  	[sflag:s29] =	ssyncadd.s32 $0xFFFFD800  }
0x3e: {  	[spmem:s22] =	stream.linear.scatter [tilespmem:s28], [sflag:$0x5], $0x2800, $0x38;
	[tilespmem:$0x19FF0] =	vst v63  }
0x3f: {  	_ =	swait.ge [sflag:s29], $0x2800  }
0x40: {  	[sflag:s29] =	ssyncset.done $0x0  }
0x41: {  	[sflag:s29] =	ssyncadd.s32 $0xFFFFD800  }
0x42: {  	[spmem:s23] =	stream.linear.scatter [tilespmem:s28], [sflag:$0x5], $0x2800, $0x38;
	[tilespmem:$0x19FF0] =	vst v63  }
0x43: {  	_ =	swait.ge [sflag:s29], $0x2800  }
0x44: {  	[sflag:s29] =	ssyncset.done $0x0  }
0x45: {  	[sflag:s29] =	ssyncadd.s32 $0xFFFFD800  }
0x46: {  	[spmem:s26] =	stream.linear.scatter [tilespmem:s28], [sflag:$0x5], $0x2800, $0x38;
	[tilespmem:$0x19FF0] =	vst v63  }
0x47: {  	_ =	swait.ge [sflag:s29], $0x2800  }
0x48: {  	[sflag:s29] =	ssyncset.done $0x0  }
0x49: {  	[sflag:s29] =	ssyncadd.s32 $0xFFFFD800  }
0x4a: {  	[spmem:s17] =	stream.linear.scatter [tilespmem:s28], [sflag:$0x5], $0x2800, $0x38;
	[tilespmem:$0x19FF0] =	vst v63  }
0x4b: {  	_ =	swait.ge [sflag:s29], $0x2800  }
0x4c: {  	[sflag:s29] =	ssyncset.done $0x0  }
0x4d: {  	[sflag:s29] =	ssyncadd.s32 $0xFFFFD800  }
0x4e: {  	[spmem:s18] =	stream.linear.scatter [tilespmem:s28], [sflag:$0x5], $0x2080, $0x38;
	[tilespmem:$0x19FF0] =	vst v63  }
0x4f: {  	_ =	swait.ge [sflag:s29], $0x2080  }
0x50: {  	[sflag:s29] =	ssyncset.done $0x0  }
0x51: {  	[sflag:s29] =	ssyncadd.s32 $0xFFFFDF80  }
0x52: {  	s13 =	simm.s32 $0x0;
	s26 =	simm.s32 $0x0;
	[bflag:$0x0] =	sbarrier.arrive $0xFFFF  }
.LBB2_4:
0x53: {  	s16 =	smul.u32 $0x19, s26;
	_ =	sdelay $0x1  }
0x54: {  	s16 =	sadd.s32 s24, s16  }
0x55: {  	s16 =	smul.u32 $0xA, s16;
	_ =	sdelay $0x1  }
0x56: {  	s17 =	sadd.s32 s5, s16  }
0x57: {  	[tilespmem:s13], [sflag:$0x5] =	stream.linear.gather [hbm4b:s17+s13], $0x7D0, $0x38;
	[tilespmem:$0x19FF0] =	vst v63  }
0x58: {  	_ =	swait.ge [sflag:s29], $0x7D0  }
0x59: {  	[sflag:s29] =	ssyncset.done $0x0  }
0x5a: {  	s22 =	smul.u32 $0x7D0, s26;
	s16 =	sadd.s32 s14, s16;
	[sflag:s29] =	ssyncadd.s32 $0xFFFFF830  }
0x5b: {  	[tilespmem:s30], [sflag:$0x5] =	stream.linear.gather [hbm4b:s16+s13], $0x7D0, $0x38;
	[tilespmem:$0x19FF0] =	vst v63  }
0x5c: {  	s23 =	sadd.s32 s25, s22;
	_ =	swait.ge [sflag:s29], $0x7D0  }
0x5d: {  	s16 =	sshrl.u32 s23, $0x3;
	[sflag:s29] =	ssyncset.done $0x0  }
0x5e: {  	s16 =	sadd.s32 s15, s16;
	[sflag:s29] =	ssyncadd.s32 $0xFFFFF830  }
0x5f: {  	[tilespmem:s31], [sflag:$0x5] =	stream.linear.gather [hbm4b:s16+s13], $0x7D0, $0x38;
	[tilespmem:$0x19FF0] =	vst v63  }
0x60: {  	_ =	swait.ge [sflag:s29], $0x7D0  }
0x61: {  	[sflag:s29] =	ssyncset.done $0x0  }
0x62: {  	s17 =	simm.s32 $0x0;
	s16 =	simm.s32 $0x0;
	[sflag:s29] =	ssyncadd.s32 $0xFFFFF830  }
0x63: {  	[tilespmem:s28], [sflag:$0x1] =	stream.indirect.gather [hbm4b:s1+s0], $0x80, s13, s0, $0xb8;
	[tilespmem:$0x19FF0] =	vst v63  }
.LBB2_5:
0x64: {  	p0 =	seq.s32 s17, $0x0  }
0x65: {  	s19 =	simm.s32 @!p0 $0x4  }
0x66: {  	s20 =	sadd.s32 $0xFFFFFFFC, s16;
	s22 =	smul.u32 $0xA0, s17;
	_ =	swait.ge @!p0 [sflag:s19], $0x2800  }
0x67: {  	s18 =	sadd.s32 $0x6, s20;
	[sflag:s19] =	ssyncset.done @!p0 $0x0  }
0x68: {  	s21 =	sadd.s32 $0x4, s20;
	v1 =	vmov s18;
	s18 =	sadd.s32 $0x50, s22;
	[sflag:s19] =	ssyncadd.s32 @!p0 $0xFFFFD800  }
0x69: {  	v2 =	vmov s21;
	[tilespmem:s3], [sflag:$0x2] =	stream.indirect.gather [hbm4b:s1+s0], $0x80, s18, s0, $0xb8;
	[tilespmem:$0x19FF0] =	vst v63  }
0x6a: {  	v2 =	vand.u32 $0xFFFFFFFC, v2;
	_ =	swait.ge [sflag:s6], $0x2800  }
0x6b: {  	v1 =	vand.u32 $0xFFFFFFFE, v1;
	v2 =	vbroadcast v2, $0x0;
	[sflag:s6] =	ssyncset.done $0x0  }
0x6c: {  	v1 =	vbroadcast v1, $0x0;
	s19 =	simm.s32 $0x1870;
	[sflag:s6] =	ssyncadd.s32 $0xFFFFD800  }
0x6d: {  	v3 =	vld [tilespmem:s19+$0x70]  }
0x6e: {  	v5 =	vld [tilespmem:s19+$0xFFFFFF00]  }
0x6f: {  	s23 =	sadd.s32 $0x5, s20;
	v6 =	vld [tilespmem:s19+$0xFFFFFF10]  }
0x70: {  	v4 =	vmov s23;
	v7 =	vld [tilespmem:s19+$0xFFFFFF20]  }
0x71: {  	v4 =	vand.u32 $0xFFFFFFFD, v4;
	v2 =	vld.idx.msk [tilespmem:v2+s31+$0x0], $0xffff  }
0x72: {  	v4 =	vbroadcast v4, $0x0;
	v1 =	vld.idx.msk [tilespmem:v1+s31+$0x0], $0xffff  }
0x73: {  	v8 =	vld [tilespmem:s19+$0xFFFFFF30]  }
0x74: {  	v9 =	vld [tilespmem:s19+$0xFFFFFF40]  }
0x75: {  	v10 =	vld [tilespmem:s19+$0xFFFFFF50]  }
0x76: {  	v11 =	vld [tilespmem:s19+$0xFFFFFF60];
	v5 =	vmul.f32 v5, v2  }
0x77: {  	v13 =	vld [tilespmem:s19+$0xFFFFFFD0];
	v3 =	vmul.f32 v3, v1  }
0x78: {  	v4 =	vld.idx.msk [tilespmem:v4+s31+$0x0], $0xffff;
	[tilespmem:s19+$0xFFFFFF00] =	vst v5;
	v5 =	vmul.f32 v6, v2  }
0x79: {  	v6 =	vld [tilespmem:s19+$0xFFFFFF70];
	[tilespmem:s19+$0x70] =	vst v3;
	v3 =	vmul.f32 v7, v2  }
0x7a: {  	s20 =	sadd.s32 $0x7, s20;
	v7 =	vld [tilespmem:s19+$0xFFFFFF80];
	[tilespmem:s19+$0xFFFFFF10] =	vst v5;
	v5 =	vmul.f32 v8, v2  }
0x7b: {  	v12 =	vmov s20;
	v8 =	vld [tilespmem:s19+$0xFFFFFF90];
	[tilespmem:s19+$0xFFFFFF20] =	vst v3;
	v3 =	vmul.f32 v9, v2  }
0x7c: {  	v9 =	vld [tilespmem:s19+$0xFFFFFFA0];
	[tilespmem:s19+$0xFFFFFF30] =	vst v5;
	v5 =	vmul.f32 v10, v2  }
0x7d: {  	v10 =	vld [tilespmem:s19+$0xFFFFFFB0];
	[tilespmem:s19+$0xFFFFFF40] =	vst v3;
	v3 =	vmul.f32 v11, v2  }
0x7e: {  	v11 =	vld [tilespmem:s19+$0xFFFFFFC0];
	v6 =	vmul.f32 v6, v2;
	[tilespmem:s19+$0xFFFFFF50] =	vst v5  }
0x7f: {  	v14 =	vld [tilespmem:s19+$0xFFFFFFE0];
	v5 =	vmul.f32 v7, v4;
	[tilespmem:s19+$0xFFFFFF60] =	vst v3  }
0x80: {  	v2 =	vld.idx.msk [tilespmem:v12+s31+$0x0], $0xffff;
	v3 =	vmul.f32 v8, v4;
	[tilespmem:s19+$0xFFFFFF70] =	vst v6  }
0x81: {  	v8 =	vld [tilespmem:s19+$0xFFFFFFF0];
	[tilespmem:s19+$0xFFFFFF80] =	vst v5;
	v5 =	vmul.f32 v9, v4  }
0x82: {  	v7 =	vld [tilespmem:s19+$0x0];
	[tilespmem:s19+$0xFFFFFF90] =	vst v3;
	v3 =	vmul.f32 v10, v4  }
0x83: {  	v6 =	vld [tilespmem:s19+$0x10];
	v9 =	vmul.f32 v11, v4;
	[tilespmem:s19+$0xFFFFFFA0] =	vst v5  }
0x84: {  	v10 =	vmul.f32 v13, v4;
	v5 =	vld [tilespmem:s19+$0x20];
	[tilespmem:s19+$0xFFFFFFB0] =	vst v3  }
0x85: {  	[tilespmem:s19+$0xFFFFFFC0] =	vst v9;
	v3 =	vld [tilespmem:s19+$0x30];
	v9 =	vmul.f32 v14, v4  }
0x86: {  	s21 =	simm.s32 $0x0;
	s20 =	simm.s32 $0x1870;
	[tilespmem:s19+$0xFFFFFFD0] =	vst v10;
	v8 =	vmul.f32 v8, v4;
	v4 =	vld [tilespmem:s19+$0x40]  }
.LBB2_6:
0x87: {  	s22 =	sadd.s32 s21, s16;
	s21 =	sadd.s32 $0x4, s21;
	[tilespmem:s19+$0xFFFFFFE0] =	vst v9;
	v7 =	vmul.f32 v7, v1;
	v9 =	vld [tilespmem:s19+$0x50]  }
0x88: {  	s23 =	sadd.s32 $0x4, s22;
	s4 =	sadd.s32 $0x6, s22;
	p0 =	slt.u32 s21, $0x4C;
	[tilespmem:s19+$0xFFFFFFF0] =	vst v8;
	v6 =	vmul.f32 v6, v1;
	v8 =	vld [tilespmem:s19+$0x60]  }
0x89: {  	v10 =	vmov s23;
	s23 =	sadd.s32 $0x5, s22;
	v11 =	vmov s4;
	s4 =	sadd.s32 $0x7, s22;
	[tilespmem:s19+$0x0] =	vst v7;
	v5 =	vmul.f32 v5, v1;
	v7 =	vld [tilespmem:s19+$0x80]  }
0x8a: {  	v10 =	vand.u32 $0xFFFFFFFC, v10;
	v12 =	vmov s23;
	v11 =	vand.u32 $0xFFFFFFFE, v11;
	[tilespmem:s19+$0x10] =	vst v6;
	v6 =	vld [tilespmem:s19+$0x90]  }
0x8b: {  	v10 =	vbroadcast v10, $0x0;
	v12 =	vand.u32 $0xFFFFFFFD, v12;
	v11 =	vbroadcast v11, $0x0;
	[tilespmem:s19+$0x20] =	vst v5;
	v5 =	vld [tilespmem:s19+$0xA0]  }
0x8c: {  	v13 =	vmov s4;
	v3 =	vmul.f32 v3, v1;
	v12 =	vbroadcast v12, $0x0;
	v14 =	vld [tilespmem:s19+$0xB0]  }
0x8d: {  	v4 =	vmul.f32 v4, v1;
	v9 =	vmul.f32 v9, v1;
	v15 =	vld [tilespmem:s19+$0xC0]  }
0x8e: {  	[tilespmem:s19+$0x30] =	vst v3;
	v3 =	vmul.f32 v8, v1;
	v7 =	vmul.f32 v7, v2;
	v8 =	vld [tilespmem:s19+$0xD0]  }
0x8f: {  	[tilespmem:s19+$0x40] =	vst v4;
	v4 =	vmul.f32 v6, v2;
	v6 =	vld [tilespmem:s19+$0xE0]  }
0x90: {  	[tilespmem:s19+$0x50] =	vst v9;
	v5 =	vmul.f32 v5, v2;
	v9 =	vld [tilespmem:s19+$0xF0]  }
0x91: {  	s19 =	sadd.s32 $0x200, s19;
	v1 =	vld.idx.msk [tilespmem:v11+s31+$0x0], $0xffff;
	[tilespmem:s20+$0x60] =	vst v3;
	v3 =	vmul.f32 v14, v2  }
0x92: {  	v11 =	vld [tilespmem:s19+$0x70];
	[tilespmem:s20+$0x80] =	vst v7;
	v7 =	vmul.f32 v15, v2  }
0x93: {  	v10 =	vld.idx.msk [tilespmem:v10+s31+$0x0], $0xffff;
	[tilespmem:s20+$0x90] =	vst v4;
	v4 =	vmul.f32 v8, v2  }
0x94: {  	v8 =	vld.idx.msk [tilespmem:v12+s31+$0x0], $0xffff;
	[tilespmem:s20+$0xA0] =	vst v5;
	v5 =	vmul.f32 v6, v2  }
0x95: {  	[tilespmem:s20+$0xB0] =	vst v3;
	v3 =	vmul.f32 v9, v2;
	v2 =	vld.idx.msk [tilespmem:v13+s31+$0x0], $0xffff  }
0x96: {  	v6 =	vld [tilespmem:s19+$0xFFFFFF00];
	[tilespmem:s20+$0xC0] =	vst v7  }
0x97: {  	v7 =	vld [tilespmem:s19+$0xFFFFFF10];
	v9 =	vmul.f32 v11, v1;
	[tilespmem:s20+$0xD0] =	vst v4  }
0x98: {  	v4 =	vld [tilespmem:s19+$0xFFFFFF20];
	[tilespmem:s20+$0xE0] =	vst v5  }
0x99: {  	v5 =	vld [tilespmem:s19+$0xFFFFFF30];
	[tilespmem:s19+$0x70] =	vst v9  }
0x9a: {  	v9 =	vld [tilespmem:s19+$0xFFFFFF40];
	[tilespmem:s20+$0xF0] =	vst v3;
	s20 =	smov.u32 s19  }
0x9b: {  	v3 =	vmul.f32 v6, v10;
	v6 =	vld [tilespmem:s19+$0xFFFFFF50]  }
0x9c: {  	v7 =	vmul.f32 v7, v10;
	v11 =	vld [tilespmem:s19+$0xFFFFFF60]  }
0x9d: {  	[tilespmem:s19+$0xFFFFFF00] =	vst v3;
	v3 =	vmul.f32 v4, v10;
	v4 =	vld [tilespmem:s19+$0xFFFFFF70]  }
0x9e: {  	[tilespmem:s19+$0xFFFFFF10] =	vst v7;
	v5 =	vmul.f32 v5, v10;
	v7 =	vld [tilespmem:s19+$0xFFFFFF80]  }
0x9f: {  	[tilespmem:s19+$0xFFFFFF20] =	vst v3;
	v3 =	vmul.f32 v9, v10;
	v9 =	vld [tilespmem:s19+$0xFFFFFF90]  }
0xa0: {  	[tilespmem:s19+$0xFFFFFF30] =	vst v5;
	v5 =	vmul.f32 v6, v10;
	v6 =	vld [tilespmem:s19+$0xFFFFFFA0]  }
0xa1: {  	[tilespmem:s19+$0xFFFFFF40] =	vst v3;
	v3 =	vmul.f32 v11, v10;
	v11 =	vld [tilespmem:s19+$0xFFFFFFB0]  }
0xa2: {  	[tilespmem:s19+$0xFFFFFF50] =	vst v5;
	v4 =	vmul.f32 v4, v10;
	v5 =	vld [tilespmem:s19+$0xFFFFFFC0]  }
0xa3: {  	[tilespmem:s19+$0xFFFFFF60] =	vst v3;
	v3 =	vmul.f32 v7, v8;
	v10 =	vld [tilespmem:s19+$0xFFFFFFD0]  }
0xa4: {  	[tilespmem:s19+$0xFFFFFF70] =	vst v4;
	v4 =	vmul.f32 v9, v8;
	v9 =	vld [tilespmem:s19+$0xFFFFFFE0]  }
0xa5: {  	[tilespmem:s19+$0xFFFFFF80] =	vst v3;
	v3 =	vmul.f32 v6, v8;
	v12 =	vld [tilespmem:s19+$0xFFFFFFF0]  }
.Ltmp1:
0xa6: {  	[tilespmem:s19+$0xFFFFFF90] =	vst v4;
	v4 =	vmul.f32 v11, v8;
	v7 =	vld [tilespmem:s19+$0x0];
	(pc) =	sbr.rel @p0 .LBB2_6-.Ltmp1, $4  }
0xa7: {  	[tilespmem:s19+$0xFFFFFFA0] =	vst v3;
	v3 =	vmul.f32 v5, v8;
	v6 =	vld [tilespmem:s19+$0x10]  }
0xa8: {  	[tilespmem:s19+$0xFFFFFFB0] =	vst v4;
	v4 =	vmul.f32 v10, v8;
	v5 =	vld [tilespmem:s19+$0x20]  }
0xa9: {  	[tilespmem:s19+$0xFFFFFFC0] =	vst v3;
	v9 =	vmul.f32 v9, v8;
	v3 =	vld [tilespmem:s19+$0x30]  }
0xaa: {  	[tilespmem:s19+$0xFFFFFFD0] =	vst v4;
	v8 =	vmul.f32 v12, v8;
	v4 =	vld [tilespmem:s19+$0x40]  }
0xab: {  	v10 =	vld [tilespmem:s19+$0x50];
	[tilespmem:s19+$0xFFFFFFE0] =	vst v9;
	v7 =	vmul.f32 v7, v1  }
0xac: {  	v9 =	vld [tilespmem:s19+$0x60];
	[tilespmem:s19+$0xFFFFFFF0] =	vst v8;
	v6 =	vmul.f32 v6, v1  }
0xad: {  	v8 =	vld [tilespmem:s19+$0x80];
	[tilespmem:s19+$0x0] =	vst v7;
	v5 =	vmul.f32 v5, v1  }
0xae: {  	v7 =	vld [tilespmem:s19+$0x90];
	[tilespmem:s19+$0x10] =	vst v6;
	v3 =	vmul.f32 v3, v1  }
0xaf: {  	v6 =	vld [tilespmem:s19+$0xA0];
	[tilespmem:s19+$0x20] =	vst v5;
	v4 =	vmul.f32 v4, v1  }
0xb0: {  	v5 =	vld [tilespmem:s19+$0xB0];
	v10 =	vmul.f32 v10, v1;
	[tilespmem:s19+$0x30] =	vst v3  }
0xb1: {  	v11 =	vld [tilespmem:s19+$0xC0];
	v1 =	vmul.f32 v9, v1;
	[tilespmem:s19+$0x40] =	vst v4  }
0xb2: {  	v3 =	vld [tilespmem:s19+$0xD0];
	v4 =	vmul.f32 v8, v2;
	[tilespmem:s19+$0x50] =	vst v10  }
0xb3: {  	v8 =	vld [tilespmem:s19+$0xE0];
	v7 =	vmul.f32 v7, v2;
	[tilespmem:s20+$0x60] =	vst v1  }
0xb4: {  	v9 =	vld [tilespmem:s19+$0xF0];
	v1 =	vmul.f32 v6, v2;
	[tilespmem:s20+$0x80] =	vst v4  }
0xb5: {  	v4 =	vmul.f32 v5, v2;
	[tilespmem:s20+$0x90] =	vst v7  }
0xb6: {  	v5 =	vmul.f32 v11, v2;
	[tilespmem:s20+$0xA0] =	vst v1  }
0xb7: {  	v1 =	vmul.f32 v3, v2;
	[tilespmem:s20+$0xB0] =	vst v4  }
0xb8: {  	s4 =	smul.u32 $0x280, s17;
	v3 =	vmul.f32 v8, v2;
	[tilespmem:s20+$0xC0] =	vst v5  }
0xb9: {  	v2 =	vmul.f32 v9, v2;
	[tilespmem:s20+$0xD0] =	vst v1  }
0xba: {  	s22 =	sshra.s32 s4, $0x2;
	[tilespmem:s20+$0xE0] =	vst v3  }
0xbb: {  	p0 =	seq.s32 s17, $0xB;
	s19 =	sadd.s32 $0x7D0, s22;
	[tilespmem:s20+$0xF0] =	vst v2  }
0xbc: {  	[spmem:s2] =	stream.indirect.scatter.add.f32 [tilespmem:s28], [sflag:$0x3], $0x80, s19, s0, $0xb8;
	[tilespmem:$0x19FF0] =	vst v63  }
0xbd: {  	s4 =	sshra.s32 @!p0 s4, $0x2;
	s19 =	simm.s32 @!p0 $0x3  }
0xbe: {  	s4 =	sadd.s32 @!p0 $0xA0, s4;
	s20 =	sadd.s32 $0xFFFFFFFC, s16;
	_ =	swait.ge @!p0 [sflag:s19], $0x2800  }
0xbf: {  	s21 =	sadd.s32 $0x56, s20;
	s23 =	sadd.s32 $0x54, s20;
	[sflag:s19] =	ssyncset.done @!p0 $0x0  }
0xc0: {  	v1 =	vmov s21;
	s21 =	simm.s32 @!p0 $0x1770;
	[sflag:s19] =	ssyncadd.s32 @!p0 $0xFFFFD800;
	s19 =	simm.s32 @!p0 $0x50  }
0xc1: {  	v2 =	vmov s23;
	[tilespmem:s21], [sflag:$0x1] =	stream.indirect.gather @!p0 [hbm4b:s1+s19], $0x80, s4, s19, $0xb8;
	[tilespmem:$0x19FF0] =	vst v63  }
0xc2: {  	v2 =	vand.u32 $0xFFFFFFFC, v2;
	_ =	swait.ge [sflag:s7], $0x2800  }
0xc3: {  	v1 =	vand.u32 $0xFFFFFFFE, v1;
	v2 =	vbroadcast v2, $0x0;
	[sflag:s7] =	ssyncset.done $0x0  }
0xc4: {  	v1 =	vbroadcast v1, $0x0;
	s19 =	simm.s32 $0x4070;
	[sflag:s7] =	ssyncadd.s32 $0xFFFFD800  }
0xc5: {  	v3 =	vld [tilespmem:s19+$0x70]  }
0xc6: {  	v5 =	vld [tilespmem:s19+$0xFFFFFF00]  }
0xc7: {  	s22 =	sadd.s32 $0x55, s20;
	v6 =	vld [tilespmem:s19+$0xFFFFFF10]  }
0xc8: {  	v4 =	vmov s22;
	v7 =	vld [tilespmem:s19+$0xFFFFFF20]  }
0xc9: {  	v4 =	vand.u32 $0xFFFFFFFD, v4;
	v2 =	vld.idx.msk [tilespmem:v2+s31+$0x0], $0xffff  }
0xca: {  	v4 =	vbroadcast v4, $0x0;
	v1 =	vld.idx.msk [tilespmem:v1+s31+$0x0], $0xffff  }
0xcb: {  	v8 =	vld [tilespmem:s19+$0xFFFFFF30]  }
0xcc: {  	v9 =	vld [tilespmem:s19+$0xFFFFFF40]  }
0xcd: {  	v10 =	vld [tilespmem:s19+$0xFFFFFF50]  }
0xce: {  	v11 =	vld [tilespmem:s19+$0xFFFFFF60];
	v5 =	vmul.f32 v5, v2  }
0xcf: {  	v13 =	vld [tilespmem:s19+$0xFFFFFFD0];
	v3 =	vmul.f32 v3, v1  }
0xd0: {  	v4 =	vld.idx.msk [tilespmem:v4+s31+$0x0], $0xffff;
	[tilespmem:s19+$0xFFFFFF00] =	vst v5;
	v5 =	vmul.f32 v6, v2  }
0xd1: {  	v6 =	vld [tilespmem:s19+$0xFFFFFF70];
	[tilespmem:s19+$0x70] =	vst v3;
	v3 =	vmul.f32 v7, v2  }
0xd2: {  	s23 =	sadd.s32 $0x57, s20;
	v7 =	vld [tilespmem:s19+$0xFFFFFF80];
	[tilespmem:s19+$0xFFFFFF10] =	vst v5;
	v5 =	vmul.f32 v8, v2  }
0xd3: {  	v12 =	vmov s23;
	v8 =	vld [tilespmem:s19+$0xFFFFFF90];
	[tilespmem:s19+$0xFFFFFF20] =	vst v3;
	v3 =	vmul.f32 v9, v2  }
0xd4: {  	v9 =	vld [tilespmem:s19+$0xFFFFFFA0];
	[tilespmem:s19+$0xFFFFFF30] =	vst v5;
	v5 =	vmul.f32 v10, v2  }
0xd5: {  	v10 =	vld [tilespmem:s19+$0xFFFFFFB0];
	[tilespmem:s19+$0xFFFFFF40] =	vst v3;
	v3 =	vmul.f32 v11, v2  }
0xd6: {  	v11 =	vld [tilespmem:s19+$0xFFFFFFC0];
	v6 =	vmul.f32 v6, v2;
	[tilespmem:s19+$0xFFFFFF50] =	vst v5  }
0xd7: {  	v14 =	vld [tilespmem:s19+$0xFFFFFFE0];
	v5 =	vmul.f32 v7, v4;
	[tilespmem:s19+$0xFFFFFF60] =	vst v3  }
0xd8: {  	v2 =	vld.idx.msk [tilespmem:v12+s31+$0x0], $0xffff;
	v3 =	vmul.f32 v8, v4;
	[tilespmem:s19+$0xFFFFFF70] =	vst v6  }
0xd9: {  	v8 =	vld [tilespmem:s19+$0xFFFFFFF0];
	[tilespmem:s19+$0xFFFFFF80] =	vst v5;
	v5 =	vmul.f32 v9, v4  }
0xda: {  	v7 =	vld [tilespmem:s19+$0x0];
	[tilespmem:s19+$0xFFFFFF90] =	vst v3;
	v3 =	vmul.f32 v10, v4  }
0xdb: {  	v6 =	vld [tilespmem:s19+$0x10];
	v9 =	vmul.f32 v11, v4;
	[tilespmem:s19+$0xFFFFFFA0] =	vst v5  }
0xdc: {  	v10 =	vmul.f32 v13, v4;
	v5 =	vld [tilespmem:s19+$0x20];
	[tilespmem:s19+$0xFFFFFFB0] =	vst v3  }
0xdd: {  	[tilespmem:s19+$0xFFFFFFC0] =	vst v9;
	v3 =	vld [tilespmem:s19+$0x30];
	v9 =	vmul.f32 v14, v4  }
0xde: {  	s20 =	simm.s32 $0x4070;
	s21 =	simm.s32 $0x0;
	[tilespmem:s19+$0xFFFFFFD0] =	vst v10;
	v8 =	vmul.f32 v8, v4;
	v4 =	vld [tilespmem:s19+$0x40]  }
.LBB2_8:
0xdf: {  	s4 =	sadd.s32 s21, s16;
	s21 =	sadd.s32 $0x4, s21;
	[tilespmem:s19+$0xFFFFFFE0] =	vst v9;
	v7 =	vmul.f32 v7, v1;
	v9 =	vld [tilespmem:s19+$0x50]  }
0xe0: {  	s22 =	sadd.s32 $0x54, s4;
	s23 =	sadd.s32 $0x56, s4;
	p0 =	slt.u32 s21, $0x4C;
	[tilespmem:s19+$0xFFFFFFF0] =	vst v8;
	v6 =	vmul.f32 v6, v1;
	v8 =	vld [tilespmem:s19+$0x60]  }
0xe1: {  	v10 =	vmov s22;
	s22 =	sadd.s32 $0x55, s4;
	v11 =	vmov s23;
	s4 =	sadd.s32 $0x57, s4;
	[tilespmem:s19+$0x0] =	vst v7;
	v5 =	vmul.f32 v5, v1;
	v7 =	vld [tilespmem:s19+$0x80]  }
0xe2: {  	v10 =	vand.u32 $0xFFFFFFFC, v10;
	v12 =	vmov s22;
	v11 =	vand.u32 $0xFFFFFFFE, v11;
	[tilespmem:s19+$0x10] =	vst v6;
	v6 =	vld [tilespmem:s19+$0x90]  }
0xe3: {  	v10 =	vbroadcast v10, $0x0;
	v12 =	vand.u32 $0xFFFFFFFD, v12;
	v11 =	vbroadcast v11, $0x0;
	[tilespmem:s19+$0x20] =	vst v5;
	v5 =	vld [tilespmem:s19+$0xA0]  }
0xe4: {  	v13 =	vmov s4;
	v3 =	vmul.f32 v3, v1;
	v12 =	vbroadcast v12, $0x0;
	v14 =	vld [tilespmem:s19+$0xB0]  }
0xe5: {  	v4 =	vmul.f32 v4, v1;
	v9 =	vmul.f32 v9, v1;
	v15 =	vld [tilespmem:s19+$0xC0]  }
0xe6: {  	[tilespmem:s19+$0x30] =	vst v3;
	v3 =	vmul.f32 v8, v1;
	v7 =	vmul.f32 v7, v2;
	v8 =	vld [tilespmem:s19+$0xD0]  }
0xe7: {  	[tilespmem:s19+$0x40] =	vst v4;
	v4 =	vmul.f32 v6, v2;
	v6 =	vld [tilespmem:s19+$0xE0]  }
0xe8: {  	[tilespmem:s19+$0x50] =	vst v9;
	v5 =	vmul.f32 v5, v2;
	v9 =	vld [tilespmem:s19+$0xF0]  }
0xe9: {  	s19 =	sadd.s32 $0x200, s19;
	v1 =	vld.idx.msk [tilespmem:v11+s31+$0x0], $0xffff;
	[tilespmem:s20+$0x60] =	vst v3;
	v3 =	vmul.f32 v14, v2  }
0xea: {  	v11 =	vld [tilespmem:s19+$0x70];
	[tilespmem:s20+$0x80] =	vst v7;
	v7 =	vmul.f32 v15, v2  }
0xeb: {  	v10 =	vld.idx.msk [tilespmem:v10+s31+$0x0], $0xffff;
	[tilespmem:s20+$0x90] =	vst v4;
	v4 =	vmul.f32 v8, v2  }
0xec: {  	v8 =	vld.idx.msk [tilespmem:v12+s31+$0x0], $0xffff;
	[tilespmem:s20+$0xA0] =	vst v5;
	v5 =	vmul.f32 v6, v2  }
0xed: {  	[tilespmem:s20+$0xB0] =	vst v3;
	v3 =	vmul.f32 v9, v2;
	v2 =	vld.idx.msk [tilespmem:v13+s31+$0x0], $0xffff  }
0xee: {  	v6 =	vld [tilespmem:s19+$0xFFFFFF00];
	[tilespmem:s20+$0xC0] =	vst v7  }
0xef: {  	v7 =	vld [tilespmem:s19+$0xFFFFFF10];
	v9 =	vmul.f32 v11, v1;
	[tilespmem:s20+$0xD0] =	vst v4  }
0xf0: {  	v4 =	vld [tilespmem:s19+$0xFFFFFF20];
	[tilespmem:s20+$0xE0] =	vst v5  }
0xf1: {  	v5 =	vld [tilespmem:s19+$0xFFFFFF30];
	[tilespmem:s19+$0x70] =	vst v9  }
0xf2: {  	v9 =	vld [tilespmem:s19+$0xFFFFFF40];
	[tilespmem:s20+$0xF0] =	vst v3;
	s20 =	smov.u32 s19  }
0xf3: {  	v3 =	vmul.f32 v6, v10;
	v6 =	vld [tilespmem:s19+$0xFFFFFF50]  }
0xf4: {  	v7 =	vmul.f32 v7, v10;
	v11 =	vld [tilespmem:s19+$0xFFFFFF60]  }
0xf5: {  	[tilespmem:s19+$0xFFFFFF00] =	vst v3;
	v3 =	vmul.f32 v4, v10;
	v4 =	vld [tilespmem:s19+$0xFFFFFF70]  }
0xf6: {  	[tilespmem:s19+$0xFFFFFF10] =	vst v7;
	v5 =	vmul.f32 v5, v10;
	v7 =	vld [tilespmem:s19+$0xFFFFFF80]  }
0xf7: {  	[tilespmem:s19+$0xFFFFFF20] =	vst v3;
	v3 =	vmul.f32 v9, v10;
	v9 =	vld [tilespmem:s19+$0xFFFFFF90]  }
0xf8: {  	[tilespmem:s19+$0xFFFFFF30] =	vst v5;
	v5 =	vmul.f32 v6, v10;
	v6 =	vld [tilespmem:s19+$0xFFFFFFA0]  }
0xf9: {  	[tilespmem:s19+$0xFFFFFF40] =	vst v3;
	v3 =	vmul.f32 v11, v10;
	v11 =	vld [tilespmem:s19+$0xFFFFFFB0]  }
0xfa: {  	[tilespmem:s19+$0xFFFFFF50] =	vst v5;
	v4 =	vmul.f32 v4, v10;
	v5 =	vld [tilespmem:s19+$0xFFFFFFC0]  }
0xfb: {  	[tilespmem:s19+$0xFFFFFF60] =	vst v3;
	v3 =	vmul.f32 v7, v8;
	v10 =	vld [tilespmem:s19+$0xFFFFFFD0]  }
0xfc: {  	[tilespmem:s19+$0xFFFFFF70] =	vst v4;
	v4 =	vmul.f32 v9, v8;
	v9 =	vld [tilespmem:s19+$0xFFFFFFE0]  }
0xfd: {  	[tilespmem:s19+$0xFFFFFF80] =	vst v3;
	v3 =	vmul.f32 v6, v8;
	v12 =	vld [tilespmem:s19+$0xFFFFFFF0]  }
.Ltmp2:
0xfe: {  	[tilespmem:s19+$0xFFFFFF90] =	vst v4;
	v4 =	vmul.f32 v11, v8;
	v7 =	vld [tilespmem:s19+$0x0];
	(pc) =	sbr.rel @p0 .LBB2_8-.Ltmp2, $4  }
0xff: {  	[tilespmem:s19+$0xFFFFFFA0] =	vst v3;
	v3 =	vmul.f32 v5, v8;
	v6 =	vld [tilespmem:s19+$0x10]  }
0x100: {  	[tilespmem:s19+$0xFFFFFFB0] =	vst v4;
	v4 =	vmul.f32 v10, v8;
	v5 =	vld [tilespmem:s19+$0x20]  }
0x101: {  	[tilespmem:s19+$0xFFFFFFC0] =	vst v3;
	v9 =	vmul.f32 v9, v8;
	v3 =	vld [tilespmem:s19+$0x30]  }
0x102: {  	[tilespmem:s19+$0xFFFFFFD0] =	vst v4;
	v8 =	vmul.f32 v12, v8;
	v4 =	vld [tilespmem:s19+$0x40]  }
0x103: {  	v10 =	vld [tilespmem:s19+$0x50]  }
0x104: {  	[tilespmem:s19+$0xFFFFFFE0] =	vst v9;
	v7 =	vmul.f32 v7, v1;
	v54 =	vld [tilespmem:s19+$0x60]  }
0x105: {  	v55 =	vld [tilespmem:s19+$0x80];
	[tilespmem:s19+$0xFFFFFFF0] =	vst v8;
	v6 =	vmul.f32 v6, v1  }
0x106: {  	v56 =	vld [tilespmem:s19+$0x90];
	[tilespmem:s19+$0x0] =	vst v7;
	v5 =	vmul.f32 v5, v1  }
0x107: {  	v57 =	vld [tilespmem:s19+$0xA0];
	[tilespmem:s19+$0x10] =	vst v6;
	v3 =	vmul.f32 v3, v1  }
0x108: {  	v58 =	vld [tilespmem:s19+$0xB0];
	[tilespmem:s19+$0x20] =	vst v5;
	v4 =	vmul.f32 v4, v1  }
0x109: {  	v11 =	vld [tilespmem:s19+$0xC0];
	v10 =	vmul.f32 v10, v1;
	[tilespmem:s19+$0x30] =	vst v3  }
0x10a: {  	v60 =	vld [tilespmem:s19+$0xE0];
	v59 =	vmul.f32 v55, v2;
	[tilespmem:s19+$0x40] =	vst v4  }
0x10b: {  	v3 =	vld [tilespmem:s19+$0xD0];
	v7 =	vmul.f32 v56, v2;
	[tilespmem:s19+$0x50] =	vst v10  }
0x10c: {  	v61 =	vld [tilespmem:s19+$0xF0];
	v1 =	vmul.f32 v54, v1;
	[tilespmem:s20+$0x80] =	vst v59  }
0x10d: {  	v62 =	vmul.f32 v58, v2;
	[tilespmem:s20+$0x90] =	vst v7  }
0x10e: {  	[tilespmem:s20+$0x60] =	vst v1;
	v1 =	vmul.f32 v57, v2  }
0x10f: {  	s17 =	sadd.s32 $0x1, s17;
	v63 =	vmul.f32 v11, v2;
	[tilespmem:s20+$0xB0] =	vst v62  }
0x110: {  	p0 =	sne.s32 s17, $0xC;
	[tilespmem:s20+$0xA0] =	vst v1;
	v1 =	vmul.f32 v3, v2  }
.Ltmp3:
0x111: {  	[tilespmem:s20+$0xC0] =	vst v63;
	v3 =	vmul.f32 v60, v2;
	(pc) =	sbr.rel @p0 .LBB2_5-.Ltmp3, $4  }
0x112: {  	v2 =	vmul.f32 v61, v2;
	[tilespmem:s20+$0xD0] =	vst v1  }
0x113: {  	[tilespmem:s20+$0xE0] =	vst v3  }
0x114: {  	s4 =	sadd.s32 $0x7D0, s18;
	s16 =	sadd.s32 $0xA0, s16;
	[tilespmem:s20+$0xF0] =	vst v2  }
0x115: {  	[spmem:s2] =	stream.indirect.scatter.add.f32 [tilespmem:s3], [sflag:$0x4], $0x80, s4, s0, $0xb8;
	[tilespmem:$0x19FF0] =	vst v63  }
0x116: {  	s4 =	simm.s32 $0x780  }
0x117: {  	s21 =	simm.s32 $0x782;
	_ =	swait.ge [sflag:s8], $0x2800;
	v1 =	vmov s4  }
0x118: {  	v2 =	vmov s21;
	[sflag:s8] =	ssyncset.done $0x0;
	v1 =	vand.u32 $0xFFFFFFFC, v1  }
0x119: {  	v2 =	vand.u32 $0xFFFFFFFE, v2;
	[sflag:s8] =	ssyncadd.s32 $0xFFFFD800;
	v1 =	vbroadcast v1, $0x0  }
0x11a: {  	v2 =	vbroadcast v2, $0x0;
	[tilespmem:s28], [sflag:$0x5] =	stream.indirect.gather [hbm4b:s1+s0], $0x80, s9, s0, $0xb8;
	[tilespmem:$0x19FF0] =	vst v63  }
0x11b: {  	_ =	swait.ge [sflag:s29], $0x2800  }
0x11c: {  	[sflag:s29] =	ssyncset.done $0x0  }
0x11d: {  	s16 =	simm.s32 $0x1870;
	[sflag:s29] =	ssyncadd.s32 $0xFFFFD800  }
0x11e: {  	v4 =	vld [tilespmem:s16+$0x70]  }
0x11f: {  	s22 =	simm.s32 $0x781;
	v3 =	vld.idx.msk [tilespmem:v1+s31+$0x0], $0xffff  }
0x120: {  	v1 =	vld.idx.msk [tilespmem:v2+s31+$0x0], $0xffff;
	v2 =	vmov s22  }
0x121: {  	v5 =	vld [tilespmem:s16+$0xFFFFFF00];
	v2 =	vand.u32 $0xFFFFFFFD, v2  }
0x122: {  	v6 =	vld [tilespmem:s16+$0xFFFFFF10];
	v2 =	vbroadcast v2, $0x0  }
0x123: {  	v7 =	vld [tilespmem:s16+$0xFFFFFF20]  }
0x124: {  	v8 =	vld [tilespmem:s16+$0xFFFFFF30]  }
0x125: {  	v9 =	vld [tilespmem:s16+$0xFFFFFF40]  }
0x126: {  	v10 =	vld [tilespmem:s16+$0xFFFFFF50]  }
0x127: {  	v11 =	vld [tilespmem:s16+$0xFFFFFF60];
	v5 =	vmul.f32 v5, v3  }
0x128: {  	v12 =	vld.idx.msk [tilespmem:v2+s31+$0x0], $0xffff;
	v2 =	vmul.f32 v4, v1  }
0x129: {  	[tilespmem:s16+$0xFFFFFF00] =	vst v5;
	v5 =	vld [tilespmem:s16+$0xFFFFFF70];
	v4 =	vmul.f32 v6, v3  }
0x12a: {  	v6 =	vld [tilespmem:s16+$0xFFFFFF80];
	[tilespmem:s16+$0x70] =	vst v2;
	v2 =	vmul.f32 v7, v3  }
0x12b: {  	s23 =	simm.s32 $0x783;
	[tilespmem:s16+$0xFFFFFF10] =	vst v4;
	v4 =	vmul.f32 v8, v3;
	v7 =	vld [tilespmem:s16+$0xFFFFFF90]  }
0x12c: {  	v8 =	vmov s23;
	[tilespmem:s16+$0xFFFFFF20] =	vst v2;
	v2 =	vmul.f32 v9, v3;
	v9 =	vld [tilespmem:s16+$0xFFFFFFA0]  }
0x12d: {  	[tilespmem:s16+$0xFFFFFF30] =	vst v4;
	v4 =	vmul.f32 v10, v3;
	v10 =	vld [tilespmem:s16+$0xFFFFFFB0]  }
0x12e: {  	[tilespmem:s16+$0xFFFFFF40] =	vst v2;
	v2 =	vmul.f32 v11, v3;
	v11 =	vld [tilespmem:s16+$0xFFFFFFC0]  }
0x12f: {  	[tilespmem:s16+$0xFFFFFF50] =	vst v4;
	v4 =	vmul.f32 v6, v12;
	v6 =	vld [tilespmem:s16+$0xFFFFFFD0]  }
0x130: {  	v3 =	vmul.f32 v5, v3;
	v5 =	vld [tilespmem:s16+$0xFFFFFFE0];
	[tilespmem:s16+$0xFFFFFF60] =	vst v2  }
0x131: {  	v7 =	vmul.f32 v7, v12;
	v2 =	vld.idx.msk [tilespmem:v8+s31+$0x0], $0xffff;
	[tilespmem:s16+$0xFFFFFF80] =	vst v4  }
0x132: {  	[tilespmem:s16+$0xFFFFFF70] =	vst v3;
	v8 =	vld [tilespmem:s16+$0xFFFFFFF0];
	v3 =	vmul.f32 v9, v12  }
0x133: {  	[tilespmem:s16+$0xFFFFFF90] =	vst v7;
	v4 =	vmul.f32 v10, v12;
	v10 =	vld [tilespmem:s16+$0x0]  }
0x134: {  	v7 =	vld [tilespmem:s16+$0x10];
	[tilespmem:s16+$0xFFFFFFA0] =	vst v3;
	v3 =	vmul.f32 v11, v12  }
0x135: {  	[tilespmem:s16+$0xFFFFFFB0] =	vst v4;
	v4 =	vmul.f32 v6, v12;
	v6 =	vld [tilespmem:s16+$0x20]  }
0x136: {  	[tilespmem:s16+$0xFFFFFFC0] =	vst v3;
	v3 =	vmul.f32 v5, v12;
	v5 =	vld [tilespmem:s16+$0x30]  }
0x137: {  	[tilespmem:s16+$0xFFFFFFD0] =	vst v4;
	v4 =	vld [tilespmem:s16+$0x40];
	v9 =	vmul.f32 v8, v12  }
0x138: {  	s18 =	simm.s32 $0x0;
	s17 =	simm.s32 $0x1870;
	v8 =	vmul.f32 v10, v1;
	[tilespmem:s16+$0xFFFFFFE0] =	vst v3;
	v3 =	vld [tilespmem:s16+$0x50]  }
.LBB2_11:
0x139: {  	s4 =	sadd.s32 $0x787, s18;
	[tilespmem:s16+$0xFFFFFFF0] =	vst v9;
	v7 =	vmul.f32 v7, v1;
	v9 =	vld [tilespmem:s16+$0x60]  }
0x13a: {  	s19 =	sadd.s32 $0x784, s18;
	s20 =	sadd.s32 $0x785, s18;
	v10 =	vmov s4;
	[tilespmem:s16+$0x0] =	vst v8;
	v6 =	vmul.f32 v6, v1;
	v8 =	vld [tilespmem:s16+$0x80]  }
0x13b: {  	v11 =	vmov s19;
	v12 =	vmov s20;
	[tilespmem:s16+$0x10] =	vst v7;
	v5 =	vmul.f32 v5, v1;
	v7 =	vld [tilespmem:s16+$0x90]  }
0x13c: {  	s4 =	sadd.s32 $0x786, s18;
	s18 =	sadd.s32 $0x4, s18;
	v11 =	vand.u32 $0xFFFFFFFC, v11;
	v12 =	vand.u32 $0xFFFFFFFD, v12;
	[tilespmem:s16+$0x20] =	vst v6;
	v4 =	vmul.f32 v4, v1;
	v6 =	vld [tilespmem:s16+$0xA0]  }
0x13d: {  	v13 =	vmov s4;
	p0 =	slt.u32 s18, $0x4C;
	v11 =	vbroadcast v11, $0x0;
	[tilespmem:s16+$0x30] =	vst v5;
	v3 =	vmul.f32 v3, v1;
	v5 =	vld [tilespmem:s16+$0xB0]  }
0x13e: {  	v12 =	vbroadcast v12, $0x0;
	v13 =	vand.u32 $0xFFFFFFFE, v13;
	[tilespmem:s16+$0x40] =	vst v4;
	v1 =	vmul.f32 v9, v1;
	v4 =	vld [tilespmem:s16+$0xC0]  }
0x13f: {  	v9 =	vbroadcast v13, $0x0;
	[tilespmem:s16+$0x50] =	vst v3;
	v3 =	vmul.f32 v8, v2;
	v8 =	vld [tilespmem:s16+$0xD0]  }
0x140: {  	[tilespmem:s16+$0x60] =	vst v1;
	v1 =	vmul.f32 v7, v2;
	v7 =	vld [tilespmem:s16+$0xE0]  }
0x141: {  	[tilespmem:s16+$0x80] =	vst v3;
	v3 =	vmul.f32 v6, v2;
	v6 =	vld [tilespmem:s16+$0xF0]  }
0x142: {  	v10 =	vld.idx.msk [tilespmem:v10+s31+$0x0], $0xffff;
	[tilespmem:s16+$0x90] =	vst v1;
	v1 =	vmul.f32 v5, v2  }
0x143: {  	v5 =	vld.idx.msk [tilespmem:v11+s31+$0x0], $0xffff;
	[tilespmem:s16+$0xA0] =	vst v3;
	v3 =	vmul.f32 v4, v2  }
0x144: {  	v4 =	vld.idx.msk [tilespmem:v12+s31+$0x0], $0xffff;
	[tilespmem:s16+$0xB0] =	vst v1;
	v8 =	vmul.f32 v8, v2  }
0x145: {  	s16 =	sadd.s32 $0x200, s16;
	v1 =	vld.idx.msk [tilespmem:v9+s31+$0x0], $0xffff;
	[tilespmem:s17+$0xC0] =	vst v3;
	v3 =	vmul.f32 v7, v2  }
0x146: {  	v7 =	vld [tilespmem:s16+$0x70];
	[tilespmem:s17+$0xD0] =	vst v8;
	v8 =	vmul.f32 v6, v2  }
0x147: {  	v6 =	vld [tilespmem:s16+$0xFFFFFF00];
	[tilespmem:s17+$0xE0] =	vst v3  }
0x148: {  	v2 =	vmov v10;
	v3 =	vld [tilespmem:s16+$0xFFFFFF10];
	[tilespmem:s17+$0xF0] =	vst v8;
	s17 =	smov.u32 s16  }
0x149: {  	v8 =	vld [tilespmem:s16+$0xFFFFFF20]  }
0x14a: {  	v9 =	vld [tilespmem:s16+$0xFFFFFF30]  }
0x14b: {  	v10 =	vld [tilespmem:s16+$0xFFFFFF40];
	v7 =	vmul.f32 v7, v1  }
0x14c: {  	v6 =	vmul.f32 v6, v5;
	v11 =	vld [tilespmem:s16+$0xFFFFFF50]  }
0x14d: {  	v3 =	vmul.f32 v3, v5;
	v12 =	vld [tilespmem:s16+$0xFFFFFF60];
	[tilespmem:s16+$0x70] =	vst v7  }
0x14e: {  	[tilespmem:s16+$0xFFFFFF00] =	vst v6;
	v6 =	vmul.f32 v8, v5;
	v7 =	vld [tilespmem:s16+$0xFFFFFF70]  }
0x14f: {  	[tilespmem:s16+$0xFFFFFF10] =	vst v3;
	v3 =	vmul.f32 v9, v5;
	v8 =	vld [tilespmem:s16+$0xFFFFFF80]  }
0x150: {  	[tilespmem:s16+$0xFFFFFF20] =	vst v6;
	v6 =	vmul.f32 v10, v5;
	v9 =	vld [tilespmem:s16+$0xFFFFFF90]  }
0x151: {  	[tilespmem:s16+$0xFFFFFF30] =	vst v3;
	v3 =	vmul.f32 v11, v5;
	v10 =	vld [tilespmem:s16+$0xFFFFFFA0]  }
0x152: {  	[tilespmem:s16+$0xFFFFFF40] =	vst v6;
	v6 =	vmul.f32 v12, v5;
	v11 =	vld [tilespmem:s16+$0xFFFFFFB0]  }
0x153: {  	[tilespmem:s16+$0xFFFFFF50] =	vst v3;
	v3 =	vmul.f32 v7, v5;
	v5 =	vld [tilespmem:s16+$0xFFFFFFC0]  }
0x154: {  	[tilespmem:s16+$0xFFFFFF60] =	vst v6;
	v6 =	vmul.f32 v8, v4;
	v8 =	vld [tilespmem:s16+$0xFFFFFFD0]  }
0x155: {  	[tilespmem:s16+$0xFFFFFF70] =	vst v3;
	v3 =	vmul.f32 v9, v4;
	v9 =	vld [tilespmem:s16+$0xFFFFFFE0]  }
0x156: {  	[tilespmem:s16+$0xFFFFFF80] =	vst v6;
	v6 =	vmul.f32 v10, v4;
	v10 =	vld [tilespmem:s16+$0xFFFFFFF0]  }
0x157: {  	[tilespmem:s16+$0xFFFFFF90] =	vst v3;
	v3 =	vmul.f32 v11, v4;
	v11 =	vld [tilespmem:s16+$0x0]  }
.Ltmp4:
0x158: {  	[tilespmem:s16+$0xFFFFFFA0] =	vst v6;
	v5 =	vmul.f32 v5, v4;
	v7 =	vld [tilespmem:s16+$0x10];
	(pc) =	sbr.rel @p0 .LBB2_11-.Ltmp4, $4  }
0x159: {  	[tilespmem:s16+$0xFFFFFFB0] =	vst v3;
	v3 =	vmul.f32 v8, v4;
	v6 =	vld [tilespmem:s16+$0x20]  }
0x15a: {  	[tilespmem:s16+$0xFFFFFFC0] =	vst v5;
	v8 =	vmul.f32 v9, v4;
	v5 =	vld [tilespmem:s16+$0x30]  }
0x15b: {  	[tilespmem:s16+$0xFFFFFFD0] =	vst v3;
	v9 =	vmul.f32 v10, v4;
	v4 =	vld [tilespmem:s16+$0x40]  }
0x15c: {  	[tilespmem:s16+$0xFFFFFFE0] =	vst v8;
	v8 =	vmul.f32 v11, v1;
	v3 =	vld [tilespmem:s16+$0x50]  }
0x15d: {  	[tilespmem:s16+$0xFFFFFFF0] =	vst v9;
	v7 =	vmul.f32 v7, v1;
	v55 =	vld [tilespmem:s16+$0x80]  }
0x15e: {  	v10 =	vld [tilespmem:s16+$0x60];
	[tilespmem:s16+$0x0] =	vst v8;
	v6 =	vmul.f32 v6, v1  }
0x15f: {  	v56 =	vld [tilespmem:s16+$0x90];
	[tilespmem:s16+$0x10] =	vst v7;
	v5 =	vmul.f32 v5, v1  }
0x160: {  	v57 =	vld [tilespmem:s16+$0xA0];
	[tilespmem:s16+$0x20] =	vst v6;
	v4 =	vmul.f32 v4, v1  }
0x161: {  	v58 =	vld [tilespmem:s16+$0xB0];
	[tilespmem:s16+$0x30] =	vst v5;
	v3 =	vmul.f32 v3, v1  }
0x162: {  	v59 =	vld [tilespmem:s16+$0xC0];
	[tilespmem:s16+$0x40] =	vst v4;
	v60 =	vmul.f32 v55, v2  }
0x163: {  	v61 =	vld [tilespmem:s16+$0xD0];
	v1 =	vmul.f32 v10, v1;
	[tilespmem:s16+$0x50] =	vst v3  }
0x164: {  	v8 =	vmul.f32 v56, v2;
	v3 =	vld [tilespmem:s16+$0xE0];
	[tilespmem:s16+$0x80] =	vst v60  }
0x165: {  	v62 =	vld [tilespmem:s16+$0xF0];
	[tilespmem:s16+$0x60] =	vst v1;
	v1 =	vmul.f32 v57, v2  }
0x166: {  	v6 =	vmul.f32 v58, v2;
	[tilespmem:s16+$0x90] =	vst v8  }
0x167: {  	[tilespmem:s16+$0xA0] =	vst v1;
	v1 =	vmul.f32 v59, v2  }
0x168: {  	v63 =	vmul.f32 v61, v2;
	[tilespmem:s16+$0xB0] =	vst v6  }
0x169: {  	[tilespmem:s17+$0xC0] =	vst v1;
	v1 =	vmul.f32 v3, v2  }
0x16a: {  	[tilespmem:s17+$0xD0] =	vst v63;
	v2 =	vmul.f32 v62, v2  }
0x16b: {  	[tilespmem:s17+$0xE0] =	vst v1  }
0x16c: {  	[tilespmem:s17+$0xF0] =	vst v2  }
0x16d: {  	s26 =	sadd.s32 $0x1, s26;
	_ =	swait.ge [sflag:s10], $0x2800  }
0x16e: {  	p0 =	sne.s32 s26, $0x5;
	[sflag:s10] =	ssyncset.done $0x0  }
.Ltmp5:
0x16f: {  	[sflag:s10] =	ssyncadd.s32 $0xFFFFD800;
	(pc) =	sbr.rel @p0 .LBB2_4-.Ltmp5, $4  }
0x170: {  	[spmem:s2] =	stream.indirect.scatter.add.f32 [tilespmem:s28], [sflag:$0x5], $0x80, s11, s0, $0xb8;
	[tilespmem:$0x19FF0] =	vst v63  }
0x171: {  	_ =	swait.ge [sflag:s29], $0x2800  }
0x172: {  	[sflag:s29] =	ssyncset.done $0x0  }
0x173: {  	[sflag:s29] =	ssyncadd.s32 $0xFFFFD800  }
0x174: {  	[bflag:$0x0] =	sbarrier.arrive $0xFFFF  }
0x175: {  	s19 =	rddreg [dreg:$0xc]  }
0x176: {  	[tilespmem:s28], [sflag:$0x5] =	stream.linear.gather [spmem:s19], $0x2800, $0x38;
	[tilespmem:$0x19FF0] =	vst v63  }
0x177: {  	_ =	swait.ge [sflag:s29], $0x2800  }
0x178: {  	[sflag:s29] =	ssyncset.done $0x0  }
0x179: {  	s4 =	simm.s32 $0x0;
	s13 =	rddreg [dreg:$0x4];
	[sflag:s29] =	ssyncadd.s32 $0xFFFFD800  }
0x17a: {  	[hbm4b:s13+s4] =	stream.linear.scatter [tilespmem:s28], [sflag:$0x5], $0x2800, $0x38;
	[tilespmem:$0x19FF0] =	vst v63  }
0x17b: {  	_ =	swait.ge [sflag:s29], $0x2800  }
0x17c: {  	[sflag:s29] =	ssyncset.done $0x0  }
0x17d: {  	s20 =	rddreg [dreg:$0xd];
	[sflag:s29] =	ssyncadd.s32 $0xFFFFD800  }
0x17e: {  	[tilespmem:s28], [sflag:$0x5] =	stream.linear.gather [spmem:s20], $0x2800, $0x38;
	[tilespmem:$0x19FF0] =	vst v63  }
0x17f: {  	_ =	swait.ge [sflag:s29], $0x2800  }
0x180: {  	[sflag:s29] =	ssyncset.done $0x0  }
0x181: {  	s22 =	rddreg [dreg:$0x5];
	[sflag:s29] =	ssyncadd.s32 $0xFFFFD800  }
0x182: {  	[hbm4b:s22+s4] =	stream.linear.scatter [tilespmem:s28], [sflag:$0x5], $0x2800, $0x38;
	[tilespmem:$0x19FF0] =	vst v63  }
0x183: {  	_ =	swait.ge [sflag:s29], $0x2800  }
0x184: {  	[sflag:s29] =	ssyncset.done $0x0  }
0x185: {  	s21 =	rddreg [dreg:$0xe];
	[sflag:s29] =	ssyncadd.s32 $0xFFFFD800  }
0x186: {  	[tilespmem:s28], [sflag:$0x5] =	stream.linear.gather [spmem:s21], $0x2800, $0x38;
	[tilespmem:$0x19FF0] =	vst v63  }
0x187: {  	_ =	swait.ge [sflag:s29], $0x2800  }
0x188: {  	[sflag:s29] =	ssyncset.done $0x0  }
0x189: {  	s23 =	rddreg [dreg:$0x6];
	[sflag:s29] =	ssyncadd.s32 $0xFFFFD800  }
0x18a: {  	[hbm4b:s23+s4] =	stream.linear.scatter [tilespmem:s28], [sflag:$0x5], $0x2800, $0x38;
	[tilespmem:$0x19FF0] =	vst v63  }
0x18b: {  	_ =	swait.ge [sflag:s29], $0x2800  }
0x18c: {  	[sflag:s29] =	ssyncset.done $0x0  }
0x18d: {  	s22 =	rddreg [dreg:$0xf];
	[sflag:s29] =	ssyncadd.s32 $0xFFFFD800  }
0x18e: {  	[tilespmem:s28], [sflag:$0x5] =	stream.linear.gather [spmem:s22], $0x2800, $0x38;
	[tilespmem:$0x19FF0] =	vst v63  }
0x18f: {  	_ =	swait.ge [sflag:s29], $0x2800  }
0x190: {  	[sflag:s29] =	ssyncset.done $0x0  }
0x191: {  	s26 =	rddreg [dreg:$0x7];
	[sflag:s29] =	ssyncadd.s32 $0xFFFFD800  }
0x192: {  	[hbm4b:s26+s4] =	stream.linear.scatter [tilespmem:s28], [sflag:$0x5], $0x2800, $0x38;
	[tilespmem:$0x19FF0] =	vst v63  }
0x193: {  	_ =	swait.ge [sflag:s29], $0x2800  }
0x194: {  	[sflag:s29] =	ssyncset.done $0x0  }
0x195: {  	s23 =	rddreg [dreg:$0x10];
	[sflag:s29] =	ssyncadd.s32 $0xFFFFD800  }
0x196: {  	[tilespmem:s28], [sflag:$0x5] =	stream.linear.gather [spmem:s23], $0x2800, $0x38;
	[tilespmem:$0x19FF0] =	vst v63  }
0x197: {  	_ =	swait.ge [sflag:s29], $0x2800  }
0x198: {  	[sflag:s29] =	ssyncset.done $0x0  }
0x199: {  	s16 =	rddreg [dreg:$0x8];
	[sflag:s29] =	ssyncadd.s32 $0xFFFFD800  }
0x19a: {  	[hbm4b:s16+s4] =	stream.linear.scatter [tilespmem:s28], [sflag:$0x5], $0x2800, $0x38;
	[tilespmem:$0x19FF0] =	vst v63  }
0x19b: {  	_ =	swait.ge [sflag:s29], $0x2800  }
0x19c: {  	[sflag:s29] =	ssyncset.done $0x0  }
0x19d: {  	s26 =	rddreg [dreg:$0x11];
	[sflag:s29] =	ssyncadd.s32 $0xFFFFD800  }
0x19e: {  	[tilespmem:s28], [sflag:$0x5] =	stream.linear.gather [spmem:s26], $0x2800, $0x38;
	[tilespmem:$0x19FF0] =	vst v63  }
0x19f: {  	_ =	swait.ge [sflag:s29], $0x2800  }
0x1a0: {  	[sflag:s29] =	ssyncset.done $0x0  }
0x1a1: {  	s17 =	rddreg [dreg:$0x9];
	[sflag:s29] =	ssyncadd.s32 $0xFFFFD800  }
0x1a2: {  	[hbm4b:s17+s4] =	stream.linear.scatter [tilespmem:s28], [sflag:$0x5], $0x2800, $0x38;
	[tilespmem:$0x19FF0] =	vst v63  }
0x1a3: {  	_ =	swait.ge [sflag:s29], $0x2800  }
0x1a4: {  	[sflag:s29] =	ssyncset.done $0x0  }
0x1a5: {  	s17 =	rddreg [dreg:$0x12];
	[sflag:s29] =	ssyncadd.s32 $0xFFFFD800  }
0x1a6: {  	[tilespmem:s28], [sflag:$0x5] =	stream.linear.gather [spmem:s17], $0x2800, $0x38;
	[tilespmem:$0x19FF0] =	vst v63  }
0x1a7: {  	_ =	swait.ge [sflag:s29], $0x2800  }
0x1a8: {  	[sflag:s29] =	ssyncset.done $0x0  }
0x1a9: {  	s18 =	rddreg [dreg:$0xa];
	[sflag:s29] =	ssyncadd.s32 $0xFFFFD800  }
0x1aa: {  	[hbm4b:s18+s4] =	stream.linear.scatter [tilespmem:s28], [sflag:$0x5], $0x2800, $0x38;
	[tilespmem:$0x19FF0] =	vst v63  }
0x1ab: {  	_ =	swait.ge [sflag:s29], $0x2800  }
0x1ac: {  	[sflag:s29] =	ssyncset.done $0x0  }
0x1ad: {  	s18 =	rddreg [dreg:$0x13];
	[sflag:s29] =	ssyncadd.s32 $0xFFFFD800  }
0x1ae: {  	[tilespmem:s28], [sflag:$0x5] =	stream.linear.gather [spmem:s18], $0x2080, $0x38;
	[tilespmem:$0x19FF0] =	vst v63  }
0x1af: {  	_ =	swait.ge [sflag:s29], $0x2080  }
0x1b0: {  	[sflag:s29] =	ssyncset.done $0x0  }
0x1b1: {  	s16 =	rddreg [dreg:$0xb];
	[sflag:s29] =	ssyncadd.s32 $0xFFFFDF80  }
0x1b2: {  	[hbm4b:s16+s4] =	stream.linear.scatter [tilespmem:s28], [sflag:$0x5], $0x2080, $0x38;
	[tilespmem:$0x19FF0] =	vst v63  }
0x1b3: {  	_ =	swait.ge [sflag:s29], $0x2080  }
0x1b4: {  	s12 =	sadd.s32 $0x1, s12;
	s16 =	rddreg [dreg:$0x14]  }
0x1b5: {  	p0 =	sne.s32 s12, s16  }
.Ltmp6:
0x1b6: {  	_ = 	snop;
	(pc) =	sbr.rel @p0 .LBB2_1-.Ltmp6, $3  }
0x1b7: {  	_ =	sdelay $0x1  }
0x1b8: {  	[sflag:s29] =	ssyncset.done $0x0  }
0x1b9: {  	[sflag:s29] =	ssyncadd.s32 $0xFFFFDF80  }
0x1ba: {  	_ =	sfence.sel $0x180000  }
0x1bb: {  	[bflag:$0x0] =	sbarrier.arrive $0xFFFF  }
0x1bc: {  	_ =	strace $0x9000004A  }
0x1bd: {  	s0 =	stileid.u32;
	[bflag:$0x2] =	sbarrier.arrive $0xFFFF  }
0x1be: {  	p0 =	sne.s32 s0, $0x0;
	s0 =	rddreg [dreg:$0x3]  }
0x1bf: {  	s0 =	sadd.s32 @!p0 $0x100000, s0  }
0x1c0: {  	[sflag:s0] =	ssyncadd.tile.s32 @!p0 $0x1;
	_ =	shalt  }
.Lfunc_end2:
_tile_overlayer_lowered:
.L_overlay_start_2:
0x1c1: {  	(tag) =	ssettag $0x2  }
0x1c2: {  	s0 =	rddreg [dreg:$0x0];
	s2 =	stileid.u32  }
0x1c3: {  	s1 =	rddreg [dreg:$0x1];
	p0 =	sne.s32 s2, $0x0  }
0x1c4: {  	s3 =	rddreg [dreg:$0x2];
	[bflag:$0x3] =	sbarrier.arrive $0xFFFF;
	s2 =	simm.s32 @!p0 $0x1C05  }
0x1c5: {  	[timem:s3], [sflag:s2] =	dma.local @!p0 [hbm:s0], s1  }
0x1c6: {  	s0 =	simm.s32 @!p0 $0x5  }
0x1c7: {  	_ =	swait.ge @!p0 [sflag:s0], s1  }
0x1c8: {  	s1 =	ssub.s32 @!p0 $0x0, s1;
	[sflag:s0] =	ssyncset.done @!p0 $0x0  }
0x1c9: {  	[sflag:s0] =	ssyncadd.s32 @!p0 s1  }
0x1ca: {  	[bflag:$0x3] =	sbarrier.arrive $0xFFFF  }
0x1cb: {  	_ =	shalt  }

</sc_bundles>
